<compile_context>
chip_gen: v7x
topology: tpu7x:2x2x1
jax: 0.10.2.dev20260603
libtpu: 0.0.44.dev20260713+nightly
codegen_flags: <defaults>
</compile_context>

<pallas_src>
import functools

import jax
import jax.numpy as jnp
from jax import lax
from jax.experimental import pallas as pl
from jax.experimental.pallas import tpu as pltpu
from jax.experimental.pallas import tpu_sc as plsc

_N, _K, _D = 10000, 32, 128
_NC, _NS = 2, 16
_NW = _NC * _NS
_G = 8
_LANES = 16
_DV = _D // _LANES

_R = 200
_S = 7200


def _sc_reduce(nf, base, rows):
    nblk = rows // _G
    mesh = plsc.VectorSubcoreMesh(
        core_axis_name="c", subcore_axis_name="s", num_cores=_NC, num_subcores=_NS
    )

    @functools.partial(
        pl.kernel,
        out_type=jax.ShapeDtypeStruct((rows, _D), jnp.float32),
        mesh=mesh,
        scratch_types=[
            pltpu.VMEM((2, _G, _K, _D), jnp.float32),
            pltpu.VMEM((2, _G, _D), jnp.float32),
            pltpu.SemaphoreType.DMA((2,)),
            pltpu.SemaphoreType.DMA((2,)),
        ],
    )
    def sc_kernel(nf_hbm, out_hbm, buf, ostage, insem, osem):
        wid = lax.axis_index("s") * _NC + lax.axis_index("c")
        nmy = (nblk - wid + _NW - 1) // _NW

        def in_copy(i, slot):
            b = wid + i * _NW
            return pltpu.make_async_copy(
                nf_hbm.at[pl.ds(base + b * _G, _G)], buf.at[slot], insem.at[slot]
            )

        def out_copy(i, slot):
            b = wid + i * _NW
            return pltpu.make_async_copy(
                ostage.at[slot], out_hbm.at[pl.ds(b * _G, _G)], osem.at[slot]
            )

        @pl.when(nmy > 0)
        def _():
            in_copy(0, 0).start()

        def block_body(i, carry):
            slot = lax.rem(i, 2)
            in_copy(i, slot).wait()

            @pl.when(i + 1 < nmy)
            def _():
                in_copy(i + 1, 1 - slot).start()

            @pl.when(i >= 2)
            def _():
                out_copy(i - 2, slot).wait()

            def node_body(nn, c):
                accs = [buf[slot, nn, 0, pl.ds(d * _LANES, _LANES)] for d in range(_DV)]
                for k in range(1, _K):
                    for d in range(_DV):
                        accs[d] = accs[d] + buf[slot, nn, k, pl.ds(d * _LANES, _LANES)]
                for d in range(_DV):
                    ostage[slot, nn, pl.ds(d * _LANES, _LANES)] = accs[d] * (1.0 / _K)
                return c

            lax.fori_loop(0, _G, node_body, 0)
            out_copy(i, slot).start()
            return carry

        lax.fori_loop(0, nmy, block_body, 0)

        @pl.when(nmy >= 2)
        def _():
            out_copy(nmy - 2, lax.rem(nmy, 2)).wait()

        @pl.when(nmy >= 1)
        def _():
            out_copy(nmy - 1, lax.rem(nmy - 1, 2)).wait()

    return sc_kernel(nf)


def _fused_body(nf_ref, w_ref, out_ref):
    agg = jnp.sum(nf_ref[...], axis=1) * (1.0 / _K)
    out_ref[...] = jnp.dot(agg, w_ref[...], preferred_element_type=jnp.float32)


def _tc_fused(nf, weight, rows):
    return pl.pallas_call(
        _fused_body,
        grid=(rows // _R,),
        in_specs=[
            pl.BlockSpec((_R, _K, _D), lambda i: (i, 0, 0)),
            pl.BlockSpec((_D, _D), lambda i: (0, 0)),
        ],
        out_specs=pl.BlockSpec((_R, _D), lambda i: (i, 0)),
        out_shape=jax.ShapeDtypeStruct((rows, _D), jnp.float32),
    )(nf, weight)


def _mm_body(agg_ref, w_ref, out_ref):
    out_ref[...] = jnp.dot(agg_ref[...], w_ref[...], preferred_element_type=jnp.float32)


def _tc_matmul(agg, weight, rows):
    return pl.pallas_call(
        _mm_body,
        grid=(rows // _R,),
        in_specs=[
            pl.BlockSpec((_R, _D), lambda i: (i, 0)),
            pl.BlockSpec((_D, _D), lambda i: (0, 0)),
        ],
        out_specs=pl.BlockSpec((_R, _D), lambda i: (i, 0)),
        out_shape=jax.ShapeDtypeStruct((rows, _D), jnp.float32),
    )(agg, weight)


def kernel(neighbor_feature, weight):
    agg_b = _sc_reduce(neighbor_feature, _S, _N - _S)
    out_a = _tc_fused(neighbor_feature, weight, _S)
    out_b = _tc_matmul(agg_b, weight, _N - _S)
    return jnp.concatenate([out_a, out_b], axis=0)

# --- scband reference (transcript-rebuilt; emitter-appended) ---
"""Pipeline reference for scband-neighbor-agg-13297218748800 (READ-ONLY COPY).

The authoritative reference and input builder live on the scoring server;
editing this copy changes nothing except your own understanding.
"""

import jax, jax.numpy as jnp
import numpy as np


def setup_inputs(seed: int = 0) -> dict:
    key = jax.random.key(seed)
    k1, k2 = jax.random.split(key)
    neighbor_feature = jax.random.normal(k1, (10000, 32, 128), dtype=jnp.float32)
    # glorot_uniform init for kernel of shape (input_dim, output_dim) = (128, 128)
    fan_in, fan_out = 128, 128
    limit = float(np.sqrt(6.0 / (fan_in + fan_out)))
    weight = jax.random.uniform(k2, (128, 128), dtype=jnp.float32, minval=-limit, maxval=limit)
    return {"neighbor_feature": neighbor_feature, "weight": weight}


def reference(neighbor_feature, weight):
    # agg_method == 'mean': reduce over neighbor axis (axis=1)
    agg = jnp.mean(neighbor_feature, axis=1)
    # linear projection; use_bias=False
    hidden = jnp.matmul(agg, weight)
    return hidden

if __name__ == "__main__":
    import jax
    _d = setup_inputs()
    print(jax.jit(kernel)(*tuple(_d.values())))

</pallas_src>

<mosaic_0001>
#map = affine_map<(d0, d1) -> (0, 0, 0)>
#map1 = affine_map<(d0, d1) -> (0, 0)>
module attributes {stable_mosaic.version = 14 : i64} {
  func.func @sc_kernel(%arg0: i32, %arg1: i32, %arg2: memref<10000x32x128xf32, #tpu.memory_space<hbm>>, %arg3: memref<2800x128xf32, #tpu.memory_space<hbm>>, %arg4: memref<2x8x32x128xf32, #tpu.memory_space<vmem>>, %arg5: memref<2x8x128xf32, #tpu.memory_space<vmem>>, %arg6: memref<2x!tpu.dma_semaphore, #tpu.memory_space<semaphore_mem>>, %arg7: memref<2x!tpu.dma_semaphore, #tpu.memory_space<semaphore_mem>>) attributes {dimension_semantics = [#tpu.dimension_semantics<core_parallel>, #tpu.dimension_semantics<subcore_parallel>], iteration_bounds = array<i64: 2, 16>, scalar_prefetch = 0 : i64, scratch_operands = 4 : i64, tpu.core_type = #tpu.core_type<sc_vector_subcore>, window_params = [{transform_indices = #map}, {transform_indices = #map1}]} {
    %mul3A = arith.constant 2 : i32
    %mul3A_0 = arith.muli %arg1, %mul3A : i32
    %add3A = arith.addi %mul3A_0, %arg0 : i32
    %sub3A = arith.constant 350 : i32
    %sub3A_1 = arith.subi %sub3A, %add3A : i32
    %add3A_2 = arith.constant 32 : i32
    %add3A_3 = arith.addi %sub3A_1, %add3A_2 : i32
    %sub3A_4 = arith.constant 1 : i32
    %sub3A_5 = arith.subi %add3A_3, %sub3A_4 : i32
    %jit3A = arith.constant 32 : i32
    %div3A = arith.divsi %sub3A_5, %jit3A : i32
    %sign3A = arith.constant 0 : i32
    %sign3A_6 = arith.cmpi sgt, %sub3A_5, %sign3A : i32
    %sign3A_7 = arith.extui %sign3A_6 : i1 to i32
    %sign3A_8 = arith.constant 0 : i32
    %sign3A_9 = arith.cmpi slt, %sub3A_5, %sign3A_8 : i32
    %sign3A_10 = arith.extui %sign3A_9 : i1 to i32
    %sign3A_11 = arith.subi %sign3A_7, %sign3A_10 : i32
    %sign3A_12 = arith.constant 0 : i32
    %sign3A_13 = arith.cmpi sgt, %jit3A, %sign3A_12 : i32
    %sign3A_14 = arith.extui %sign3A_13 : i1 to i32
    %sign3A_15 = arith.constant 0 : i32
    %sign3A_16 = arith.cmpi slt, %jit3A, %sign3A_15 : i32
    %sign3A_17 = arith.extui %sign3A_16 : i1 to i32
    %sign3A_18 = arith.subi %sign3A_14, %sign3A_17 : i32
    %ne3A = arith.cmpi ne, %sign3A_11, %sign3A_18 : i32
    %rem3A = arith.remsi %sub3A_5, %jit3A : i32
    %ne3A_19 = arith.constant 0 : i32
    %ne3A_20 = arith.cmpi ne, %rem3A, %ne3A_19 : i32
    %and3A = arith.andi %ne3A, %ne3A_20 : i1
    %sub3A_21 = arith.constant 1 : i32
    %sub3A_22 = arith.subi %div3A, %sub3A_21 : i32
    %select_n3A = arith.select %and3A, %sub3A_22, %div3A : i32
    %gt3A = arith.constant 0 : i32
    %gt3A_23 = arith.cmpi sgt, %select_n3A, %gt3A : i32
    %convert_element_type3A = arith.extui %gt3A_23 : i1 to i32
    %cond3A = arith.constant 0 : i32
    %cond3A_24 = arith.cmpi ne, %convert_element_type3A, %cond3A : i32
    scf.if %cond3A_24 {
      %add3A_43 = arith.constant 0 : i32
      %add3A_44 = arith.addi %add3A, %add3A_43 : i32
      %mul3A_45 = arith.constant 8 : i32
      %mul3A_46 = arith.muli %add3A_44, %mul3A_45 : i32
      %add3A_47 = arith.constant 7200 : i32
      %add3A_48 = arith.addi %add3A_47, %mul3A_46 : i32
      %dma_start3A = arith.constant 0 : i32
      %dma_start3A_49 = arith.constant 0 : i32
      %dma_start3A_50 = arith.constant 0 : i32
      %dma_start3A_51 = arith.constant 0 : i32
      %dma_start3A_52 = arith.constant 0 : i32
      %dma_start3A_53 = tpu.memref_slice %arg4[%dma_start3A, %dma_start3A_50, %dma_start3A_51, %dma_start3A_52] : memref<2x8x32x128xf32, #tpu.memory_space<vmem>> -> memref<1x8x32x128xf32, #tpu.memory_space<vmem>>
      %dma_start3A_54 = tpu.memref_squeeze %dma_start3A_53 : memref<1x8x32x128xf32, #tpu.memory_space<vmem>> -> memref<8x32x128xf32, #tpu.memory_space<vmem>>
      %dma_start3A_55 = arith.constant 0 : i32
      %dma_start3A_56 = arith.constant 0 : i32
      %dma_start3A_57 = tpu.memref_slice %arg2[%add3A_48, %dma_start3A_55, %dma_start3A_56] : memref<10000x32x128xf32, #tpu.memory_space<hbm>> -> memref<8x32x128xf32, #tpu.memory_space<hbm>>
      %dma_start3A_58 = tpu.memref_slice %arg6[%dma_start3A_49] : memref<2x!tpu.dma_semaphore, #tpu.memory_space<semaphore_mem>> -> memref<1x!tpu.dma_semaphore, #tpu.memory_space<semaphore_mem>>
      %dma_start3A_59 = tpu.memref_squeeze %dma_start3A_58 : memref<1x!tpu.dma_semaphore, #tpu.memory_space<semaphore_mem>> -> memref<!tpu.dma_semaphore, #tpu.memory_space<semaphore_mem>>
      %dma_start3A_60 = arith.constant 0 : i32
      %dma_start3A_61 = arith.constant 0 : i32
      %dma_start3A_62 = arith.constant 0 : i32
      %dma_start3A_63 = tpu.memref_slice %arg4[%dma_start3A, %dma_start3A_60, %dma_start3A_61, %dma_start3A_62] : memref<2x8x32x128xf32, #tpu.memory_space<vmem>> -> memref<1x8x32x128xf32, #tpu.memory_space<vmem>>
      %dma_start3A_64 = tpu.memref_squeeze %dma_start3A_63 : memref<1x8x32x128xf32, #tpu.memory_space<vmem>> -> memref<8x32x128xf32, #tpu.memory_space<vmem>>
      %dma_start3A_65 = arith.constant 0 : i32
      %dma_start3A_66 = arith.constant 0 : i32
      %dma_start3A_67 = tpu.memref_slice %arg2[%add3A_48, %dma_start3A_65, %dma_start3A_66] : memref<10000x32x128xf32, #tpu.memory_space<hbm>> -> memref<8x32x128xf32, #tpu.memory_space<hbm>>
      tpu.enqueue_dma source(%dma_start3A_67 : memref<8x32x128xf32, #tpu.memory_space<hbm>>) target(%dma_start3A_64 : memref<8x32x128xf32, #tpu.memory_space<vmem>>) target_semaphore(%dma_start3A_59 : memref<!tpu.dma_semaphore, #tpu.memory_space<semaphore_mem>>)
    } else {
    }
    %while3A = arith.constant 0 : i32
    %while3A_25 = arith.constant 0 : i32
    %while3A_26 = arith.subi %select_n3A, %while3A_25 : i32
    %while3A_27 = arith.addi %while3A_25, %while3A_26 : i32
    %while3A_28 = arith.constant 1 : i32
    %while3A_29 = arith.divsi %while3A_26, %while3A_28 : i32
    %while3A_30 = arith.muli %while3A_29, %while3A_28 : i32
    %while3A_31 = arith.addi %while3A_25, %while3A_30 : i32
    %while3A_32 = arith.constant 1 : i32
    scf.for %while3A_43 = %while3A_25 to %while3A_31 step %while3A_32  : i32 {
      %rem3A_44 = arith.constant 2 : i32
      %rem3A_45 = arith.remsi %while3A_43, %rem3A_44 : i32
      %mul3A_46 = arith.constant 32 : i32
      %mul3A_47 = arith.muli %while3A_43, %mul3A_46 : i32
      %add3A_48 = arith.addi %add3A, %mul3A_47 : i32
      %mul3A_49 = arith.constant 8 : i32
      %mul3A_50 = arith.muli %add3A_48, %mul3A_49 : i32
      %add3A_51 = arith.constant 7200 : i32
      %add3A_52 = arith.addi %add3A_51, %mul3A_50 : i32
      %dma_wait3A = arith.constant 0 : i32
      %dma_wait3A_53 = arith.constant 0 : i32
      %dma_wait3A_54 = arith.constant 0 : i32
      %dma_wait3A_55 = tpu.memref_slice %arg4[%rem3A_45, %dma_wait3A, %dma_wait3A_53, %dma_wait3A_54] : memref<2x8x32x128xf32, #tpu.memory_space<vmem>> -> memref<1x8x32x128xf32, #tpu.memory_space<vmem>>
      %dma_wait3A_56 = tpu.memref_squeeze %dma_wait3A_55 : memref<1x8x32x128xf32, #tpu.memory_space<vmem>> -> memref<8x32x128xf32, #tpu.memory_space<vmem>>
      %dma_wait3A_57 = arith.constant 0 : i32
      %dma_wait3A_58 = arith.constant 0 : i32
      %dma_wait3A_59 = tpu.memref_slice %arg2[%add3A_52, %dma_wait3A_57, %dma_wait3A_58] : memref<10000x32x128xf32, #tpu.memory_space<hbm>> -> memref<8x32x128xf32, #tpu.memory_space<hbm>>
      %dma_wait3A_60 = tpu.memref_slice %arg6[%rem3A_45] : memref<2x!tpu.dma_semaphore, #tpu.memory_space<semaphore_mem>> -> memref<1x!tpu.dma_semaphore, #tpu.memory_space<semaphore_mem>>
      %dma_wait3A_61 = tpu.memref_squeeze %dma_wait3A_60 : memref<1x!tpu.dma_semaphore, #tpu.memory_space<semaphore_mem>> -> memref<!tpu.dma_semaphore, #tpu.memory_space<semaphore_mem>>
      %dma_wait3A_62 = arith.constant 0 : i32
      %dma_wait3A_63 = arith.constant 0 : i32
      %dma_wait3A_64 = arith.constant 0 : i32
      %dma_wait3A_65 = tpu.memref_slice %arg4[%rem3A_45, %dma_wait3A_62, %dma_wait3A_63, %dma_wait3A_64] : memref<2x8x32x128xf32, #tpu.memory_space<vmem>> -> memref<1x8x32x128xf32, #tpu.memory_space<vmem>>
      %dma_wait3A_66 = tpu.memref_squeeze %dma_wait3A_65 : memref<1x8x32x128xf32, #tpu.memory_space<vmem>> -> memref<8x32x128xf32, #tpu.memory_space<vmem>>
      %dma_wait3A_67 = arith.constant 0 : i32
      %dma_wait3A_68 = arith.constant 0 : i32
      %dma_wait3A_69 = tpu.memref_slice %arg2[%add3A_52, %dma_wait3A_67, %dma_wait3A_68] : memref<10000x32x128xf32, #tpu.memory_space<hbm>> -> memref<8x32x128xf32, #tpu.memory_space<hbm>>
      tpu.wait_dma2 semaphore(%dma_wait3A_61 : memref<!tpu.dma_semaphore, #tpu.memory_space<semaphore_mem>>) src(%dma_wait3A_69 : memref<8x32x128xf32, #tpu.memory_space<hbm>>) dst(%dma_wait3A_66 : memref<8x32x128xf32, #tpu.memory_space<vmem>>)
      %add3A_70 = arith.constant 1 : i32
      %add3A_71 = arith.addi %while3A_43, %add3A_70 : i32
      %lt3A = arith.cmpi slt, %add3A_71, %select_n3A : i32
      %convert_element_type3A_72 = arith.extui %lt3A : i1 to i32
      %cond3A_73 = arith.constant 0 : i32
      %cond3A_74 = arith.cmpi ne, %convert_element_type3A_72, %cond3A_73 : i32
      scf.if %cond3A_74 {
        %add3A_103 = arith.constant 1 : i32
        %add3A_104 = arith.addi %while3A_43, %add3A_103 : i32
        %sub3A_105 = arith.constant 1 : i32
        %sub3A_106 = arith.subi %sub3A_105, %rem3A_45 : i32
        %mul3A_107 = arith.constant 32 : i32
        %mul3A_108 = arith.muli %add3A_104, %mul3A_107 : i32
        %add3A_109 = arith.addi %add3A, %mul3A_108 : i32
        %mul3A_110 = arith.constant 8 : i32
        %mul3A_111 = arith.muli %add3A_109, %mul3A_110 : i32
        %add3A_112 = arith.constant 7200 : i32
        %add3A_113 = arith.addi %add3A_112, %mul3A_111 : i32
        %dma_start3A_114 = arith.constant 0 : i32
        %dma_start3A_115 = arith.constant 0 : i32
        %dma_start3A_116 = arith.constant 0 : i32
        %dma_start3A_117 = tpu.memref_slice %arg4[%sub3A_106, %dma_start3A_114, %dma_start3A_115, %dma_start3A_116] : memref<2x8x32x128xf32, #tpu.memory_space<vmem>> -> memref<1x8x32x128xf32, #tpu.memory_space<vmem>>
        %dma_start3A_118 = tpu.memref_squeeze %dma_start3A_117 : memref<1x8x32x128xf32, #tpu.memory_space<vmem>> -> memref<8x32x128xf32, #tpu.memory_space<vmem>>
        %dma_start3A_119 = arith.constant 0 : i32
        %dma_start3A_120 = arith.constant 0 : i32
        %dma_start3A_121 = tpu.memref_slice %arg2[%add3A_113, %dma_start3A_119, %dma_start3A_120] : memref<10000x32x128xf32, #tpu.memory_space<hbm>> -> memref<8x32x128xf32, #tpu.memory_space<hbm>>
        %dma_start3A_122 = tpu.memref_slice %arg6[%sub3A_106] : memref<2x!tpu.dma_semaphore, #tpu.memory_space<semaphore_mem>> -> memref<1x!tpu.dma_semaphore, #tpu.memory_space<semaphore_mem>>
        %dma_start3A_123 = tpu.memref_squeeze %dma_start3A_122 : memref<1x!tpu.dma_semaphore, #tpu.memory_space<semaphore_mem>> -> memref<!tpu.dma_semaphore, #tpu.memory_space<semaphore_mem>>
        %dma_start3A_124 = arith.constant 0 : i32
        %dma_start3A_125 = arith.constant 0 : i32
        %dma_start3A_126 = arith.constant 0 : i32
        %dma_start3A_127 = tpu.memref_slice %arg4[%sub3A_106, %dma_start3A_124, %dma_start3A_125, %dma_start3A_126] : memref<2x8x32x128xf32, #tpu.memory_space<vmem>> -> memref<1x8x32x128xf32, #tpu.memory_space<vmem>>
        %dma_start3A_128 = tpu.memref_squeeze %dma_start3A_127 : memref<1x8x32x128xf32, #tpu.memory_space<vmem>> -> memref<8x32x128xf32, #tpu.memory_space<vmem>>
        %dma_start3A_129 = arith.constant 0 : i32
        %dma_start3A_130 = arith.constant 0 : i32
        %dma_start3A_131 = tpu.memref_slice %arg2[%add3A_113, %dma_start3A_129, %dma_start3A_130] : memref<10000x32x128xf32, #tpu.memory_space<hbm>> -> memref<8x32x128xf32, #tpu.memory_space<hbm>>
        tpu.enqueue_dma source(%dma_start3A_131 : memref<8x32x128xf32, #tpu.memory_space<hbm>>) target(%dma_start3A_128 : memref<8x32x128xf32, #tpu.memory_space<vmem>>) target_semaphore(%dma_start3A_123 : memref<!tpu.dma_semaphore, #tpu.memory_space<semaphore_mem>>)
      } else {
      }
      %ge3A_75 = arith.constant 2 : i32
      %ge3A_76 = arith.cmpi sge, %while3A_43, %ge3A_75 : i32
      %convert_element_type3A_77 = arith.extui %ge3A_76 : i1 to i32
      %cond3A_78 = arith.constant 0 : i32
      %cond3A_79 = arith.cmpi ne, %convert_element_type3A_77, %cond3A_78 : i32
      scf.if %cond3A_79 {
        %sub3A_103 = arith.constant 2 : i32
        %sub3A_104 = arith.subi %while3A_43, %sub3A_103 : i32
        %mul3A_105 = arith.constant 32 : i32
        %mul3A_106 = arith.muli %sub3A_104, %mul3A_105 : i32
        %add3A_107 = arith.addi %add3A, %mul3A_106 : i32
        %mul3A_108 = arith.constant 8 : i32
        %mul3A_109 = arith.muli %add3A_107, %mul3A_108 : i32
        %dma_wait3A_110 = arith.constant 0 : i32
        %dma_wait3A_111 = arith.constant 0 : i32
        %dma_wait3A_112 = tpu.memref_slice %arg5[%rem3A_45, %dma_wait3A_110, %dma_wait3A_111] : memref<2x8x128xf32, #tpu.memory_space<vmem>> -> memref<1x8x128xf32, #tpu.memory_space<vmem>>
        %dma_wait3A_113 = tpu.memref_squeeze %dma_wait3A_112 : memref<1x8x128xf32, #tpu.memory_space<vmem>> -> memref<8x128xf32, #tpu.memory_space<vmem>>
        %dma_wait3A_114 = arith.constant 0 : i32
        %dma_wait3A_115 = tpu.memref_slice %arg3[%mul3A_109, %dma_wait3A_114] : memref<2800x128xf32, #tpu.memory_space<hbm>> -> memref<8x128xf32, #tpu.memory_space<hbm>>
        %dma_wait3A_116 = tpu.memref_slice %arg7[%rem3A_45] : memref<2x!tpu.dma_semaphore, #tpu.memory_space<semaphore_mem>> -> memref<1x!tpu.dma_semaphore, #tpu.memory_space<semaphore_mem>>
        %dma_wait3A_117 = tpu.memref_squeeze %dma_wait3A_116 : memref<1x!tpu.dma_semaphore, #tpu.memory_space<semaphore_mem>> -> memref<!tpu.dma_semaphore, #tpu.memory_space<semaphore_mem>>
        %dma_wait3A_118 = arith.constant 0 : i32
        %dma_wait3A_119 = tpu.memref_slice %arg3[%mul3A_109, %dma_wait3A_118] : memref<2800x128xf32, #tpu.memory_space<hbm>> -> memref<8x128xf32, #tpu.memory_space<hbm>>
        %dma_wait3A_120 = arith.constant 0 : i32
        %dma_wait3A_121 = arith.constant 0 : i32
        %dma_wait3A_122 = tpu.memref_slice %arg5[%rem3A_45, %dma_wait3A_120, %dma_wait3A_121] : memref<2x8x128xf32, #tpu.memory_space<vmem>> -> memref<1x8x128xf32, #tpu.memory_space<vmem>>
        %dma_wait3A_123 = tpu.memref_squeeze %dma_wait3A_122 : memref<1x8x128xf32, #tpu.memory_space<vmem>> -> memref<8x128xf32, #tpu.memory_space<vmem>>
        tpu.wait_dma2 semaphore(%dma_wait3A_117 : memref<!tpu.dma_semaphore, #tpu.memory_space<semaphore_mem>>) src(%dma_wait3A_123 : memref<8x128xf32, #tpu.memory_space<vmem>>) dst(%dma_wait3A_119 : memref<8x128xf32, #tpu.memory_space<hbm>>)
      } else {
      }
      %scan3A = arith.constant 0 : i32
      %scan3A_80 = arith.constant 0 : i32
      %scan3A_81 = arith.constant 8 : i32
      %scan3A_82 = arith.addi %scan3A_80, %scan3A_81 : i32
      %scan3A_83 = arith.constant 1 : i32
      scf.for %scan3A_103 = %scan3A_80 to %scan3A_82 step %scan3A_83  : i32 {
        %get3A = arith.constant 0 : i32
        %get3A_104 = arith.index_cast %rem3A_45 : i32 to index
        %get3A_105 = arith.index_cast %scan3A_103 : i32 to index
        %get3A_106 = arith.index_cast %get3A : i32 to index
        %get3A_107 = arith.constant 0 : index
        %get3A_108 = tpu.vector_load %arg4[%get3A_104, %get3A_105, %get3A_106, %get3A_107] {strides = array<i32>} : memref<2x8x32x128xf32, #tpu.memory_space<vmem>>, vector<1x1x1x16xf32>,
        %get3A_109 = vector.shape_cast %get3A_108 : vector<1x1x1x16xf32> to vector<16xf32>
        %get3A_110 = arith.constant 0 : i32
        %get3A_111 = arith.index_cast %rem3A_45 : i32 to index
        %get3A_112 = arith.index_cast %scan3A_103 : i32 to index
        %get3A_113 = arith.index_cast %get3A_110 : i32 to index
        %get3A_114 = arith.constant 16 : index
        %get3A_115 = tpu.vector_load %arg4[%get3A_111, %get3A_112, %get3A_113, %get3A_114] {strides = array<i32>} : memref<2x8x32x128xf32, #tpu.memory_space<vmem>>, vector<1x1x1x16xf32>,
        %get3A_116 = vector.shape_cast %get3A_115 : vector<1x1x1x16xf32> to vector<16xf32>
        %get3A_117 = arith.constant 0 : i32
        %get3A_118 = arith.index_cast %rem3A_45 : i32 to index
        %get3A_119 = arith.index_cast %scan3A_103 : i32 to index
        %get3A_120 = arith.index_cast %get3A_117 : i32 to index
        %get3A_121 = arith.constant 32 : index
        %get3A_122 = tpu.vector_load %arg4[%get3A_118, %get3A_119, %get3A_120, %get3A_121] {strides = array<i32>} : memref<2x8x32x128xf32, #tpu.memory_space<vmem>>, vector<1x1x1x16xf32>,
        %get3A_123 = vector.shape_cast %get3A_122 : vector<1x1x1x16xf32> to vector<16xf32>
        %get3A_124 = arith.constant 0 : i32
        %get3A_125 = arith.index_cast %rem3A_45 : i32 to index
        %get3A_126 = arith.index_cast %scan3A_103 : i32 to index
        %get3A_127 = arith.index_cast %get3A_124 : i32 to index
        %get3A_128 = arith.constant 48 : index
        %get3A_129 = tpu.vector_load %arg4[%get3A_125, %get3A_126, %get3A_127, %get3A_128] {strides = array<i32>} : memref<2x8x32x128xf32, #tpu.memory_space<vmem>>, vector<1x1x1x16xf32>,
        %get3A_130 = vector.shape_cast %get3A_129 : vector<1x1x1x16xf32> to vector<16xf32>
        %get3A_131 = arith.constant 0 : i32
        %get3A_132 = arith.index_cast %rem3A_45 : i32 to index
        %get3A_133 = arith.index_cast %scan3A_103 : i32 to index
        %get3A_134 = arith.index_cast %get3A_131 : i32 to index
        %get3A_135 = arith.constant 64 : index
        %get3A_136 = tpu.vector_load %arg4[%get3A_132, %get3A_133, %get3A_134, %get3A_135] {strides = array<i32>} : memref<2x8x32x128xf32, #tpu.memory_space<vmem>>, vector<1x1x1x16xf32>,
        %get3A_137 = vector.shape_cast %get3A_136 : vector<1x1x1x16xf32> to vector<16xf32>
        %get3A_138 = arith.constant 0 : i32
        %get3A_139 = arith.index_cast %rem3A_45 : i32 to index
        %get3A_140 = arith.index_cast %scan3A_103 : i32 to index
        %get3A_141 = arith.index_cast %get3A_138 : i32 to index
        %get3A_142 = arith.constant 80 : index
        %get3A_143 = tpu.vector_load %arg4[%get3A_139, %get3A_140, %get3A_141, %get3A_142] {strides = array<i32>} : memref<2x8x32x128xf32, #tpu.memory_space<vmem>>, vector<1x1x1x16xf32>,
        %get3A_144 = vector.shape_cast %get3A_143 : vector<1x1x1x16xf32> to vector<16xf32>
        %get3A_145 = arith.constant 0 : i32
        %get3A_146 = arith.index_cast %rem3A_45 : i32 to index
        %get3A_147 = arith.index_cast %scan3A_103 : i32 to index
        %get3A_148 = arith.index_cast %get3A_145 : i32 to index
        %get3A_149 = arith.constant 96 : index
        %get3A_150 = tpu.vector_load %arg4[%get3A_146, %get3A_147, %get3A_148, %get3A_149] {strides = array<i32>} : memref<2x8x32x128xf32, #tpu.memory_space<vmem>>, vector<1x1x1x16xf32>,
        %get3A_151 = vector.shape_cast %get3A_150 : vector<1x1x1x16xf32> to vector<16xf32>
        %get3A_152 = arith.constant 0 : i32
        %get3A_153 = arith.index_cast %rem3A_45 : i32 to index
        %get3A_154 = arith.index_cast %scan3A_103 : i32 to index
        %get3A_155 = arith.index_cast %get3A_152 : i32 to index
        %get3A_156 = arith.constant 112 : index
        %get3A_157 = tpu.vector_load %arg4[%get3A_153, %get3A_154, %get3A_155, %get3A_156] {strides = array<i32>} : memref<2x8x32x128xf32, #tpu.memory_space<vmem>>, vector<1x1x1x16xf32>,
        %get3A_158 = vector.shape_cast %get3A_157 : vector<1x1x1x16xf32> to vector<16xf32>
        %get3A_159 = arith.constant 1 : i32
        %get3A_160 = arith.index_cast %rem3A_45 : i32 to index
        %get3A_161 = arith.index_cast %scan3A_103 : i32 to index
        %get3A_162 = arith.index_cast %get3A_159 : i32 to index
        %get3A_163 = arith.constant 0 : index
        %get3A_164 = tpu.vector_load %arg4[%get3A_160, %get3A_161, %get3A_162, %get3A_163] {strides = array<i32>} : memref<2x8x32x128xf32, #tpu.memory_space<vmem>>, vector<1x1x1x16xf32>,
        %get3A_165 = vector.shape_cast %get3A_164 : vector<1x1x1x16xf32> to vector<16xf32>
        %add3A_166 = arith.addf %get3A_109, %get3A_165 : vector<16xf32>
        %get3A_167 = arith.constant 1 : i32
        %get3A_168 = arith.index_cast %rem3A_45 : i32 to index
        %get3A_169 = arith.index_cast %scan3A_103 : i32 to index
        %get3A_170 = arith.index_cast %get3A_167 : i32 to index
        %get3A_171 = arith.constant 16 : index
        %get3A_172 = tpu.vector_load %arg4[%get3A_168, %get3A_169, %get3A_170, %get3A_171] {strides = array<i32>} : memref<2x8x32x128xf32, #tpu.memory_space<vmem>>, vector<1x1x1x16xf32>,
        %get3A_173 = vector.shape_cast %get3A_172 : vector<1x1x1x16xf32> to vector<16xf32>
        %add3A_174 = arith.addf %get3A_116, %get3A_173 : vector<16xf32>
        %get3A_175 = arith.constant 1 : i32
        %get3A_176 = arith.index_cast %rem3A_45 : i32 to index
        %get3A_177 = arith.index_cast %scan3A_103 : i32 to index
        %get3A_178 = arith.index_cast %get3A_175 : i32 to index
        %get3A_179 = arith.constant 32 : index
        %get3A_180 = tpu.vector_load %arg4[%get3A_176, %get3A_177, %get3A_178, %get3A_179] {strides = array<i32>} : memref<2x8x32x128xf32, #tpu.memory_space<vmem>>, vector<1x1x1x16xf32>,
        %get3A_181 = vector.shape_cast %get3A_180 : vector<1x1x1x16xf32> to vector<16xf32>
        %add3A_182 = arith.addf %get3A_123, %get3A_181 : vector<16xf32>
        %get3A_183 = arith.constant 1 : i32
        %get3A_184 = arith.index_cast %rem3A_45 : i32 to index
        %get3A_185 = arith.index_cast %scan3A_103 : i32 to index
        %get3A_186 = arith.index_cast %get3A_183 : i32 to index
        %get3A_187 = arith.constant 48 : index
        %get3A_188 = tpu.vector_load %arg4[%get3A_184, %get3A_185, %get3A_186, %get3A_187] {strides = array<i32>} : memref<2x8x32x128xf32, #tpu.memory_space<vmem>>, vector<1x1x1x16xf32>,
        %get3A_189 = vector.shape_cast %get3A_188 : vector<1x1x1x16xf32> to vector<16xf32>
        %add3A_190 = arith.addf %get3A_130, %get3A_189 : vector<16xf32>
        %get3A_191 = arith.constant 1 : i32
        %get3A_192 = arith.index_cast %rem3A_45 : i32 to index
        %get3A_193 = arith.index_cast %scan3A_103 : i32 to index
        %get3A_194 = arith.index_cast %get3A_191 : i32 to index
        %get3A_195 = arith.constant 64 : index
        %get3A_196 = tpu.vector_load %arg4[%get3A_192, %get3A_193, %get3A_194, %get3A_195] {strides = array<i32>} : memref<2x8x32x128xf32, #tpu.memory_space<vmem>>, vector<1x1x1x16xf32>,
        %get3A_197 = vector.shape_cast %get3A_196 : vector<1x1x1x16xf32> to vector<16xf32>
        %add3A_198 = arith.addf %get3A_137, %get3A_197 : vector<16xf32>
        %get3A_199 = arith.constant 1 : i32
        %get3A_200 = arith.index_cast %rem3A_45 : i32 to index
        %get3A_201 = arith.index_cast %scan3A_103 : i32 to index
        %get3A_202 = arith.index_cast %get3A_199 : i32 to index
        %get3A_203 = arith.constant 80 : index
        %get3A_204 = tpu.vector_load %arg4[%get3A_200, %get3A_201, %get3A_202, %get3A_203] {strides = array<i32>} : memref<2x8x32x128xf32, #tpu.memory_space<vmem>>, vector<1x1x1x16xf32>,
        %get3A_205 = vector.shape_cast %get3A_204 : vector<1x1x1x16xf32> to vector<16xf32>
        %add3A_206 = arith.addf %get3A_144, %get3A_205 : vector<16xf32>
        %get3A_207 = arith.constant 1 : i32
        %get3A_208 = arith.index_cast %rem3A_45 : i32 to index
        %get3A_209 = arith.index_cast %scan3A_103 : i32 to index
        %get3A_210 = arith.index_cast %get3A_207 : i32 to index
        %get3A_211 = arith.constant 96 : index
        %get3A_212 = tpu.vector_load %arg4[%get3A_208, %get3A_209, %get3A_210, %get3A_211] {strides = array<i32>} : memref<2x8x32x128xf32, #tpu.memory_space<vmem>>, vector<1x1x1x16xf32>,
        %get3A_213 = vector.shape_cast %get3A_212 : vector<1x1x1x16xf32> to vector<16xf32>
        %add3A_214 = arith.addf %get3A_151, %get3A_213 : vector<16xf32>
        %get3A_215 = arith.constant 1 : i32
        %get3A_216 = arith.index_cast %rem3A_45 : i32 to index
        %get3A_217 = arith.index_cast %scan3A_103 : i32 to index
        %get3A_218 = arith.index_cast %get3A_215 : i32 to index
        %get3A_219 = arith.constant 112 : index
        %get3A_220 = tpu.vector_load %arg4[%get3A_216, %get3A_217, %get3A_218, %get3A_219] {strides = array<i32>} : memref<2x8x32x128xf32, #tpu.memory_space<vmem>>, vector<1x1x1x16xf32>,
        %get3A_221 = vector.shape_cast %get3A_220 : vector<1x1x1x16xf32> to vector<16xf32>
        %add3A_222 = arith.addf %get3A_158, %get3A_221 : vector<16xf32>
        %get3A_223 = arith.constant 2 : i32
        %get3A_224 = arith.index_cast %rem3A_45 : i32 to index
        %get3A_225 = arith.index_cast %scan3A_103 : i32 to index
        %get3A_226 = arith.index_cast %get3A_223 : i32 to index
        %get3A_227 = arith.constant 0 : index
        %get3A_228 = tpu.vector_load %arg4[%get3A_224, %get3A_225, %get3A_226, %get3A_227] {strides = array<i32>} : memref<2x8x32x128xf32, #tpu.memory_space<vmem>>, vector<1x1x1x16xf32>,
        %get3A_229 = vector.shape_cast %get3A_228 : vector<1x1x1x16xf32> to vector<16xf32>
        %add3A_230 = arith.addf %add3A_166, %get3A_229 : vector<16xf32>
        %get3A_231 = arith.constant 2 : i32
        %get3A_232 = arith.index_cast %rem3A_45 : i32 to index
        %get3A_233 = arith.index_cast %scan3A_103 : i32 to index
        %get3A_234 = arith.index_cast %get3A_231 : i32 to index
        %get3A_235 = arith.constant 16 : index
        %get3A_236 = tpu.vector_load %arg4[%get3A_232, %get3A_233, %get3A_234, %get3A_235] {strides = array<i32>} : memref<2x8x32x128xf32, #tpu.memory_space<vmem>>, vector<1x1x1x16xf32>,
        %get3A_237 = vector.shape_cast %get3A_236 : vector<1x1x1x16xf32> to vector<16xf32>
        %add3A_238 = arith.addf %add3A_174, %get3A_237 : vector<16xf32>
        %get3A_239 = arith.constant 2 : i32
        %get3A_240 = arith.index_cast %rem3A_45 : i32 to index
        %get3A_241 = arith.index_cast %scan3A_103 : i32 to index
        %get3A_242 = arith.index_cast %get3A_239 : i32 to index
        %get3A_243 = arith.constant 32 : index
        %get3A_244 = tpu.vector_load %arg4[%get3A_240, %get3A_241, %get3A_242, %get3A_243] {strides = array<i32>} : memref<2x8x32x128xf32, #tpu.memory_space<vmem>>, vector<1x1x1x16xf32>,
        %get3A_245 = vector.shape_cast %get3A_244 : vector<1x1x1x16xf32> to vector<16xf32>
        %add3A_246 = arith.addf %add3A_182, %get3A_245 : vector<16xf32>
        %get3A_247 = arith.constant 2 : i32
        %get3A_248 = arith.index_cast %rem3A_45 : i32 to index
        %get3A_249 = arith.index_cast %scan3A_103 : i32 to index
        %get3A_250 = arith.index_cast %get3A_247 : i32 to index
        %get3A_251 = arith.constant 48 : index
        %get3A_252 = tpu.vector_load %arg4[%get3A_248, %get3A_249, %get3A_250, %get3A_251] {strides = array<i32>} : memref<2x8x32x128xf32, #tpu.memory_space<vmem>>, vector<1x1x1x16xf32>,
        %get3A_253 = vector.shape_cast %get3A_252 : vector<1x1x1x16xf32> to vector<16xf32>
        %add3A_254 = arith.addf %add3A_190, %get3A_253 : vector<16xf32>
        %get3A_255 = arith.constant 2 : i32
        %get3A_256 = arith.index_cast %rem3A_45 : i32 to index
        %get3A_257 = arith.index_cast %scan3A_103 : i32 to index
        %get3A_258 = arith.index_cast %get3A_255 : i32 to index
        %get3A_259 = arith.constant 64 : index
        %get3A_260 = tpu.vector_load %arg4[%get3A_256, %get3A_257, %get3A_258, %get3A_259] {strides = array<i32>} : memref<2x8x32x128xf32, #tpu.memory_space<vmem>>, vector<1x1x1x16xf32>,
        %get3A_261 = vector.shape_cast %get3A_260 : vector<1x1x1x16xf32> to vector<16xf32>
        %add3A_262 = arith.addf %add3A_198, %get3A_261 : vector<16xf32>
        %get3A_263 = arith.constant 2 : i32
        %get3A_264 = arith.index_cast %rem3A_45 : i32 to index
        %get3A_265 = arith.index_cast %scan3A_103 : i32 to index
        %get3A_266 = arith.index_cast %get3A_263 : i32 to index
        %get3A_267 = arith.constant 80 : index
        %get3A_268 = tpu.vector_load %arg4[%get3A_264, %get3A_265, %get3A_266, %get3A_267] {strides = array<i32>} : memref<2x8x32x128xf32, #tpu.memory_space<vmem>>, vector<1x1x1x16xf32>,
        %get3A_269 = vector.shape_cast %get3A_268 : vector<1x1x1x16xf32> to vector<16xf32>
        %add3A_270 = arith.addf %add3A_206, %get3A_269 : vector<16xf32>
        %get3A_271 = arith.constant 2 : i32
        %get3A_272 = arith.index_cast %rem3A_45 : i32 to index
        %get3A_273 = arith.index_cast %scan3A_103 : i32 to index
        %get3A_274 = arith.index_cast %get3A_271 : i32 to index
        %get3A_275 = arith.constant 96 : index
        %get3A_276 = tpu.vector_load %arg4[%get3A_272, %get3A_273, %get3A_274, %get3A_275] {strides = array<i32>} : memref<2x8x32x128xf32, #tpu.memory_space<vmem>>, vector<1x1x1x16xf32>,
        %get3A_277 = vector.shape_cast %get3A_276 : vector<1x1x1x16xf32> to vector<16xf32>
        %add3A_278 = arith.addf %add3A_214, %get3A_277 : vector<16xf32>
        %get3A_279 = arith.constant 2 : i32
        %get3A_280 = arith.index_cast %rem3A_45 : i32 to index
        %get3A_281 = arith.index_cast %scan3A_103 : i32 to index
        %get3A_282 = arith.index_cast %get3A_279 : i32 to index
        %get3A_283 = arith.constant 112 : index
        %get3A_284 = tpu.vector_load %arg4[%get3A_280, %get3A_281, %get3A_282, %get3A_283] {strides = array<i32>} : memref<2x8x32x128xf32, #tpu.memory_space<vmem>>, vector<1x1x1x16xf32>,
        %get3A_285 = vector.shape_cast %get3A_284 : vector<1x1x1x16xf32> to vector<16xf32>
        %add3A_286 = arith.addf %add3A_222, %get3A_285 : vector<16xf32>
        %get3A_287 = arith.constant 3 : i32
        %get3A_288 = arith.index_cast %rem3A_45 : i32 to index
        %get3A_289 = arith.index_cast %scan3A_103 : i32 to index
        %get3A_290 = arith.index_cast %get3A_287 : i32 to index
        %get3A_291 = arith.constant 0 : index
        %get3A_292 = tpu.vector_load %arg4[%get3A_288, %get3A_289, %get3A_290, %get3A_291] {strides = array<i32>} : memref<2x8x32x128xf32, #tpu.memory_space<vmem>>, vector<1x1x1x16xf32>,
        %get3A_293 = vector.shape_cast %get3A_292 : vector<1x1x1x16xf32> to vector<16xf32>
        %add3A_294 = arith.addf %add3A_230, %get3A_293 : vector<16xf32>
        %get3A_295 = arith.constant 3 : i32
        %get3A_296 = arith.index_cast %rem3A_45 : i32 to index
        %get3A_297 = arith.index_cast %scan3A_103 : i32 to index
        %get3A_298 = arith.index_cast %get3A_295 : i32 to index
        %get3A_299 = arith.constant 16 : index
        %get3A_300 = tpu.vector_load %arg4[%get3A_296, %get3A_297, %get3A_298, %get3A_299] {strides = array<i32>} : memref<2x8x32x128xf32, #tpu.memory_space<vmem>>, vector<1x1x1x16xf32>,
        %get3A_301 = vector.shape_cast %get3A_300 : vector<1x1x1x16xf32> to vector<16xf32>
        %add3A_302 = arith.addf %add3A_238, %get3A_301 : vector<16xf32>
        %get3A_303 = arith.constant 3 : i32
        %get3A_304 = arith.index_cast %rem3A_45 : i32 to index
        %get3A_305 = arith.index_cast %scan3A_103 : i32 to index
        %get3A_306 = arith.index_cast %get3A_303 : i32 to index
        %get3A_307 = arith.constant 32 : index
        %get3A_308 = tpu.vector_load %arg4[%get3A_304, %get3A_305, %get3A_306, %get3A_307] {strides = array<i32>} : memref<2x8x32x128xf32, #tpu.memory_space<vmem>>, vector<1x1x1x16xf32>,
        %get3A_309 = vector.shape_cast %get3A_308 : vector<1x1x1x16xf32> to vector<16xf32>
        %add3A_310 = arith.addf %add3A_246, %get3A_309 : vector<16xf32>
        %get3A_311 = arith.constant 3 : i32
        %get3A_312 = arith.index_cast %rem3A_45 : i32 to index
        %get3A_313 = arith.index_cast %scan3A_103 : i32 to index
        %get3A_314 = arith.index_cast %get3A_311 : i32 to index
        %get3A_315 = arith.constant 48 : index
        %get3A_316 = tpu.vector_load %arg4[%get3A_312, %get3A_313, %get3A_314, %get3A_315] {strides = array<i32>} : memref<2x8x32x128xf32, #tpu.memory_space<vmem>>, vector<1x1x1x16xf32>,
        %get3A_317 = vector.shape_cast %get3A_316 : vector<1x1x1x16xf32> to vector<16xf32>
        %add3A_318 = arith.addf %add3A_254, %get3A_317 : vector<16xf32>
        %get3A_319 = arith.constant 3 : i32
        %get3A_320 = arith.index_cast %rem3A_45 : i32 to index
        %get3A_321 = arith.index_cast %scan3A_103 : i32 to index
        %get3A_322 = arith.index_cast %get3A_319 : i32 to index
        %get3A_323 = arith.constant 64 : index
        %get3A_324 = tpu.vector_load %arg4[%get3A_320, %get3A_321, %get3A_322, %get3A_323] {strides = array<i32>} : memref<2x8x32x128xf32, #tpu.memory_space<vmem>>, vector<1x1x1x16xf32>,
        %get3A_325 = vector.shape_cast %get3A_324 : vector<1x1x1x16xf32> to vector<16xf32>
        %add3A_326 = arith.addf %add3A_262, %get3A_325 : vector<16xf32>
        %get3A_327 = arith.constant 3 : i32
        %get3A_328 = arith.index_cast %rem3A_45 : i32 to index
        %get3A_329 = arith.index_cast %scan3A_103 : i32 to index
        %get3A_330 = arith.index_cast %get3A_327 : i32 to index
        %get3A_331 = arith.constant 80 : index
        %get3A_332 = tpu.vector_load %arg4[%get3A_328, %get3A_329, %get3A_330, %get3A_331] {strides = array<i32>} : memref<2x8x32x128xf32, #tpu.memory_space<vmem>>, vector<1x1x1x16xf32>,
        %get3A_333 = vector.shape_cast %get3A_332 : vector<1x1x1x16xf32> to vector<16xf32>
        %add3A_334 = arith.addf %add3A_270, %get3A_333 : vector<16xf32>
        %get3A_335 = arith.constant 3 : i32
        %get3A_336 = arith.index_cast %rem3A_45 : i32 to index
        %get3A_337 = arith.index_cast %scan3A_103 : i32 to index
        %get3A_338 = arith.index_cast %get3A_335 : i32 to index
        %get3A_339 = arith.constant 96 : index
        %get3A_340 = tpu.vector_load %arg4[%get3A_336, %get3A_337, %get3A_338, %get3A_339] {strides = array<i32>} : memref<2x8x32x128xf32, #tpu.memory_space<vmem>>, vector<1x1x1x16xf32>,
        %get3A_341 = vector.shape_cast %get3A_340 : vector<1x1x1x16xf32> to vector<16xf32>
        %add3A_342 = arith.addf %add3A_278, %get3A_341 : vector<16xf32>
        %get3A_343 = arith.constant 3 : i32
        %get3A_344 = arith.index_cast %rem3A_45 : i32 to index
        %get3A_345 = arith.index_cast %scan3A_103 : i32 to index
        %get3A_346 = arith.index_cast %get3A_343 : i32 to index
        %get3A_347 = arith.constant 112 : index
        %get3A_348 = tpu.vector_load %arg4[%get3A_344, %get3A_345, %get3A_346, %get3A_347] {strides = array<i32>} : memref<2x8x32x128xf32, #tpu.memory_space<vmem>>, vector<1x1x1x16xf32>,
        %get3A_349 = vector.shape_cast %get3A_348 : vector<1x1x1x16xf32> to vector<16xf32>
        %add3A_350 = arith.addf %add3A_286, %get3A_349 : vector<16xf32>
        %get3A_351 = arith.constant 4 : i32
        %get3A_352 = arith.index_cast %rem3A_45 : i32 to index
        %get3A_353 = arith.index_cast %scan3A_103 : i32 to index
        %get3A_354 = arith.index_cast %get3A_351 : i32 to index
        %get3A_355 = arith.constant 0 : index
        %get3A_356 = tpu.vector_load %arg4[%get3A_352, %get3A_353, %get3A_354, %get3A_355] {strides = array<i32>} : memref<2x8x32x128xf32, #tpu.memory_space<vmem>>, vector<1x1x1x16xf32>,
        %get3A_357 = vector.shape_cast %get3A_356 : vector<1x1x1x16xf32> to vector<16xf32>
        %add3A_358 = arith.addf %add3A_294, %get3A_357 : vector<16xf32>
        %get3A_359 = arith.constant 4 : i32
        %get3A_360 = arith.index_cast %rem3A_45 : i32 to index
        %get3A_361 = arith.index_cast %scan3A_103 : i32 to index
        %get3A_362 = arith.index_cast %get3A_359 : i32 to index
        %get3A_363 = arith.constant 16 : index
        %get3A_364 = tpu.vector_load %arg4[%get3A_360, %get3A_361, %get3A_362, %get3A_363] {strides = array<i32>} : memref<2x8x32x128xf32, #tpu.memory_space<vmem>>, vector<1x1x1x16xf32>,
        %get3A_365 = vector.shape_cast %get3A_364 : vector<1x1x1x16xf32> to vector<16xf32>
        %add3A_366 = arith.addf %add3A_302, %get3A_365 : vector<16xf32>
        %get3A_367 = arith.constant 4 : i32
        %get3A_368 = arith.index_cast %rem3A_45 : i32 to index
        %get3A_369 = arith.index_cast %scan3A_103 : i32 to index
        %get3A_370 = arith.index_cast %get3A_367 : i32 to index
        %get3A_371 = arith.constant 32 : index
        %get3A_372 = tpu.vector_load %arg4[%get3A_368, %get3A_369, %get3A_370, %get3A_371] {strides = array<i32>} : memref<2x8x32x128xf32, #tpu.memory_space<vmem>>, vector<1x1x1x16xf32>,
        %get3A_373 = vector.shape_cast %get3A_372 : vector<1x1x1x16xf32> to vector<16xf32>
        %add3A_374 = arith.addf %add3A_310, %get3A_373 : vector<16xf32>
        %get3A_375 = arith.constant 4 : i32
        %get3A_376 = arith.index_cast %rem3A_45 : i32 to index
        %get3A_377 = arith.index_cast %scan3A_103 : i32 to index
        %get3A_378 = arith.index_cast %get3A_375 : i32 to index
        %get3A_379 = arith.constant 48 : index
        %get3A_380 = tpu.vector_load %arg4[%get3A_376, %get3A_377, %get3A_378, %get3A_379] {strides = array<i32>} : memref<2x8x32x128xf32, #tpu.memory_space<vmem>>, vector<1x1x1x16xf32>,
        %get3A_381 = vector.shape_cast %get3A_380 : vector<1x1x1x16xf32> to vector<16xf32>
        %add3A_382 = arith.addf %add3A_318, %get3A_381 : vector<16xf32>
        %get3A_383 = arith.constant 4 : i32
        %get3A_384 = arith.index_cast %rem3A_45 : i32 to index
        %get3A_385 = arith.index_cast %scan3A_103 : i32 to index
        %get3A_386 = arith.index_cast %get3A_383 : i32 to index
        %get3A_387 = arith.constant 64 : index
        %get3A_388 = tpu.vector_load %arg4[%get3A_384, %get3A_385, %get3A_386, %get3A_387] {strides = array<i32>} : memref<2x8x32x128xf32, #tpu.memory_space<vmem>>, vector<1x1x1x16xf32>,
        %get3A_389 = vector.shape_cast %get3A_388 : vector<1x1x1x16xf32> to vector<16xf32>
        %add3A_390 = arith.addf %add3A_326, %get3A_389 : vector<16xf32>
        %get3A_391 = arith.constant 4 : i32
        %get3A_392 = arith.index_cast %rem3A_45 : i32 to index
        %get3A_393 = arith.index_cast %scan3A_103 : i32 to index
        %get3A_394 = arith.index_cast %get3A_391 : i32 to index
        %get3A_395 = arith.constant 80 : index
        %get3A_396 = tpu.vector_load %arg4[%get3A_392, %get3A_393, %get3A_394, %get3A_395] {strides = array<i32>} : memref<2x8x32x128xf32, #tpu.memory_space<vmem>>, vector<1x1x1x16xf32>,
        %get3A_397 = vector.shape_cast %get3A_396 : vector<1x1x1x16xf32> to vector<16xf32>
        %add3A_398 = arith.addf %add3A_334, %get3A_397 : vector<16xf32>
        %get3A_399 = arith.constant 4 : i32
        %get3A_400 = arith.index_cast %rem3A_45 : i32 to index
        %get3A_401 = arith.index_cast %scan3A_103 : i32 to index
        %get3A_402 = arith.index_cast %get3A_399 : i32 to index
        %get3A_403 = arith.constant 96 : index
        %get3A_404 = tpu.vector_load %arg4[%get3A_400, %get3A_401, %get3A_402, %get3A_403] {strides = array<i32>} : memref<2x8x32x128xf32, #tpu.memory_space<vmem>>, vector<1x1x1x16xf32>,
        %get3A_405 = vector.shape_cast %get3A_404 : vector<1x1x1x16xf32> to vector<16xf32>
        %add3A_406 = arith.addf %add3A_342, %get3A_405 : vector<16xf32>
        %get3A_407 = arith.constant 4 : i32
        %get3A_408 = arith.index_cast %rem3A_45 : i32 to index
        %get3A_409 = arith.index_cast %scan3A_103 : i32 to index
        %get3A_410 = arith.index_cast %get3A_407 : i32 to index
        %get3A_411 = arith.constant 112 : index
        %get3A_412 = tpu.vector_load %arg4[%get3A_408, %get3A_409, %get3A_410, %get3A_411] {strides = array<i32>} : memref<2x8x32x128xf32, #tpu.memory_space<vmem>>, vector<1x1x1x16xf32>,
        %get3A_413 = vector.shape_cast %get3A_412 : vector<1x1x1x16xf32> to vector<16xf32>
        %add3A_414 = arith.addf %add3A_350, %get3A_413 : vector<16xf32>
        %get3A_415 = arith.constant 5 : i32
        %get3A_416 = arith.index_cast %rem3A_45 : i32 to index
        %get3A_417 = arith.index_cast %scan3A_103 : i32 to index
        %get3A_418 = arith.index_cast %get3A_415 : i32 to index
        %get3A_419 = arith.constant 0 : index
        %get3A_420 = tpu.vector_load %arg4[%get3A_416, %get3A_417, %get3A_418, %get3A_419] {strides = array<i32>} : memref<2x8x32x128xf32, #tpu.memory_space<vmem>>, vector<1x1x1x16xf32>,
        %get3A_421 = vector.shape_cast %get3A_420 : vector<1x1x1x16xf32> to vector<16xf32>
        %add3A_422 = arith.addf %add3A_358, %get3A_421 : vector<16xf32>
        %get3A_423 = arith.constant 5 : i32
        %get3A_424 = arith.index_cast %rem3A_45 : i32 to index
        %get3A_425 = arith.index_cast %scan3A_103 : i32 to index
        %get3A_426 = arith.index_cast %get3A_423 : i32 to index
        %get3A_427 = arith.constant 16 : index
        %get3A_428 = tpu.vector_load %arg4[%get3A_424, %get3A_425, %get3A_426, %get3A_427] {strides = array<i32>} : memref<2x8x32x128xf32, #tpu.memory_space<vmem>>, vector<1x1x1x16xf32>,
        %get3A_429 = vector.shape_cast %get3A_428 : vector<1x1x1x16xf32> to vector<16xf32>
        %add3A_430 = arith.addf %add3A_366, %get3A_429 : vector<16xf32>
        %get3A_431 = arith.constant 5 : i32
        %get3A_432 = arith.index_cast %rem3A_45 : i32 to index
        %get3A_433 = arith.index_cast %scan3A_103 : i32 to index
        %get3A_434 = arith.index_cast %get3A_431 : i32 to index
        %get3A_435 = arith.constant 32 : index
        %get3A_436 = tpu.vector_load %arg4[%get3A_432, %get3A_433, %get3A_434, %get3A_435] {strides = array<i32>} : memref<2x8x32x128xf32, #tpu.memory_space<vmem>>, vector<1x1x1x16xf32>,
        %get3A_437 = vector.shape_cast %get3A_436 : vector<1x1x1x16xf32> to vector<16xf32>
        %add3A_438 = arith.addf %add3A_374, %get3A_437 : vector<16xf32>
        %get3A_439 = arith.constant 5 : i32
        %get3A_440 = arith.index_cast %rem3A_45 : i32 to index
        %get3A_441 = arith.index_cast %scan3A_103 : i32 to index
        %get3A_442 = arith.index_cast %get3A_439 : i32 to index
        %get3A_443 = arith.constant 48 : index
        %get3A_444 = tpu.vector_load %arg4[%get3A_440, %get3A_441, %get3A_442, %get3A_443] {strides = array<i32>} : memref<2x8x32x128xf32, #tpu.memory_space<vmem>>, vector<1x1x1x16xf32>,
        %get3A_445 = vector.shape_cast %get3A_444 : vector<1x1x1x16xf32> to vector<16xf32>
        %add3A_446 = arith.addf %add3A_382, %get3A_445 : vector<16xf32>
        %get3A_447 = arith.constant 5 : i32
        %get3A_448 = arith.index_cast %rem3A_45 : i32 to index
        %get3A_449 = arith.index_cast %scan3A_103 : i32 to index
        %get3A_450 = arith.index_cast %get3A_447 : i32 to index
        %get3A_451 = arith.constant 64 : index
        %get3A_452 = tpu.vector_load %arg4[%get3A_448, %get3A_449, %get3A_450, %get3A_451] {strides = array<i32>} : memref<2x8x32x128xf32, #tpu.memory_space<vmem>>, vector<1x1x1x16xf32>,
        %get3A_453 = vector.shape_cast %get3A_452 : vector<1x1x1x16xf32> to vector<16xf32>
        %add3A_454 = arith.addf %add3A_390, %get3A_453 : vector<16xf32>
        %get3A_455 = arith.constant 5 : i32
        %get3A_456 = arith.index_cast %rem3A_45 : i32 to index
        %get3A_457 = arith.index_cast %scan3A_103 : i32 to index
        %get3A_458 = arith.index_cast %get3A_455 : i32 to index
        %get3A_459 = arith.constant 80 : index
        %get3A_460 = tpu.vector_load %arg4[%get3A_456, %get3A_457, %get3A_458, %get3A_459] {strides = array<i32>} : memref<2x8x32x128xf32, #tpu.memory_space<vmem>>, vector<1x1x1x16xf32>,
        %get3A_461 = vector.shape_cast %get3A_460 : vector<1x1x1x16xf32> to vector<16xf32>
        %add3A_462 = arith.addf %add3A_398, %get3A_461 : vector<16xf32>
        %get3A_463 = arith.constant 5 : i32
        %get3A_464 = arith.index_cast %rem3A_45 : i32 to index
        %get3A_465 = arith.index_cast %scan3A_103 : i32 to index
        %get3A_466 = arith.index_cast %get3A_463 : i32 to index
        %get3A_467 = arith.constant 96 : index
        %get3A_468 = tpu.vector_load %arg4[%get3A_464, %get3A_465, %get3A_466, %get3A_467] {strides = array<i32>} : memref<2x8x32x128xf32, #tpu.memory_space<vmem>>, vector<1x1x1x16xf32>,
        %get3A_469 = vector.shape_cast %get3A_468 : vector<1x1x1x16xf32> to vector<16xf32>
        %add3A_470 = arith.addf %add3A_406, %get3A_469 : vector<16xf32>
        %get3A_471 = arith.constant 5 : i32
        %get3A_472 = arith.index_cast %rem3A_45 : i32 to index
        %get3A_473 = arith.index_cast %scan3A_103 : i32 to index
        %get3A_474 = arith.index_cast %get3A_471 : i32 to index
        %get3A_475 = arith.constant 112 : index
        %get3A_476 = tpu.vector_load %arg4[%get3A_472, %get3A_473, %get3A_474, %get3A_475] {strides = array<i32>} : memref<2x8x32x128xf32, #tpu.memory_space<vmem>>, vector<1x1x1x16xf32>,
        %get3A_477 = vector.shape_cast %get3A_476 : vector<1x1x1x16xf32> to vector<16xf32>
        %add3A_478 = arith.addf %add3A_414, %get3A_477 : vector<16xf32>
        %get3A_479 = arith.constant 6 : i32
        %get3A_480 = arith.index_cast %rem3A_45 : i32 to index
        %get3A_481 = arith.index_cast %scan3A_103 : i32 to index
        %get3A_482 = arith.index_cast %get3A_479 : i32 to index
        %get3A_483 = arith.constant 0 : index
        %get3A_484 = tpu.vector_load %arg4[%get3A_480, %get3A_481, %get3A_482, %get3A_483] {strides = array<i32>} : memref<2x8x32x128xf32, #tpu.memory_space<vmem>>, vector<1x1x1x16xf32>,
        %get3A_485 = vector.shape_cast %get3A_484 : vector<1x1x1x16xf32> to vector<16xf32>
        %add3A_486 = arith.addf %add3A_422, %get3A_485 : vector<16xf32>
        %get3A_487 = arith.constant 6 : i32
        %get3A_488 = arith.index_cast %rem3A_45 : i32 to index
        %get3A_489 = arith.index_cast %scan3A_103 : i32 to index
        %get3A_490 = arith.index_cast %get3A_487 : i32 to index
        %get3A_491 = arith.constant 16 : index
        %get3A_492 = tpu.vector_load %arg4[%get3A_488, %get3A_489, %get3A_490, %get3A_491] {strides = array<i32>} : memref<2x8x32x128xf32, #tpu.memory_space<vmem>>, vector<1x1x1x16xf32>,
        %get3A_493 = vector.shape_cast %get3A_492 : vector<1x1x1x16xf32> to vector<16xf32>
        %add3A_494 = arith.addf %add3A_430, %get3A_493 : vector<16xf32>
        %get3A_495 = arith.constant 6 : i32
        %get3A_496 = arith.index_cast %rem3A_45 : i32 to index
        %get3A_497 = arith.index_cast %scan3A_103 : i32 to index
        %get3A_498 = arith.index_cast %get3A_495 : i32 to index
        %get3A_499 = arith.constant 32 : index
        %get3A_500 = tpu.vector_load %arg4[%get3A_496, %get3A_497, %get3A_498, %get3A_499] {strides = array<i32>} : memref<2x8x32x128xf32, #tpu.memory_space<vmem>>, vector<1x1x1x16xf32>,
        %get3A_501 = vector.shape_cast %get3A_500 : vector<1x1x1x16xf32> to vector<16xf32>
        %add3A_502 = arith.addf %add3A_438, %get3A_501 : vector<16xf32>
        %get3A_503 = arith.constant 6 : i32
        %get3A_504 = arith.index_cast %rem3A_45 : i32 to index
        %get3A_505 = arith.index_cast %scan3A_103 : i32 to index
        %get3A_506 = arith.index_cast %get3A_503 : i32 to index
        %get3A_507 = arith.constant 48 : index
        %get3A_508 = tpu.vector_load %arg4[%get3A_504, %get3A_505, %get3A_506, %get3A_507] {strides = array<i32>} : memref<2x8x32x128xf32, #tpu.memory_space<vmem>>, vector<1x1x1x16xf32>,
        %get3A_509 = vector.shape_cast %get3A_508 : vector<1x1x1x16xf32> to vector<16xf32>
        %add3A_510 = arith.addf %add3A_446, %get3A_509 : vector<16xf32>
        %get3A_511 = arith.constant 6 : i32
        %get3A_512 = arith.index_cast %rem3A_45 : i32 to index
        %get3A_513 = arith.index_cast %scan3A_103 : i32 to index
        %get3A_514 = arith.index_cast %get3A_511 : i32 to index
        %get3A_515 = arith.constant 64 : index
        %get3A_516 = tpu.vector_load %arg4[%get3A_512, %get3A_513, %get3A_514, %get3A_515] {strides = array<i32>} : memref<2x8x32x128xf32, #tpu.memory_space<vmem>>, vector<1x1x1x16xf32>,
        %get3A_517 = vector.shape_cast %get3A_516 : vector<1x1x1x16xf32> to vector<16xf32>
        %add3A_518 = arith.addf %add3A_454, %get3A_517 : vector<16xf32>
        %get3A_519 = arith.constant 6 : i32
        %get3A_520 = arith.index_cast %rem3A_45 : i32 to index
        %get3A_521 = arith.index_cast %scan3A_103 : i32 to index
        %get3A_522 = arith.index_cast %get3A_519 : i32 to index
        %get3A_523 = arith.constant 80 : index
        %get3A_524 = tpu.vector_load %arg4[%get3A_520, %get3A_521, %get3A_522, %get3A_523] {strides = array<i32>} : memref<2x8x32x128xf32, #tpu.memory_space<vmem>>, vector<1x1x1x16xf32>,
        %get3A_525 = vector.shape_cast %get3A_524 : vector<1x1x1x16xf32> to vector<16xf32>
        %add3A_526 = arith.addf %add3A_462, %get3A_525 : vector<16xf32>
        %get3A_527 = arith.constant 6 : i32
        %get3A_528 = arith.index_cast %rem3A_45 : i32 to index
        %get3A_529 = arith.index_cast %scan3A_103 : i32 to index
        %get3A_530 = arith.index_cast %get3A_527 : i32 to index
        %get3A_531 = arith.constant 96 : index
        %get3A_532 = tpu.vector_load %arg4[%get3A_528, %get3A_529, %get3A_530, %get3A_531] {strides = array<i32>} : memref<2x8x32x128xf32, #tpu.memory_space<vmem>>, vector<1x1x1x16xf32>,
        %get3A_533 = vector.shape_cast %get3A_532 : vector<1x1x1x16xf32> to vector<16xf32>
        %add3A_534 = arith.addf %add3A_470, %get3A_533 : vector<16xf32>
        %get3A_535 = arith.constant 6 : i32
        %get3A_536 = arith.index_cast %rem3A_45 : i32 to index
        %get3A_537 = arith.index_cast %scan3A_103 : i32 to index
        %get3A_538 = arith.index_cast %get3A_535 : i32 to index
        %get3A_539 = arith.constant 112 : index
        %get3A_540 = tpu.vector_load %arg4[%get3A_536, %get3A_537, %get3A_538, %get3A_539] {strides = array<i32>} : memref<2x8x32x128xf32, #tpu.memory_space<vmem>>, vector<1x1x1x16xf32>,
        %get3A_541 = vector.shape_cast %get3A_540 : vector<1x1x1x16xf32> to vector<16xf32>
        %add3A_542 = arith.addf %add3A_478, %get3A_541 : vector<16xf32>
        %get3A_543 = arith.constant 7 : i32
        %get3A_544 = arith.index_cast %rem3A_45 : i32 to index
        %get3A_545 = arith.index_cast %scan3A_103 : i32 to index
        %get3A_546 = arith.index_cast %get3A_543 : i32 to index
        %get3A_547 = arith.constant 0 : index
        %get3A_548 = tpu.vector_load %arg4[%get3A_544, %get3A_545, %get3A_546, %get3A_547] {strides = array<i32>} : memref<2x8x32x128xf32, #tpu.memory_space<vmem>>, vector<1x1x1x16xf32>,
        %get3A_549 = vector.shape_cast %get3A_548 : vector<1x1x1x16xf32> to vector<16xf32>
        %add3A_550 = arith.addf %add3A_486, %get3A_549 : vector<16xf32>
        %get3A_551 = arith.constant 7 : i32
        %get3A_552 = arith.index_cast %rem3A_45 : i32 to index
        %get3A_553 = arith.index_cast %scan3A_103 : i32 to index
        %get3A_554 = arith.index_cast %get3A_551 : i32 to index
        %get3A_555 = arith.constant 16 : index
        %get3A_556 = tpu.vector_load %arg4[%get3A_552, %get3A_553, %get3A_554, %get3A_555] {strides = array<i32>} : memref<2x8x32x128xf32, #tpu.memory_space<vmem>>, vector<1x1x1x16xf32>,
        %get3A_557 = vector.shape_cast %get3A_556 : vector<1x1x1x16xf32> to vector<16xf32>
        %add3A_558 = arith.addf %add3A_494, %get3A_557 : vector<16xf32>
        %get3A_559 = arith.constant 7 : i32
        %get3A_560 = arith.index_cast %rem3A_45 : i32 to index
        %get3A_561 = arith.index_cast %scan3A_103 : i32 to index
        %get3A_562 = arith.index_cast %get3A_559 : i32 to index
        %get3A_563 = arith.constant 32 : index
        %get3A_564 = tpu.vector_load %arg4[%get3A_560, %get3A_561, %get3A_562, %get3A_563] {strides = array<i32>} : memref<2x8x32x128xf32, #tpu.memory_space<vmem>>, vector<1x1x1x16xf32>,
        %get3A_565 = vector.shape_cast %get3A_564 : vector<1x1x1x16xf32> to vector<16xf32>
        %add3A_566 = arith.addf %add3A_502, %get3A_565 : vector<16xf32>
        %get3A_567 = arith.constant 7 : i32
        %get3A_568 = arith.index_cast %rem3A_45 : i32 to index
        %get3A_569 = arith.index_cast %scan3A_103 : i32 to index
        %get3A_570 = arith.index_cast %get3A_567 : i32 to index
        %get3A_571 = arith.constant 48 : index
        %get3A_572 = tpu.vector_load %arg4[%get3A_568, %get3A_569, %get3A_570, %get3A_571] {strides = array<i32>} : memref<2x8x32x128xf32, #tpu.memory_space<vmem>>, vector<1x1x1x16xf32>,
        %get3A_573 = vector.shape_cast %get3A_572 : vector<1x1x1x16xf32> to vector<16xf32>
        %add3A_574 = arith.addf %add3A_510, %get3A_573 : vector<16xf32>
        %get3A_575 = arith.constant 7 : i32
        %get3A_576 = arith.index_cast %rem3A_45 : i32 to index
        %get3A_577 = arith.index_cast %scan3A_103 : i32 to index
        %get3A_578 = arith.index_cast %get3A_575 : i32 to index
        %get3A_579 = arith.constant 64 : index
        %get3A_580 = tpu.vector_load %arg4[%get3A_576, %get3A_577, %get3A_578, %get3A_579] {strides = array<i32>} : memref<2x8x32x128xf32, #tpu.memory_space<vmem>>, vector<1x1x1x16xf32>,
        %get3A_581 = vector.shape_cast %get3A_580 : vector<1x1x1x16xf32> to vector<16xf32>
        %add3A_582 = arith.addf %add3A_518, %get3A_581 : vector<16xf32>
        %get3A_583 = arith.constant 7 : i32
        %get3A_584 = arith.index_cast %rem3A_45 : i32 to index
        %get3A_585 = arith.index_cast %scan3A_103 : i32 to index
        %get3A_586 = arith.index_cast %get3A_583 : i32 to index
        %get3A_587 = arith.constant 80 : index
        %get3A_588 = tpu.vector_load %arg4[%get3A_584, %get3A_585, %get3A_586, %get3A_587] {strides = array<i32>} : memref<2x8x32x128xf32, #tpu.memory_space<vmem>>, vector<1x1x1x16xf32>,
        %get3A_589 = vector.shape_cast %get3A_588 : vector<1x1x1x16xf32> to vector<16xf32>
        %add3A_590 = arith.addf %add3A_526, %get3A_589 : vector<16xf32>
        %get3A_591 = arith.constant 7 : i32
        %get3A_592 = arith.index_cast %rem3A_45 : i32 to index
        %get3A_593 = arith.index_cast %scan3A_103 : i32 to index
        %get3A_594 = arith.index_cast %get3A_591 : i32 to index
        %get3A_595 = arith.constant 96 : index
        %get3A_596 = tpu.vector_load %arg4[%get3A_592, %get3A_593, %get3A_594, %get3A_595] {strides = array<i32>} : memref<2x8x32x128xf32, #tpu.memory_space<vmem>>, vector<1x1x1x16xf32>,
        %get3A_597 = vector.shape_cast %get3A_596 : vector<1x1x1x16xf32> to vector<16xf32>
        %add3A_598 = arith.addf %add3A_534, %get3A_597 : vector<16xf32>
        %get3A_599 = arith.constant 7 : i32
        %get3A_600 = arith.index_cast %rem3A_45 : i32 to index
        %get3A_601 = arith.index_cast %scan3A_103 : i32 to index
        %get3A_602 = arith.index_cast %get3A_599 : i32 to index
        %get3A_603 = arith.constant 112 : index
        %get3A_604 = tpu.vector_load %arg4[%get3A_600, %get3A_601, %get3A_602, %get3A_603] {strides = array<i32>} : memref<2x8x32x128xf32, #tpu.memory_space<vmem>>, vector<1x1x1x16xf32>,
        %get3A_605 = vector.shape_cast %get3A_604 : vector<1x1x1x16xf32> to vector<16xf32>
        %add3A_606 = arith.addf %add3A_542, %get3A_605 : vector<16xf32>
        %get3A_607 = arith.constant 8 : i32
        %get3A_608 = arith.index_cast %rem3A_45 : i32 to index
        %get3A_609 = arith.index_cast %scan3A_103 : i32 to index
        %get3A_610 = arith.index_cast %get3A_607 : i32 to index
        %get3A_611 = arith.constant 0 : index
        %get3A_612 = tpu.vector_load %arg4[%get3A_608, %get3A_609, %get3A_610, %get3A_611] {strides = array<i32>} : memref<2x8x32x128xf32, #tpu.memory_space<vmem>>, vector<1x1x1x16xf32>,
        %get3A_613 = vector.shape_cast %get3A_612 : vector<1x1x1x16xf32> to vector<16xf32>
        %add3A_614 = arith.addf %add3A_550, %get3A_613 : vector<16xf32>
        %get3A_615 = arith.constant 8 : i32
        %get3A_616 = arith.index_cast %rem3A_45 : i32 to index
        %get3A_617 = arith.index_cast %scan3A_103 : i32 to index
        %get3A_618 = arith.index_cast %get3A_615 : i32 to index
        %get3A_619 = arith.constant 16 : index
        %get3A_620 = tpu.vector_load %arg4[%get3A_616, %get3A_617, %get3A_618, %get3A_619] {strides = array<i32>} : memref<2x8x32x128xf32, #tpu.memory_space<vmem>>, vector<1x1x1x16xf32>,
        %get3A_621 = vector.shape_cast %get3A_620 : vector<1x1x1x16xf32> to vector<16xf32>
        %add3A_622 = arith.addf %add3A_558, %get3A_621 : vector<16xf32>
        %get3A_623 = arith.constant 8 : i32
        %get3A_624 = arith.index_cast %rem3A_45 : i32 to index
        %get3A_625 = arith.index_cast %scan3A_103 : i32 to index
        %get3A_626 = arith.index_cast %get3A_623 : i32 to index
        %get3A_627 = arith.constant 32 : index
        %get3A_628 = tpu.vector_load %arg4[%get3A_624, %get3A_625, %get3A_626, %get3A_627] {strides = array<i32>} : memref<2x8x32x128xf32, #tpu.memory_space<vmem>>, vector<1x1x1x16xf32>,
        %get3A_629 = vector.shape_cast %get3A_628 : vector<1x1x1x16xf32> to vector<16xf32>
        %add3A_630 = arith.addf %add3A_566, %get3A_629 : vector<16xf32>
        %get3A_631 = arith.constant 8 : i32
        %get3A_632 = arith.index_cast %rem3A_45 : i32 to index
        %get3A_633 = arith.index_cast %scan3A_103 : i32 to index
        %get3A_634 = arith.index_cast %get3A_631 : i32 to index
        %get3A_635 = arith.constant 48 : index
        %get3A_636 = tpu.vector_load %arg4[%get3A_632, %get3A_633, %get3A_634, %get3A_635] {strides = array<i32>} : memref<2x8x32x128xf32, #tpu.memory_space<vmem>>, vector<1x1x1x16xf32>,
        %get3A_637 = vector.shape_cast %get3A_636 : vector<1x1x1x16xf32> to vector<16xf32>
        %add3A_638 = arith.addf %add3A_574, %get3A_637 : vector<16xf32>
        %get3A_639 = arith.constant 8 : i32
        %get3A_640 = arith.index_cast %rem3A_45 : i32 to index
        %get3A_641 = arith.index_cast %scan3A_103 : i32 to index
        %get3A_642 = arith.index_cast %get3A_639 : i32 to index
        %get3A_643 = arith.constant 64 : index
        %get3A_644 = tpu.vector_load %arg4[%get3A_640, %get3A_641, %get3A_642, %get3A_643] {strides = array<i32>} : memref<2x8x32x128xf32, #tpu.memory_space<vmem>>, vector<1x1x1x16xf32>,
        %get3A_645 = vector.shape_cast %get3A_644 : vector<1x1x1x16xf32> to vector<16xf32>
        %add3A_646 = arith.addf %add3A_582, %get3A_645 : vector<16xf32>
        %get3A_647 = arith.constant 8 : i32
        %get3A_648 = arith.index_cast %rem3A_45 : i32 to index
        %get3A_649 = arith.index_cast %scan3A_103 : i32 to index
        %get3A_650 = arith.index_cast %get3A_647 : i32 to index
        %get3A_651 = arith.constant 80 : index
        %get3A_652 = tpu.vector_load %arg4[%get3A_648, %get3A_649, %get3A_650, %get3A_651] {strides = array<i32>} : memref<2x8x32x128xf32, #tpu.memory_space<vmem>>, vector<1x1x1x16xf32>,
        %get3A_653 = vector.shape_cast %get3A_652 : vector<1x1x1x16xf32> to vector<16xf32>
        %add3A_654 = arith.addf %add3A_590, %get3A_653 : vector<16xf32>
        %get3A_655 = arith.constant 8 : i32
        %get3A_656 = arith.index_cast %rem3A_45 : i32 to index
        %get3A_657 = arith.index_cast %scan3A_103 : i32 to index
        %get3A_658 = arith.index_cast %get3A_655 : i32 to index
        %get3A_659 = arith.constant 96 : index
        %get3A_660 = tpu.vector_load %arg4[%get3A_656, %get3A_657, %get3A_658, %get3A_659] {strides = array<i32>} : memref<2x8x32x128xf32, #tpu.memory_space<vmem>>, vector<1x1x1x16xf32>,
        %get3A_661 = vector.shape_cast %get3A_660 : vector<1x1x1x16xf32> to vector<16xf32>
        %add3A_662 = arith.addf %add3A_598, %get3A_661 : vector<16xf32>
        %get3A_663 = arith.constant 8 : i32
        %get3A_664 = arith.index_cast %rem3A_45 : i32 to index
        %get3A_665 = arith.index_cast %scan3A_103 : i32 to index
        %get3A_666 = arith.index_cast %get3A_663 : i32 to index
        %get3A_667 = arith.constant 112 : index
        %get3A_668 = tpu.vector_load %arg4[%get3A_664, %get3A_665, %get3A_666, %get3A_667] {strides = array<i32>} : memref<2x8x32x128xf32, #tpu.memory_space<vmem>>, vector<1x1x1x16xf32>,
        %get3A_669 = vector.shape_cast %get3A_668 : vector<1x1x1x16xf32> to vector<16xf32>
        %add3A_670 = arith.addf %add3A_606, %get3A_669 : vector<16xf32>
        %get3A_671 = arith.constant 9 : i32
        %get3A_672 = arith.index_cast %rem3A_45 : i32 to index
        %get3A_673 = arith.index_cast %scan3A_103 : i32 to index
        %get3A_674 = arith.index_cast %get3A_671 : i32 to index
        %get3A_675 = arith.constant 0 : index
        %get3A_676 = tpu.vector_load %arg4[%get3A_672, %get3A_673, %get3A_674, %get3A_675] {strides = array<i32>} : memref<2x8x32x128xf32, #tpu.memory_space<vmem>>, vector<1x1x1x16xf32>,
        %get3A_677 = vector.shape_cast %get3A_676 : vector<1x1x1x16xf32> to vector<16xf32>
        %add3A_678 = arith.addf %add3A_614, %get3A_677 : vector<16xf32>
        %get3A_679 = arith.constant 9 : i32
        %get3A_680 = arith.index_cast %rem3A_45 : i32 to index
        %get3A_681 = arith.index_cast %scan3A_103 : i32 to index
        %get3A_682 = arith.index_cast %get3A_679 : i32 to index
        %get3A_683 = arith.constant 16 : index
        %get3A_684 = tpu.vector_load %arg4[%get3A_680, %get3A_681, %get3A_682, %get3A_683] {strides = array<i32>} : memref<2x8x32x128xf32, #tpu.memory_space<vmem>>, vector<1x1x1x16xf32>,
        %get3A_685 = vector.shape_cast %get3A_684 : vector<1x1x1x16xf32> to vector<16xf32>
        %add3A_686 = arith.addf %add3A_622, %get3A_685 : vector<16xf32>
        %get3A_687 = arith.constant 9 : i32
        %get3A_688 = arith.index_cast %rem3A_45 : i32 to index
        %get3A_689 = arith.index_cast %scan3A_103 : i32 to index
        %get3A_690 = arith.index_cast %get3A_687 : i32 to index
        %get3A_691 = arith.constant 32 : index
        %get3A_692 = tpu.vector_load %arg4[%get3A_688, %get3A_689, %get3A_690, %get3A_691] {strides = array<i32>} : memref<2x8x32x128xf32, #tpu.memory_space<vmem>>, vector<1x1x1x16xf32>,
        %get3A_693 = vector.shape_cast %get3A_692 : vector<1x1x1x16xf32> to vector<16xf32>
        %add3A_694 = arith.addf %add3A_630, %get3A_693 : vector<16xf32>
        %get3A_695 = arith.constant 9 : i32
        %get3A_696 = arith.index_cast %rem3A_45 : i32 to index
        %get3A_697 = arith.index_cast %scan3A_103 : i32 to index
        %get3A_698 = arith.index_cast %get3A_695 : i32 to index
        %get3A_699 = arith.constant 48 : index
        %get3A_700 = tpu.vector_load %arg4[%get3A_696, %get3A_697, %get3A_698, %get3A_699] {strides = array<i32>} : memref<2x8x32x128xf32, #tpu.memory_space<vmem>>, vector<1x1x1x16xf32>,
        %get3A_701 = vector.shape_cast %get3A_700 : vector<1x1x1x16xf32> to vector<16xf32>
        %add3A_702 = arith.addf %add3A_638, %get3A_701 : vector<16xf32>
        %get3A_703 = arith.constant 9 : i32
        %get3A_704 = arith.index_cast %rem3A_45 : i32 to index
        %get3A_705 = arith.index_cast %scan3A_103 : i32 to index
        %get3A_706 = arith.index_cast %get3A_703 : i32 to index
        %get3A_707 = arith.constant 64 : index
        %get3A_708 = tpu.vector_load %arg4[%get3A_704, %get3A_705, %get3A_706, %get3A_707] {strides = array<i32>} : memref<2x8x32x128xf32, #tpu.memory_space<vmem>>, vector<1x1x1x16xf32>,
        %get3A_709 = vector.shape_cast %get3A_708 : vector<1x1x1x16xf32> to vector<16xf32>
        %add3A_710 = arith.addf %add3A_646, %get3A_709 : vector<16xf32>
        %get3A_711 = arith.constant 9 : i32
        %get3A_712 = arith.index_cast %rem3A_45 : i32 to index
        %get3A_713 = arith.index_cast %scan3A_103 : i32 to index
        %get3A_714 = arith.index_cast %get3A_711 : i32 to index
        %get3A_715 = arith.constant 80 : index
        %get3A_716 = tpu.vector_load %arg4[%get3A_712, %get3A_713, %get3A_714, %get3A_715] {strides = array<i32>} : memref<2x8x32x128xf32, #tpu.memory_space<vmem>>, vector<1x1x1x16xf32>,
        %get3A_717 = vector.shape_cast %get3A_716 : vector<1x1x1x16xf32> to vector<16xf32>
        %add3A_718 = arith.addf %add3A_654, %get3A_717 : vector<16xf32>
        %get3A_719 = arith.constant 9 : i32
        %get3A_720 = arith.index_cast %rem3A_45 : i32 to index
        %get3A_721 = arith.index_cast %scan3A_103 : i32 to index
        %get3A_722 = arith.index_cast %get3A_719 : i32 to index
        %get3A_723 = arith.constant 96 : index
        %get3A_724 = tpu.vector_load %arg4[%get3A_720, %get3A_721, %get3A_722, %get3A_723] {strides = array<i32>} : memref<2x8x32x128xf32, #tpu.memory_space<vmem>>, vector<1x1x1x16xf32>,
        %get3A_725 = vector.shape_cast %get3A_724 : vector<1x1x1x16xf32> to vector<16xf32>
        %add3A_726 = arith.addf %add3A_662, %get3A_725 : vector<16xf32>
        %get3A_727 = arith.constant 9 : i32
        %get3A_728 = arith.index_cast %rem3A_45 : i32 to index
        %get3A_729 = arith.index_cast %scan3A_103 : i32 to index
        %get3A_730 = arith.index_cast %get3A_727 : i32 to index
        %get3A_731 = arith.constant 112 : index
        %get3A_732 = tpu.vector_load %arg4[%get3A_728, %get3A_729, %get3A_730, %get3A_731] {strides = array<i32>} : memref<2x8x32x128xf32, #tpu.memory_space<vmem>>, vector<1x1x1x16xf32>,
        %get3A_733 = vector.shape_cast %get3A_732 : vector<1x1x1x16xf32> to vector<16xf32>
        %add3A_734 = arith.addf %add3A_670, %get3A_733 : vector<16xf32>
        %get3A_735 = arith.constant 10 : i32
        %get3A_736 = arith.index_cast %rem3A_45 : i32 to index
        %get3A_737 = arith.index_cast %scan3A_103 : i32 to index
        %get3A_738 = arith.index_cast %get3A_735 : i32 to index
        %get3A_739 = arith.constant 0 : index
        %get3A_740 = tpu.vector_load %arg4[%get3A_736, %get3A_737, %get3A_738, %get3A_739] {strides = array<i32>} : memref<2x8x32x128xf32, #tpu.memory_space<vmem>>, vector<1x1x1x16xf32>,
        %get3A_741 = vector.shape_cast %get3A_740 : vector<1x1x1x16xf32> to vector<16xf32>
        %add3A_742 = arith.addf %add3A_678, %get3A_741 : vector<16xf32>
        %get3A_743 = arith.constant 10 : i32
        %get3A_744 = arith.index_cast %rem3A_45 : i32 to index
        %get3A_745 = arith.index_cast %scan3A_103 : i32 to index
        %get3A_746 = arith.index_cast %get3A_743 : i32 to index
        %get3A_747 = arith.constant 16 : index
        %get3A_748 = tpu.vector_load %arg4[%get3A_744, %get3A_745, %get3A_746, %get3A_747] {strides = array<i32>} : memref<2x8x32x128xf32, #tpu.memory_space<vmem>>, vector<1x1x1x16xf32>,
        %get3A_749 = vector.shape_cast %get3A_748 : vector<1x1x1x16xf32> to vector<16xf32>
        %add3A_750 = arith.addf %add3A_686, %get3A_749 : vector<16xf32>
        %get3A_751 = arith.constant 10 : i32
        %get3A_752 = arith.index_cast %rem3A_45 : i32 to index
        %get3A_753 = arith.index_cast %scan3A_103 : i32 to index
        %get3A_754 = arith.index_cast %get3A_751 : i32 to index
        %get3A_755 = arith.constant 32 : index
        %get3A_756 = tpu.vector_load %arg4[%get3A_752, %get3A_753, %get3A_754, %get3A_755] {strides = array<i32>} : memref<2x8x32x128xf32, #tpu.memory_space<vmem>>, vector<1x1x1x16xf32>,
        %get3A_757 = vector.shape_cast %get3A_756 : vector<1x1x1x16xf32> to vector<16xf32>
        %add3A_758 = arith.addf %add3A_694, %get3A_757 : vector<16xf32>
        %get3A_759 = arith.constant 10 : i32
        %get3A_760 = arith.index_cast %rem3A_45 : i32 to index
        %get3A_761 = arith.index_cast %scan3A_103 : i32 to index
        %get3A_762 = arith.index_cast %get3A_759 : i32 to index
        %get3A_763 = arith.constant 48 : index
        %get3A_764 = tpu.vector_load %arg4[%get3A_760, %get3A_761, %get3A_762, %get3A_763] {strides = array<i32>} : memref<2x8x32x128xf32, #tpu.memory_space<vmem>>, vector<1x1x1x16xf32>,
        %get3A_765 = vector.shape_cast %get3A_764 : vector<1x1x1x16xf32> to vector<16xf32>
        %add3A_766 = arith.addf %add3A_702, %get3A_765 : vector<16xf32>
        %get3A_767 = arith.constant 10 : i32
        %get3A_768 = arith.index_cast %rem3A_45 : i32 to index
        %get3A_769 = arith.index_cast %scan3A_103 : i32 to index
        %get3A_770 = arith.index_cast %get3A_767 : i32 to index
        %get3A_771 = arith.constant 64 : index
        %get3A_772 = tpu.vector_load %arg4[%get3A_768, %get3A_769, %get3A_770, %get3A_771] {strides = array<i32>} : memref<2x8x32x128xf32, #tpu.memory_space<vmem>>, vector<1x1x1x16xf32>,
        %get3A_773 = vector.shape_cast %get3A_772 : vector<1x1x1x16xf32> to vector<16xf32>
        %add3A_774 = arith.addf %add3A_710, %get3A_773 : vector<16xf32>
        %get3A_775 = arith.constant 10 : i32
        %get3A_776 = arith.index_cast %rem3A_45 : i32 to index
        %get3A_777 = arith.index_cast %scan3A_103 : i32 to index
        %get3A_778 = arith.index_cast %get3A_775 : i32 to index
        %get3A_779 = arith.constant 80 : index
        %get3A_780 = tpu.vector_load %arg4[%get3A_776, %get3A_777, %get3A_778, %get3A_779] {strides = array<i32>} : memref<2x8x32x128xf32, #tpu.memory_space<vmem>>, vector<1x1x1x16xf32>,
        %get3A_781 = vector.shape_cast %get3A_780 : vector<1x1x1x16xf32> to vector<16xf32>
        %add3A_782 = arith.addf %add3A_718, %get3A_781 : vector<16xf32>
        %get3A_783 = arith.constant 10 : i32
        %get3A_784 = arith.index_cast %rem3A_45 : i32 to index
        %get3A_785 = arith.index_cast %scan3A_103 : i32 to index
        %get3A_786 = arith.index_cast %get3A_783 : i32 to index
        %get3A_787 = arith.constant 96 : index
        %get3A_788 = tpu.vector_load %arg4[%get3A_784, %get3A_785, %get3A_786, %get3A_787] {strides = array<i32>} : memref<2x8x32x128xf32, #tpu.memory_space<vmem>>, vector<1x1x1x16xf32>,
        %get3A_789 = vector.shape_cast %get3A_788 : vector<1x1x1x16xf32> to vector<16xf32>
        %add3A_790 = arith.addf %add3A_726, %get3A_789 : vector<16xf32>
        %get3A_791 = arith.constant 10 : i32
        %get3A_792 = arith.index_cast %rem3A_45 : i32 to index
        %get3A_793 = arith.index_cast %scan3A_103 : i32 to index
        %get3A_794 = arith.index_cast %get3A_791 : i32 to index
        %get3A_795 = arith.constant 112 : index
        %get3A_796 = tpu.vector_load %arg4[%get3A_792, %get3A_793, %get3A_794, %get3A_795] {strides = array<i32>} : memref<2x8x32x128xf32, #tpu.memory_space<vmem>>, vector<1x1x1x16xf32>,
        %get3A_797 = vector.shape_cast %get3A_796 : vector<1x1x1x16xf32> to vector<16xf32>
        %add3A_798 = arith.addf %add3A_734, %get3A_797 : vector<16xf32>
        %get3A_799 = arith.constant 11 : i32
        %get3A_800 = arith.index_cast %rem3A_45 : i32 to index
        %get3A_801 = arith.index_cast %scan3A_103 : i32 to index
        %get3A_802 = arith.index_cast %get3A_799 : i32 to index
        %get3A_803 = arith.constant 0 : index
        %get3A_804 = tpu.vector_load %arg4[%get3A_800, %get3A_801, %get3A_802, %get3A_803] {strides = array<i32>} : memref<2x8x32x128xf32, #tpu.memory_space<vmem>>, vector<1x1x1x16xf32>,
        %get3A_805 = vector.shape_cast %get3A_804 : vector<1x1x1x16xf32> to vector<16xf32>
        %add3A_806 = arith.addf %add3A_742, %get3A_805 : vector<16xf32>
        %get3A_807 = arith.constant 11 : i32
        %get3A_808 = arith.index_cast %rem3A_45 : i32 to index
        %get3A_809 = arith.index_cast %scan3A_103 : i32 to index
        %get3A_810 = arith.index_cast %get3A_807 : i32 to index
        %get3A_811 = arith.constant 16 : index
        %get3A_812 = tpu.vector_load %arg4[%get3A_808, %get3A_809, %get3A_810, %get3A_811] {strides = array<i32>} : memref<2x8x32x128xf32, #tpu.memory_space<vmem>>, vector<1x1x1x16xf32>,
        %get3A_813 = vector.shape_cast %get3A_812 : vector<1x1x1x16xf32> to vector<16xf32>
        %add3A_814 = arith.addf %add3A_750, %get3A_813 : vector<16xf32>
        %get3A_815 = arith.constant 11 : i32
        %get3A_816 = arith.index_cast %rem3A_45 : i32 to index
        %get3A_817 = arith.index_cast %scan3A_103 : i32 to index
        %get3A_818 = arith.index_cast %get3A_815 : i32 to index
        %get3A_819 = arith.constant 32 : index
        %get3A_820 = tpu.vector_load %arg4[%get3A_816, %get3A_817, %get3A_818, %get3A_819] {strides = array<i32>} : memref<2x8x32x128xf32, #tpu.memory_space<vmem>>, vector<1x1x1x16xf32>,
        %get3A_821 = vector.shape_cast %get3A_820 : vector<1x1x1x16xf32> to vector<16xf32>
        %add3A_822 = arith.addf %add3A_758, %get3A_821 : vector<16xf32>
        %get3A_823 = arith.constant 11 : i32
        %get3A_824 = arith.index_cast %rem3A_45 : i32 to index
        %get3A_825 = arith.index_cast %scan3A_103 : i32 to index
        %get3A_826 = arith.index_cast %get3A_823 : i32 to index
        %get3A_827 = arith.constant 48 : index
        %get3A_828 = tpu.vector_load %arg4[%get3A_824, %get3A_825, %get3A_826, %get3A_827] {strides = array<i32>} : memref<2x8x32x128xf32, #tpu.memory_space<vmem>>, vector<1x1x1x16xf32>,
        %get3A_829 = vector.shape_cast %get3A_828 : vector<1x1x1x16xf32> to vector<16xf32>
        %add3A_830 = arith.addf %add3A_766, %get3A_829 : vector<16xf32>
        %get3A_831 = arith.constant 11 : i32
        %get3A_832 = arith.index_cast %rem3A_45 : i32 to index
        %get3A_833 = arith.index_cast %scan3A_103 : i32 to index
        %get3A_834 = arith.index_cast %get3A_831 : i32 to index
        %get3A_835 = arith.constant 64 : index
        %get3A_836 = tpu.vector_load %arg4[%get3A_832, %get3A_833, %get3A_834, %get3A_835] {strides = array<i32>} : memref<2x8x32x128xf32, #tpu.memory_space<vmem>>, vector<1x1x1x16xf32>,
        %get3A_837 = vector.shape_cast %get3A_836 : vector<1x1x1x16xf32> to vector<16xf32>
        %add3A_838 = arith.addf %add3A_774, %get3A_837 : vector<16xf32>
        %get3A_839 = arith.constant 11 : i32
        %get3A_840 = arith.index_cast %rem3A_45 : i32 to index
        %get3A_841 = arith.index_cast %scan3A_103 : i32 to index
        %get3A_842 = arith.index_cast %get3A_839 : i32 to index
        %get3A_843 = arith.constant 80 : index
        %get3A_844 = tpu.vector_load %arg4[%get3A_840, %get3A_841, %get3A_842, %get3A_843] {strides = array<i32>} : memref<2x8x32x128xf32, #tpu.memory_space<vmem>>, vector<1x1x1x16xf32>,
        %get3A_845 = vector.shape_cast %get3A_844 : vector<1x1x1x16xf32> to vector<16xf32>
        %add3A_846 = arith.addf %add3A_782, %get3A_845 : vector<16xf32>
        %get3A_847 = arith.constant 11 : i32
        %get3A_848 = arith.index_cast %rem3A_45 : i32 to index
        %get3A_849 = arith.index_cast %scan3A_103 : i32 to index
        %get3A_850 = arith.index_cast %get3A_847 : i32 to index
        %get3A_851 = arith.constant 96 : index
        %get3A_852 = tpu.vector_load %arg4[%get3A_848, %get3A_849, %get3A_850, %get3A_851] {strides = array<i32>} : memref<2x8x32x128xf32, #tpu.memory_space<vmem>>, vector<1x1x1x16xf32>,
        %get3A_853 = vector.shape_cast %get3A_852 : vector<1x1x1x16xf32> to vector<16xf32>
        %add3A_854 = arith.addf %add3A_790, %get3A_853 : vector<16xf32>
        %get3A_855 = arith.constant 11 : i32
        %get3A_856 = arith.index_cast %rem3A_45 : i32 to index
        %get3A_857 = arith.index_cast %scan3A_103 : i32 to index
        %get3A_858 = arith.index_cast %get3A_855 : i32 to index
        %get3A_859 = arith.constant 112 : index
        %get3A_860 = tpu.vector_load %arg4[%get3A_856, %get3A_857, %get3A_858, %get3A_859] {strides = array<i32>} : memref<2x8x32x128xf32, #tpu.memory_space<vmem>>, vector<1x1x1x16xf32>,
        %get3A_861 = vector.shape_cast %get3A_860 : vector<1x1x1x16xf32> to vector<16xf32>
        %add3A_862 = arith.addf %add3A_798, %get3A_861 : vector<16xf32>
        %get3A_863 = arith.constant 12 : i32
        %get3A_864 = arith.index_cast %rem3A_45 : i32 to index
        %get3A_865 = arith.index_cast %scan3A_103 : i32 to index
        %get3A_866 = arith.index_cast %get3A_863 : i32 to index
        %get3A_867 = arith.constant 0 : index
        %get3A_868 = tpu.vector_load %arg4[%get3A_864, %get3A_865, %get3A_866, %get3A_867] {strides = array<i32>} : memref<2x8x32x128xf32, #tpu.memory_space<vmem>>, vector<1x1x1x16xf32>,
        %get3A_869 = vector.shape_cast %get3A_868 : vector<1x1x1x16xf32> to vector<16xf32>
        %add3A_870 = arith.addf %add3A_806, %get3A_869 : vector<16xf32>
        %get3A_871 = arith.constant 12 : i32
        %get3A_872 = arith.index_cast %rem3A_45 : i32 to index
        %get3A_873 = arith.index_cast %scan3A_103 : i32 to index
        %get3A_874 = arith.index_cast %get3A_871 : i32 to index
        %get3A_875 = arith.constant 16 : index
        %get3A_876 = tpu.vector_load %arg4[%get3A_872, %get3A_873, %get3A_874, %get3A_875] {strides = array<i32>} : memref<2x8x32x128xf32, #tpu.memory_space<vmem>>, vector<1x1x1x16xf32>,
        %get3A_877 = vector.shape_cast %get3A_876 : vector<1x1x1x16xf32> to vector<16xf32>
        %add3A_878 = arith.addf %add3A_814, %get3A_877 : vector<16xf32>
        %get3A_879 = arith.constant 12 : i32
        %get3A_880 = arith.index_cast %rem3A_45 : i32 to index
        %get3A_881 = arith.index_cast %scan3A_103 : i32 to index
        %get3A_882 = arith.index_cast %get3A_879 : i32 to index
        %get3A_883 = arith.constant 32 : index
        %get3A_884 = tpu.vector_load %arg4[%get3A_880, %get3A_881, %get3A_882, %get3A_883] {strides = array<i32>} : memref<2x8x32x128xf32, #tpu.memory_space<vmem>>, vector<1x1x1x16xf32>,
        %get3A_885 = vector.shape_cast %get3A_884 : vector<1x1x1x16xf32> to vector<16xf32>
        %add3A_886 = arith.addf %add3A_822, %get3A_885 : vector<16xf32>
        %get3A_887 = arith.constant 12 : i32
        %get3A_888 = arith.index_cast %rem3A_45 : i32 to index
        %get3A_889 = arith.index_cast %scan3A_103 : i32 to index
        %get3A_890 = arith.index_cast %get3A_887 : i32 to index
        %get3A_891 = arith.constant 48 : index
        %get3A_892 = tpu.vector_load %arg4[%get3A_888, %get3A_889, %get3A_890, %get3A_891] {strides = array<i32>} : memref<2x8x32x128xf32, #tpu.memory_space<vmem>>, vector<1x1x1x16xf32>,
        %get3A_893 = vector.shape_cast %get3A_892 : vector<1x1x1x16xf32> to vector<16xf32>
        %add3A_894 = arith.addf %add3A_830, %get3A_893 : vector<16xf32>
        %get3A_895 = arith.constant 12 : i32
        %get3A_896 = arith.index_cast %rem3A_45 : i32 to index
        %get3A_897 = arith.index_cast %scan3A_103 : i32 to index
        %get3A_898 = arith.index_cast %get3A_895 : i32 to index
        %get3A_899 = arith.constant 64 : index
        %get3A_900 = tpu.vector_load %arg4[%get3A_896, %get3A_897, %get3A_898, %get3A_899] {strides = array<i32>} : memref<2x8x32x128xf32, #tpu.memory_space<vmem>>, vector<1x1x1x16xf32>,
        %get3A_901 = vector.shape_cast %get3A_900 : vector<1x1x1x16xf32> to vector<16xf32>
        %add3A_902 = arith.addf %add3A_838, %get3A_901 : vector<16xf32>
        %get3A_903 = arith.constant 12 : i32
        %get3A_904 = arith.index_cast %rem3A_45 : i32 to index
        %get3A_905 = arith.index_cast %scan3A_103 : i32 to index
        %get3A_906 = arith.index_cast %get3A_903 : i32 to index
        %get3A_907 = arith.constant 80 : index
        %get3A_908 = tpu.vector_load %arg4[%get3A_904, %get3A_905, %get3A_906, %get3A_907] {strides = array<i32>} : memref<2x8x32x128xf32, #tpu.memory_space<vmem>>, vector<1x1x1x16xf32>,
        %get3A_909 = vector.shape_cast %get3A_908 : vector<1x1x1x16xf32> to vector<16xf32>
        %add3A_910 = arith.addf %add3A_846, %get3A_909 : vector<16xf32>
        %get3A_911 = arith.constant 12 : i32
        %get3A_912 = arith.index_cast %rem3A_45 : i32 to index
        %get3A_913 = arith.index_cast %scan3A_103 : i32 to index
        %get3A_914 = arith.index_cast %get3A_911 : i32 to index
        %get3A_915 = arith.constant 96 : index
        %get3A_916 = tpu.vector_load %arg4[%get3A_912, %get3A_913, %get3A_914, %get3A_915] {strides = array<i32>} : memref<2x8x32x128xf32, #tpu.memory_space<vmem>>, vector<1x1x1x16xf32>,
        %get3A_917 = vector.shape_cast %get3A_916 : vector<1x1x1x16xf32> to vector<16xf32>
        %add3A_918 = arith.addf %add3A_854, %get3A_917 : vector<16xf32>
        %get3A_919 = arith.constant 12 : i32
        %get3A_920 = arith.index_cast %rem3A_45 : i32 to index
        %get3A_921 = arith.index_cast %scan3A_103 : i32 to index
        %get3A_922 = arith.index_cast %get3A_919 : i32 to index
        %get3A_923 = arith.constant 112 : index
        %get3A_924 = tpu.vector_load %arg4[%get3A_920, %get3A_921, %get3A_922, %get3A_923] {strides = array<i32>} : memref<2x8x32x128xf32, #tpu.memory_space<vmem>>, vector<1x1x1x16xf32>,
        %get3A_925 = vector.shape_cast %get3A_924 : vector<1x1x1x16xf32> to vector<16xf32>
        %add3A_926 = arith.addf %add3A_862, %get3A_925 : vector<16xf32>
        %get3A_927 = arith.constant 13 : i32
        %get3A_928 = arith.index_cast %rem3A_45 : i32 to index
        %get3A_929 = arith.index_cast %scan3A_103 : i32 to index
        %get3A_930 = arith.index_cast %get3A_927 : i32 to index
        %get3A_931 = arith.constant 0 : index
        %get3A_932 = tpu.vector_load %arg4[%get3A_928, %get3A_929, %get3A_930, %get3A_931] {strides = array<i32>} : memref<2x8x32x128xf32, #tpu.memory_space<vmem>>, vector<1x1x1x16xf32>,
        %get3A_933 = vector.shape_cast %get3A_932 : vector<1x1x1x16xf32> to vector<16xf32>
        %add3A_934 = arith.addf %add3A_870, %get3A_933 : vector<16xf32>
        %get3A_935 = arith.constant 13 : i32
        %get3A_936 = arith.index_cast %rem3A_45 : i32 to index
        %get3A_937 = arith.index_cast %scan3A_103 : i32 to index
        %get3A_938 = arith.index_cast %get3A_935 : i32 to index
        %get3A_939 = arith.constant 16 : index
        %get3A_940 = tpu.vector_load %arg4[%get3A_936, %get3A_937, %get3A_938, %get3A_939] {strides = array<i32>} : memref<2x8x32x128xf32, #tpu.memory_space<vmem>>, vector<1x1x1x16xf32>,
        %get3A_941 = vector.shape_cast %get3A_940 : vector<1x1x1x16xf32> to vector<16xf32>
        %add3A_942 = arith.addf %add3A_878, %get3A_941 : vector<16xf32>
        %get3A_943 = arith.constant 13 : i32
        %get3A_944 = arith.index_cast %rem3A_45 : i32 to index
        %get3A_945 = arith.index_cast %scan3A_103 : i32 to index
        %get3A_946 = arith.index_cast %get3A_943 : i32 to index
        %get3A_947 = arith.constant 32 : index
        %get3A_948 = tpu.vector_load %arg4[%get3A_944, %get3A_945, %get3A_946, %get3A_947] {strides = array<i32>} : memref<2x8x32x128xf32, #tpu.memory_space<vmem>>, vector<1x1x1x16xf32>,
        %get3A_949 = vector.shape_cast %get3A_948 : vector<1x1x1x16xf32> to vector<16xf32>
        %add3A_950 = arith.addf %add3A_886, %get3A_949 : vector<16xf32>
        %get3A_951 = arith.constant 13 : i32
        %get3A_952 = arith.index_cast %rem3A_45 : i32 to index
        %get3A_953 = arith.index_cast %scan3A_103 : i32 to index
        %get3A_954 = arith.index_cast %get3A_951 : i32 to index
        %get3A_955 = arith.constant 48 : index
        %get3A_956 = tpu.vector_load %arg4[%get3A_952, %get3A_953, %get3A_954, %get3A_955] {strides = array<i32>} : memref<2x8x32x128xf32, #tpu.memory_space<vmem>>, vector<1x1x1x16xf32>,
        %get3A_957 = vector.shape_cast %get3A_956 : vector<1x1x1x16xf32> to vector<16xf32>
        %add3A_958 = arith.addf %add3A_894, %get3A_957 : vector<16xf32>
        %get3A_959 = arith.constant 13 : i32
        %get3A_960 = arith.index_cast %rem3A_45 : i32 to index
        %get3A_961 = arith.index_cast %scan3A_103 : i32 to index
        %get3A_962 = arith.index_cast %get3A_959 : i32 to index
        %get3A_963 = arith.constant 64 : index
        %get3A_964 = tpu.vector_load %arg4[%get3A_960, %get3A_961, %get3A_962, %get3A_963] {strides = array<i32>} : memref<2x8x32x128xf32, #tpu.memory_space<vmem>>, vector<1x1x1x16xf32>,
        %get3A_965 = vector.shape_cast %get3A_964 : vector<1x1x1x16xf32> to vector<16xf32>
        %add3A_966 = arith.addf %add3A_902, %get3A_965 : vector<16xf32>
        %get3A_967 = arith.constant 13 : i32
        %get3A_968 = arith.index_cast %rem3A_45 : i32 to index
        %get3A_969 = arith.index_cast %scan3A_103 : i32 to index
        %get3A_970 = arith.index_cast %get3A_967 : i32 to index
        %get3A_971 = arith.constant 80 : index
        %get3A_972 = tpu.vector_load %arg4[%get3A_968, %get3A_969, %get3A_970, %get3A_971] {strides = array<i32>} : memref<2x8x32x128xf32, #tpu.memory_space<vmem>>, vector<1x1x1x16xf32>,
        %get3A_973 = vector.shape_cast %get3A_972 : vector<1x1x1x16xf32> to vector<16xf32>
        %add3A_974 = arith.addf %add3A_910, %get3A_973 : vector<16xf32>
        %get3A_975 = arith.constant 13 : i32
        %get3A_976 = arith.index_cast %rem3A_45 : i32 to index
        %get3A_977 = arith.index_cast %scan3A_103 : i32 to index
        %get3A_978 = arith.index_cast %get3A_975 : i32 to index
        %get3A_979 = arith.constant 96 : index
        %get3A_980 = tpu.vector_load %arg4[%get3A_976, %get3A_977, %get3A_978, %get3A_979] {strides = array<i32>} : memref<2x8x32x128xf32, #tpu.memory_space<vmem>>, vector<1x1x1x16xf32>,
        %get3A_981 = vector.shape_cast %get3A_980 : vector<1x1x1x16xf32> to vector<16xf32>
        %add3A_982 = arith.addf %add3A_918, %get3A_981 : vector<16xf32>
        %get3A_983 = arith.constant 13 : i32
        %get3A_984 = arith.index_cast %rem3A_45 : i32 to index
        %get3A_985 = arith.index_cast %scan3A_103 : i32 to index
        %get3A_986 = arith.index_cast %get3A_983 : i32 to index
        %get3A_987 = arith.constant 112 : index
        %get3A_988 = tpu.vector_load %arg4[%get3A_984, %get3A_985, %get3A_986, %get3A_987] {strides = array<i32>} : memref<2x8x32x128xf32, #tpu.memory_space<vmem>>, vector<1x1x1x16xf32>,
        %get3A_989 = vector.shape_cast %get3A_988 : vector<1x1x1x16xf32> to vector<16xf32>
        %add3A_990 = arith.addf %add3A_926, %get3A_989 : vector<16xf32>
        %get3A_991 = arith.constant 14 : i32
        %get3A_992 = arith.index_cast %rem3A_45 : i32 to index
        %get3A_993 = arith.index_cast %scan3A_103 : i32 to index
        %get3A_994 = arith.index_cast %get3A_991 : i32 to index
        %get3A_995 = arith.constant 0 : index
        %get3A_996 = tpu.vector_load %arg4[%get3A_992, %get3A_993, %get3A_994, %get3A_995] {strides = array<i32>} : memref<2x8x32x128xf32, #tpu.memory_space<vmem>>, vector<1x1x1x16xf32>,
        %get3A_997 = vector.shape_cast %get3A_996 : vector<1x1x1x16xf32> to vector<16xf32>
        %add3A_998 = arith.addf %add3A_934, %get3A_997 : vector<16xf32>
        %get3A_999 = arith.constant 14 : i32
        %get3A_1000 = arith.index_cast %rem3A_45 : i32 to index
        %get3A_1001 = arith.index_cast %scan3A_103 : i32 to index
        %get3A_1002 = arith.index_cast %get3A_999 : i32 to index
        %get3A_1003 = arith.constant 16 : index
        %get3A_1004 = tpu.vector_load %arg4[%get3A_1000, %get3A_1001, %get3A_1002, %get3A_1003] {strides = array<i32>} : memref<2x8x32x128xf32, #tpu.memory_space<vmem>>, vector<1x1x1x16xf32>,
        %get3A_1005 = vector.shape_cast %get3A_1004 : vector<1x1x1x16xf32> to vector<16xf32>
        %add3A_1006 = arith.addf %add3A_942, %get3A_1005 : vector<16xf32>
        %get3A_1007 = arith.constant 14 : i32
        %get3A_1008 = arith.index_cast %rem3A_45 : i32 to index
        %get3A_1009 = arith.index_cast %scan3A_103 : i32 to index
        %get3A_1010 = arith.index_cast %get3A_1007 : i32 to index
        %get3A_1011 = arith.constant 32 : index
        %get3A_1012 = tpu.vector_load %arg4[%get3A_1008, %get3A_1009, %get3A_1010, %get3A_1011] {strides = array<i32>} : memref<2x8x32x128xf32, #tpu.memory_space<vmem>>, vector<1x1x1x16xf32>,
        %get3A_1013 = vector.shape_cast %get3A_1012 : vector<1x1x1x16xf32> to vector<16xf32>
        %add3A_1014 = arith.addf %add3A_950, %get3A_1013 : vector<16xf32>
        %get3A_1015 = arith.constant 14 : i32
        %get3A_1016 = arith.index_cast %rem3A_45 : i32 to index
        %get3A_1017 = arith.index_cast %scan3A_103 : i32 to index
        %get3A_1018 = arith.index_cast %get3A_1015 : i32 to index
        %get3A_1019 = arith.constant 48 : index
        %get3A_1020 = tpu.vector_load %arg4[%get3A_1016, %get3A_1017, %get3A_1018, %get3A_1019] {strides = array<i32>} : memref<2x8x32x128xf32, #tpu.memory_space<vmem>>, vector<1x1x1x16xf32>,
        %get3A_1021 = vector.shape_cast %get3A_1020 : vector<1x1x1x16xf32> to vector<16xf32>
        %add3A_1022 = arith.addf %add3A_958, %get3A_1021 : vector<16xf32>
        %get3A_1023 = arith.constant 14 : i32
        %get3A_1024 = arith.index_cast %rem3A_45 : i32 to index
        %get3A_1025 = arith.index_cast %scan3A_103 : i32 to index
        %get3A_1026 = arith.index_cast %get3A_1023 : i32 to index
        %get3A_1027 = arith.constant 64 : index
        %get3A_1028 = tpu.vector_load %arg4[%get3A_1024, %get3A_1025, %get3A_1026, %get3A_1027] {strides = array<i32>} : memref<2x8x32x128xf32, #tpu.memory_space<vmem>>, vector<1x1x1x16xf32>,
        %get3A_1029 = vector.shape_cast %get3A_1028 : vector<1x1x1x16xf32> to vector<16xf32>
        %add3A_1030 = arith.addf %add3A_966, %get3A_1029 : vector<16xf32>
        %get3A_1031 = arith.constant 14 : i32
        %get3A_1032 = arith.index_cast %rem3A_45 : i32 to index
        %get3A_1033 = arith.index_cast %scan3A_103 : i32 to index
        %get3A_1034 = arith.index_cast %get3A_1031 : i32 to index
        %get3A_1035 = arith.constant 80 : index
        %get3A_1036 = tpu.vector_load %arg4[%get3A_1032, %get3A_1033, %get3A_1034, %get3A_1035] {strides = array<i32>} : memref<2x8x32x128xf32, #tpu.memory_space<vmem>>, vector<1x1x1x16xf32>,
        %get3A_1037 = vector.shape_cast %get3A_1036 : vector<1x1x1x16xf32> to vector<16xf32>
        %add3A_1038 = arith.addf %add3A_974, %get3A_1037 : vector<16xf32>
        %get3A_1039 = arith.constant 14 : i32
        %get3A_1040 = arith.index_cast %rem3A_45 : i32 to index
        %get3A_1041 = arith.index_cast %scan3A_103 : i32 to index
        %get3A_1042 = arith.index_cast %get3A_1039 : i32 to index
        %get3A_1043 = arith.constant 96 : index
        %get3A_1044 = tpu.vector_load %arg4[%get3A_1040, %get3A_1041, %get3A_1042, %get3A_1043] {strides = array<i32>} : memref<2x8x32x128xf32, #tpu.memory_space<vmem>>, vector<1x1x1x16xf32>,
        %get3A_1045 = vector.shape_cast %get3A_1044 : vector<1x1x1x16xf32> to vector<16xf32>
        %add3A_1046 = arith.addf %add3A_982, %get3A_1045 : vector<16xf32>
        %get3A_1047 = arith.constant 14 : i32
        %get3A_1048 = arith.index_cast %rem3A_45 : i32 to index
        %get3A_1049 = arith.index_cast %scan3A_103 : i32 to index
        %get3A_1050 = arith.index_cast %get3A_1047 : i32 to index
        %get3A_1051 = arith.constant 112 : index
        %get3A_1052 = tpu.vector_load %arg4[%get3A_1048, %get3A_1049, %get3A_1050, %get3A_1051] {strides = array<i32>} : memref<2x8x32x128xf32, #tpu.memory_space<vmem>>, vector<1x1x1x16xf32>,
        %get3A_1053 = vector.shape_cast %get3A_1052 : vector<1x1x1x16xf32> to vector<16xf32>
        %add3A_1054 = arith.addf %add3A_990, %get3A_1053 : vector<16xf32>
        %get3A_1055 = arith.constant 15 : i32
        %get3A_1056 = arith.index_cast %rem3A_45 : i32 to index
        %get3A_1057 = arith.index_cast %scan3A_103 : i32 to index
        %get3A_1058 = arith.index_cast %get3A_1055 : i32 to index
        %get3A_1059 = arith.constant 0 : index
        %get3A_1060 = tpu.vector_load %arg4[%get3A_1056, %get3A_1057, %get3A_1058, %get3A_1059] {strides = array<i32>} : memref<2x8x32x128xf32, #tpu.memory_space<vmem>>, vector<1x1x1x16xf32>,
        %get3A_1061 = vector.shape_cast %get3A_1060 : vector<1x1x1x16xf32> to vector<16xf32>
        %add3A_1062 = arith.addf %add3A_998, %get3A_1061 : vector<16xf32>
        %get3A_1063 = arith.constant 15 : i32
        %get3A_1064 = arith.index_cast %rem3A_45 : i32 to index
        %get3A_1065 = arith.index_cast %scan3A_103 : i32 to index
        %get3A_1066 = arith.index_cast %get3A_1063 : i32 to index
        %get3A_1067 = arith.constant 16 : index
        %get3A_1068 = tpu.vector_load %arg4[%get3A_1064, %get3A_1065, %get3A_1066, %get3A_1067] {strides = array<i32>} : memref<2x8x32x128xf32, #tpu.memory_space<vmem>>, vector<1x1x1x16xf32>,
        %get3A_1069 = vector.shape_cast %get3A_1068 : vector<1x1x1x16xf32> to vector<16xf32>
        %add3A_1070 = arith.addf %add3A_1006, %get3A_1069 : vector<16xf32>
        %get3A_1071 = arith.constant 15 : i32
        %get3A_1072 = arith.index_cast %rem3A_45 : i32 to index
        %get3A_1073 = arith.index_cast %scan3A_103 : i32 to index
        %get3A_1074 = arith.index_cast %get3A_1071 : i32 to index
        %get3A_1075 = arith.constant 32 : index
        %get3A_1076 = tpu.vector_load %arg4[%get3A_1072, %get3A_1073, %get3A_1074, %get3A_1075] {strides = array<i32>} : memref<2x8x32x128xf32, #tpu.memory_space<vmem>>, vector<1x1x1x16xf32>,
        %get3A_1077 = vector.shape_cast %get3A_1076 : vector<1x1x1x16xf32> to vector<16xf32>
        %add3A_1078 = arith.addf %add3A_1014, %get3A_1077 : vector<16xf32>
        %get3A_1079 = arith.constant 15 : i32
        %get3A_1080 = arith.index_cast %rem3A_45 : i32 to index
        %get3A_1081 = arith.index_cast %scan3A_103 : i32 to index
        %get3A_1082 = arith.index_cast %get3A_1079 : i32 to index
        %get3A_1083 = arith.constant 48 : index
        %get3A_1084 = tpu.vector_load %arg4[%get3A_1080, %get3A_1081, %get3A_1082, %get3A_1083] {strides = array<i32>} : memref<2x8x32x128xf32, #tpu.memory_space<vmem>>, vector<1x1x1x16xf32>,
        %get3A_1085 = vector.shape_cast %get3A_1084 : vector<1x1x1x16xf32> to vector<16xf32>
        %add3A_1086 = arith.addf %add3A_1022, %get3A_1085 : vector<16xf32>
        %get3A_1087 = arith.constant 15 : i32
        %get3A_1088 = arith.index_cast %rem3A_45 : i32 to index
        %get3A_1089 = arith.index_cast %scan3A_103 : i32 to index
        %get3A_1090 = arith.index_cast %get3A_1087 : i32 to index
        %get3A_1091 = arith.constant 64 : index
        %get3A_1092 = tpu.vector_load %arg4[%get3A_1088, %get3A_1089, %get3A_1090, %get3A_1091] {strides = array<i32>} : memref<2x8x32x128xf32, #tpu.memory_space<vmem>>, vector<1x1x1x16xf32>,
        %get3A_1093 = vector.shape_cast %get3A_1092 : vector<1x1x1x16xf32> to vector<16xf32>
        %add3A_1094 = arith.addf %add3A_1030, %get3A_1093 : vector<16xf32>
        %get3A_1095 = arith.constant 15 : i32
        %get3A_1096 = arith.index_cast %rem3A_45 : i32 to index
        %get3A_1097 = arith.index_cast %scan3A_103 : i32 to index
        %get3A_1098 = arith.index_cast %get3A_1095 : i32 to index
        %get3A_1099 = arith.constant 80 : index
        %get3A_1100 = tpu.vector_load %arg4[%get3A_1096, %get3A_1097, %get3A_1098, %get3A_1099] {strides = array<i32>} : memref<2x8x32x128xf32, #tpu.memory_space<vmem>>, vector<1x1x1x16xf32>,
        %get3A_1101 = vector.shape_cast %get3A_1100 : vector<1x1x1x16xf32> to vector<16xf32>
        %add3A_1102 = arith.addf %add3A_1038, %get3A_1101 : vector<16xf32>
        %get3A_1103 = arith.constant 15 : i32
        %get3A_1104 = arith.index_cast %rem3A_45 : i32 to index
        %get3A_1105 = arith.index_cast %scan3A_103 : i32 to index
        %get3A_1106 = arith.index_cast %get3A_1103 : i32 to index
        %get3A_1107 = arith.constant 96 : index
        %get3A_1108 = tpu.vector_load %arg4[%get3A_1104, %get3A_1105, %get3A_1106, %get3A_1107] {strides = array<i32>} : memref<2x8x32x128xf32, #tpu.memory_space<vmem>>, vector<1x1x1x16xf32>,
        %get3A_1109 = vector.shape_cast %get3A_1108 : vector<1x1x1x16xf32> to vector<16xf32>
        %add3A_1110 = arith.addf %add3A_1046, %get3A_1109 : vector<16xf32>
        %get3A_1111 = arith.constant 15 : i32
        %get3A_1112 = arith.index_cast %rem3A_45 : i32 to index
        %get3A_1113 = arith.index_cast %scan3A_103 : i32 to index
        %get3A_1114 = arith.index_cast %get3A_1111 : i32 to index
        %get3A_1115 = arith.constant 112 : index
        %get3A_1116 = tpu.vector_load %arg4[%get3A_1112, %get3A_1113, %get3A_1114, %get3A_1115] {strides = array<i32>} : memref<2x8x32x128xf32, #tpu.memory_space<vmem>>, vector<1x1x1x16xf32>,
        %get3A_1117 = vector.shape_cast %get3A_1116 : vector<1x1x1x16xf32> to vector<16xf32>
        %add3A_1118 = arith.addf %add3A_1054, %get3A_1117 : vector<16xf32>
        %get3A_1119 = arith.constant 16 : i32
        %get3A_1120 = arith.index_cast %rem3A_45 : i32 to index
        %get3A_1121 = arith.index_cast %scan3A_103 : i32 to index
        %get3A_1122 = arith.index_cast %get3A_1119 : i32 to index
        %get3A_1123 = arith.constant 0 : index
        %get3A_1124 = tpu.vector_load %arg4[%get3A_1120, %get3A_1121, %get3A_1122, %get3A_1123] {strides = array<i32>} : memref<2x8x32x128xf32, #tpu.memory_space<vmem>>, vector<1x1x1x16xf32>,
        %get3A_1125 = vector.shape_cast %get3A_1124 : vector<1x1x1x16xf32> to vector<16xf32>
        %add3A_1126 = arith.addf %add3A_1062, %get3A_1125 : vector<16xf32>
        %get3A_1127 = arith.constant 16 : i32
        %get3A_1128 = arith.index_cast %rem3A_45 : i32 to index
        %get3A_1129 = arith.index_cast %scan3A_103 : i32 to index
        %get3A_1130 = arith.index_cast %get3A_1127 : i32 to index
        %get3A_1131 = arith.constant 16 : index
        %get3A_1132 = tpu.vector_load %arg4[%get3A_1128, %get3A_1129, %get3A_1130, %get3A_1131] {strides = array<i32>} : memref<2x8x32x128xf32, #tpu.memory_space<vmem>>, vector<1x1x1x16xf32>,
        %get3A_1133 = vector.shape_cast %get3A_1132 : vector<1x1x1x16xf32> to vector<16xf32>
        %add3A_1134 = arith.addf %add3A_1070, %get3A_1133 : vector<16xf32>
        %get3A_1135 = arith.constant 16 : i32
        %get3A_1136 = arith.index_cast %rem3A_45 : i32 to index
        %get3A_1137 = arith.index_cast %scan3A_103 : i32 to index
        %get3A_1138 = arith.index_cast %get3A_1135 : i32 to index
        %get3A_1139 = arith.constant 32 : index
        %get3A_1140 = tpu.vector_load %arg4[%get3A_1136, %get3A_1137, %get3A_1138, %get3A_1139] {strides = array<i32>} : memref<2x8x32x128xf32, #tpu.memory_space<vmem>>, vector<1x1x1x16xf32>,
        %get3A_1141 = vector.shape_cast %get3A_1140 : vector<1x1x1x16xf32> to vector<16xf32>
        %add3A_1142 = arith.addf %add3A_1078, %get3A_1141 : vector<16xf32>
        %get3A_1143 = arith.constant 16 : i32
        %get3A_1144 = arith.index_cast %rem3A_45 : i32 to index
        %get3A_1145 = arith.index_cast %scan3A_103 : i32 to index
        %get3A_1146 = arith.index_cast %get3A_1143 : i32 to index
        %get3A_1147 = arith.constant 48 : index
        %get3A_1148 = tpu.vector_load %arg4[%get3A_1144, %get3A_1145, %get3A_1146, %get3A_1147] {strides = array<i32>} : memref<2x8x32x128xf32, #tpu.memory_space<vmem>>, vector<1x1x1x16xf32>,
        %get3A_1149 = vector.shape_cast %get3A_1148 : vector<1x1x1x16xf32> to vector<16xf32>
        %add3A_1150 = arith.addf %add3A_1086, %get3A_1149 : vector<16xf32>
        %get3A_1151 = arith.constant 16 : i32
        %get3A_1152 = arith.index_cast %rem3A_45 : i32 to index
        %get3A_1153 = arith.index_cast %scan3A_103 : i32 to index
        %get3A_1154 = arith.index_cast %get3A_1151 : i32 to index
        %get3A_1155 = arith.constant 64 : index
        %get3A_1156 = tpu.vector_load %arg4[%get3A_1152, %get3A_1153, %get3A_1154, %get3A_1155] {strides = array<i32>} : memref<2x8x32x128xf32, #tpu.memory_space<vmem>>, vector<1x1x1x16xf32>,
        %get3A_1157 = vector.shape_cast %get3A_1156 : vector<1x1x1x16xf32> to vector<16xf32>
        %add3A_1158 = arith.addf %add3A_1094, %get3A_1157 : vector<16xf32>
        %get3A_1159 = arith.constant 16 : i32
        %get3A_1160 = arith.index_cast %rem3A_45 : i32 to index
        %get3A_1161 = arith.index_cast %scan3A_103 : i32 to index
        %get3A_1162 = arith.index_cast %get3A_1159 : i32 to index
        %get3A_1163 = arith.constant 80 : index
        %get3A_1164 = tpu.vector_load %arg4[%get3A_1160, %get3A_1161, %get3A_1162, %get3A_1163] {strides = array<i32>} : memref<2x8x32x128xf32, #tpu.memory_space<vmem>>, vector<1x1x1x16xf32>,
        %get3A_1165 = vector.shape_cast %get3A_1164 : vector<1x1x1x16xf32> to vector<16xf32>
        %add3A_1166 = arith.addf %add3A_1102, %get3A_1165 : vector<16xf32>
        %get3A_1167 = arith.constant 16 : i32
        %get3A_1168 = arith.index_cast %rem3A_45 : i32 to index
        %get3A_1169 = arith.index_cast %scan3A_103 : i32 to index
        %get3A_1170 = arith.index_cast %get3A_1167 : i32 to index
        %get3A_1171 = arith.constant 96 : index
        %get3A_1172 = tpu.vector_load %arg4[%get3A_1168, %get3A_1169, %get3A_1170, %get3A_1171] {strides = array<i32>} : memref<2x8x32x128xf32, #tpu.memory_space<vmem>>, vector<1x1x1x16xf32>,
        %get3A_1173 = vector.shape_cast %get3A_1172 : vector<1x1x1x16xf32> to vector<16xf32>
        %add3A_1174 = arith.addf %add3A_1110, %get3A_1173 : vector<16xf32>
        %get3A_1175 = arith.constant 16 : i32
        %get3A_1176 = arith.index_cast %rem3A_45 : i32 to index
        %get3A_1177 = arith.index_cast %scan3A_103 : i32 to index
        %get3A_1178 = arith.index_cast %get3A_1175 : i32 to index
        %get3A_1179 = arith.constant 112 : index
        %get3A_1180 = tpu.vector_load %arg4[%get3A_1176, %get3A_1177, %get3A_1178, %get3A_1179] {strides = array<i32>} : memref<2x8x32x128xf32, #tpu.memory_space<vmem>>, vector<1x1x1x16xf32>,
        %get3A_1181 = vector.shape_cast %get3A_1180 : vector<1x1x1x16xf32> to vector<16xf32>
        %add3A_1182 = arith.addf %add3A_1118, %get3A_1181 : vector<16xf32>
        %get3A_1183 = arith.constant 17 : i32
        %get3A_1184 = arith.index_cast %rem3A_45 : i32 to index
        %get3A_1185 = arith.index_cast %scan3A_103 : i32 to index
        %get3A_1186 = arith.index_cast %get3A_1183 : i32 to index
        %get3A_1187 = arith.constant 0 : index
        %get3A_1188 = tpu.vector_load %arg4[%get3A_1184, %get3A_1185, %get3A_1186, %get3A_1187] {strides = array<i32>} : memref<2x8x32x128xf32, #tpu.memory_space<vmem>>, vector<1x1x1x16xf32>,
        %get3A_1189 = vector.shape_cast %get3A_1188 : vector<1x1x1x16xf32> to vector<16xf32>
        %add3A_1190 = arith.addf %add3A_1126, %get3A_1189 : vector<16xf32>
        %get3A_1191 = arith.constant 17 : i32
        %get3A_1192 = arith.index_cast %rem3A_45 : i32 to index
        %get3A_1193 = arith.index_cast %scan3A_103 : i32 to index
        %get3A_1194 = arith.index_cast %get3A_1191 : i32 to index
        %get3A_1195 = arith.constant 16 : index
        %get3A_1196 = tpu.vector_load %arg4[%get3A_1192, %get3A_1193, %get3A_1194, %get3A_1195] {strides = array<i32>} : memref<2x8x32x128xf32, #tpu.memory_space<vmem>>, vector<1x1x1x16xf32>,
        %get3A_1197 = vector.shape_cast %get3A_1196 : vector<1x1x1x16xf32> to vector<16xf32>
        %add3A_1198 = arith.addf %add3A_1134, %get3A_1197 : vector<16xf32>
        %get3A_1199 = arith.constant 17 : i32
        %get3A_1200 = arith.index_cast %rem3A_45 : i32 to index
        %get3A_1201 = arith.index_cast %scan3A_103 : i32 to index
        %get3A_1202 = arith.index_cast %get3A_1199 : i32 to index
        %get3A_1203 = arith.constant 32 : index
        %get3A_1204 = tpu.vector_load %arg4[%get3A_1200, %get3A_1201, %get3A_1202, %get3A_1203] {strides = array<i32>} : memref<2x8x32x128xf32, #tpu.memory_space<vmem>>, vector<1x1x1x16xf32>,
        %get3A_1205 = vector.shape_cast %get3A_1204 : vector<1x1x1x16xf32> to vector<16xf32>
        %add3A_1206 = arith.addf %add3A_1142, %get3A_1205 : vector<16xf32>
        %get3A_1207 = arith.constant 17 : i32
        %get3A_1208 = arith.index_cast %rem3A_45 : i32 to index
        %get3A_1209 = arith.index_cast %scan3A_103 : i32 to index
        %get3A_1210 = arith.index_cast %get3A_1207 : i32 to index
        %get3A_1211 = arith.constant 48 : index
        %get3A_1212 = tpu.vector_load %arg4[%get3A_1208, %get3A_1209, %get3A_1210, %get3A_1211] {strides = array<i32>} : memref<2x8x32x128xf32, #tpu.memory_space<vmem>>, vector<1x1x1x16xf32>,
        %get3A_1213 = vector.shape_cast %get3A_1212 : vector<1x1x1x16xf32> to vector<16xf32>
        %add3A_1214 = arith.addf %add3A_1150, %get3A_1213 : vector<16xf32>
        %get3A_1215 = arith.constant 17 : i32
        %get3A_1216 = arith.index_cast %rem3A_45 : i32 to index
        %get3A_1217 = arith.index_cast %scan3A_103 : i32 to index
        %get3A_1218 = arith.index_cast %get3A_1215 : i32 to index
        %get3A_1219 = arith.constant 64 : index
        %get3A_1220 = tpu.vector_load %arg4[%get3A_1216, %get3A_1217, %get3A_1218, %get3A_1219] {strides = array<i32>} : memref<2x8x32x128xf32, #tpu.memory_space<vmem>>, vector<1x1x1x16xf32>,
        %get3A_1221 = vector.shape_cast %get3A_1220 : vector<1x1x1x16xf32> to vector<16xf32>
        %add3A_1222 = arith.addf %add3A_1158, %get3A_1221 : vector<16xf32>
        %get3A_1223 = arith.constant 17 : i32
        %get3A_1224 = arith.index_cast %rem3A_45 : i32 to index
        %get3A_1225 = arith.index_cast %scan3A_103 : i32 to index
        %get3A_1226 = arith.index_cast %get3A_1223 : i32 to index
        %get3A_1227 = arith.constant 80 : index
        %get3A_1228 = tpu.vector_load %arg4[%get3A_1224, %get3A_1225, %get3A_1226, %get3A_1227] {strides = array<i32>} : memref<2x8x32x128xf32, #tpu.memory_space<vmem>>, vector<1x1x1x16xf32>,
        %get3A_1229 = vector.shape_cast %get3A_1228 : vector<1x1x1x16xf32> to vector<16xf32>
        %add3A_1230 = arith.addf %add3A_1166, %get3A_1229 : vector<16xf32>
        %get3A_1231 = arith.constant 17 : i32
        %get3A_1232 = arith.index_cast %rem3A_45 : i32 to index
        %get3A_1233 = arith.index_cast %scan3A_103 : i32 to index
        %get3A_1234 = arith.index_cast %get3A_1231 : i32 to index
        %get3A_1235 = arith.constant 96 : index
        %get3A_1236 = tpu.vector_load %arg4[%get3A_1232, %get3A_1233, %get3A_1234, %get3A_1235] {strides = array<i32>} : memref<2x8x32x128xf32, #tpu.memory_space<vmem>>, vector<1x1x1x16xf32>,
        %get3A_1237 = vector.shape_cast %get3A_1236 : vector<1x1x1x16xf32> to vector<16xf32>
        %add3A_1238 = arith.addf %add3A_1174, %get3A_1237 : vector<16xf32>
        %get3A_1239 = arith.constant 17 : i32
        %get3A_1240 = arith.index_cast %rem3A_45 : i32 to index
        %get3A_1241 = arith.index_cast %scan3A_103 : i32 to index
        %get3A_1242 = arith.index_cast %get3A_1239 : i32 to index
        %get3A_1243 = arith.constant 112 : index
        %get3A_1244 = tpu.vector_load %arg4[%get3A_1240, %get3A_1241, %get3A_1242, %get3A_1243] {strides = array<i32>} : memref<2x8x32x128xf32, #tpu.memory_space<vmem>>, vector<1x1x1x16xf32>,
        %get3A_1245 = vector.shape_cast %get3A_1244 : vector<1x1x1x16xf32> to vector<16xf32>
        %add3A_1246 = arith.addf %add3A_1182, %get3A_1245 : vector<16xf32>
        %get3A_1247 = arith.constant 18 : i32
        %get3A_1248 = arith.index_cast %rem3A_45 : i32 to index
        %get3A_1249 = arith.index_cast %scan3A_103 : i32 to index
        %get3A_1250 = arith.index_cast %get3A_1247 : i32 to index
        %get3A_1251 = arith.constant 0 : index
        %get3A_1252 = tpu.vector_load %arg4[%get3A_1248, %get3A_1249, %get3A_1250, %get3A_1251] {strides = array<i32>} : memref<2x8x32x128xf32, #tpu.memory_space<vmem>>, vector<1x1x1x16xf32>,
        %get3A_1253 = vector.shape_cast %get3A_1252 : vector<1x1x1x16xf32> to vector<16xf32>
        %add3A_1254 = arith.addf %add3A_1190, %get3A_1253 : vector<16xf32>
        %get3A_1255 = arith.constant 18 : i32
        %get3A_1256 = arith.index_cast %rem3A_45 : i32 to index
        %get3A_1257 = arith.index_cast %scan3A_103 : i32 to index
        %get3A_1258 = arith.index_cast %get3A_1255 : i32 to index
        %get3A_1259 = arith.constant 16 : index
        %get3A_1260 = tpu.vector_load %arg4[%get3A_1256, %get3A_1257, %get3A_1258, %get3A_1259] {strides = array<i32>} : memref<2x8x32x128xf32, #tpu.memory_space<vmem>>, vector<1x1x1x16xf32>,
        %get3A_1261 = vector.shape_cast %get3A_1260 : vector<1x1x1x16xf32> to vector<16xf32>
        %add3A_1262 = arith.addf %add3A_1198, %get3A_1261 : vector<16xf32>
        %get3A_1263 = arith.constant 18 : i32
        %get3A_1264 = arith.index_cast %rem3A_45 : i32 to index
        %get3A_1265 = arith.index_cast %scan3A_103 : i32 to index
        %get3A_1266 = arith.index_cast %get3A_1263 : i32 to index
        %get3A_1267 = arith.constant 32 : index
        %get3A_1268 = tpu.vector_load %arg4[%get3A_1264, %get3A_1265, %get3A_1266, %get3A_1267] {strides = array<i32>} : memref<2x8x32x128xf32, #tpu.memory_space<vmem>>, vector<1x1x1x16xf32>,
        %get3A_1269 = vector.shape_cast %get3A_1268 : vector<1x1x1x16xf32> to vector<16xf32>
        %add3A_1270 = arith.addf %add3A_1206, %get3A_1269 : vector<16xf32>
        %get3A_1271 = arith.constant 18 : i32
        %get3A_1272 = arith.index_cast %rem3A_45 : i32 to index
        %get3A_1273 = arith.index_cast %scan3A_103 : i32 to index
        %get3A_1274 = arith.index_cast %get3A_1271 : i32 to index
        %get3A_1275 = arith.constant 48 : index
        %get3A_1276 = tpu.vector_load %arg4[%get3A_1272, %get3A_1273, %get3A_1274, %get3A_1275] {strides = array<i32>} : memref<2x8x32x128xf32, #tpu.memory_space<vmem>>, vector<1x1x1x16xf32>,
        %get3A_1277 = vector.shape_cast %get3A_1276 : vector<1x1x1x16xf32> to vector<16xf32>
        %add3A_1278 = arith.addf %add3A_1214, %get3A_1277 : vector<16xf32>
        %get3A_1279 = arith.constant 18 : i32
        %get3A_1280 = arith.index_cast %rem3A_45 : i32 to index
        %get3A_1281 = arith.index_cast %scan3A_103 : i32 to index
        %get3A_1282 = arith.index_cast %get3A_1279 : i32 to index
        %get3A_1283 = arith.constant 64 : index
        %get3A_1284 = tpu.vector_load %arg4[%get3A_1280, %get3A_1281, %get3A_1282, %get3A_1283] {strides = array<i32>} : memref<2x8x32x128xf32, #tpu.memory_space<vmem>>, vector<1x1x1x16xf32>,
        %get3A_1285 = vector.shape_cast %get3A_1284 : vector<1x1x1x16xf32> to vector<16xf32>
        %add3A_1286 = arith.addf %add3A_1222, %get3A_1285 : vector<16xf32>
        %get3A_1287 = arith.constant 18 : i32
        %get3A_1288 = arith.index_cast %rem3A_45 : i32 to index
        %get3A_1289 = arith.index_cast %scan3A_103 : i32 to index
        %get3A_1290 = arith.index_cast %get3A_1287 : i32 to index
        %get3A_1291 = arith.constant 80 : index
        %get3A_1292 = tpu.vector_load %arg4[%get3A_1288, %get3A_1289, %get3A_1290, %get3A_1291] {strides = array<i32>} : memref<2x8x32x128xf32, #tpu.memory_space<vmem>>, vector<1x1x1x16xf32>,
        %get3A_1293 = vector.shape_cast %get3A_1292 : vector<1x1x1x16xf32> to vector<16xf32>
        %add3A_1294 = arith.addf %add3A_1230, %get3A_1293 : vector<16xf32>
        %get3A_1295 = arith.constant 18 : i32
        %get3A_1296 = arith.index_cast %rem3A_45 : i32 to index
        %get3A_1297 = arith.index_cast %scan3A_103 : i32 to index
        %get3A_1298 = arith.index_cast %get3A_1295 : i32 to index
        %get3A_1299 = arith.constant 96 : index
        %get3A_1300 = tpu.vector_load %arg4[%get3A_1296, %get3A_1297, %get3A_1298, %get3A_1299] {strides = array<i32>} : memref<2x8x32x128xf32, #tpu.memory_space<vmem>>, vector<1x1x1x16xf32>,
        %get3A_1301 = vector.shape_cast %get3A_1300 : vector<1x1x1x16xf32> to vector<16xf32>
        %add3A_1302 = arith.addf %add3A_1238, %get3A_1301 : vector<16xf32>
        %get3A_1303 = arith.constant 18 : i32
        %get3A_1304 = arith.index_cast %rem3A_45 : i32 to index
        %get3A_1305 = arith.index_cast %scan3A_103 : i32 to index
        %get3A_1306 = arith.index_cast %get3A_1303 : i32 to index
        %get3A_1307 = arith.constant 112 : index
        %get3A_1308 = tpu.vector_load %arg4[%get3A_1304, %get3A_1305, %get3A_1306, %get3A_1307] {strides = array<i32>} : memref<2x8x32x128xf32, #tpu.memory_space<vmem>>, vector<1x1x1x16xf32>,
        %get3A_1309 = vector.shape_cast %get3A_1308 : vector<1x1x1x16xf32> to vector<16xf32>
        %add3A_1310 = arith.addf %add3A_1246, %get3A_1309 : vector<16xf32>
        %get3A_1311 = arith.constant 19 : i32
        %get3A_1312 = arith.index_cast %rem3A_45 : i32 to index
        %get3A_1313 = arith.index_cast %scan3A_103 : i32 to index
        %get3A_1314 = arith.index_cast %get3A_1311 : i32 to index
        %get3A_1315 = arith.constant 0 : index
        %get3A_1316 = tpu.vector_load %arg4[%get3A_1312, %get3A_1313, %get3A_1314, %get3A_1315] {strides = array<i32>} : memref<2x8x32x128xf32, #tpu.memory_space<vmem>>, vector<1x1x1x16xf32>,
        %get3A_1317 = vector.shape_cast %get3A_1316 : vector<1x1x1x16xf32> to vector<16xf32>
        %add3A_1318 = arith.addf %add3A_1254, %get3A_1317 : vector<16xf32>
        %get3A_1319 = arith.constant 19 : i32
        %get3A_1320 = arith.index_cast %rem3A_45 : i32 to index
        %get3A_1321 = arith.index_cast %scan3A_103 : i32 to index
        %get3A_1322 = arith.index_cast %get3A_1319 : i32 to index
        %get3A_1323 = arith.constant 16 : index
        %get3A_1324 = tpu.vector_load %arg4[%get3A_1320, %get3A_1321, %get3A_1322, %get3A_1323] {strides = array<i32>} : memref<2x8x32x128xf32, #tpu.memory_space<vmem>>, vector<1x1x1x16xf32>,
        %get3A_1325 = vector.shape_cast %get3A_1324 : vector<1x1x1x16xf32> to vector<16xf32>
        %add3A_1326 = arith.addf %add3A_1262, %get3A_1325 : vector<16xf32>
        %get3A_1327 = arith.constant 19 : i32
        %get3A_1328 = arith.index_cast %rem3A_45 : i32 to index
        %get3A_1329 = arith.index_cast %scan3A_103 : i32 to index
        %get3A_1330 = arith.index_cast %get3A_1327 : i32 to index
        %get3A_1331 = arith.constant 32 : index
        %get3A_1332 = tpu.vector_load %arg4[%get3A_1328, %get3A_1329, %get3A_1330, %get3A_1331] {strides = array<i32>} : memref<2x8x32x128xf32, #tpu.memory_space<vmem>>, vector<1x1x1x16xf32>,
        %get3A_1333 = vector.shape_cast %get3A_1332 : vector<1x1x1x16xf32> to vector<16xf32>
        %add3A_1334 = arith.addf %add3A_1270, %get3A_1333 : vector<16xf32>
        %get3A_1335 = arith.constant 19 : i32
        %get3A_1336 = arith.index_cast %rem3A_45 : i32 to index
        %get3A_1337 = arith.index_cast %scan3A_103 : i32 to index
        %get3A_1338 = arith.index_cast %get3A_1335 : i32 to index
        %get3A_1339 = arith.constant 48 : index
        %get3A_1340 = tpu.vector_load %arg4[%get3A_1336, %get3A_1337, %get3A_1338, %get3A_1339] {strides = array<i32>} : memref<2x8x32x128xf32, #tpu.memory_space<vmem>>, vector<1x1x1x16xf32>,
        %get3A_1341 = vector.shape_cast %get3A_1340 : vector<1x1x1x16xf32> to vector<16xf32>
        %add3A_1342 = arith.addf %add3A_1278, %get3A_1341 : vector<16xf32>
        %get3A_1343 = arith.constant 19 : i32
        %get3A_1344 = arith.index_cast %rem3A_45 : i32 to index
        %get3A_1345 = arith.index_cast %scan3A_103 : i32 to index
        %get3A_1346 = arith.index_cast %get3A_1343 : i32 to index
        %get3A_1347 = arith.constant 64 : index
        %get3A_1348 = tpu.vector_load %arg4[%get3A_1344, %get3A_1345, %get3A_1346, %get3A_1347] {strides = array<i32>} : memref<2x8x32x128xf32, #tpu.memory_space<vmem>>, vector<1x1x1x16xf32>,
        %get3A_1349 = vector.shape_cast %get3A_1348 : vector<1x1x1x16xf32> to vector<16xf32>
        %add3A_1350 = arith.addf %add3A_1286, %get3A_1349 : vector<16xf32>
        %get3A_1351 = arith.constant 19 : i32
        %get3A_1352 = arith.index_cast %rem3A_45 : i32 to index
        %get3A_1353 = arith.index_cast %scan3A_103 : i32 to index
        %get3A_1354 = arith.index_cast %get3A_1351 : i32 to index
        %get3A_1355 = arith.constant 80 : index
        %get3A_1356 = tpu.vector_load %arg4[%get3A_1352, %get3A_1353, %get3A_1354, %get3A_1355] {strides = array<i32>} : memref<2x8x32x128xf32, #tpu.memory_space<vmem>>, vector<1x1x1x16xf32>,
        %get3A_1357 = vector.shape_cast %get3A_1356 : vector<1x1x1x16xf32> to vector<16xf32>
        %add3A_1358 = arith.addf %add3A_1294, %get3A_1357 : vector<16xf32>
        %get3A_1359 = arith.constant 19 : i32
        %get3A_1360 = arith.index_cast %rem3A_45 : i32 to index
        %get3A_1361 = arith.index_cast %scan3A_103 : i32 to index
        %get3A_1362 = arith.index_cast %get3A_1359 : i32 to index
        %get3A_1363 = arith.constant 96 : index
        %get3A_1364 = tpu.vector_load %arg4[%get3A_1360, %get3A_1361, %get3A_1362, %get3A_1363] {strides = array<i32>} : memref<2x8x32x128xf32, #tpu.memory_space<vmem>>, vector<1x1x1x16xf32>,
        %get3A_1365 = vector.shape_cast %get3A_1364 : vector<1x1x1x16xf32> to vector<16xf32>
        %add3A_1366 = arith.addf %add3A_1302, %get3A_1365 : vector<16xf32>
        %get3A_1367 = arith.constant 19 : i32
        %get3A_1368 = arith.index_cast %rem3A_45 : i32 to index
        %get3A_1369 = arith.index_cast %scan3A_103 : i32 to index
        %get3A_1370 = arith.index_cast %get3A_1367 : i32 to index
        %get3A_1371 = arith.constant 112 : index
        %get3A_1372 = tpu.vector_load %arg4[%get3A_1368, %get3A_1369, %get3A_1370, %get3A_1371] {strides = array<i32>} : memref<2x8x32x128xf32, #tpu.memory_space<vmem>>, vector<1x1x1x16xf32>,
        %get3A_1373 = vector.shape_cast %get3A_1372 : vector<1x1x1x16xf32> to vector<16xf32>
        %add3A_1374 = arith.addf %add3A_1310, %get3A_1373 : vector<16xf32>
        %get3A_1375 = arith.constant 20 : i32
        %get3A_1376 = arith.index_cast %rem3A_45 : i32 to index
        %get3A_1377 = arith.index_cast %scan3A_103 : i32 to index
        %get3A_1378 = arith.index_cast %get3A_1375 : i32 to index
        %get3A_1379 = arith.constant 0 : index
        %get3A_1380 = tpu.vector_load %arg4[%get3A_1376, %get3A_1377, %get3A_1378, %get3A_1379] {strides = array<i32>} : memref<2x8x32x128xf32, #tpu.memory_space<vmem>>, vector<1x1x1x16xf32>,
        %get3A_1381 = vector.shape_cast %get3A_1380 : vector<1x1x1x16xf32> to vector<16xf32>
        %add3A_1382 = arith.addf %add3A_1318, %get3A_1381 : vector<16xf32>
        %get3A_1383 = arith.constant 20 : i32
        %get3A_1384 = arith.index_cast %rem3A_45 : i32 to index
        %get3A_1385 = arith.index_cast %scan3A_103 : i32 to index
        %get3A_1386 = arith.index_cast %get3A_1383 : i32 to index
        %get3A_1387 = arith.constant 16 : index
        %get3A_1388 = tpu.vector_load %arg4[%get3A_1384, %get3A_1385, %get3A_1386, %get3A_1387] {strides = array<i32>} : memref<2x8x32x128xf32, #tpu.memory_space<vmem>>, vector<1x1x1x16xf32>,
        %get3A_1389 = vector.shape_cast %get3A_1388 : vector<1x1x1x16xf32> to vector<16xf32>
        %add3A_1390 = arith.addf %add3A_1326, %get3A_1389 : vector<16xf32>
        %get3A_1391 = arith.constant 20 : i32
        %get3A_1392 = arith.index_cast %rem3A_45 : i32 to index
        %get3A_1393 = arith.index_cast %scan3A_103 : i32 to index
        %get3A_1394 = arith.index_cast %get3A_1391 : i32 to index
        %get3A_1395 = arith.constant 32 : index
        %get3A_1396 = tpu.vector_load %arg4[%get3A_1392, %get3A_1393, %get3A_1394, %get3A_1395] {strides = array<i32>} : memref<2x8x32x128xf32, #tpu.memory_space<vmem>>, vector<1x1x1x16xf32>,
        %get3A_1397 = vector.shape_cast %get3A_1396 : vector<1x1x1x16xf32> to vector<16xf32>
        %add3A_1398 = arith.addf %add3A_1334, %get3A_1397 : vector<16xf32>
        %get3A_1399 = arith.constant 20 : i32
        %get3A_1400 = arith.index_cast %rem3A_45 : i32 to index
        %get3A_1401 = arith.index_cast %scan3A_103 : i32 to index
        %get3A_1402 = arith.index_cast %get3A_1399 : i32 to index
        %get3A_1403 = arith.constant 48 : index
        %get3A_1404 = tpu.vector_load %arg4[%get3A_1400, %get3A_1401, %get3A_1402, %get3A_1403] {strides = array<i32>} : memref<2x8x32x128xf32, #tpu.memory_space<vmem>>, vector<1x1x1x16xf32>,
        %get3A_1405 = vector.shape_cast %get3A_1404 : vector<1x1x1x16xf32> to vector<16xf32>
        %add3A_1406 = arith.addf %add3A_1342, %get3A_1405 : vector<16xf32>
        %get3A_1407 = arith.constant 20 : i32
        %get3A_1408 = arith.index_cast %rem3A_45 : i32 to index
        %get3A_1409 = arith.index_cast %scan3A_103 : i32 to index
        %get3A_1410 = arith.index_cast %get3A_1407 : i32 to index
        %get3A_1411 = arith.constant 64 : index
        %get3A_1412 = tpu.vector_load %arg4[%get3A_1408, %get3A_1409, %get3A_1410, %get3A_1411] {strides = array<i32>} : memref<2x8x32x128xf32, #tpu.memory_space<vmem>>, vector<1x1x1x16xf32>,
        %get3A_1413 = vector.shape_cast %get3A_1412 : vector<1x1x1x16xf32> to vector<16xf32>
        %add3A_1414 = arith.addf %add3A_1350, %get3A_1413 : vector<16xf32>
        %get3A_1415 = arith.constant 20 : i32
        %get3A_1416 = arith.index_cast %rem3A_45 : i32 to index
        %get3A_1417 = arith.index_cast %scan3A_103 : i32 to index
        %get3A_1418 = arith.index_cast %get3A_1415 : i32 to index
        %get3A_1419 = arith.constant 80 : index
        %get3A_1420 = tpu.vector_load %arg4[%get3A_1416, %get3A_1417, %get3A_1418, %get3A_1419] {strides = array<i32>} : memref<2x8x32x128xf32, #tpu.memory_space<vmem>>, vector<1x1x1x16xf32>,
        %get3A_1421 = vector.shape_cast %get3A_1420 : vector<1x1x1x16xf32> to vector<16xf32>
        %add3A_1422 = arith.addf %add3A_1358, %get3A_1421 : vector<16xf32>
        %get3A_1423 = arith.constant 20 : i32
        %get3A_1424 = arith.index_cast %rem3A_45 : i32 to index
        %get3A_1425 = arith.index_cast %scan3A_103 : i32 to index
        %get3A_1426 = arith.index_cast %get3A_1423 : i32 to index
        %get3A_1427 = arith.constant 96 : index
        %get3A_1428 = tpu.vector_load %arg4[%get3A_1424, %get3A_1425, %get3A_1426, %get3A_1427] {strides = array<i32>} : memref<2x8x32x128xf32, #tpu.memory_space<vmem>>, vector<1x1x1x16xf32>,
        %get3A_1429 = vector.shape_cast %get3A_1428 : vector<1x1x1x16xf32> to vector<16xf32>
        %add3A_1430 = arith.addf %add3A_1366, %get3A_1429 : vector<16xf32>
        %get3A_1431 = arith.constant 20 : i32
        %get3A_1432 = arith.index_cast %rem3A_45 : i32 to index
        %get3A_1433 = arith.index_cast %scan3A_103 : i32 to index
        %get3A_1434 = arith.index_cast %get3A_1431 : i32 to index
        %get3A_1435 = arith.constant 112 : index
        %get3A_1436 = tpu.vector_load %arg4[%get3A_1432, %get3A_1433, %get3A_1434, %get3A_1435] {strides = array<i32>} : memref<2x8x32x128xf32, #tpu.memory_space<vmem>>, vector<1x1x1x16xf32>,
        %get3A_1437 = vector.shape_cast %get3A_1436 : vector<1x1x1x16xf32> to vector<16xf32>
        %add3A_1438 = arith.addf %add3A_1374, %get3A_1437 : vector<16xf32>
        %get3A_1439 = arith.constant 21 : i32
        %get3A_1440 = arith.index_cast %rem3A_45 : i32 to index
        %get3A_1441 = arith.index_cast %scan3A_103 : i32 to index
        %get3A_1442 = arith.index_cast %get3A_1439 : i32 to index
        %get3A_1443 = arith.constant 0 : index
        %get3A_1444 = tpu.vector_load %arg4[%get3A_1440, %get3A_1441, %get3A_1442, %get3A_1443] {strides = array<i32>} : memref<2x8x32x128xf32, #tpu.memory_space<vmem>>, vector<1x1x1x16xf32>,
        %get3A_1445 = vector.shape_cast %get3A_1444 : vector<1x1x1x16xf32> to vector<16xf32>
        %add3A_1446 = arith.addf %add3A_1382, %get3A_1445 : vector<16xf32>
        %get3A_1447 = arith.constant 21 : i32
        %get3A_1448 = arith.index_cast %rem3A_45 : i32 to index
        %get3A_1449 = arith.index_cast %scan3A_103 : i32 to index
        %get3A_1450 = arith.index_cast %get3A_1447 : i32 to index
        %get3A_1451 = arith.constant 16 : index
        %get3A_1452 = tpu.vector_load %arg4[%get3A_1448, %get3A_1449, %get3A_1450, %get3A_1451] {strides = array<i32>} : memref<2x8x32x128xf32, #tpu.memory_space<vmem>>, vector<1x1x1x16xf32>,
        %get3A_1453 = vector.shape_cast %get3A_1452 : vector<1x1x1x16xf32> to vector<16xf32>
        %add3A_1454 = arith.addf %add3A_1390, %get3A_1453 : vector<16xf32>
        %get3A_1455 = arith.constant 21 : i32
        %get3A_1456 = arith.index_cast %rem3A_45 : i32 to index
        %get3A_1457 = arith.index_cast %scan3A_103 : i32 to index
        %get3A_1458 = arith.index_cast %get3A_1455 : i32 to index
        %get3A_1459 = arith.constant 32 : index
        %get3A_1460 = tpu.vector_load %arg4[%get3A_1456, %get3A_1457, %get3A_1458, %get3A_1459] {strides = array<i32>} : memref<2x8x32x128xf32, #tpu.memory_space<vmem>>, vector<1x1x1x16xf32>,
        %get3A_1461 = vector.shape_cast %get3A_1460 : vector<1x1x1x16xf32> to vector<16xf32>
        %add3A_1462 = arith.addf %add3A_1398, %get3A_1461 : vector<16xf32>
        %get3A_1463 = arith.constant 21 : i32
        %get3A_1464 = arith.index_cast %rem3A_45 : i32 to index
        %get3A_1465 = arith.index_cast %scan3A_103 : i32 to index
        %get3A_1466 = arith.index_cast %get3A_1463 : i32 to index
        %get3A_1467 = arith.constant 48 : index
        %get3A_1468 = tpu.vector_load %arg4[%get3A_1464, %get3A_1465, %get3A_1466, %get3A_1467] {strides = array<i32>} : memref<2x8x32x128xf32, #tpu.memory_space<vmem>>, vector<1x1x1x16xf32>,
        %get3A_1469 = vector.shape_cast %get3A_1468 : vector<1x1x1x16xf32> to vector<16xf32>
        %add3A_1470 = arith.addf %add3A_1406, %get3A_1469 : vector<16xf32>
        %get3A_1471 = arith.constant 21 : i32
        %get3A_1472 = arith.index_cast %rem3A_45 : i32 to index
        %get3A_1473 = arith.index_cast %scan3A_103 : i32 to index
        %get3A_1474 = arith.index_cast %get3A_1471 : i32 to index
        %get3A_1475 = arith.constant 64 : index
        %get3A_1476 = tpu.vector_load %arg4[%get3A_1472, %get3A_1473, %get3A_1474, %get3A_1475] {strides = array<i32>} : memref<2x8x32x128xf32, #tpu.memory_space<vmem>>, vector<1x1x1x16xf32>,
        %get3A_1477 = vector.shape_cast %get3A_1476 : vector<1x1x1x16xf32> to vector<16xf32>
        %add3A_1478 = arith.addf %add3A_1414, %get3A_1477 : vector<16xf32>
        %get3A_1479 = arith.constant 21 : i32
        %get3A_1480 = arith.index_cast %rem3A_45 : i32 to index
        %get3A_1481 = arith.index_cast %scan3A_103 : i32 to index
        %get3A_1482 = arith.index_cast %get3A_1479 : i32 to index
        %get3A_1483 = arith.constant 80 : index
        %get3A_1484 = tpu.vector_load %arg4[%get3A_1480, %get3A_1481, %get3A_1482, %get3A_1483] {strides = array<i32>} : memref<2x8x32x128xf32, #tpu.memory_space<vmem>>, vector<1x1x1x16xf32>,
        %get3A_1485 = vector.shape_cast %get3A_1484 : vector<1x1x1x16xf32> to vector<16xf32>
        %add3A_1486 = arith.addf %add3A_1422, %get3A_1485 : vector<16xf32>
        %get3A_1487 = arith.constant 21 : i32
        %get3A_1488 = arith.index_cast %rem3A_45 : i32 to index
        %get3A_1489 = arith.index_cast %scan3A_103 : i32 to index
        %get3A_1490 = arith.index_cast %get3A_1487 : i32 to index
        %get3A_1491 = arith.constant 96 : index
        %get3A_1492 = tpu.vector_load %arg4[%get3A_1488, %get3A_1489, %get3A_1490, %get3A_1491] {strides = array<i32>} : memref<2x8x32x128xf32, #tpu.memory_space<vmem>>, vector<1x1x1x16xf32>,
        %get3A_1493 = vector.shape_cast %get3A_1492 : vector<1x1x1x16xf32> to vector<16xf32>
        %add3A_1494 = arith.addf %add3A_1430, %get3A_1493 : vector<16xf32>
        %get3A_1495 = arith.constant 21 : i32
        %get3A_1496 = arith.index_cast %rem3A_45 : i32 to index
        %get3A_1497 = arith.index_cast %scan3A_103 : i32 to index
        %get3A_1498 = arith.index_cast %get3A_1495 : i32 to index
        %get3A_1499 = arith.constant 112 : index
        %get3A_1500 = tpu.vector_load %arg4[%get3A_1496, %get3A_1497, %get3A_1498, %get3A_1499] {strides = array<i32>} : memref<2x8x32x128xf32, #tpu.memory_space<vmem>>, vector<1x1x1x16xf32>,
        %get3A_1501 = vector.shape_cast %get3A_1500 : vector<1x1x1x16xf32> to vector<16xf32>
        %add3A_1502 = arith.addf %add3A_1438, %get3A_1501 : vector<16xf32>
        %get3A_1503 = arith.constant 22 : i32
        %get3A_1504 = arith.index_cast %rem3A_45 : i32 to index
        %get3A_1505 = arith.index_cast %scan3A_103 : i32 to index
        %get3A_1506 = arith.index_cast %get3A_1503 : i32 to index
        %get3A_1507 = arith.constant 0 : index
        %get3A_1508 = tpu.vector_load %arg4[%get3A_1504, %get3A_1505, %get3A_1506, %get3A_1507] {strides = array<i32>} : memref<2x8x32x128xf32, #tpu.memory_space<vmem>>, vector<1x1x1x16xf32>,
        %get3A_1509 = vector.shape_cast %get3A_1508 : vector<1x1x1x16xf32> to vector<16xf32>
        %add3A_1510 = arith.addf %add3A_1446, %get3A_1509 : vector<16xf32>
        %get3A_1511 = arith.constant 22 : i32
        %get3A_1512 = arith.index_cast %rem3A_45 : i32 to index
        %get3A_1513 = arith.index_cast %scan3A_103 : i32 to index
        %get3A_1514 = arith.index_cast %get3A_1511 : i32 to index
        %get3A_1515 = arith.constant 16 : index
        %get3A_1516 = tpu.vector_load %arg4[%get3A_1512, %get3A_1513, %get3A_1514, %get3A_1515] {strides = array<i32>} : memref<2x8x32x128xf32, #tpu.memory_space<vmem>>, vector<1x1x1x16xf32>,
        %get3A_1517 = vector.shape_cast %get3A_1516 : vector<1x1x1x16xf32> to vector<16xf32>
        %add3A_1518 = arith.addf %add3A_1454, %get3A_1517 : vector<16xf32>
        %get3A_1519 = arith.constant 22 : i32
        %get3A_1520 = arith.index_cast %rem3A_45 : i32 to index
        %get3A_1521 = arith.index_cast %scan3A_103 : i32 to index
        %get3A_1522 = arith.index_cast %get3A_1519 : i32 to index
        %get3A_1523 = arith.constant 32 : index
        %get3A_1524 = tpu.vector_load %arg4[%get3A_1520, %get3A_1521, %get3A_1522, %get3A_1523] {strides = array<i32>} : memref<2x8x32x128xf32, #tpu.memory_space<vmem>>, vector<1x1x1x16xf32>,
        %get3A_1525 = vector.shape_cast %get3A_1524 : vector<1x1x1x16xf32> to vector<16xf32>
        %add3A_1526 = arith.addf %add3A_1462, %get3A_1525 : vector<16xf32>
        %get3A_1527 = arith.constant 22 : i32
        %get3A_1528 = arith.index_cast %rem3A_45 : i32 to index
        %get3A_1529 = arith.index_cast %scan3A_103 : i32 to index
        %get3A_1530 = arith.index_cast %get3A_1527 : i32 to index
        %get3A_1531 = arith.constant 48 : index
        %get3A_1532 = tpu.vector_load %arg4[%get3A_1528, %get3A_1529, %get3A_1530, %get3A_1531] {strides = array<i32>} : memref<2x8x32x128xf32, #tpu.memory_space<vmem>>, vector<1x1x1x16xf32>,
        %get3A_1533 = vector.shape_cast %get3A_1532 : vector<1x1x1x16xf32> to vector<16xf32>
        %add3A_1534 = arith.addf %add3A_1470, %get3A_1533 : vector<16xf32>
        %get3A_1535 = arith.constant 22 : i32
        %get3A_1536 = arith.index_cast %rem3A_45 : i32 to index
        %get3A_1537 = arith.index_cast %scan3A_103 : i32 to index
        %get3A_1538 = arith.index_cast %get3A_1535 : i32 to index
        %get3A_1539 = arith.constant 64 : index
        %get3A_1540 = tpu.vector_load %arg4[%get3A_1536, %get3A_1537, %get3A_1538, %get3A_1539] {strides = array<i32>} : memref<2x8x32x128xf32, #tpu.memory_space<vmem>>, vector<1x1x1x16xf32>,
        %get3A_1541 = vector.shape_cast %get3A_1540 : vector<1x1x1x16xf32> to vector<16xf32>
        %add3A_1542 = arith.addf %add3A_1478, %get3A_1541 : vector<16xf32>
        %get3A_1543 = arith.constant 22 : i32
        %get3A_1544 = arith.index_cast %rem3A_45 : i32 to index
        %get3A_1545 = arith.index_cast %scan3A_103 : i32 to index
        %get3A_1546 = arith.index_cast %get3A_1543 : i32 to index
        %get3A_1547 = arith.constant 80 : index
        %get3A_1548 = tpu.vector_load %arg4[%get3A_1544, %get3A_1545, %get3A_1546, %get3A_1547] {strides = array<i32>} : memref<2x8x32x128xf32, #tpu.memory_space<vmem>>, vector<1x1x1x16xf32>,
        %get3A_1549 = vector.shape_cast %get3A_1548 : vector<1x1x1x16xf32> to vector<16xf32>
        %add3A_1550 = arith.addf %add3A_1486, %get3A_1549 : vector<16xf32>
        %get3A_1551 = arith.constant 22 : i32
        %get3A_1552 = arith.index_cast %rem3A_45 : i32 to index
        %get3A_1553 = arith.index_cast %scan3A_103 : i32 to index
        %get3A_1554 = arith.index_cast %get3A_1551 : i32 to index
        %get3A_1555 = arith.constant 96 : index
        %get3A_1556 = tpu.vector_load %arg4[%get3A_1552, %get3A_1553, %get3A_1554, %get3A_1555] {strides = array<i32>} : memref<2x8x32x128xf32, #tpu.memory_space<vmem>>, vector<1x1x1x16xf32>,
        %get3A_1557 = vector.shape_cast %get3A_1556 : vector<1x1x1x16xf32> to vector<16xf32>
        %add3A_1558 = arith.addf %add3A_1494, %get3A_1557 : vector<16xf32>
        %get3A_1559 = arith.constant 22 : i32
        %get3A_1560 = arith.index_cast %rem3A_45 : i32 to index
        %get3A_1561 = arith.index_cast %scan3A_103 : i32 to index
        %get3A_1562 = arith.index_cast %get3A_1559 : i32 to index
        %get3A_1563 = arith.constant 112 : index
        %get3A_1564 = tpu.vector_load %arg4[%get3A_1560, %get3A_1561, %get3A_1562, %get3A_1563] {strides = array<i32>} : memref<2x8x32x128xf32, #tpu.memory_space<vmem>>, vector<1x1x1x16xf32>,
        %get3A_1565 = vector.shape_cast %get3A_1564 : vector<1x1x1x16xf32> to vector<16xf32>
        %add3A_1566 = arith.addf %add3A_1502, %get3A_1565 : vector<16xf32>
        %get3A_1567 = arith.constant 23 : i32
        %get3A_1568 = arith.index_cast %rem3A_45 : i32 to index
        %get3A_1569 = arith.index_cast %scan3A_103 : i32 to index
        %get3A_1570 = arith.index_cast %get3A_1567 : i32 to index
        %get3A_1571 = arith.constant 0 : index
        %get3A_1572 = tpu.vector_load %arg4[%get3A_1568, %get3A_1569, %get3A_1570, %get3A_1571] {strides = array<i32>} : memref<2x8x32x128xf32, #tpu.memory_space<vmem>>, vector<1x1x1x16xf32>,
        %get3A_1573 = vector.shape_cast %get3A_1572 : vector<1x1x1x16xf32> to vector<16xf32>
        %add3A_1574 = arith.addf %add3A_1510, %get3A_1573 : vector<16xf32>
        %get3A_1575 = arith.constant 23 : i32
        %get3A_1576 = arith.index_cast %rem3A_45 : i32 to index
        %get3A_1577 = arith.index_cast %scan3A_103 : i32 to index
        %get3A_1578 = arith.index_cast %get3A_1575 : i32 to index
        %get3A_1579 = arith.constant 16 : index
        %get3A_1580 = tpu.vector_load %arg4[%get3A_1576, %get3A_1577, %get3A_1578, %get3A_1579] {strides = array<i32>} : memref<2x8x32x128xf32, #tpu.memory_space<vmem>>, vector<1x1x1x16xf32>,
        %get3A_1581 = vector.shape_cast %get3A_1580 : vector<1x1x1x16xf32> to vector<16xf32>
        %add3A_1582 = arith.addf %add3A_1518, %get3A_1581 : vector<16xf32>
        %get3A_1583 = arith.constant 23 : i32
        %get3A_1584 = arith.index_cast %rem3A_45 : i32 to index
        %get3A_1585 = arith.index_cast %scan3A_103 : i32 to index
        %get3A_1586 = arith.index_cast %get3A_1583 : i32 to index
        %get3A_1587 = arith.constant 32 : index
        %get3A_1588 = tpu.vector_load %arg4[%get3A_1584, %get3A_1585, %get3A_1586, %get3A_1587] {strides = array<i32>} : memref<2x8x32x128xf32, #tpu.memory_space<vmem>>, vector<1x1x1x16xf32>,
        %get3A_1589 = vector.shape_cast %get3A_1588 : vector<1x1x1x16xf32> to vector<16xf32>
        %add3A_1590 = arith.addf %add3A_1526, %get3A_1589 : vector<16xf32>
        %get3A_1591 = arith.constant 23 : i32
        %get3A_1592 = arith.index_cast %rem3A_45 : i32 to index
        %get3A_1593 = arith.index_cast %scan3A_103 : i32 to index
        %get3A_1594 = arith.index_cast %get3A_1591 : i32 to index
        %get3A_1595 = arith.constant 48 : index
        %get3A_1596 = tpu.vector_load %arg4[%get3A_1592, %get3A_1593, %get3A_1594, %get3A_1595] {strides = array<i32>} : memref<2x8x32x128xf32, #tpu.memory_space<vmem>>, vector<1x1x1x16xf32>,
        %get3A_1597 = vector.shape_cast %get3A_1596 : vector<1x1x1x16xf32> to vector<16xf32>
        %add3A_1598 = arith.addf %add3A_1534, %get3A_1597 : vector<16xf32>
        %get3A_1599 = arith.constant 23 : i32
        %get3A_1600 = arith.index_cast %rem3A_45 : i32 to index
        %get3A_1601 = arith.index_cast %scan3A_103 : i32 to index
        %get3A_1602 = arith.index_cast %get3A_1599 : i32 to index
        %get3A_1603 = arith.constant 64 : index
        %get3A_1604 = tpu.vector_load %arg4[%get3A_1600, %get3A_1601, %get3A_1602, %get3A_1603] {strides = array<i32>} : memref<2x8x32x128xf32, #tpu.memory_space<vmem>>, vector<1x1x1x16xf32>,
        %get3A_1605 = vector.shape_cast %get3A_1604 : vector<1x1x1x16xf32> to vector<16xf32>
        %add3A_1606 = arith.addf %add3A_1542, %get3A_1605 : vector<16xf32>
        %get3A_1607 = arith.constant 23 : i32
        %get3A_1608 = arith.index_cast %rem3A_45 : i32 to index
        %get3A_1609 = arith.index_cast %scan3A_103 : i32 to index
        %get3A_1610 = arith.index_cast %get3A_1607 : i32 to index
        %get3A_1611 = arith.constant 80 : index
        %get3A_1612 = tpu.vector_load %arg4[%get3A_1608, %get3A_1609, %get3A_1610, %get3A_1611] {strides = array<i32>} : memref<2x8x32x128xf32, #tpu.memory_space<vmem>>, vector<1x1x1x16xf32>,
        %get3A_1613 = vector.shape_cast %get3A_1612 : vector<1x1x1x16xf32> to vector<16xf32>
        %add3A_1614 = arith.addf %add3A_1550, %get3A_1613 : vector<16xf32>
        %get3A_1615 = arith.constant 23 : i32
        %get3A_1616 = arith.index_cast %rem3A_45 : i32 to index
        %get3A_1617 = arith.index_cast %scan3A_103 : i32 to index
        %get3A_1618 = arith.index_cast %get3A_1615 : i32 to index
        %get3A_1619 = arith.constant 96 : index
        %get3A_1620 = tpu.vector_load %arg4[%get3A_1616, %get3A_1617, %get3A_1618, %get3A_1619] {strides = array<i32>} : memref<2x8x32x128xf32, #tpu.memory_space<vmem>>, vector<1x1x1x16xf32>,
        %get3A_1621 = vector.shape_cast %get3A_1620 : vector<1x1x1x16xf32> to vector<16xf32>
        %add3A_1622 = arith.addf %add3A_1558, %get3A_1621 : vector<16xf32>
        %get3A_1623 = arith.constant 23 : i32
        %get3A_1624 = arith.index_cast %rem3A_45 : i32 to index
        %get3A_1625 = arith.index_cast %scan3A_103 : i32 to index
        %get3A_1626 = arith.index_cast %get3A_1623 : i32 to index
        %get3A_1627 = arith.constant 112 : index
        %get3A_1628 = tpu.vector_load %arg4[%get3A_1624, %get3A_1625, %get3A_1626, %get3A_1627] {strides = array<i32>} : memref<2x8x32x128xf32, #tpu.memory_space<vmem>>, vector<1x1x1x16xf32>,
        %get3A_1629 = vector.shape_cast %get3A_1628 : vector<1x1x1x16xf32> to vector<16xf32>
        %add3A_1630 = arith.addf %add3A_1566, %get3A_1629 : vector<16xf32>
        %get3A_1631 = arith.constant 24 : i32
        %get3A_1632 = arith.index_cast %rem3A_45 : i32 to index
        %get3A_1633 = arith.index_cast %scan3A_103 : i32 to index
        %get3A_1634 = arith.index_cast %get3A_1631 : i32 to index
        %get3A_1635 = arith.constant 0 : index
        %get3A_1636 = tpu.vector_load %arg4[%get3A_1632, %get3A_1633, %get3A_1634, %get3A_1635] {strides = array<i32>} : memref<2x8x32x128xf32, #tpu.memory_space<vmem>>, vector<1x1x1x16xf32>,
        %get3A_1637 = vector.shape_cast %get3A_1636 : vector<1x1x1x16xf32> to vector<16xf32>
        %add3A_1638 = arith.addf %add3A_1574, %get3A_1637 : vector<16xf32>
        %get3A_1639 = arith.constant 24 : i32
        %get3A_1640 = arith.index_cast %rem3A_45 : i32 to index
        %get3A_1641 = arith.index_cast %scan3A_103 : i32 to index
        %get3A_1642 = arith.index_cast %get3A_1639 : i32 to index
        %get3A_1643 = arith.constant 16 : index
        %get3A_1644 = tpu.vector_load %arg4[%get3A_1640, %get3A_1641, %get3A_1642, %get3A_1643] {strides = array<i32>} : memref<2x8x32x128xf32, #tpu.memory_space<vmem>>, vector<1x1x1x16xf32>,
        %get3A_1645 = vector.shape_cast %get3A_1644 : vector<1x1x1x16xf32> to vector<16xf32>
        %add3A_1646 = arith.addf %add3A_1582, %get3A_1645 : vector<16xf32>
        %get3A_1647 = arith.constant 24 : i32
        %get3A_1648 = arith.index_cast %rem3A_45 : i32 to index
        %get3A_1649 = arith.index_cast %scan3A_103 : i32 to index
        %get3A_1650 = arith.index_cast %get3A_1647 : i32 to index
        %get3A_1651 = arith.constant 32 : index
        %get3A_1652 = tpu.vector_load %arg4[%get3A_1648, %get3A_1649, %get3A_1650, %get3A_1651] {strides = array<i32>} : memref<2x8x32x128xf32, #tpu.memory_space<vmem>>, vector<1x1x1x16xf32>,
        %get3A_1653 = vector.shape_cast %get3A_1652 : vector<1x1x1x16xf32> to vector<16xf32>
        %add3A_1654 = arith.addf %add3A_1590, %get3A_1653 : vector<16xf32>
        %get3A_1655 = arith.constant 24 : i32
        %get3A_1656 = arith.index_cast %rem3A_45 : i32 to index
        %get3A_1657 = arith.index_cast %scan3A_103 : i32 to index
        %get3A_1658 = arith.index_cast %get3A_1655 : i32 to index
        %get3A_1659 = arith.constant 48 : index
        %get3A_1660 = tpu.vector_load %arg4[%get3A_1656, %get3A_1657, %get3A_1658, %get3A_1659] {strides = array<i32>} : memref<2x8x32x128xf32, #tpu.memory_space<vmem>>, vector<1x1x1x16xf32>,
        %get3A_1661 = vector.shape_cast %get3A_1660 : vector<1x1x1x16xf32> to vector<16xf32>
        %add3A_1662 = arith.addf %add3A_1598, %get3A_1661 : vector<16xf32>
        %get3A_1663 = arith.constant 24 : i32
        %get3A_1664 = arith.index_cast %rem3A_45 : i32 to index
        %get3A_1665 = arith.index_cast %scan3A_103 : i32 to index
        %get3A_1666 = arith.index_cast %get3A_1663 : i32 to index
        %get3A_1667 = arith.constant 64 : index
        %get3A_1668 = tpu.vector_load %arg4[%get3A_1664, %get3A_1665, %get3A_1666, %get3A_1667] {strides = array<i32>} : memref<2x8x32x128xf32, #tpu.memory_space<vmem>>, vector<1x1x1x16xf32>,
        %get3A_1669 = vector.shape_cast %get3A_1668 : vector<1x1x1x16xf32> to vector<16xf32>
        %add3A_1670 = arith.addf %add3A_1606, %get3A_1669 : vector<16xf32>
        %get3A_1671 = arith.constant 24 : i32
        %get3A_1672 = arith.index_cast %rem3A_45 : i32 to index
        %get3A_1673 = arith.index_cast %scan3A_103 : i32 to index
        %get3A_1674 = arith.index_cast %get3A_1671 : i32 to index
        %get3A_1675 = arith.constant 80 : index
        %get3A_1676 = tpu.vector_load %arg4[%get3A_1672, %get3A_1673, %get3A_1674, %get3A_1675] {strides = array<i32>} : memref<2x8x32x128xf32, #tpu.memory_space<vmem>>, vector<1x1x1x16xf32>,
        %get3A_1677 = vector.shape_cast %get3A_1676 : vector<1x1x1x16xf32> to vector<16xf32>
        %add3A_1678 = arith.addf %add3A_1614, %get3A_1677 : vector<16xf32>
        %get3A_1679 = arith.constant 24 : i32
        %get3A_1680 = arith.index_cast %rem3A_45 : i32 to index
        %get3A_1681 = arith.index_cast %scan3A_103 : i32 to index
        %get3A_1682 = arith.index_cast %get3A_1679 : i32 to index
        %get3A_1683 = arith.constant 96 : index
        %get3A_1684 = tpu.vector_load %arg4[%get3A_1680, %get3A_1681, %get3A_1682, %get3A_1683] {strides = array<i32>} : memref<2x8x32x128xf32, #tpu.memory_space<vmem>>, vector<1x1x1x16xf32>,
        %get3A_1685 = vector.shape_cast %get3A_1684 : vector<1x1x1x16xf32> to vector<16xf32>
        %add3A_1686 = arith.addf %add3A_1622, %get3A_1685 : vector<16xf32>
        %get3A_1687 = arith.constant 24 : i32
        %get3A_1688 = arith.index_cast %rem3A_45 : i32 to index
        %get3A_1689 = arith.index_cast %scan3A_103 : i32 to index
        %get3A_1690 = arith.index_cast %get3A_1687 : i32 to index
        %get3A_1691 = arith.constant 112 : index
        %get3A_1692 = tpu.vector_load %arg4[%get3A_1688, %get3A_1689, %get3A_1690, %get3A_1691] {strides = array<i32>} : memref<2x8x32x128xf32, #tpu.memory_space<vmem>>, vector<1x1x1x16xf32>,
        %get3A_1693 = vector.shape_cast %get3A_1692 : vector<1x1x1x16xf32> to vector<16xf32>
        %add3A_1694 = arith.addf %add3A_1630, %get3A_1693 : vector<16xf32>
        %get3A_1695 = arith.constant 25 : i32
        %get3A_1696 = arith.index_cast %rem3A_45 : i32 to index
        %get3A_1697 = arith.index_cast %scan3A_103 : i32 to index
        %get3A_1698 = arith.index_cast %get3A_1695 : i32 to index
        %get3A_1699 = arith.constant 0 : index
        %get3A_1700 = tpu.vector_load %arg4[%get3A_1696, %get3A_1697, %get3A_1698, %get3A_1699] {strides = array<i32>} : memref<2x8x32x128xf32, #tpu.memory_space<vmem>>, vector<1x1x1x16xf32>,
        %get3A_1701 = vector.shape_cast %get3A_1700 : vector<1x1x1x16xf32> to vector<16xf32>
        %add3A_1702 = arith.addf %add3A_1638, %get3A_1701 : vector<16xf32>
        %get3A_1703 = arith.constant 25 : i32
        %get3A_1704 = arith.index_cast %rem3A_45 : i32 to index
        %get3A_1705 = arith.index_cast %scan3A_103 : i32 to index
        %get3A_1706 = arith.index_cast %get3A_1703 : i32 to index
        %get3A_1707 = arith.constant 16 : index
        %get3A_1708 = tpu.vector_load %arg4[%get3A_1704, %get3A_1705, %get3A_1706, %get3A_1707] {strides = array<i32>} : memref<2x8x32x128xf32, #tpu.memory_space<vmem>>, vector<1x1x1x16xf32>,
        %get3A_1709 = vector.shape_cast %get3A_1708 : vector<1x1x1x16xf32> to vector<16xf32>
        %add3A_1710 = arith.addf %add3A_1646, %get3A_1709 : vector<16xf32>
        %get3A_1711 = arith.constant 25 : i32
        %get3A_1712 = arith.index_cast %rem3A_45 : i32 to index
        %get3A_1713 = arith.index_cast %scan3A_103 : i32 to index
        %get3A_1714 = arith.index_cast %get3A_1711 : i32 to index
        %get3A_1715 = arith.constant 32 : index
        %get3A_1716 = tpu.vector_load %arg4[%get3A_1712, %get3A_1713, %get3A_1714, %get3A_1715] {strides = array<i32>} : memref<2x8x32x128xf32, #tpu.memory_space<vmem>>, vector<1x1x1x16xf32>,
        %get3A_1717 = vector.shape_cast %get3A_1716 : vector<1x1x1x16xf32> to vector<16xf32>
        %add3A_1718 = arith.addf %add3A_1654, %get3A_1717 : vector<16xf32>
        %get3A_1719 = arith.constant 25 : i32
        %get3A_1720 = arith.index_cast %rem3A_45 : i32 to index
        %get3A_1721 = arith.index_cast %scan3A_103 : i32 to index
        %get3A_1722 = arith.index_cast %get3A_1719 : i32 to index
        %get3A_1723 = arith.constant 48 : index
        %get3A_1724 = tpu.vector_load %arg4[%get3A_1720, %get3A_1721, %get3A_1722, %get3A_1723] {strides = array<i32>} : memref<2x8x32x128xf32, #tpu.memory_space<vmem>>, vector<1x1x1x16xf32>,
        %get3A_1725 = vector.shape_cast %get3A_1724 : vector<1x1x1x16xf32> to vector<16xf32>
        %add3A_1726 = arith.addf %add3A_1662, %get3A_1725 : vector<16xf32>
        %get3A_1727 = arith.constant 25 : i32
        %get3A_1728 = arith.index_cast %rem3A_45 : i32 to index
        %get3A_1729 = arith.index_cast %scan3A_103 : i32 to index
        %get3A_1730 = arith.index_cast %get3A_1727 : i32 to index
        %get3A_1731 = arith.constant 64 : index
        %get3A_1732 = tpu.vector_load %arg4[%get3A_1728, %get3A_1729, %get3A_1730, %get3A_1731] {strides = array<i32>} : memref<2x8x32x128xf32, #tpu.memory_space<vmem>>, vector<1x1x1x16xf32>,
        %get3A_1733 = vector.shape_cast %get3A_1732 : vector<1x1x1x16xf32> to vector<16xf32>
        %add3A_1734 = arith.addf %add3A_1670, %get3A_1733 : vector<16xf32>
        %get3A_1735 = arith.constant 25 : i32
        %get3A_1736 = arith.index_cast %rem3A_45 : i32 to index
        %get3A_1737 = arith.index_cast %scan3A_103 : i32 to index
        %get3A_1738 = arith.index_cast %get3A_1735 : i32 to index
        %get3A_1739 = arith.constant 80 : index
        %get3A_1740 = tpu.vector_load %arg4[%get3A_1736, %get3A_1737, %get3A_1738, %get3A_1739] {strides = array<i32>} : memref<2x8x32x128xf32, #tpu.memory_space<vmem>>, vector<1x1x1x16xf32>,
        %get3A_1741 = vector.shape_cast %get3A_1740 : vector<1x1x1x16xf32> to vector<16xf32>
        %add3A_1742 = arith.addf %add3A_1678, %get3A_1741 : vector<16xf32>
        %get3A_1743 = arith.constant 25 : i32
        %get3A_1744 = arith.index_cast %rem3A_45 : i32 to index
        %get3A_1745 = arith.index_cast %scan3A_103 : i32 to index
        %get3A_1746 = arith.index_cast %get3A_1743 : i32 to index
        %get3A_1747 = arith.constant 96 : index
        %get3A_1748 = tpu.vector_load %arg4[%get3A_1744, %get3A_1745, %get3A_1746, %get3A_1747] {strides = array<i32>} : memref<2x8x32x128xf32, #tpu.memory_space<vmem>>, vector<1x1x1x16xf32>,
        %get3A_1749 = vector.shape_cast %get3A_1748 : vector<1x1x1x16xf32> to vector<16xf32>
        %add3A_1750 = arith.addf %add3A_1686, %get3A_1749 : vector<16xf32>
        %get3A_1751 = arith.constant 25 : i32
        %get3A_1752 = arith.index_cast %rem3A_45 : i32 to index
        %get3A_1753 = arith.index_cast %scan3A_103 : i32 to index
        %get3A_1754 = arith.index_cast %get3A_1751 : i32 to index
        %get3A_1755 = arith.constant 112 : index
        %get3A_1756 = tpu.vector_load %arg4[%get3A_1752, %get3A_1753, %get3A_1754, %get3A_1755] {strides = array<i32>} : memref<2x8x32x128xf32, #tpu.memory_space<vmem>>, vector<1x1x1x16xf32>,
        %get3A_1757 = vector.shape_cast %get3A_1756 : vector<1x1x1x16xf32> to vector<16xf32>
        %add3A_1758 = arith.addf %add3A_1694, %get3A_1757 : vector<16xf32>
        %get3A_1759 = arith.constant 26 : i32
        %get3A_1760 = arith.index_cast %rem3A_45 : i32 to index
        %get3A_1761 = arith.index_cast %scan3A_103 : i32 to index
        %get3A_1762 = arith.index_cast %get3A_1759 : i32 to index
        %get3A_1763 = arith.constant 0 : index
        %get3A_1764 = tpu.vector_load %arg4[%get3A_1760, %get3A_1761, %get3A_1762, %get3A_1763] {strides = array<i32>} : memref<2x8x32x128xf32, #tpu.memory_space<vmem>>, vector<1x1x1x16xf32>,
        %get3A_1765 = vector.shape_cast %get3A_1764 : vector<1x1x1x16xf32> to vector<16xf32>
        %add3A_1766 = arith.addf %add3A_1702, %get3A_1765 : vector<16xf32>
        %get3A_1767 = arith.constant 26 : i32
        %get3A_1768 = arith.index_cast %rem3A_45 : i32 to index
        %get3A_1769 = arith.index_cast %scan3A_103 : i32 to index
        %get3A_1770 = arith.index_cast %get3A_1767 : i32 to index
        %get3A_1771 = arith.constant 16 : index
        %get3A_1772 = tpu.vector_load %arg4[%get3A_1768, %get3A_1769, %get3A_1770, %get3A_1771] {strides = array<i32>} : memref<2x8x32x128xf32, #tpu.memory_space<vmem>>, vector<1x1x1x16xf32>,
        %get3A_1773 = vector.shape_cast %get3A_1772 : vector<1x1x1x16xf32> to vector<16xf32>
        %add3A_1774 = arith.addf %add3A_1710, %get3A_1773 : vector<16xf32>
        %get3A_1775 = arith.constant 26 : i32
        %get3A_1776 = arith.index_cast %rem3A_45 : i32 to index
        %get3A_1777 = arith.index_cast %scan3A_103 : i32 to index
        %get3A_1778 = arith.index_cast %get3A_1775 : i32 to index
        %get3A_1779 = arith.constant 32 : index
        %get3A_1780 = tpu.vector_load %arg4[%get3A_1776, %get3A_1777, %get3A_1778, %get3A_1779] {strides = array<i32>} : memref<2x8x32x128xf32, #tpu.memory_space<vmem>>, vector<1x1x1x16xf32>,
        %get3A_1781 = vector.shape_cast %get3A_1780 : vector<1x1x1x16xf32> to vector<16xf32>
        %add3A_1782 = arith.addf %add3A_1718, %get3A_1781 : vector<16xf32>
        %get3A_1783 = arith.constant 26 : i32
        %get3A_1784 = arith.index_cast %rem3A_45 : i32 to index
        %get3A_1785 = arith.index_cast %scan3A_103 : i32 to index
        %get3A_1786 = arith.index_cast %get3A_1783 : i32 to index
        %get3A_1787 = arith.constant 48 : index
        %get3A_1788 = tpu.vector_load %arg4[%get3A_1784, %get3A_1785, %get3A_1786, %get3A_1787] {strides = array<i32>} : memref<2x8x32x128xf32, #tpu.memory_space<vmem>>, vector<1x1x1x16xf32>,
        %get3A_1789 = vector.shape_cast %get3A_1788 : vector<1x1x1x16xf32> to vector<16xf32>
        %add3A_1790 = arith.addf %add3A_1726, %get3A_1789 : vector<16xf32>
        %get3A_1791 = arith.constant 26 : i32
        %get3A_1792 = arith.index_cast %rem3A_45 : i32 to index
        %get3A_1793 = arith.index_cast %scan3A_103 : i32 to index
        %get3A_1794 = arith.index_cast %get3A_1791 : i32 to index
        %get3A_1795 = arith.constant 64 : index
        %get3A_1796 = tpu.vector_load %arg4[%get3A_1792, %get3A_1793, %get3A_1794, %get3A_1795] {strides = array<i32>} : memref<2x8x32x128xf32, #tpu.memory_space<vmem>>, vector<1x1x1x16xf32>,
        %get3A_1797 = vector.shape_cast %get3A_1796 : vector<1x1x1x16xf32> to vector<16xf32>
        %add3A_1798 = arith.addf %add3A_1734, %get3A_1797 : vector<16xf32>
        %get3A_1799 = arith.constant 26 : i32
        %get3A_1800 = arith.index_cast %rem3A_45 : i32 to index
        %get3A_1801 = arith.index_cast %scan3A_103 : i32 to index
        %get3A_1802 = arith.index_cast %get3A_1799 : i32 to index
        %get3A_1803 = arith.constant 80 : index
        %get3A_1804 = tpu.vector_load %arg4[%get3A_1800, %get3A_1801, %get3A_1802, %get3A_1803] {strides = array<i32>} : memref<2x8x32x128xf32, #tpu.memory_space<vmem>>, vector<1x1x1x16xf32>,
        %get3A_1805 = vector.shape_cast %get3A_1804 : vector<1x1x1x16xf32> to vector<16xf32>
        %add3A_1806 = arith.addf %add3A_1742, %get3A_1805 : vector<16xf32>
        %get3A_1807 = arith.constant 26 : i32
        %get3A_1808 = arith.index_cast %rem3A_45 : i32 to index
        %get3A_1809 = arith.index_cast %scan3A_103 : i32 to index
        %get3A_1810 = arith.index_cast %get3A_1807 : i32 to index
        %get3A_1811 = arith.constant 96 : index
        %get3A_1812 = tpu.vector_load %arg4[%get3A_1808, %get3A_1809, %get3A_1810, %get3A_1811] {strides = array<i32>} : memref<2x8x32x128xf32, #tpu.memory_space<vmem>>, vector<1x1x1x16xf32>,
        %get3A_1813 = vector.shape_cast %get3A_1812 : vector<1x1x1x16xf32> to vector<16xf32>
        %add3A_1814 = arith.addf %add3A_1750, %get3A_1813 : vector<16xf32>
        %get3A_1815 = arith.constant 26 : i32
        %get3A_1816 = arith.index_cast %rem3A_45 : i32 to index
        %get3A_1817 = arith.index_cast %scan3A_103 : i32 to index
        %get3A_1818 = arith.index_cast %get3A_1815 : i32 to index
        %get3A_1819 = arith.constant 112 : index
        %get3A_1820 = tpu.vector_load %arg4[%get3A_1816, %get3A_1817, %get3A_1818, %get3A_1819] {strides = array<i32>} : memref<2x8x32x128xf32, #tpu.memory_space<vmem>>, vector<1x1x1x16xf32>,
        %get3A_1821 = vector.shape_cast %get3A_1820 : vector<1x1x1x16xf32> to vector<16xf32>
        %add3A_1822 = arith.addf %add3A_1758, %get3A_1821 : vector<16xf32>
        %get3A_1823 = arith.constant 27 : i32
        %get3A_1824 = arith.index_cast %rem3A_45 : i32 to index
        %get3A_1825 = arith.index_cast %scan3A_103 : i32 to index
        %get3A_1826 = arith.index_cast %get3A_1823 : i32 to index
        %get3A_1827 = arith.constant 0 : index
        %get3A_1828 = tpu.vector_load %arg4[%get3A_1824, %get3A_1825, %get3A_1826, %get3A_1827] {strides = array<i32>} : memref<2x8x32x128xf32, #tpu.memory_space<vmem>>, vector<1x1x1x16xf32>,
        %get3A_1829 = vector.shape_cast %get3A_1828 : vector<1x1x1x16xf32> to vector<16xf32>
        %add3A_1830 = arith.addf %add3A_1766, %get3A_1829 : vector<16xf32>
        %get3A_1831 = arith.constant 27 : i32
        %get3A_1832 = arith.index_cast %rem3A_45 : i32 to index
        %get3A_1833 = arith.index_cast %scan3A_103 : i32 to index
        %get3A_1834 = arith.index_cast %get3A_1831 : i32 to index
        %get3A_1835 = arith.constant 16 : index
        %get3A_1836 = tpu.vector_load %arg4[%get3A_1832, %get3A_1833, %get3A_1834, %get3A_1835] {strides = array<i32>} : memref<2x8x32x128xf32, #tpu.memory_space<vmem>>, vector<1x1x1x16xf32>,
        %get3A_1837 = vector.shape_cast %get3A_1836 : vector<1x1x1x16xf32> to vector<16xf32>
        %add3A_1838 = arith.addf %add3A_1774, %get3A_1837 : vector<16xf32>
        %get3A_1839 = arith.constant 27 : i32
        %get3A_1840 = arith.index_cast %rem3A_45 : i32 to index
        %get3A_1841 = arith.index_cast %scan3A_103 : i32 to index
        %get3A_1842 = arith.index_cast %get3A_1839 : i32 to index
        %get3A_1843 = arith.constant 32 : index
        %get3A_1844 = tpu.vector_load %arg4[%get3A_1840, %get3A_1841, %get3A_1842, %get3A_1843] {strides = array<i32>} : memref<2x8x32x128xf32, #tpu.memory_space<vmem>>, vector<1x1x1x16xf32>,
        %get3A_1845 = vector.shape_cast %get3A_1844 : vector<1x1x1x16xf32> to vector<16xf32>
        %add3A_1846 = arith.addf %add3A_1782, %get3A_1845 : vector<16xf32>
        %get3A_1847 = arith.constant 27 : i32
        %get3A_1848 = arith.index_cast %rem3A_45 : i32 to index
        %get3A_1849 = arith.index_cast %scan3A_103 : i32 to index
        %get3A_1850 = arith.index_cast %get3A_1847 : i32 to index
        %get3A_1851 = arith.constant 48 : index
        %get3A_1852 = tpu.vector_load %arg4[%get3A_1848, %get3A_1849, %get3A_1850, %get3A_1851] {strides = array<i32>} : memref<2x8x32x128xf32, #tpu.memory_space<vmem>>, vector<1x1x1x16xf32>,
        %get3A_1853 = vector.shape_cast %get3A_1852 : vector<1x1x1x16xf32> to vector<16xf32>
        %add3A_1854 = arith.addf %add3A_1790, %get3A_1853 : vector<16xf32>
        %get3A_1855 = arith.constant 27 : i32
        %get3A_1856 = arith.index_cast %rem3A_45 : i32 to index
        %get3A_1857 = arith.index_cast %scan3A_103 : i32 to index
        %get3A_1858 = arith.index_cast %get3A_1855 : i32 to index
        %get3A_1859 = arith.constant 64 : index
        %get3A_1860 = tpu.vector_load %arg4[%get3A_1856, %get3A_1857, %get3A_1858, %get3A_1859] {strides = array<i32>} : memref<2x8x32x128xf32, #tpu.memory_space<vmem>>, vector<1x1x1x16xf32>,
        %get3A_1861 = vector.shape_cast %get3A_1860 : vector<1x1x1x16xf32> to vector<16xf32>
        %add3A_1862 = arith.addf %add3A_1798, %get3A_1861 : vector<16xf32>
        %get3A_1863 = arith.constant 27 : i32
        %get3A_1864 = arith.index_cast %rem3A_45 : i32 to index
        %get3A_1865 = arith.index_cast %scan3A_103 : i32 to index
        %get3A_1866 = arith.index_cast %get3A_1863 : i32 to index
        %get3A_1867 = arith.constant 80 : index
        %get3A_1868 = tpu.vector_load %arg4[%get3A_1864, %get3A_1865, %get3A_1866, %get3A_1867] {strides = array<i32>} : memref<2x8x32x128xf32, #tpu.memory_space<vmem>>, vector<1x1x1x16xf32>,
        %get3A_1869 = vector.shape_cast %get3A_1868 : vector<1x1x1x16xf32> to vector<16xf32>
        %add3A_1870 = arith.addf %add3A_1806, %get3A_1869 : vector<16xf32>
        %get3A_1871 = arith.constant 27 : i32
        %get3A_1872 = arith.index_cast %rem3A_45 : i32 to index
        %get3A_1873 = arith.index_cast %scan3A_103 : i32 to index
        %get3A_1874 = arith.index_cast %get3A_1871 : i32 to index
        %get3A_1875 = arith.constant 96 : index
        %get3A_1876 = tpu.vector_load %arg4[%get3A_1872, %get3A_1873, %get3A_1874, %get3A_1875] {strides = array<i32>} : memref<2x8x32x128xf32, #tpu.memory_space<vmem>>, vector<1x1x1x16xf32>,
        %get3A_1877 = vector.shape_cast %get3A_1876 : vector<1x1x1x16xf32> to vector<16xf32>
        %add3A_1878 = arith.addf %add3A_1814, %get3A_1877 : vector<16xf32>
        %get3A_1879 = arith.constant 27 : i32
        %get3A_1880 = arith.index_cast %rem3A_45 : i32 to index
        %get3A_1881 = arith.index_cast %scan3A_103 : i32 to index
        %get3A_1882 = arith.index_cast %get3A_1879 : i32 to index
        %get3A_1883 = arith.constant 112 : index
        %get3A_1884 = tpu.vector_load %arg4[%get3A_1880, %get3A_1881, %get3A_1882, %get3A_1883] {strides = array<i32>} : memref<2x8x32x128xf32, #tpu.memory_space<vmem>>, vector<1x1x1x16xf32>,
        %get3A_1885 = vector.shape_cast %get3A_1884 : vector<1x1x1x16xf32> to vector<16xf32>
        %add3A_1886 = arith.addf %add3A_1822, %get3A_1885 : vector<16xf32>
        %get3A_1887 = arith.constant 28 : i32
        %get3A_1888 = arith.index_cast %rem3A_45 : i32 to index
        %get3A_1889 = arith.index_cast %scan3A_103 : i32 to index
        %get3A_1890 = arith.index_cast %get3A_1887 : i32 to index
        %get3A_1891 = arith.constant 0 : index
        %get3A_1892 = tpu.vector_load %arg4[%get3A_1888, %get3A_1889, %get3A_1890, %get3A_1891] {strides = array<i32>} : memref<2x8x32x128xf32, #tpu.memory_space<vmem>>, vector<1x1x1x16xf32>,
        %get3A_1893 = vector.shape_cast %get3A_1892 : vector<1x1x1x16xf32> to vector<16xf32>
        %add3A_1894 = arith.addf %add3A_1830, %get3A_1893 : vector<16xf32>
        %get3A_1895 = arith.constant 28 : i32
        %get3A_1896 = arith.index_cast %rem3A_45 : i32 to index
        %get3A_1897 = arith.index_cast %scan3A_103 : i32 to index
        %get3A_1898 = arith.index_cast %get3A_1895 : i32 to index
        %get3A_1899 = arith.constant 16 : index
        %get3A_1900 = tpu.vector_load %arg4[%get3A_1896, %get3A_1897, %get3A_1898, %get3A_1899] {strides = array<i32>} : memref<2x8x32x128xf32, #tpu.memory_space<vmem>>, vector<1x1x1x16xf32>,
        %get3A_1901 = vector.shape_cast %get3A_1900 : vector<1x1x1x16xf32> to vector<16xf32>
        %add3A_1902 = arith.addf %add3A_1838, %get3A_1901 : vector<16xf32>
        %get3A_1903 = arith.constant 28 : i32
        %get3A_1904 = arith.index_cast %rem3A_45 : i32 to index
        %get3A_1905 = arith.index_cast %scan3A_103 : i32 to index
        %get3A_1906 = arith.index_cast %get3A_1903 : i32 to index
        %get3A_1907 = arith.constant 32 : index
        %get3A_1908 = tpu.vector_load %arg4[%get3A_1904, %get3A_1905, %get3A_1906, %get3A_1907] {strides = array<i32>} : memref<2x8x32x128xf32, #tpu.memory_space<vmem>>, vector<1x1x1x16xf32>,
        %get3A_1909 = vector.shape_cast %get3A_1908 : vector<1x1x1x16xf32> to vector<16xf32>
        %add3A_1910 = arith.addf %add3A_1846, %get3A_1909 : vector<16xf32>
        %get3A_1911 = arith.constant 28 : i32
        %get3A_1912 = arith.index_cast %rem3A_45 : i32 to index
        %get3A_1913 = arith.index_cast %scan3A_103 : i32 to index
        %get3A_1914 = arith.index_cast %get3A_1911 : i32 to index
        %get3A_1915 = arith.constant 48 : index
        %get3A_1916 = tpu.vector_load %arg4[%get3A_1912, %get3A_1913, %get3A_1914, %get3A_1915] {strides = array<i32>} : memref<2x8x32x128xf32, #tpu.memory_space<vmem>>, vector<1x1x1x16xf32>,
        %get3A_1917 = vector.shape_cast %get3A_1916 : vector<1x1x1x16xf32> to vector<16xf32>
        %add3A_1918 = arith.addf %add3A_1854, %get3A_1917 : vector<16xf32>
        %get3A_1919 = arith.constant 28 : i32
        %get3A_1920 = arith.index_cast %rem3A_45 : i32 to index
        %get3A_1921 = arith.index_cast %scan3A_103 : i32 to index
        %get3A_1922 = arith.index_cast %get3A_1919 : i32 to index
        %get3A_1923 = arith.constant 64 : index
        %get3A_1924 = tpu.vector_load %arg4[%get3A_1920, %get3A_1921, %get3A_1922, %get3A_1923] {strides = array<i32>} : memref<2x8x32x128xf32, #tpu.memory_space<vmem>>, vector<1x1x1x16xf32>,
        %get3A_1925 = vector.shape_cast %get3A_1924 : vector<1x1x1x16xf32> to vector<16xf32>
        %add3A_1926 = arith.addf %add3A_1862, %get3A_1925 : vector<16xf32>
        %get3A_1927 = arith.constant 28 : i32
        %get3A_1928 = arith.index_cast %rem3A_45 : i32 to index
        %get3A_1929 = arith.index_cast %scan3A_103 : i32 to index
        %get3A_1930 = arith.index_cast %get3A_1927 : i32 to index
        %get3A_1931 = arith.constant 80 : index
        %get3A_1932 = tpu.vector_load %arg4[%get3A_1928, %get3A_1929, %get3A_1930, %get3A_1931] {strides = array<i32>} : memref<2x8x32x128xf32, #tpu.memory_space<vmem>>, vector<1x1x1x16xf32>,
        %get3A_1933 = vector.shape_cast %get3A_1932 : vector<1x1x1x16xf32> to vector<16xf32>
        %add3A_1934 = arith.addf %add3A_1870, %get3A_1933 : vector<16xf32>
        %get3A_1935 = arith.constant 28 : i32
        %get3A_1936 = arith.index_cast %rem3A_45 : i32 to index
        %get3A_1937 = arith.index_cast %scan3A_103 : i32 to index
        %get3A_1938 = arith.index_cast %get3A_1935 : i32 to index
        %get3A_1939 = arith.constant 96 : index
        %get3A_1940 = tpu.vector_load %arg4[%get3A_1936, %get3A_1937, %get3A_1938, %get3A_1939] {strides = array<i32>} : memref<2x8x32x128xf32, #tpu.memory_space<vmem>>, vector<1x1x1x16xf32>,
        %get3A_1941 = vector.shape_cast %get3A_1940 : vector<1x1x1x16xf32> to vector<16xf32>
        %add3A_1942 = arith.addf %add3A_1878, %get3A_1941 : vector<16xf32>
        %get3A_1943 = arith.constant 28 : i32
        %get3A_1944 = arith.index_cast %rem3A_45 : i32 to index
        %get3A_1945 = arith.index_cast %scan3A_103 : i32 to index
        %get3A_1946 = arith.index_cast %get3A_1943 : i32 to index
        %get3A_1947 = arith.constant 112 : index
        %get3A_1948 = tpu.vector_load %arg4[%get3A_1944, %get3A_1945, %get3A_1946, %get3A_1947] {strides = array<i32>} : memref<2x8x32x128xf32, #tpu.memory_space<vmem>>, vector<1x1x1x16xf32>,
        %get3A_1949 = vector.shape_cast %get3A_1948 : vector<1x1x1x16xf32> to vector<16xf32>
        %add3A_1950 = arith.addf %add3A_1886, %get3A_1949 : vector<16xf32>
        %get3A_1951 = arith.constant 29 : i32
        %get3A_1952 = arith.index_cast %rem3A_45 : i32 to index
        %get3A_1953 = arith.index_cast %scan3A_103 : i32 to index
        %get3A_1954 = arith.index_cast %get3A_1951 : i32 to index
        %get3A_1955 = arith.constant 0 : index
        %get3A_1956 = tpu.vector_load %arg4[%get3A_1952, %get3A_1953, %get3A_1954, %get3A_1955] {strides = array<i32>} : memref<2x8x32x128xf32, #tpu.memory_space<vmem>>, vector<1x1x1x16xf32>,
        %get3A_1957 = vector.shape_cast %get3A_1956 : vector<1x1x1x16xf32> to vector<16xf32>
        %add3A_1958 = arith.addf %add3A_1894, %get3A_1957 : vector<16xf32>
        %get3A_1959 = arith.constant 29 : i32
        %get3A_1960 = arith.index_cast %rem3A_45 : i32 to index
        %get3A_1961 = arith.index_cast %scan3A_103 : i32 to index
        %get3A_1962 = arith.index_cast %get3A_1959 : i32 to index
        %get3A_1963 = arith.constant 16 : index
        %get3A_1964 = tpu.vector_load %arg4[%get3A_1960, %get3A_1961, %get3A_1962, %get3A_1963] {strides = array<i32>} : memref<2x8x32x128xf32, #tpu.memory_space<vmem>>, vector<1x1x1x16xf32>,
        %get3A_1965 = vector.shape_cast %get3A_1964 : vector<1x1x1x16xf32> to vector<16xf32>
        %add3A_1966 = arith.addf %add3A_1902, %get3A_1965 : vector<16xf32>
        %get3A_1967 = arith.constant 29 : i32
        %get3A_1968 = arith.index_cast %rem3A_45 : i32 to index
        %get3A_1969 = arith.index_cast %scan3A_103 : i32 to index
        %get3A_1970 = arith.index_cast %get3A_1967 : i32 to index
        %get3A_1971 = arith.constant 32 : index
        %get3A_1972 = tpu.vector_load %arg4[%get3A_1968, %get3A_1969, %get3A_1970, %get3A_1971] {strides = array<i32>} : memref<2x8x32x128xf32, #tpu.memory_space<vmem>>, vector<1x1x1x16xf32>,
        %get3A_1973 = vector.shape_cast %get3A_1972 : vector<1x1x1x16xf32> to vector<16xf32>
        %add3A_1974 = arith.addf %add3A_1910, %get3A_1973 : vector<16xf32>
        %get3A_1975 = arith.constant 29 : i32
        %get3A_1976 = arith.index_cast %rem3A_45 : i32 to index
        %get3A_1977 = arith.index_cast %scan3A_103 : i32 to index
        %get3A_1978 = arith.index_cast %get3A_1975 : i32 to index
        %get3A_1979 = arith.constant 48 : index
        %get3A_1980 = tpu.vector_load %arg4[%get3A_1976, %get3A_1977, %get3A_1978, %get3A_1979] {strides = array<i32>} : memref<2x8x32x128xf32, #tpu.memory_space<vmem>>, vector<1x1x1x16xf32>,
        %get3A_1981 = vector.shape_cast %get3A_1980 : vector<1x1x1x16xf32> to vector<16xf32>
        %add3A_1982 = arith.addf %add3A_1918, %get3A_1981 : vector<16xf32>
        %get3A_1983 = arith.constant 29 : i32
        %get3A_1984 = arith.index_cast %rem3A_45 : i32 to index
        %get3A_1985 = arith.index_cast %scan3A_103 : i32 to index
        %get3A_1986 = arith.index_cast %get3A_1983 : i32 to index
        %get3A_1987 = arith.constant 64 : index
        %get3A_1988 = tpu.vector_load %arg4[%get3A_1984, %get3A_1985, %get3A_1986, %get3A_1987] {strides = array<i32>} : memref<2x8x32x128xf32, #tpu.memory_space<vmem>>, vector<1x1x1x16xf32>,
        %get3A_1989 = vector.shape_cast %get3A_1988 : vector<1x1x1x16xf32> to vector<16xf32>
        %add3A_1990 = arith.addf %add3A_1926, %get3A_1989 : vector<16xf32>
        %get3A_1991 = arith.constant 29 : i32
        %get3A_1992 = arith.index_cast %rem3A_45 : i32 to index
        %get3A_1993 = arith.index_cast %scan3A_103 : i32 to index
        %get3A_1994 = arith.index_cast %get3A_1991 : i32 to index
        %get3A_1995 = arith.constant 80 : index
        %get3A_1996 = tpu.vector_load %arg4[%get3A_1992, %get3A_1993, %get3A_1994, %get3A_1995] {strides = array<i32>} : memref<2x8x32x128xf32, #tpu.memory_space<vmem>>, vector<1x1x1x16xf32>,
        %get3A_1997 = vector.shape_cast %get3A_1996 : vector<1x1x1x16xf32> to vector<16xf32>
        %add3A_1998 = arith.addf %add3A_1934, %get3A_1997 : vector<16xf32>
        %get3A_1999 = arith.constant 29 : i32
        %get3A_2000 = arith.index_cast %rem3A_45 : i32 to index
        %get3A_2001 = arith.index_cast %scan3A_103 : i32 to index
        %get3A_2002 = arith.index_cast %get3A_1999 : i32 to index
        %get3A_2003 = arith.constant 96 : index
        %get3A_2004 = tpu.vector_load %arg4[%get3A_2000, %get3A_2001, %get3A_2002, %get3A_2003] {strides = array<i32>} : memref<2x8x32x128xf32, #tpu.memory_space<vmem>>, vector<1x1x1x16xf32>,
        %get3A_2005 = vector.shape_cast %get3A_2004 : vector<1x1x1x16xf32> to vector<16xf32>
        %add3A_2006 = arith.addf %add3A_1942, %get3A_2005 : vector<16xf32>
        %get3A_2007 = arith.constant 29 : i32
        %get3A_2008 = arith.index_cast %rem3A_45 : i32 to index
        %get3A_2009 = arith.index_cast %scan3A_103 : i32 to index
        %get3A_2010 = arith.index_cast %get3A_2007 : i32 to index
        %get3A_2011 = arith.constant 112 : index
        %get3A_2012 = tpu.vector_load %arg4[%get3A_2008, %get3A_2009, %get3A_2010, %get3A_2011] {strides = array<i32>} : memref<2x8x32x128xf32, #tpu.memory_space<vmem>>, vector<1x1x1x16xf32>,
        %get3A_2013 = vector.shape_cast %get3A_2012 : vector<1x1x1x16xf32> to vector<16xf32>
        %add3A_2014 = arith.addf %add3A_1950, %get3A_2013 : vector<16xf32>
        %get3A_2015 = arith.constant 30 : i32
        %get3A_2016 = arith.index_cast %rem3A_45 : i32 to index
        %get3A_2017 = arith.index_cast %scan3A_103 : i32 to index
        %get3A_2018 = arith.index_cast %get3A_2015 : i32 to index
        %get3A_2019 = arith.constant 0 : index
        %get3A_2020 = tpu.vector_load %arg4[%get3A_2016, %get3A_2017, %get3A_2018, %get3A_2019] {strides = array<i32>} : memref<2x8x32x128xf32, #tpu.memory_space<vmem>>, vector<1x1x1x16xf32>,
        %get3A_2021 = vector.shape_cast %get3A_2020 : vector<1x1x1x16xf32> to vector<16xf32>
        %add3A_2022 = arith.addf %add3A_1958, %get3A_2021 : vector<16xf32>
        %get3A_2023 = arith.constant 30 : i32
        %get3A_2024 = arith.index_cast %rem3A_45 : i32 to index
        %get3A_2025 = arith.index_cast %scan3A_103 : i32 to index
        %get3A_2026 = arith.index_cast %get3A_2023 : i32 to index
        %get3A_2027 = arith.constant 16 : index
        %get3A_2028 = tpu.vector_load %arg4[%get3A_2024, %get3A_2025, %get3A_2026, %get3A_2027] {strides = array<i32>} : memref<2x8x32x128xf32, #tpu.memory_space<vmem>>, vector<1x1x1x16xf32>,
        %get3A_2029 = vector.shape_cast %get3A_2028 : vector<1x1x1x16xf32> to vector<16xf32>
        %add3A_2030 = arith.addf %add3A_1966, %get3A_2029 : vector<16xf32>
        %get3A_2031 = arith.constant 30 : i32
        %get3A_2032 = arith.index_cast %rem3A_45 : i32 to index
        %get3A_2033 = arith.index_cast %scan3A_103 : i32 to index
        %get3A_2034 = arith.index_cast %get3A_2031 : i32 to index
        %get3A_2035 = arith.constant 32 : index
        %get3A_2036 = tpu.vector_load %arg4[%get3A_2032, %get3A_2033, %get3A_2034, %get3A_2035] {strides = array<i32>} : memref<2x8x32x128xf32, #tpu.memory_space<vmem>>, vector<1x1x1x16xf32>,
        %get3A_2037 = vector.shape_cast %get3A_2036 : vector<1x1x1x16xf32> to vector<16xf32>
        %add3A_2038 = arith.addf %add3A_1974, %get3A_2037 : vector<16xf32>
        %get3A_2039 = arith.constant 30 : i32
        %get3A_2040 = arith.index_cast %rem3A_45 : i32 to index
        %get3A_2041 = arith.index_cast %scan3A_103 : i32 to index
        %get3A_2042 = arith.index_cast %get3A_2039 : i32 to index
        %get3A_2043 = arith.constant 48 : index
        %get3A_2044 = tpu.vector_load %arg4[%get3A_2040, %get3A_2041, %get3A_2042, %get3A_2043] {strides = array<i32>} : memref<2x8x32x128xf32, #tpu.memory_space<vmem>>, vector<1x1x1x16xf32>,
        %get3A_2045 = vector.shape_cast %get3A_2044 : vector<1x1x1x16xf32> to vector<16xf32>
        %add3A_2046 = arith.addf %add3A_1982, %get3A_2045 : vector<16xf32>
        %get3A_2047 = arith.constant 30 : i32
        %get3A_2048 = arith.index_cast %rem3A_45 : i32 to index
        %get3A_2049 = arith.index_cast %scan3A_103 : i32 to index
        %get3A_2050 = arith.index_cast %get3A_2047 : i32 to index
        %get3A_2051 = arith.constant 64 : index
        %get3A_2052 = tpu.vector_load %arg4[%get3A_2048, %get3A_2049, %get3A_2050, %get3A_2051] {strides = array<i32>} : memref<2x8x32x128xf32, #tpu.memory_space<vmem>>, vector<1x1x1x16xf32>,
        %get3A_2053 = vector.shape_cast %get3A_2052 : vector<1x1x1x16xf32> to vector<16xf32>
        %add3A_2054 = arith.addf %add3A_1990, %get3A_2053 : vector<16xf32>
        %get3A_2055 = arith.constant 30 : i32
        %get3A_2056 = arith.index_cast %rem3A_45 : i32 to index
        %get3A_2057 = arith.index_cast %scan3A_103 : i32 to index
        %get3A_2058 = arith.index_cast %get3A_2055 : i32 to index
        %get3A_2059 = arith.constant 80 : index
        %get3A_2060 = tpu.vector_load %arg4[%get3A_2056, %get3A_2057, %get3A_2058, %get3A_2059] {strides = array<i32>} : memref<2x8x32x128xf32, #tpu.memory_space<vmem>>, vector<1x1x1x16xf32>,
        %get3A_2061 = vector.shape_cast %get3A_2060 : vector<1x1x1x16xf32> to vector<16xf32>
        %add3A_2062 = arith.addf %add3A_1998, %get3A_2061 : vector<16xf32>
        %get3A_2063 = arith.constant 30 : i32
        %get3A_2064 = arith.index_cast %rem3A_45 : i32 to index
        %get3A_2065 = arith.index_cast %scan3A_103 : i32 to index
        %get3A_2066 = arith.index_cast %get3A_2063 : i32 to index
        %get3A_2067 = arith.constant 96 : index
        %get3A_2068 = tpu.vector_load %arg4[%get3A_2064, %get3A_2065, %get3A_2066, %get3A_2067] {strides = array<i32>} : memref<2x8x32x128xf32, #tpu.memory_space<vmem>>, vector<1x1x1x16xf32>,
        %get3A_2069 = vector.shape_cast %get3A_2068 : vector<1x1x1x16xf32> to vector<16xf32>
        %add3A_2070 = arith.addf %add3A_2006, %get3A_2069 : vector<16xf32>
        %get3A_2071 = arith.constant 30 : i32
        %get3A_2072 = arith.index_cast %rem3A_45 : i32 to index
        %get3A_2073 = arith.index_cast %scan3A_103 : i32 to index
        %get3A_2074 = arith.index_cast %get3A_2071 : i32 to index
        %get3A_2075 = arith.constant 112 : index
        %get3A_2076 = tpu.vector_load %arg4[%get3A_2072, %get3A_2073, %get3A_2074, %get3A_2075] {strides = array<i32>} : memref<2x8x32x128xf32, #tpu.memory_space<vmem>>, vector<1x1x1x16xf32>,
        %get3A_2077 = vector.shape_cast %get3A_2076 : vector<1x1x1x16xf32> to vector<16xf32>
        %add3A_2078 = arith.addf %add3A_2014, %get3A_2077 : vector<16xf32>
        %get3A_2079 = arith.constant 31 : i32
        %get3A_2080 = arith.index_cast %rem3A_45 : i32 to index
        %get3A_2081 = arith.index_cast %scan3A_103 : i32 to index
        %get3A_2082 = arith.index_cast %get3A_2079 : i32 to index
        %get3A_2083 = arith.constant 0 : index
        %get3A_2084 = tpu.vector_load %arg4[%get3A_2080, %get3A_2081, %get3A_2082, %get3A_2083] {strides = array<i32>} : memref<2x8x32x128xf32, #tpu.memory_space<vmem>>, vector<1x1x1x16xf32>,
        %get3A_2085 = vector.shape_cast %get3A_2084 : vector<1x1x1x16xf32> to vector<16xf32>
        %add3A_2086 = arith.addf %add3A_2022, %get3A_2085 : vector<16xf32>
        %get3A_2087 = arith.constant 31 : i32
        %get3A_2088 = arith.index_cast %rem3A_45 : i32 to index
        %get3A_2089 = arith.index_cast %scan3A_103 : i32 to index
        %get3A_2090 = arith.index_cast %get3A_2087 : i32 to index
        %get3A_2091 = arith.constant 16 : index
        %get3A_2092 = tpu.vector_load %arg4[%get3A_2088, %get3A_2089, %get3A_2090, %get3A_2091] {strides = array<i32>} : memref<2x8x32x128xf32, #tpu.memory_space<vmem>>, vector<1x1x1x16xf32>,
        %get3A_2093 = vector.shape_cast %get3A_2092 : vector<1x1x1x16xf32> to vector<16xf32>
        %add3A_2094 = arith.addf %add3A_2030, %get3A_2093 : vector<16xf32>
        %get3A_2095 = arith.constant 31 : i32
        %get3A_2096 = arith.index_cast %rem3A_45 : i32 to index
        %get3A_2097 = arith.index_cast %scan3A_103 : i32 to index
        %get3A_2098 = arith.index_cast %get3A_2095 : i32 to index
        %get3A_2099 = arith.constant 32 : index
        %get3A_2100 = tpu.vector_load %arg4[%get3A_2096, %get3A_2097, %get3A_2098, %get3A_2099] {strides = array<i32>} : memref<2x8x32x128xf32, #tpu.memory_space<vmem>>, vector<1x1x1x16xf32>,
        %get3A_2101 = vector.shape_cast %get3A_2100 : vector<1x1x1x16xf32> to vector<16xf32>
        %add3A_2102 = arith.addf %add3A_2038, %get3A_2101 : vector<16xf32>
        %get3A_2103 = arith.constant 31 : i32
        %get3A_2104 = arith.index_cast %rem3A_45 : i32 to index
        %get3A_2105 = arith.index_cast %scan3A_103 : i32 to index
        %get3A_2106 = arith.index_cast %get3A_2103 : i32 to index
        %get3A_2107 = arith.constant 48 : index
        %get3A_2108 = tpu.vector_load %arg4[%get3A_2104, %get3A_2105, %get3A_2106, %get3A_2107] {strides = array<i32>} : memref<2x8x32x128xf32, #tpu.memory_space<vmem>>, vector<1x1x1x16xf32>,
        %get3A_2109 = vector.shape_cast %get3A_2108 : vector<1x1x1x16xf32> to vector<16xf32>
        %add3A_2110 = arith.addf %add3A_2046, %get3A_2109 : vector<16xf32>
        %get3A_2111 = arith.constant 31 : i32
        %get3A_2112 = arith.index_cast %rem3A_45 : i32 to index
        %get3A_2113 = arith.index_cast %scan3A_103 : i32 to index
        %get3A_2114 = arith.index_cast %get3A_2111 : i32 to index
        %get3A_2115 = arith.constant 64 : index
        %get3A_2116 = tpu.vector_load %arg4[%get3A_2112, %get3A_2113, %get3A_2114, %get3A_2115] {strides = array<i32>} : memref<2x8x32x128xf32, #tpu.memory_space<vmem>>, vector<1x1x1x16xf32>,
        %get3A_2117 = vector.shape_cast %get3A_2116 : vector<1x1x1x16xf32> to vector<16xf32>
        %add3A_2118 = arith.addf %add3A_2054, %get3A_2117 : vector<16xf32>
        %get3A_2119 = arith.constant 31 : i32
        %get3A_2120 = arith.index_cast %rem3A_45 : i32 to index
        %get3A_2121 = arith.index_cast %scan3A_103 : i32 to index
        %get3A_2122 = arith.index_cast %get3A_2119 : i32 to index
        %get3A_2123 = arith.constant 80 : index
        %get3A_2124 = tpu.vector_load %arg4[%get3A_2120, %get3A_2121, %get3A_2122, %get3A_2123] {strides = array<i32>} : memref<2x8x32x128xf32, #tpu.memory_space<vmem>>, vector<1x1x1x16xf32>,
        %get3A_2125 = vector.shape_cast %get3A_2124 : vector<1x1x1x16xf32> to vector<16xf32>
        %add3A_2126 = arith.addf %add3A_2062, %get3A_2125 : vector<16xf32>
        %get3A_2127 = arith.constant 31 : i32
        %get3A_2128 = arith.index_cast %rem3A_45 : i32 to index
        %get3A_2129 = arith.index_cast %scan3A_103 : i32 to index
        %get3A_2130 = arith.index_cast %get3A_2127 : i32 to index
        %get3A_2131 = arith.constant 96 : index
        %get3A_2132 = tpu.vector_load %arg4[%get3A_2128, %get3A_2129, %get3A_2130, %get3A_2131] {strides = array<i32>} : memref<2x8x32x128xf32, #tpu.memory_space<vmem>>, vector<1x1x1x16xf32>,
        %get3A_2133 = vector.shape_cast %get3A_2132 : vector<1x1x1x16xf32> to vector<16xf32>
        %add3A_2134 = arith.addf %add3A_2070, %get3A_2133 : vector<16xf32>
        %get3A_2135 = arith.constant 31 : i32
        %get3A_2136 = arith.index_cast %rem3A_45 : i32 to index
        %get3A_2137 = arith.index_cast %scan3A_103 : i32 to index
        %get3A_2138 = arith.index_cast %get3A_2135 : i32 to index
        %get3A_2139 = arith.constant 112 : index
        %get3A_2140 = tpu.vector_load %arg4[%get3A_2136, %get3A_2137, %get3A_2138, %get3A_2139] {strides = array<i32>} : memref<2x8x32x128xf32, #tpu.memory_space<vmem>>, vector<1x1x1x16xf32>,
        %get3A_2141 = vector.shape_cast %get3A_2140 : vector<1x1x1x16xf32> to vector<16xf32>
        %add3A_2142 = arith.addf %add3A_2078, %get3A_2141 : vector<16xf32>
        %mul3A_2143 = arith.constant 3.125000e-02 : f32
        %mul3A_2144 = vector.broadcast %mul3A_2143 : f32 to vector<16xf32>
        %mul3A_2145 = arith.mulf %add3A_2086, %mul3A_2144 : vector<16xf32>
        %swap3A = arith.index_cast %rem3A_45 : i32 to index
        %swap3A_2146 = arith.index_cast %scan3A_103 : i32 to index
        %swap3A_2147 = arith.constant 0 : index
        %swap3A_2148 = tpu.vector_load %arg5[%swap3A, %swap3A_2146, %swap3A_2147] {strides = array<i32>} : memref<2x8x128xf32, #tpu.memory_space<vmem>>, vector<1x1x16xf32>,
        %swap3A_2149 = vector.shape_cast %swap3A_2148 : vector<1x1x16xf32> to vector<16xf32>
        %swap3A_2150 = vector.shape_cast %mul3A_2145 : vector<16xf32> to vector<1x1x16xf32>
        tpu.vector_store %arg5[%swap3A, %swap3A_2146, %swap3A_2147], %swap3A_2150 {strides = array<i32>} : memref<2x8x128xf32, #tpu.memory_space<vmem>>, vector<1x1x16xf32>,
        %mul3A_2151 = arith.constant 3.125000e-02 : f32
        %mul3A_2152 = vector.broadcast %mul3A_2151 : f32 to vector<16xf32>
        %mul3A_2153 = arith.mulf %add3A_2094, %mul3A_2152 : vector<16xf32>
        %swap3A_2154 = arith.index_cast %rem3A_45 : i32 to index
        %swap3A_2155 = arith.index_cast %scan3A_103 : i32 to index
        %swap3A_2156 = arith.constant 16 : index
        %swap3A_2157 = tpu.vector_load %arg5[%swap3A_2154, %swap3A_2155, %swap3A_2156] {strides = array<i32>} : memref<2x8x128xf32, #tpu.memory_space<vmem>>, vector<1x1x16xf32>,
        %swap3A_2158 = vector.shape_cast %swap3A_2157 : vector<1x1x16xf32> to vector<16xf32>
        %swap3A_2159 = vector.shape_cast %mul3A_2153 : vector<16xf32> to vector<1x1x16xf32>
        tpu.vector_store %arg5[%swap3A_2154, %swap3A_2155, %swap3A_2156], %swap3A_2159 {strides = array<i32>} : memref<2x8x128xf32, #tpu.memory_space<vmem>>, vector<1x1x16xf32>,
        %mul3A_2160 = arith.constant 3.125000e-02 : f32
        %mul3A_2161 = vector.broadcast %mul3A_2160 : f32 to vector<16xf32>
        %mul3A_2162 = arith.mulf %add3A_2102, %mul3A_2161 : vector<16xf32>
        %swap3A_2163 = arith.index_cast %rem3A_45 : i32 to index
        %swap3A_2164 = arith.index_cast %scan3A_103 : i32 to index
        %swap3A_2165 = arith.constant 32 : index
        %swap3A_2166 = tpu.vector_load %arg5[%swap3A_2163, %swap3A_2164, %swap3A_2165] {strides = array<i32>} : memref<2x8x128xf32, #tpu.memory_space<vmem>>, vector<1x1x16xf32>,
        %swap3A_2167 = vector.shape_cast %swap3A_2166 : vector<1x1x16xf32> to vector<16xf32>
        %swap3A_2168 = vector.shape_cast %mul3A_2162 : vector<16xf32> to vector<1x1x16xf32>
        tpu.vector_store %arg5[%swap3A_2163, %swap3A_2164, %swap3A_2165], %swap3A_2168 {strides = array<i32>} : memref<2x8x128xf32, #tpu.memory_space<vmem>>, vector<1x1x16xf32>,
        %mul3A_2169 = arith.constant 3.125000e-02 : f32
        %mul3A_2170 = vector.broadcast %mul3A_2169 : f32 to vector<16xf32>
        %mul3A_2171 = arith.mulf %add3A_2110, %mul3A_2170 : vector<16xf32>
        %swap3A_2172 = arith.index_cast %rem3A_45 : i32 to index
        %swap3A_2173 = arith.index_cast %scan3A_103 : i32 to index
        %swap3A_2174 = arith.constant 48 : index
        %swap3A_2175 = tpu.vector_load %arg5[%swap3A_2172, %swap3A_2173, %swap3A_2174] {strides = array<i32>} : memref<2x8x128xf32, #tpu.memory_space<vmem>>, vector<1x1x16xf32>,
        %swap3A_2176 = vector.shape_cast %swap3A_2175 : vector<1x1x16xf32> to vector<16xf32>
        %swap3A_2177 = vector.shape_cast %mul3A_2171 : vector<16xf32> to vector<1x1x16xf32>
        tpu.vector_store %arg5[%swap3A_2172, %swap3A_2173, %swap3A_2174], %swap3A_2177 {strides = array<i32>} : memref<2x8x128xf32, #tpu.memory_space<vmem>>, vector<1x1x16xf32>,
        %mul3A_2178 = arith.constant 3.125000e-02 : f32
        %mul3A_2179 = vector.broadcast %mul3A_2178 : f32 to vector<16xf32>
        %mul3A_2180 = arith.mulf %add3A_2118, %mul3A_2179 : vector<16xf32>
        %swap3A_2181 = arith.index_cast %rem3A_45 : i32 to index
        %swap3A_2182 = arith.index_cast %scan3A_103 : i32 to index
        %swap3A_2183 = arith.constant 64 : index
        %swap3A_2184 = tpu.vector_load %arg5[%swap3A_2181, %swap3A_2182, %swap3A_2183] {strides = array<i32>} : memref<2x8x128xf32, #tpu.memory_space<vmem>>, vector<1x1x16xf32>,
        %swap3A_2185 = vector.shape_cast %swap3A_2184 : vector<1x1x16xf32> to vector<16xf32>
        %swap3A_2186 = vector.shape_cast %mul3A_2180 : vector<16xf32> to vector<1x1x16xf32>
        tpu.vector_store %arg5[%swap3A_2181, %swap3A_2182, %swap3A_2183], %swap3A_2186 {strides = array<i32>} : memref<2x8x128xf32, #tpu.memory_space<vmem>>, vector<1x1x16xf32>,
        %mul3A_2187 = arith.constant 3.125000e-02 : f32
        %mul3A_2188 = vector.broadcast %mul3A_2187 : f32 to vector<16xf32>
        %mul3A_2189 = arith.mulf %add3A_2126, %mul3A_2188 : vector<16xf32>
        %swap3A_2190 = arith.index_cast %rem3A_45 : i32 to index
        %swap3A_2191 = arith.index_cast %scan3A_103 : i32 to index
        %swap3A_2192 = arith.constant 80 : index
        %swap3A_2193 = tpu.vector_load %arg5[%swap3A_2190, %swap3A_2191, %swap3A_2192] {strides = array<i32>} : memref<2x8x128xf32, #tpu.memory_space<vmem>>, vector<1x1x16xf32>,
        %swap3A_2194 = vector.shape_cast %swap3A_2193 : vector<1x1x16xf32> to vector<16xf32>
        %swap3A_2195 = vector.shape_cast %mul3A_2189 : vector<16xf32> to vector<1x1x16xf32>
        tpu.vector_store %arg5[%swap3A_2190, %swap3A_2191, %swap3A_2192], %swap3A_2195 {strides = array<i32>} : memref<2x8x128xf32, #tpu.memory_space<vmem>>, vector<1x1x16xf32>,
        %mul3A_2196 = arith.constant 3.125000e-02 : f32
        %mul3A_2197 = vector.broadcast %mul3A_2196 : f32 to vector<16xf32>
        %mul3A_2198 = arith.mulf %add3A_2134, %mul3A_2197 : vector<16xf32>
        %swap3A_2199 = arith.index_cast %rem3A_45 : i32 to index
        %swap3A_2200 = arith.index_cast %scan3A_103 : i32 to index
        %swap3A_2201 = arith.constant 96 : index
        %swap3A_2202 = tpu.vector_load %arg5[%swap3A_2199, %swap3A_2200, %swap3A_2201] {strides = array<i32>} : memref<2x8x128xf32, #tpu.memory_space<vmem>>, vector<1x1x16xf32>,
        %swap3A_2203 = vector.shape_cast %swap3A_2202 : vector<1x1x16xf32> to vector<16xf32>
        %swap3A_2204 = vector.shape_cast %mul3A_2198 : vector<16xf32> to vector<1x1x16xf32>
        tpu.vector_store %arg5[%swap3A_2199, %swap3A_2200, %swap3A_2201], %swap3A_2204 {strides = array<i32>} : memref<2x8x128xf32, #tpu.memory_space<vmem>>, vector<1x1x16xf32>,
        %mul3A_2205 = arith.constant 3.125000e-02 : f32
        %mul3A_2206 = vector.broadcast %mul3A_2205 : f32 to vector<16xf32>
        %mul3A_2207 = arith.mulf %add3A_2142, %mul3A_2206 : vector<16xf32>
        %swap3A_2208 = arith.index_cast %rem3A_45 : i32 to index
        %swap3A_2209 = arith.index_cast %scan3A_103 : i32 to index
        %swap3A_2210 = arith.constant 112 : index
        %swap3A_2211 = tpu.vector_load %arg5[%swap3A_2208, %swap3A_2209, %swap3A_2210] {strides = array<i32>} : memref<2x8x128xf32, #tpu.memory_space<vmem>>, vector<1x1x16xf32>,
        %swap3A_2212 = vector.shape_cast %swap3A_2211 : vector<1x1x16xf32> to vector<16xf32>
        %swap3A_2213 = vector.shape_cast %mul3A_2207 : vector<16xf32> to vector<1x1x16xf32>
        tpu.vector_store %arg5[%swap3A_2208, %swap3A_2209, %swap3A_2210], %swap3A_2213 {strides = array<i32>} : memref<2x8x128xf32, #tpu.memory_space<vmem>>, vector<1x1x16xf32>,
      }
      %scan3A_84 = arith.constant 8 : i32
      %mul3A_85 = arith.constant 32 : i32
      %mul3A_86 = arith.muli %while3A_43, %mul3A_85 : i32
      %add3A_87 = arith.addi %add3A, %mul3A_86 : i32
      %mul3A_88 = arith.constant 8 : i32
      %mul3A_89 = arith.muli %add3A_87, %mul3A_88 : i32
      %dma_start3A = arith.constant 0 : i32
      %dma_start3A_90 = arith.constant 0 : i32
      %dma_start3A_91 = tpu.memref_slice %arg5[%rem3A_45, %dma_start3A, %dma_start3A_90] : memref<2x8x128xf32, #tpu.memory_space<vmem>> -> memref<1x8x128xf32, #tpu.memory_space<vmem>>
      %dma_start3A_92 = tpu.memref_squeeze %dma_start3A_91 : memref<1x8x128xf32, #tpu.memory_space<vmem>> -> memref<8x128xf32, #tpu.memory_space<vmem>>
      %dma_start3A_93 = arith.constant 0 : i32
      %dma_start3A_94 = tpu.memref_slice %arg3[%mul3A_89, %dma_start3A_93] : memref<2800x128xf32, #tpu.memory_space<hbm>> -> memref<8x128xf32, #tpu.memory_space<hbm>>
      %dma_start3A_95 = tpu.memref_slice %arg7[%rem3A_45] : memref<2x!tpu.dma_semaphore, #tpu.memory_space<semaphore_mem>> -> memref<1x!tpu.dma_semaphore, #tpu.memory_space<semaphore_mem>>
      %dma_start3A_96 = tpu.memref_squeeze %dma_start3A_95 : memref<1x!tpu.dma_semaphore, #tpu.memory_space<semaphore_mem>> -> memref<!tpu.dma_semaphore, #tpu.memory_space<semaphore_mem>>
      %dma_start3A_97 = arith.constant 0 : i32
      %dma_start3A_98 = tpu.memref_slice %arg3[%mul3A_89, %dma_start3A_97] : memref<2800x128xf32, #tpu.memory_space<hbm>> -> memref<8x128xf32, #tpu.memory_space<hbm>>
      %dma_start3A_99 = arith.constant 0 : i32
      %dma_start3A_100 = arith.constant 0 : i32
      %dma_start3A_101 = tpu.memref_slice %arg5[%rem3A_45, %dma_start3A_99, %dma_start3A_100] : memref<2x8x128xf32, #tpu.memory_space<vmem>> -> memref<1x8x128xf32, #tpu.memory_space<vmem>>
      %dma_start3A_102 = tpu.memref_squeeze %dma_start3A_101 : memref<1x8x128xf32, #tpu.memory_space<vmem>> -> memref<8x128xf32, #tpu.memory_space<vmem>>
      tpu.enqueue_dma source(%dma_start3A_102 : memref<8x128xf32, #tpu.memory_space<vmem>>) target(%dma_start3A_98 : memref<8x128xf32, #tpu.memory_space<hbm>>) target_semaphore(%dma_start3A_96 : memref<!tpu.dma_semaphore, #tpu.memory_space<semaphore_mem>>)
    }
    %while3A_33 = arith.constant 1 : i32
    scf.for %while3A_43 = %while3A_31 to %while3A_27 step %while3A_33  : i32 {
      %rem3A_44 = arith.constant 2 : i32
      %rem3A_45 = arith.remsi %while3A_43, %rem3A_44 : i32
      %mul3A_46 = arith.constant 32 : i32
      %mul3A_47 = arith.muli %while3A_43, %mul3A_46 : i32
      %add3A_48 = arith.addi %add3A, %mul3A_47 : i32
      %mul3A_49 = arith.constant 8 : i32
      %mul3A_50 = arith.muli %add3A_48, %mul3A_49 : i32
      %add3A_51 = arith.constant 7200 : i32
      %add3A_52 = arith.addi %add3A_51, %mul3A_50 : i32
      %dma_wait3A = arith.constant 0 : i32
      %dma_wait3A_53 = arith.constant 0 : i32
      %dma_wait3A_54 = arith.constant 0 : i32
      %dma_wait3A_55 = tpu.memref_slice %arg4[%rem3A_45, %dma_wait3A, %dma_wait3A_53, %dma_wait3A_54] : memref<2x8x32x128xf32, #tpu.memory_space<vmem>> -> memref<1x8x32x128xf32, #tpu.memory_space<vmem>>
      %dma_wait3A_56 = tpu.memref_squeeze %dma_wait3A_55 : memref<1x8x32x128xf32, #tpu.memory_space<vmem>> -> memref<8x32x128xf32, #tpu.memory_space<vmem>>
      %dma_wait3A_57 = arith.constant 0 : i32
      %dma_wait3A_58 = arith.constant 0 : i32
      %dma_wait3A_59 = tpu.memref_slice %arg2[%add3A_52, %dma_wait3A_57, %dma_wait3A_58] : memref<10000x32x128xf32, #tpu.memory_space<hbm>> -> memref<8x32x128xf32, #tpu.memory_space<hbm>>
      %dma_wait3A_60 = tpu.memref_slice %arg6[%rem3A_45] : memref<2x!tpu.dma_semaphore, #tpu.memory_space<semaphore_mem>> -> memref<1x!tpu.dma_semaphore, #tpu.memory_space<semaphore_mem>>
      %dma_wait3A_61 = tpu.memref_squeeze %dma_wait3A_60 : memref<1x!tpu.dma_semaphore, #tpu.memory_space<semaphore_mem>> -> memref<!tpu.dma_semaphore, #tpu.memory_space<semaphore_mem>>
      %dma_wait3A_62 = arith.constant 0 : i32
      %dma_wait3A_63 = arith.constant 0 : i32
      %dma_wait3A_64 = arith.constant 0 : i32
      %dma_wait3A_65 = tpu.memref_slice %arg4[%rem3A_45, %dma_wait3A_62, %dma_wait3A_63, %dma_wait3A_64] : memref<2x8x32x128xf32, #tpu.memory_space<vmem>> -> memref<1x8x32x128xf32, #tpu.memory_space<vmem>>
      %dma_wait3A_66 = tpu.memref_squeeze %dma_wait3A_65 : memref<1x8x32x128xf32, #tpu.memory_space<vmem>> -> memref<8x32x128xf32, #tpu.memory_space<vmem>>
      %dma_wait3A_67 = arith.constant 0 : i32
      %dma_wait3A_68 = arith.constant 0 : i32
      %dma_wait3A_69 = tpu.memref_slice %arg2[%add3A_52, %dma_wait3A_67, %dma_wait3A_68] : memref<10000x32x128xf32, #tpu.memory_space<hbm>> -> memref<8x32x128xf32, #tpu.memory_space<hbm>>
      tpu.wait_dma2 semaphore(%dma_wait3A_61 : memref<!tpu.dma_semaphore, #tpu.memory_space<semaphore_mem>>) src(%dma_wait3A_69 : memref<8x32x128xf32, #tpu.memory_space<hbm>>) dst(%dma_wait3A_66 : memref<8x32x128xf32, #tpu.memory_space<vmem>>)
      %add3A_70 = arith.constant 1 : i32
      %add3A_71 = arith.addi %while3A_43, %add3A_70 : i32
      %lt3A = arith.cmpi slt, %add3A_71, %select_n3A : i32
      %convert_element_type3A_72 = arith.extui %lt3A : i1 to i32
      %cond3A_73 = arith.constant 0 : i32
      %cond3A_74 = arith.cmpi ne, %convert_element_type3A_72, %cond3A_73 : i32
      scf.if %cond3A_74 {
        %add3A_103 = arith.constant 1 : i32
        %add3A_104 = arith.addi %while3A_43, %add3A_103 : i32
        %sub3A_105 = arith.constant 1 : i32
        %sub3A_106 = arith.subi %sub3A_105, %rem3A_45 : i32
        %mul3A_107 = arith.constant 32 : i32
        %mul3A_108 = arith.muli %add3A_104, %mul3A_107 : i32
        %add3A_109 = arith.addi %add3A, %mul3A_108 : i32
        %mul3A_110 = arith.constant 8 : i32
        %mul3A_111 = arith.muli %add3A_109, %mul3A_110 : i32
        %add3A_112 = arith.constant 7200 : i32
        %add3A_113 = arith.addi %add3A_112, %mul3A_111 : i32
        %dma_start3A_114 = arith.constant 0 : i32
        %dma_start3A_115 = arith.constant 0 : i32
        %dma_start3A_116 = arith.constant 0 : i32
        %dma_start3A_117 = tpu.memref_slice %arg4[%sub3A_106, %dma_start3A_114, %dma_start3A_115, %dma_start3A_116] : memref<2x8x32x128xf32, #tpu.memory_space<vmem>> -> memref<1x8x32x128xf32, #tpu.memory_space<vmem>>
        %dma_start3A_118 = tpu.memref_squeeze %dma_start3A_117 : memref<1x8x32x128xf32, #tpu.memory_space<vmem>> -> memref<8x32x128xf32, #tpu.memory_space<vmem>>
        %dma_start3A_119 = arith.constant 0 : i32
        %dma_start3A_120 = arith.constant 0 : i32
        %dma_start3A_121 = tpu.memref_slice %arg2[%add3A_113, %dma_start3A_119, %dma_start3A_120] : memref<10000x32x128xf32, #tpu.memory_space<hbm>> -> memref<8x32x128xf32, #tpu.memory_space<hbm>>
        %dma_start3A_122 = tpu.memref_slice %arg6[%sub3A_106] : memref<2x!tpu.dma_semaphore, #tpu.memory_space<semaphore_mem>> -> memref<1x!tpu.dma_semaphore, #tpu.memory_space<semaphore_mem>>
        %dma_start3A_123 = tpu.memref_squeeze %dma_start3A_122 : memref<1x!tpu.dma_semaphore, #tpu.memory_space<semaphore_mem>> -> memref<!tpu.dma_semaphore, #tpu.memory_space<semaphore_mem>>
        %dma_start3A_124 = arith.constant 0 : i32
        %dma_start3A_125 = arith.constant 0 : i32
        %dma_start3A_126 = arith.constant 0 : i32
        %dma_start3A_127 = tpu.memref_slice %arg4[%sub3A_106, %dma_start3A_124, %dma_start3A_125, %dma_start3A_126] : memref<2x8x32x128xf32, #tpu.memory_space<vmem>> -> memref<1x8x32x128xf32, #tpu.memory_space<vmem>>
        %dma_start3A_128 = tpu.memref_squeeze %dma_start3A_127 : memref<1x8x32x128xf32, #tpu.memory_space<vmem>> -> memref<8x32x128xf32, #tpu.memory_space<vmem>>
        %dma_start3A_129 = arith.constant 0 : i32
        %dma_start3A_130 = arith.constant 0 : i32
        %dma_start3A_131 = tpu.memref_slice %arg2[%add3A_113, %dma_start3A_129, %dma_start3A_130] : memref<10000x32x128xf32, #tpu.memory_space<hbm>> -> memref<8x32x128xf32, #tpu.memory_space<hbm>>
        tpu.enqueue_dma source(%dma_start3A_131 : memref<8x32x128xf32, #tpu.memory_space<hbm>>) target(%dma_start3A_128 : memref<8x32x128xf32, #tpu.memory_space<vmem>>) target_semaphore(%dma_start3A_123 : memref<!tpu.dma_semaphore, #tpu.memory_space<semaphore_mem>>)
      } else {
      }
      %ge3A_75 = arith.constant 2 : i32
      %ge3A_76 = arith.cmpi sge, %while3A_43, %ge3A_75 : i32
      %convert_element_type3A_77 = arith.extui %ge3A_76 : i1 to i32
      %cond3A_78 = arith.constant 0 : i32
      %cond3A_79 = arith.cmpi ne, %convert_element_type3A_77, %cond3A_78 : i32
      scf.if %cond3A_79 {
        %sub3A_103 = arith.constant 2 : i32
        %sub3A_104 = arith.subi %while3A_43, %sub3A_103 : i32
        %mul3A_105 = arith.constant 32 : i32
        %mul3A_106 = arith.muli %sub3A_104, %mul3A_105 : i32
        %add3A_107 = arith.addi %add3A, %mul3A_106 : i32
        %mul3A_108 = arith.constant 8 : i32
        %mul3A_109 = arith.muli %add3A_107, %mul3A_108 : i32
        %dma_wait3A_110 = arith.constant 0 : i32
        %dma_wait3A_111 = arith.constant 0 : i32
        %dma_wait3A_112 = tpu.memref_slice %arg5[%rem3A_45, %dma_wait3A_110, %dma_wait3A_111] : memref<2x8x128xf32, #tpu.memory_space<vmem>> -> memref<1x8x128xf32, #tpu.memory_space<vmem>>
        %dma_wait3A_113 = tpu.memref_squeeze %dma_wait3A_112 : memref<1x8x128xf32, #tpu.memory_space<vmem>> -> memref<8x128xf32, #tpu.memory_space<vmem>>
        %dma_wait3A_114 = arith.constant 0 : i32
        %dma_wait3A_115 = tpu.memref_slice %arg3[%mul3A_109, %dma_wait3A_114] : memref<2800x128xf32, #tpu.memory_space<hbm>> -> memref<8x128xf32, #tpu.memory_space<hbm>>
        %dma_wait3A_116 = tpu.memref_slice %arg7[%rem3A_45] : memref<2x!tpu.dma_semaphore, #tpu.memory_space<semaphore_mem>> -> memref<1x!tpu.dma_semaphore, #tpu.memory_space<semaphore_mem>>
        %dma_wait3A_117 = tpu.memref_squeeze %dma_wait3A_116 : memref<1x!tpu.dma_semaphore, #tpu.memory_space<semaphore_mem>> -> memref<!tpu.dma_semaphore, #tpu.memory_space<semaphore_mem>>
        %dma_wait3A_118 = arith.constant 0 : i32
        %dma_wait3A_119 = tpu.memref_slice %arg3[%mul3A_109, %dma_wait3A_118] : memref<2800x128xf32, #tpu.memory_space<hbm>> -> memref<8x128xf32, #tpu.memory_space<hbm>>
        %dma_wait3A_120 = arith.constant 0 : i32
        %dma_wait3A_121 = arith.constant 0 : i32
        %dma_wait3A_122 = tpu.memref_slice %arg5[%rem3A_45, %dma_wait3A_120, %dma_wait3A_121] : memref<2x8x128xf32, #tpu.memory_space<vmem>> -> memref<1x8x128xf32, #tpu.memory_space<vmem>>
        %dma_wait3A_123 = tpu.memref_squeeze %dma_wait3A_122 : memref<1x8x128xf32, #tpu.memory_space<vmem>> -> memref<8x128xf32, #tpu.memory_space<vmem>>
        tpu.wait_dma2 semaphore(%dma_wait3A_117 : memref<!tpu.dma_semaphore, #tpu.memory_space<semaphore_mem>>) src(%dma_wait3A_123 : memref<8x128xf32, #tpu.memory_space<vmem>>) dst(%dma_wait3A_119 : memref<8x128xf32, #tpu.memory_space<hbm>>)
      } else {
      }
      %scan3A = arith.constant 0 : i32
      %scan3A_80 = arith.constant 0 : i32
      %scan3A_81 = arith.constant 8 : i32
      %scan3A_82 = arith.addi %scan3A_80, %scan3A_81 : i32
      %scan3A_83 = arith.constant 1 : i32
      scf.for %scan3A_103 = %scan3A_80 to %scan3A_82 step %scan3A_83  : i32 {
        %get3A = arith.constant 0 : i32
        %get3A_104 = arith.index_cast %rem3A_45 : i32 to index
        %get3A_105 = arith.index_cast %scan3A_103 : i32 to index
        %get3A_106 = arith.index_cast %get3A : i32 to index
        %get3A_107 = arith.constant 0 : index
        %get3A_108 = tpu.vector_load %arg4[%get3A_104, %get3A_105, %get3A_106, %get3A_107] {strides = array<i32>} : memref<2x8x32x128xf32, #tpu.memory_space<vmem>>, vector<1x1x1x16xf32>,
        %get3A_109 = vector.shape_cast %get3A_108 : vector<1x1x1x16xf32> to vector<16xf32>
        %get3A_110 = arith.constant 0 : i32
        %get3A_111 = arith.index_cast %rem3A_45 : i32 to index
        %get3A_112 = arith.index_cast %scan3A_103 : i32 to index
        %get3A_113 = arith.index_cast %get3A_110 : i32 to index
        %get3A_114 = arith.constant 16 : index
        %get3A_115 = tpu.vector_load %arg4[%get3A_111, %get3A_112, %get3A_113, %get3A_114] {strides = array<i32>} : memref<2x8x32x128xf32, #tpu.memory_space<vmem>>, vector<1x1x1x16xf32>,
        %get3A_116 = vector.shape_cast %get3A_115 : vector<1x1x1x16xf32> to vector<16xf32>
        %get3A_117 = arith.constant 0 : i32
        %get3A_118 = arith.index_cast %rem3A_45 : i32 to index
        %get3A_119 = arith.index_cast %scan3A_103 : i32 to index
        %get3A_120 = arith.index_cast %get3A_117 : i32 to index
        %get3A_121 = arith.constant 32 : index
        %get3A_122 = tpu.vector_load %arg4[%get3A_118, %get3A_119, %get3A_120, %get3A_121] {strides = array<i32>} : memref<2x8x32x128xf32, #tpu.memory_space<vmem>>, vector<1x1x1x16xf32>,
        %get3A_123 = vector.shape_cast %get3A_122 : vector<1x1x1x16xf32> to vector<16xf32>
        %get3A_124 = arith.constant 0 : i32
        %get3A_125 = arith.index_cast %rem3A_45 : i32 to index
        %get3A_126 = arith.index_cast %scan3A_103 : i32 to index
        %get3A_127 = arith.index_cast %get3A_124 : i32 to index
        %get3A_128 = arith.constant 48 : index
        %get3A_129 = tpu.vector_load %arg4[%get3A_125, %get3A_126, %get3A_127, %get3A_128] {strides = array<i32>} : memref<2x8x32x128xf32, #tpu.memory_space<vmem>>, vector<1x1x1x16xf32>,
        %get3A_130 = vector.shape_cast %get3A_129 : vector<1x1x1x16xf32> to vector<16xf32>
        %get3A_131 = arith.constant 0 : i32
        %get3A_132 = arith.index_cast %rem3A_45 : i32 to index
        %get3A_133 = arith.index_cast %scan3A_103 : i32 to index
        %get3A_134 = arith.index_cast %get3A_131 : i32 to index
        %get3A_135 = arith.constant 64 : index
        %get3A_136 = tpu.vector_load %arg4[%get3A_132, %get3A_133, %get3A_134, %get3A_135] {strides = array<i32>} : memref<2x8x32x128xf32, #tpu.memory_space<vmem>>, vector<1x1x1x16xf32>,
        %get3A_137 = vector.shape_cast %get3A_136 : vector<1x1x1x16xf32> to vector<16xf32>
        %get3A_138 = arith.constant 0 : i32
        %get3A_139 = arith.index_cast %rem3A_45 : i32 to index
        %get3A_140 = arith.index_cast %scan3A_103 : i32 to index
        %get3A_141 = arith.index_cast %get3A_138 : i32 to index
        %get3A_142 = arith.constant 80 : index
        %get3A_143 = tpu.vector_load %arg4[%get3A_139, %get3A_140, %get3A_141, %get3A_142] {strides = array<i32>} : memref<2x8x32x128xf32, #tpu.memory_space<vmem>>, vector<1x1x1x16xf32>,
        %get3A_144 = vector.shape_cast %get3A_143 : vector<1x1x1x16xf32> to vector<16xf32>
        %get3A_145 = arith.constant 0 : i32
        %get3A_146 = arith.index_cast %rem3A_45 : i32 to index
        %get3A_147 = arith.index_cast %scan3A_103 : i32 to index
        %get3A_148 = arith.index_cast %get3A_145 : i32 to index
        %get3A_149 = arith.constant 96 : index
        %get3A_150 = tpu.vector_load %arg4[%get3A_146, %get3A_147, %get3A_148, %get3A_149] {strides = array<i32>} : memref<2x8x32x128xf32, #tpu.memory_space<vmem>>, vector<1x1x1x16xf32>,
        %get3A_151 = vector.shape_cast %get3A_150 : vector<1x1x1x16xf32> to vector<16xf32>
        %get3A_152 = arith.constant 0 : i32
        %get3A_153 = arith.index_cast %rem3A_45 : i32 to index
        %get3A_154 = arith.index_cast %scan3A_103 : i32 to index
        %get3A_155 = arith.index_cast %get3A_152 : i32 to index
        %get3A_156 = arith.constant 112 : index
        %get3A_157 = tpu.vector_load %arg4[%get3A_153, %get3A_154, %get3A_155, %get3A_156] {strides = array<i32>} : memref<2x8x32x128xf32, #tpu.memory_space<vmem>>, vector<1x1x1x16xf32>,
        %get3A_158 = vector.shape_cast %get3A_157 : vector<1x1x1x16xf32> to vector<16xf32>
        %get3A_159 = arith.constant 1 : i32
        %get3A_160 = arith.index_cast %rem3A_45 : i32 to index
        %get3A_161 = arith.index_cast %scan3A_103 : i32 to index
        %get3A_162 = arith.index_cast %get3A_159 : i32 to index
        %get3A_163 = arith.constant 0 : index
        %get3A_164 = tpu.vector_load %arg4[%get3A_160, %get3A_161, %get3A_162, %get3A_163] {strides = array<i32>} : memref<2x8x32x128xf32, #tpu.memory_space<vmem>>, vector<1x1x1x16xf32>,
        %get3A_165 = vector.shape_cast %get3A_164 : vector<1x1x1x16xf32> to vector<16xf32>
        %add3A_166 = arith.addf %get3A_109, %get3A_165 : vector<16xf32>
        %get3A_167 = arith.constant 1 : i32
        %get3A_168 = arith.index_cast %rem3A_45 : i32 to index
        %get3A_169 = arith.index_cast %scan3A_103 : i32 to index
        %get3A_170 = arith.index_cast %get3A_167 : i32 to index
        %get3A_171 = arith.constant 16 : index
        %get3A_172 = tpu.vector_load %arg4[%get3A_168, %get3A_169, %get3A_170, %get3A_171] {strides = array<i32>} : memref<2x8x32x128xf32, #tpu.memory_space<vmem>>, vector<1x1x1x16xf32>,
        %get3A_173 = vector.shape_cast %get3A_172 : vector<1x1x1x16xf32> to vector<16xf32>
        %add3A_174 = arith.addf %get3A_116, %get3A_173 : vector<16xf32>
        %get3A_175 = arith.constant 1 : i32
        %get3A_176 = arith.index_cast %rem3A_45 : i32 to index
        %get3A_177 = arith.index_cast %scan3A_103 : i32 to index
        %get3A_178 = arith.index_cast %get3A_175 : i32 to index
        %get3A_179 = arith.constant 32 : index
        %get3A_180 = tpu.vector_load %arg4[%get3A_176, %get3A_177, %get3A_178, %get3A_179] {strides = array<i32>} : memref<2x8x32x128xf32, #tpu.memory_space<vmem>>, vector<1x1x1x16xf32>,
        %get3A_181 = vector.shape_cast %get3A_180 : vector<1x1x1x16xf32> to vector<16xf32>
        %add3A_182 = arith.addf %get3A_123, %get3A_181 : vector<16xf32>
        %get3A_183 = arith.constant 1 : i32
        %get3A_184 = arith.index_cast %rem3A_45 : i32 to index
        %get3A_185 = arith.index_cast %scan3A_103 : i32 to index
        %get3A_186 = arith.index_cast %get3A_183 : i32 to index
        %get3A_187 = arith.constant 48 : index
        %get3A_188 = tpu.vector_load %arg4[%get3A_184, %get3A_185, %get3A_186, %get3A_187] {strides = array<i32>} : memref<2x8x32x128xf32, #tpu.memory_space<vmem>>, vector<1x1x1x16xf32>,
        %get3A_189 = vector.shape_cast %get3A_188 : vector<1x1x1x16xf32> to vector<16xf32>
        %add3A_190 = arith.addf %get3A_130, %get3A_189 : vector<16xf32>
        %get3A_191 = arith.constant 1 : i32
        %get3A_192 = arith.index_cast %rem3A_45 : i32 to index
        %get3A_193 = arith.index_cast %scan3A_103 : i32 to index
        %get3A_194 = arith.index_cast %get3A_191 : i32 to index
        %get3A_195 = arith.constant 64 : index
        %get3A_196 = tpu.vector_load %arg4[%get3A_192, %get3A_193, %get3A_194, %get3A_195] {strides = array<i32>} : memref<2x8x32x128xf32, #tpu.memory_space<vmem>>, vector<1x1x1x16xf32>,
        %get3A_197 = vector.shape_cast %get3A_196 : vector<1x1x1x16xf32> to vector<16xf32>
        %add3A_198 = arith.addf %get3A_137, %get3A_197 : vector<16xf32>
        %get3A_199 = arith.constant 1 : i32
        %get3A_200 = arith.index_cast %rem3A_45 : i32 to index
        %get3A_201 = arith.index_cast %scan3A_103 : i32 to index
        %get3A_202 = arith.index_cast %get3A_199 : i32 to index
        %get3A_203 = arith.constant 80 : index
        %get3A_204 = tpu.vector_load %arg4[%get3A_200, %get3A_201, %get3A_202, %get3A_203] {strides = array<i32>} : memref<2x8x32x128xf32, #tpu.memory_space<vmem>>, vector<1x1x1x16xf32>,
        %get3A_205 = vector.shape_cast %get3A_204 : vector<1x1x1x16xf32> to vector<16xf32>
        %add3A_206 = arith.addf %get3A_144, %get3A_205 : vector<16xf32>
        %get3A_207 = arith.constant 1 : i32
        %get3A_208 = arith.index_cast %rem3A_45 : i32 to index
        %get3A_209 = arith.index_cast %scan3A_103 : i32 to index
        %get3A_210 = arith.index_cast %get3A_207 : i32 to index
        %get3A_211 = arith.constant 96 : index
        %get3A_212 = tpu.vector_load %arg4[%get3A_208, %get3A_209, %get3A_210, %get3A_211] {strides = array<i32>} : memref<2x8x32x128xf32, #tpu.memory_space<vmem>>, vector<1x1x1x16xf32>,
        %get3A_213 = vector.shape_cast %get3A_212 : vector<1x1x1x16xf32> to vector<16xf32>
        %add3A_214 = arith.addf %get3A_151, %get3A_213 : vector<16xf32>
        %get3A_215 = arith.constant 1 : i32
        %get3A_216 = arith.index_cast %rem3A_45 : i32 to index
        %get3A_217 = arith.index_cast %scan3A_103 : i32 to index
        %get3A_218 = arith.index_cast %get3A_215 : i32 to index
        %get3A_219 = arith.constant 112 : index
        %get3A_220 = tpu.vector_load %arg4[%get3A_216, %get3A_217, %get3A_218, %get3A_219] {strides = array<i32>} : memref<2x8x32x128xf32, #tpu.memory_space<vmem>>, vector<1x1x1x16xf32>,
        %get3A_221 = vector.shape_cast %get3A_220 : vector<1x1x1x16xf32> to vector<16xf32>
        %add3A_222 = arith.addf %get3A_158, %get3A_221 : vector<16xf32>
        %get3A_223 = arith.constant 2 : i32
        %get3A_224 = arith.index_cast %rem3A_45 : i32 to index
        %get3A_225 = arith.index_cast %scan3A_103 : i32 to index
        %get3A_226 = arith.index_cast %get3A_223 : i32 to index
        %get3A_227 = arith.constant 0 : index
        %get3A_228 = tpu.vector_load %arg4[%get3A_224, %get3A_225, %get3A_226, %get3A_227] {strides = array<i32>} : memref<2x8x32x128xf32, #tpu.memory_space<vmem>>, vector<1x1x1x16xf32>,
        %get3A_229 = vector.shape_cast %get3A_228 : vector<1x1x1x16xf32> to vector<16xf32>
        %add3A_230 = arith.addf %add3A_166, %get3A_229 : vector<16xf32>
        %get3A_231 = arith.constant 2 : i32
        %get3A_232 = arith.index_cast %rem3A_45 : i32 to index
        %get3A_233 = arith.index_cast %scan3A_103 : i32 to index
        %get3A_234 = arith.index_cast %get3A_231 : i32 to index
        %get3A_235 = arith.constant 16 : index
        %get3A_236 = tpu.vector_load %arg4[%get3A_232, %get3A_233, %get3A_234, %get3A_235] {strides = array<i32>} : memref<2x8x32x128xf32, #tpu.memory_space<vmem>>, vector<1x1x1x16xf32>,
        %get3A_237 = vector.shape_cast %get3A_236 : vector<1x1x1x16xf32> to vector<16xf32>
        %add3A_238 = arith.addf %add3A_174, %get3A_237 : vector<16xf32>
        %get3A_239 = arith.constant 2 : i32
        %get3A_240 = arith.index_cast %rem3A_45 : i32 to index
        %get3A_241 = arith.index_cast %scan3A_103 : i32 to index
        %get3A_242 = arith.index_cast %get3A_239 : i32 to index
        %get3A_243 = arith.constant 32 : index
        %get3A_244 = tpu.vector_load %arg4[%get3A_240, %get3A_241, %get3A_242, %get3A_243] {strides = array<i32>} : memref<2x8x32x128xf32, #tpu.memory_space<vmem>>, vector<1x1x1x16xf32>,
        %get3A_245 = vector.shape_cast %get3A_244 : vector<1x1x1x16xf32> to vector<16xf32>
        %add3A_246 = arith.addf %add3A_182, %get3A_245 : vector<16xf32>
        %get3A_247 = arith.constant 2 : i32
        %get3A_248 = arith.index_cast %rem3A_45 : i32 to index
        %get3A_249 = arith.index_cast %scan3A_103 : i32 to index
        %get3A_250 = arith.index_cast %get3A_247 : i32 to index
        %get3A_251 = arith.constant 48 : index
        %get3A_252 = tpu.vector_load %arg4[%get3A_248, %get3A_249, %get3A_250, %get3A_251] {strides = array<i32>} : memref<2x8x32x128xf32, #tpu.memory_space<vmem>>, vector<1x1x1x16xf32>,
        %get3A_253 = vector.shape_cast %get3A_252 : vector<1x1x1x16xf32> to vector<16xf32>
        %add3A_254 = arith.addf %add3A_190, %get3A_253 : vector<16xf32>
        %get3A_255 = arith.constant 2 : i32
        %get3A_256 = arith.index_cast %rem3A_45 : i32 to index
        %get3A_257 = arith.index_cast %scan3A_103 : i32 to index
        %get3A_258 = arith.index_cast %get3A_255 : i32 to index
        %get3A_259 = arith.constant 64 : index
        %get3A_260 = tpu.vector_load %arg4[%get3A_256, %get3A_257, %get3A_258, %get3A_259] {strides = array<i32>} : memref<2x8x32x128xf32, #tpu.memory_space<vmem>>, vector<1x1x1x16xf32>,
        %get3A_261 = vector.shape_cast %get3A_260 : vector<1x1x1x16xf32> to vector<16xf32>
        %add3A_262 = arith.addf %add3A_198, %get3A_261 : vector<16xf32>
        %get3A_263 = arith.constant 2 : i32
        %get3A_264 = arith.index_cast %rem3A_45 : i32 to index
        %get3A_265 = arith.index_cast %scan3A_103 : i32 to index
        %get3A_266 = arith.index_cast %get3A_263 : i32 to index
        %get3A_267 = arith.constant 80 : index
        %get3A_268 = tpu.vector_load %arg4[%get3A_264, %get3A_265, %get3A_266, %get3A_267] {strides = array<i32>} : memref<2x8x32x128xf32, #tpu.memory_space<vmem>>, vector<1x1x1x16xf32>,
        %get3A_269 = vector.shape_cast %get3A_268 : vector<1x1x1x16xf32> to vector<16xf32>
        %add3A_270 = arith.addf %add3A_206, %get3A_269 : vector<16xf32>
        %get3A_271 = arith.constant 2 : i32
        %get3A_272 = arith.index_cast %rem3A_45 : i32 to index
        %get3A_273 = arith.index_cast %scan3A_103 : i32 to index
        %get3A_274 = arith.index_cast %get3A_271 : i32 to index
        %get3A_275 = arith.constant 96 : index
        %get3A_276 = tpu.vector_load %arg4[%get3A_272, %get3A_273, %get3A_274, %get3A_275] {strides = array<i32>} : memref<2x8x32x128xf32, #tpu.memory_space<vmem>>, vector<1x1x1x16xf32>,
        %get3A_277 = vector.shape_cast %get3A_276 : vector<1x1x1x16xf32> to vector<16xf32>
        %add3A_278 = arith.addf %add3A_214, %get3A_277 : vector<16xf32>
        %get3A_279 = arith.constant 2 : i32
        %get3A_280 = arith.index_cast %rem3A_45 : i32 to index
        %get3A_281 = arith.index_cast %scan3A_103 : i32 to index
        %get3A_282 = arith.index_cast %get3A_279 : i32 to index
        %get3A_283 = arith.constant 112 : index
        %get3A_284 = tpu.vector_load %arg4[%get3A_280, %get3A_281, %get3A_282, %get3A_283] {strides = array<i32>} : memref<2x8x32x128xf32, #tpu.memory_space<vmem>>, vector<1x1x1x16xf32>,
        %get3A_285 = vector.shape_cast %get3A_284 : vector<1x1x1x16xf32> to vector<16xf32>
        %add3A_286 = arith.addf %add3A_222, %get3A_285 : vector<16xf32>
        %get3A_287 = arith.constant 3 : i32
        %get3A_288 = arith.index_cast %rem3A_45 : i32 to index
        %get3A_289 = arith.index_cast %scan3A_103 : i32 to index
        %get3A_290 = arith.index_cast %get3A_287 : i32 to index
        %get3A_291 = arith.constant 0 : index
        %get3A_292 = tpu.vector_load %arg4[%get3A_288, %get3A_289, %get3A_290, %get3A_291] {strides = array<i32>} : memref<2x8x32x128xf32, #tpu.memory_space<vmem>>, vector<1x1x1x16xf32>,
        %get3A_293 = vector.shape_cast %get3A_292 : vector<1x1x1x16xf32> to vector<16xf32>
        %add3A_294 = arith.addf %add3A_230, %get3A_293 : vector<16xf32>
        %get3A_295 = arith.constant 3 : i32
        %get3A_296 = arith.index_cast %rem3A_45 : i32 to index
        %get3A_297 = arith.index_cast %scan3A_103 : i32 to index
        %get3A_298 = arith.index_cast %get3A_295 : i32 to index
        %get3A_299 = arith.constant 16 : index
        %get3A_300 = tpu.vector_load %arg4[%get3A_296, %get3A_297, %get3A_298, %get3A_299] {strides = array<i32>} : memref<2x8x32x128xf32, #tpu.memory_space<vmem>>, vector<1x1x1x16xf32>,
        %get3A_301 = vector.shape_cast %get3A_300 : vector<1x1x1x16xf32> to vector<16xf32>
        %add3A_302 = arith.addf %add3A_238, %get3A_301 : vector<16xf32>
        %get3A_303 = arith.constant 3 : i32
        %get3A_304 = arith.index_cast %rem3A_45 : i32 to index
        %get3A_305 = arith.index_cast %scan3A_103 : i32 to index
        %get3A_306 = arith.index_cast %get3A_303 : i32 to index
        %get3A_307 = arith.constant 32 : index
        %get3A_308 = tpu.vector_load %arg4[%get3A_304, %get3A_305, %get3A_306, %get3A_307] {strides = array<i32>} : memref<2x8x32x128xf32, #tpu.memory_space<vmem>>, vector<1x1x1x16xf32>,
        %get3A_309 = vector.shape_cast %get3A_308 : vector<1x1x1x16xf32> to vector<16xf32>
        %add3A_310 = arith.addf %add3A_246, %get3A_309 : vector<16xf32>
        %get3A_311 = arith.constant 3 : i32
        %get3A_312 = arith.index_cast %rem3A_45 : i32 to index
        %get3A_313 = arith.index_cast %scan3A_103 : i32 to index
        %get3A_314 = arith.index_cast %get3A_311 : i32 to index
        %get3A_315 = arith.constant 48 : index
        %get3A_316 = tpu.vector_load %arg4[%get3A_312, %get3A_313, %get3A_314, %get3A_315] {strides = array<i32>} : memref<2x8x32x128xf32, #tpu.memory_space<vmem>>, vector<1x1x1x16xf32>,
        %get3A_317 = vector.shape_cast %get3A_316 : vector<1x1x1x16xf32> to vector<16xf32>
        %add3A_318 = arith.addf %add3A_254, %get3A_317 : vector<16xf32>
        %get3A_319 = arith.constant 3 : i32
        %get3A_320 = arith.index_cast %rem3A_45 : i32 to index
        %get3A_321 = arith.index_cast %scan3A_103 : i32 to index
        %get3A_322 = arith.index_cast %get3A_319 : i32 to index
        %get3A_323 = arith.constant 64 : index
        %get3A_324 = tpu.vector_load %arg4[%get3A_320, %get3A_321, %get3A_322, %get3A_323] {strides = array<i32>} : memref<2x8x32x128xf32, #tpu.memory_space<vmem>>, vector<1x1x1x16xf32>,
        %get3A_325 = vector.shape_cast %get3A_324 : vector<1x1x1x16xf32> to vector<16xf32>
        %add3A_326 = arith.addf %add3A_262, %get3A_325 : vector<16xf32>
        %get3A_327 = arith.constant 3 : i32
        %get3A_328 = arith.index_cast %rem3A_45 : i32 to index
        %get3A_329 = arith.index_cast %scan3A_103 : i32 to index
        %get3A_330 = arith.index_cast %get3A_327 : i32 to index
        %get3A_331 = arith.constant 80 : index
        %get3A_332 = tpu.vector_load %arg4[%get3A_328, %get3A_329, %get3A_330, %get3A_331] {strides = array<i32>} : memref<2x8x32x128xf32, #tpu.memory_space<vmem>>, vector<1x1x1x16xf32>,
        %get3A_333 = vector.shape_cast %get3A_332 : vector<1x1x1x16xf32> to vector<16xf32>
        %add3A_334 = arith.addf %add3A_270, %get3A_333 : vector<16xf32>
        %get3A_335 = arith.constant 3 : i32
        %get3A_336 = arith.index_cast %rem3A_45 : i32 to index
        %get3A_337 = arith.index_cast %scan3A_103 : i32 to index
        %get3A_338 = arith.index_cast %get3A_335 : i32 to index
        %get3A_339 = arith.constant 96 : index
        %get3A_340 = tpu.vector_load %arg4[%get3A_336, %get3A_337, %get3A_338, %get3A_339] {strides = array<i32>} : memref<2x8x32x128xf32, #tpu.memory_space<vmem>>, vector<1x1x1x16xf32>,
        %get3A_341 = vector.shape_cast %get3A_340 : vector<1x1x1x16xf32> to vector<16xf32>
        %add3A_342 = arith.addf %add3A_278, %get3A_341 : vector<16xf32>
        %get3A_343 = arith.constant 3 : i32
        %get3A_344 = arith.index_cast %rem3A_45 : i32 to index
        %get3A_345 = arith.index_cast %scan3A_103 : i32 to index
        %get3A_346 = arith.index_cast %get3A_343 : i32 to index
        %get3A_347 = arith.constant 112 : index
        %get3A_348 = tpu.vector_load %arg4[%get3A_344, %get3A_345, %get3A_346, %get3A_347] {strides = array<i32>} : memref<2x8x32x128xf32, #tpu.memory_space<vmem>>, vector<1x1x1x16xf32>,
        %get3A_349 = vector.shape_cast %get3A_348 : vector<1x1x1x16xf32> to vector<16xf32>
        %add3A_350 = arith.addf %add3A_286, %get3A_349 : vector<16xf32>
        %get3A_351 = arith.constant 4 : i32
        %get3A_352 = arith.index_cast %rem3A_45 : i32 to index
        %get3A_353 = arith.index_cast %scan3A_103 : i32 to index
        %get3A_354 = arith.index_cast %get3A_351 : i32 to index
        %get3A_355 = arith.constant 0 : index
        %get3A_356 = tpu.vector_load %arg4[%get3A_352, %get3A_353, %get3A_354, %get3A_355] {strides = array<i32>} : memref<2x8x32x128xf32, #tpu.memory_space<vmem>>, vector<1x1x1x16xf32>,
        %get3A_357 = vector.shape_cast %get3A_356 : vector<1x1x1x16xf32> to vector<16xf32>
        %add3A_358 = arith.addf %add3A_294, %get3A_357 : vector<16xf32>
        %get3A_359 = arith.constant 4 : i32
        %get3A_360 = arith.index_cast %rem3A_45 : i32 to index
        %get3A_361 = arith.index_cast %scan3A_103 : i32 to index
        %get3A_362 = arith.index_cast %get3A_359 : i32 to index
        %get3A_363 = arith.constant 16 : index
        %get3A_364 = tpu.vector_load %arg4[%get3A_360, %get3A_361, %get3A_362, %get3A_363] {strides = array<i32>} : memref<2x8x32x128xf32, #tpu.memory_space<vmem>>, vector<1x1x1x16xf32>,
        %get3A_365 = vector.shape_cast %get3A_364 : vector<1x1x1x16xf32> to vector<16xf32>
        %add3A_366 = arith.addf %add3A_302, %get3A_365 : vector<16xf32>
        %get3A_367 = arith.constant 4 : i32
        %get3A_368 = arith.index_cast %rem3A_45 : i32 to index
        %get3A_369 = arith.index_cast %scan3A_103 : i32 to index
        %get3A_370 = arith.index_cast %get3A_367 : i32 to index
        %get3A_371 = arith.constant 32 : index
        %get3A_372 = tpu.vector_load %arg4[%get3A_368, %get3A_369, %get3A_370, %get3A_371] {strides = array<i32>} : memref<2x8x32x128xf32, #tpu.memory_space<vmem>>, vector<1x1x1x16xf32>,
        %get3A_373 = vector.shape_cast %get3A_372 : vector<1x1x1x16xf32> to vector<16xf32>
        %add3A_374 = arith.addf %add3A_310, %get3A_373 : vector<16xf32>
        %get3A_375 = arith.constant 4 : i32
        %get3A_376 = arith.index_cast %rem3A_45 : i32 to index
        %get3A_377 = arith.index_cast %scan3A_103 : i32 to index
        %get3A_378 = arith.index_cast %get3A_375 : i32 to index
        %get3A_379 = arith.constant 48 : index
        %get3A_380 = tpu.vector_load %arg4[%get3A_376, %get3A_377, %get3A_378, %get3A_379] {strides = array<i32>} : memref<2x8x32x128xf32, #tpu.memory_space<vmem>>, vector<1x1x1x16xf32>,
        %get3A_381 = vector.shape_cast %get3A_380 : vector<1x1x1x16xf32> to vector<16xf32>
        %add3A_382 = arith.addf %add3A_318, %get3A_381 : vector<16xf32>
        %get3A_383 = arith.constant 4 : i32
        %get3A_384 = arith.index_cast %rem3A_45 : i32 to index
        %get3A_385 = arith.index_cast %scan3A_103 : i32 to index
        %get3A_386 = arith.index_cast %get3A_383 : i32 to index
        %get3A_387 = arith.constant 64 : index
        %get3A_388 = tpu.vector_load %arg4[%get3A_384, %get3A_385, %get3A_386, %get3A_387] {strides = array<i32>} : memref<2x8x32x128xf32, #tpu.memory_space<vmem>>, vector<1x1x1x16xf32>,
        %get3A_389 = vector.shape_cast %get3A_388 : vector<1x1x1x16xf32> to vector<16xf32>
        %add3A_390 = arith.addf %add3A_326, %get3A_389 : vector<16xf32>
        %get3A_391 = arith.constant 4 : i32
        %get3A_392 = arith.index_cast %rem3A_45 : i32 to index
        %get3A_393 = arith.index_cast %scan3A_103 : i32 to index
        %get3A_394 = arith.index_cast %get3A_391 : i32 to index
        %get3A_395 = arith.constant 80 : index
        %get3A_396 = tpu.vector_load %arg4[%get3A_392, %get3A_393, %get3A_394, %get3A_395] {strides = array<i32>} : memref<2x8x32x128xf32, #tpu.memory_space<vmem>>, vector<1x1x1x16xf32>,
        %get3A_397 = vector.shape_cast %get3A_396 : vector<1x1x1x16xf32> to vector<16xf32>
        %add3A_398 = arith.addf %add3A_334, %get3A_397 : vector<16xf32>
        %get3A_399 = arith.constant 4 : i32
        %get3A_400 = arith.index_cast %rem3A_45 : i32 to index
        %get3A_401 = arith.index_cast %scan3A_103 : i32 to index
        %get3A_402 = arith.index_cast %get3A_399 : i32 to index
        %get3A_403 = arith.constant 96 : index
        %get3A_404 = tpu.vector_load %arg4[%get3A_400, %get3A_401, %get3A_402, %get3A_403] {strides = array<i32>} : memref<2x8x32x128xf32, #tpu.memory_space<vmem>>, vector<1x1x1x16xf32>,
        %get3A_405 = vector.shape_cast %get3A_404 : vector<1x1x1x16xf32> to vector<16xf32>
        %add3A_406 = arith.addf %add3A_342, %get3A_405 : vector<16xf32>
        %get3A_407 = arith.constant 4 : i32
        %get3A_408 = arith.index_cast %rem3A_45 : i32 to index
        %get3A_409 = arith.index_cast %scan3A_103 : i32 to index
        %get3A_410 = arith.index_cast %get3A_407 : i32 to index
        %get3A_411 = arith.constant 112 : index
        %get3A_412 = tpu.vector_load %arg4[%get3A_408, %get3A_409, %get3A_410, %get3A_411] {strides = array<i32>} : memref<2x8x32x128xf32, #tpu.memory_space<vmem>>, vector<1x1x1x16xf32>,
        %get3A_413 = vector.shape_cast %get3A_412 : vector<1x1x1x16xf32> to vector<16xf32>
        %add3A_414 = arith.addf %add3A_350, %get3A_413 : vector<16xf32>
        %get3A_415 = arith.constant 5 : i32
        %get3A_416 = arith.index_cast %rem3A_45 : i32 to index
        %get3A_417 = arith.index_cast %scan3A_103 : i32 to index
        %get3A_418 = arith.index_cast %get3A_415 : i32 to index
        %get3A_419 = arith.constant 0 : index
        %get3A_420 = tpu.vector_load %arg4[%get3A_416, %get3A_417, %get3A_418, %get3A_419] {strides = array<i32>} : memref<2x8x32x128xf32, #tpu.memory_space<vmem>>, vector<1x1x1x16xf32>,
        %get3A_421 = vector.shape_cast %get3A_420 : vector<1x1x1x16xf32> to vector<16xf32>
        %add3A_422 = arith.addf %add3A_358, %get3A_421 : vector<16xf32>
        %get3A_423 = arith.constant 5 : i32
        %get3A_424 = arith.index_cast %rem3A_45 : i32 to index
        %get3A_425 = arith.index_cast %scan3A_103 : i32 to index
        %get3A_426 = arith.index_cast %get3A_423 : i32 to index
        %get3A_427 = arith.constant 16 : index
        %get3A_428 = tpu.vector_load %arg4[%get3A_424, %get3A_425, %get3A_426, %get3A_427] {strides = array<i32>} : memref<2x8x32x128xf32, #tpu.memory_space<vmem>>, vector<1x1x1x16xf32>,
        %get3A_429 = vector.shape_cast %get3A_428 : vector<1x1x1x16xf32> to vector<16xf32>
        %add3A_430 = arith.addf %add3A_366, %get3A_429 : vector<16xf32>
        %get3A_431 = arith.constant 5 : i32
        %get3A_432 = arith.index_cast %rem3A_45 : i32 to index
        %get3A_433 = arith.index_cast %scan3A_103 : i32 to index
        %get3A_434 = arith.index_cast %get3A_431 : i32 to index
        %get3A_435 = arith.constant 32 : index
        %get3A_436 = tpu.vector_load %arg4[%get3A_432, %get3A_433, %get3A_434, %get3A_435] {strides = array<i32>} : memref<2x8x32x128xf32, #tpu.memory_space<vmem>>, vector<1x1x1x16xf32>,
        %get3A_437 = vector.shape_cast %get3A_436 : vector<1x1x1x16xf32> to vector<16xf32>
        %add3A_438 = arith.addf %add3A_374, %get3A_437 : vector<16xf32>
        %get3A_439 = arith.constant 5 : i32
        %get3A_440 = arith.index_cast %rem3A_45 : i32 to index
        %get3A_441 = arith.index_cast %scan3A_103 : i32 to index
        %get3A_442 = arith.index_cast %get3A_439 : i32 to index
        %get3A_443 = arith.constant 48 : index
        %get3A_444 = tpu.vector_load %arg4[%get3A_440, %get3A_441, %get3A_442, %get3A_443] {strides = array<i32>} : memref<2x8x32x128xf32, #tpu.memory_space<vmem>>, vector<1x1x1x16xf32>,
        %get3A_445 = vector.shape_cast %get3A_444 : vector<1x1x1x16xf32> to vector<16xf32>
        %add3A_446 = arith.addf %add3A_382, %get3A_445 : vector<16xf32>
        %get3A_447 = arith.constant 5 : i32
        %get3A_448 = arith.index_cast %rem3A_45 : i32 to index
        %get3A_449 = arith.index_cast %scan3A_103 : i32 to index
        %get3A_450 = arith.index_cast %get3A_447 : i32 to index
        %get3A_451 = arith.constant 64 : index
        %get3A_452 = tpu.vector_load %arg4[%get3A_448, %get3A_449, %get3A_450, %get3A_451] {strides = array<i32>} : memref<2x8x32x128xf32, #tpu.memory_space<vmem>>, vector<1x1x1x16xf32>,
        %get3A_453 = vector.shape_cast %get3A_452 : vector<1x1x1x16xf32> to vector<16xf32>
        %add3A_454 = arith.addf %add3A_390, %get3A_453 : vector<16xf32>
        %get3A_455 = arith.constant 5 : i32
        %get3A_456 = arith.index_cast %rem3A_45 : i32 to index
        %get3A_457 = arith.index_cast %scan3A_103 : i32 to index
        %get3A_458 = arith.index_cast %get3A_455 : i32 to index
        %get3A_459 = arith.constant 80 : index
        %get3A_460 = tpu.vector_load %arg4[%get3A_456, %get3A_457, %get3A_458, %get3A_459] {strides = array<i32>} : memref<2x8x32x128xf32, #tpu.memory_space<vmem>>, vector<1x1x1x16xf32>,
        %get3A_461 = vector.shape_cast %get3A_460 : vector<1x1x1x16xf32> to vector<16xf32>
        %add3A_462 = arith.addf %add3A_398, %get3A_461 : vector<16xf32>
        %get3A_463 = arith.constant 5 : i32
        %get3A_464 = arith.index_cast %rem3A_45 : i32 to index
        %get3A_465 = arith.index_cast %scan3A_103 : i32 to index
        %get3A_466 = arith.index_cast %get3A_463 : i32 to index
        %get3A_467 = arith.constant 96 : index
        %get3A_468 = tpu.vector_load %arg4[%get3A_464, %get3A_465, %get3A_466, %get3A_467] {strides = array<i32>} : memref<2x8x32x128xf32, #tpu.memory_space<vmem>>, vector<1x1x1x16xf32>,
        %get3A_469 = vector.shape_cast %get3A_468 : vector<1x1x1x16xf32> to vector<16xf32>
        %add3A_470 = arith.addf %add3A_406, %get3A_469 : vector<16xf32>
        %get3A_471 = arith.constant 5 : i32
        %get3A_472 = arith.index_cast %rem3A_45 : i32 to index
        %get3A_473 = arith.index_cast %scan3A_103 : i32 to index
        %get3A_474 = arith.index_cast %get3A_471 : i32 to index
        %get3A_475 = arith.constant 112 : index
        %get3A_476 = tpu.vector_load %arg4[%get3A_472, %get3A_473, %get3A_474, %get3A_475] {strides = array<i32>} : memref<2x8x32x128xf32, #tpu.memory_space<vmem>>, vector<1x1x1x16xf32>,
        %get3A_477 = vector.shape_cast %get3A_476 : vector<1x1x1x16xf32> to vector<16xf32>
        %add3A_478 = arith.addf %add3A_414, %get3A_477 : vector<16xf32>
        %get3A_479 = arith.constant 6 : i32
        %get3A_480 = arith.index_cast %rem3A_45 : i32 to index
        %get3A_481 = arith.index_cast %scan3A_103 : i32 to index
        %get3A_482 = arith.index_cast %get3A_479 : i32 to index
        %get3A_483 = arith.constant 0 : index
        %get3A_484 = tpu.vector_load %arg4[%get3A_480, %get3A_481, %get3A_482, %get3A_483] {strides = array<i32>} : memref<2x8x32x128xf32, #tpu.memory_space<vmem>>, vector<1x1x1x16xf32>,
        %get3A_485 = vector.shape_cast %get3A_484 : vector<1x1x1x16xf32> to vector<16xf32>
        %add3A_486 = arith.addf %add3A_422, %get3A_485 : vector<16xf32>
        %get3A_487 = arith.constant 6 : i32
        %get3A_488 = arith.index_cast %rem3A_45 : i32 to index
        %get3A_489 = arith.index_cast %scan3A_103 : i32 to index
        %get3A_490 = arith.index_cast %get3A_487 : i32 to index
        %get3A_491 = arith.constant 16 : index
        %get3A_492 = tpu.vector_load %arg4[%get3A_488, %get3A_489, %get3A_490, %get3A_491] {strides = array<i32>} : memref<2x8x32x128xf32, #tpu.memory_space<vmem>>, vector<1x1x1x16xf32>,
        %get3A_493 = vector.shape_cast %get3A_492 : vector<1x1x1x16xf32> to vector<16xf32>
        %add3A_494 = arith.addf %add3A_430, %get3A_493 : vector<16xf32>
        %get3A_495 = arith.constant 6 : i32
        %get3A_496 = arith.index_cast %rem3A_45 : i32 to index
        %get3A_497 = arith.index_cast %scan3A_103 : i32 to index
        %get3A_498 = arith.index_cast %get3A_495 : i32 to index
        %get3A_499 = arith.constant 32 : index
        %get3A_500 = tpu.vector_load %arg4[%get3A_496, %get3A_497, %get3A_498, %get3A_499] {strides = array<i32>} : memref<2x8x32x128xf32, #tpu.memory_space<vmem>>, vector<1x1x1x16xf32>,
        %get3A_501 = vector.shape_cast %get3A_500 : vector<1x1x1x16xf32> to vector<16xf32>
        %add3A_502 = arith.addf %add3A_438, %get3A_501 : vector<16xf32>
        %get3A_503 = arith.constant 6 : i32
        %get3A_504 = arith.index_cast %rem3A_45 : i32 to index
        %get3A_505 = arith.index_cast %scan3A_103 : i32 to index
        %get3A_506 = arith.index_cast %get3A_503 : i32 to index
        %get3A_507 = arith.constant 48 : index
        %get3A_508 = tpu.vector_load %arg4[%get3A_504, %get3A_505, %get3A_506, %get3A_507] {strides = array<i32>} : memref<2x8x32x128xf32, #tpu.memory_space<vmem>>, vector<1x1x1x16xf32>,
        %get3A_509 = vector.shape_cast %get3A_508 : vector<1x1x1x16xf32> to vector<16xf32>
        %add3A_510 = arith.addf %add3A_446, %get3A_509 : vector<16xf32>
        %get3A_511 = arith.constant 6 : i32
        %get3A_512 = arith.index_cast %rem3A_45 : i32 to index
        %get3A_513 = arith.index_cast %scan3A_103 : i32 to index
        %get3A_514 = arith.index_cast %get3A_511 : i32 to index
        %get3A_515 = arith.constant 64 : index
        %get3A_516 = tpu.vector_load %arg4[%get3A_512, %get3A_513, %get3A_514, %get3A_515] {strides = array<i32>} : memref<2x8x32x128xf32, #tpu.memory_space<vmem>>, vector<1x1x1x16xf32>,
        %get3A_517 = vector.shape_cast %get3A_516 : vector<1x1x1x16xf32> to vector<16xf32>
        %add3A_518 = arith.addf %add3A_454, %get3A_517 : vector<16xf32>
        %get3A_519 = arith.constant 6 : i32
        %get3A_520 = arith.index_cast %rem3A_45 : i32 to index
        %get3A_521 = arith.index_cast %scan3A_103 : i32 to index
        %get3A_522 = arith.index_cast %get3A_519 : i32 to index
        %get3A_523 = arith.constant 80 : index
        %get3A_524 = tpu.vector_load %arg4[%get3A_520, %get3A_521, %get3A_522, %get3A_523] {strides = array<i32>} : memref<2x8x32x128xf32, #tpu.memory_space<vmem>>, vector<1x1x1x16xf32>,
        %get3A_525 = vector.shape_cast %get3A_524 : vector<1x1x1x16xf32> to vector<16xf32>
        %add3A_526 = arith.addf %add3A_462, %get3A_525 : vector<16xf32>
        %get3A_527 = arith.constant 6 : i32
        %get3A_528 = arith.index_cast %rem3A_45 : i32 to index
        %get3A_529 = arith.index_cast %scan3A_103 : i32 to index
        %get3A_530 = arith.index_cast %get3A_527 : i32 to index
        %get3A_531 = arith.constant 96 : index
        %get3A_532 = tpu.vector_load %arg4[%get3A_528, %get3A_529, %get3A_530, %get3A_531] {strides = array<i32>} : memref<2x8x32x128xf32, #tpu.memory_space<vmem>>, vector<1x1x1x16xf32>,
        %get3A_533 = vector.shape_cast %get3A_532 : vector<1x1x1x16xf32> to vector<16xf32>
        %add3A_534 = arith.addf %add3A_470, %get3A_533 : vector<16xf32>
        %get3A_535 = arith.constant 6 : i32
        %get3A_536 = arith.index_cast %rem3A_45 : i32 to index
        %get3A_537 = arith.index_cast %scan3A_103 : i32 to index
        %get3A_538 = arith.index_cast %get3A_535 : i32 to index
        %get3A_539 = arith.constant 112 : index
        %get3A_540 = tpu.vector_load %arg4[%get3A_536, %get3A_537, %get3A_538, %get3A_539] {strides = array<i32>} : memref<2x8x32x128xf32, #tpu.memory_space<vmem>>, vector<1x1x1x16xf32>,
        %get3A_541 = vector.shape_cast %get3A_540 : vector<1x1x1x16xf32> to vector<16xf32>
        %add3A_542 = arith.addf %add3A_478, %get3A_541 : vector<16xf32>
        %get3A_543 = arith.constant 7 : i32
        %get3A_544 = arith.index_cast %rem3A_45 : i32 to index
        %get3A_545 = arith.index_cast %scan3A_103 : i32 to index
        %get3A_546 = arith.index_cast %get3A_543 : i32 to index
        %get3A_547 = arith.constant 0 : index
        %get3A_548 = tpu.vector_load %arg4[%get3A_544, %get3A_545, %get3A_546, %get3A_547] {strides = array<i32>} : memref<2x8x32x128xf32, #tpu.memory_space<vmem>>, vector<1x1x1x16xf32>,
        %get3A_549 = vector.shape_cast %get3A_548 : vector<1x1x1x16xf32> to vector<16xf32>
        %add3A_550 = arith.addf %add3A_486, %get3A_549 : vector<16xf32>
        %get3A_551 = arith.constant 7 : i32
        %get3A_552 = arith.index_cast %rem3A_45 : i32 to index
        %get3A_553 = arith.index_cast %scan3A_103 : i32 to index
        %get3A_554 = arith.index_cast %get3A_551 : i32 to index
        %get3A_555 = arith.constant 16 : index
        %get3A_556 = tpu.vector_load %arg4[%get3A_552, %get3A_553, %get3A_554, %get3A_555] {strides = array<i32>} : memref<2x8x32x128xf32, #tpu.memory_space<vmem>>, vector<1x1x1x16xf32>,
        %get3A_557 = vector.shape_cast %get3A_556 : vector<1x1x1x16xf32> to vector<16xf32>
        %add3A_558 = arith.addf %add3A_494, %get3A_557 : vector<16xf32>
        %get3A_559 = arith.constant 7 : i32
        %get3A_560 = arith.index_cast %rem3A_45 : i32 to index
        %get3A_561 = arith.index_cast %scan3A_103 : i32 to index
        %get3A_562 = arith.index_cast %get3A_559 : i32 to index
        %get3A_563 = arith.constant 32 : index
        %get3A_564 = tpu.vector_load %arg4[%get3A_560, %get3A_561, %get3A_562, %get3A_563] {strides = array<i32>} : memref<2x8x32x128xf32, #tpu.memory_space<vmem>>, vector<1x1x1x16xf32>,
        %get3A_565 = vector.shape_cast %get3A_564 : vector<1x1x1x16xf32> to vector<16xf32>
        %add3A_566 = arith.addf %add3A_502, %get3A_565 : vector<16xf32>
        %get3A_567 = arith.constant 7 : i32
        %get3A_568 = arith.index_cast %rem3A_45 : i32 to index
        %get3A_569 = arith.index_cast %scan3A_103 : i32 to index
        %get3A_570 = arith.index_cast %get3A_567 : i32 to index
        %get3A_571 = arith.constant 48 : index
        %get3A_572 = tpu.vector_load %arg4[%get3A_568, %get3A_569, %get3A_570, %get3A_571] {strides = array<i32>} : memref<2x8x32x128xf32, #tpu.memory_space<vmem>>, vector<1x1x1x16xf32>,
        %get3A_573 = vector.shape_cast %get3A_572 : vector<1x1x1x16xf32> to vector<16xf32>
        %add3A_574 = arith.addf %add3A_510, %get3A_573 : vector<16xf32>
        %get3A_575 = arith.constant 7 : i32
        %get3A_576 = arith.index_cast %rem3A_45 : i32 to index
        %get3A_577 = arith.index_cast %scan3A_103 : i32 to index
        %get3A_578 = arith.index_cast %get3A_575 : i32 to index
        %get3A_579 = arith.constant 64 : index
        %get3A_580 = tpu.vector_load %arg4[%get3A_576, %get3A_577, %get3A_578, %get3A_579] {strides = array<i32>} : memref<2x8x32x128xf32, #tpu.memory_space<vmem>>, vector<1x1x1x16xf32>,
        %get3A_581 = vector.shape_cast %get3A_580 : vector<1x1x1x16xf32> to vector<16xf32>
        %add3A_582 = arith.addf %add3A_518, %get3A_581 : vector<16xf32>
        %get3A_583 = arith.constant 7 : i32
        %get3A_584 = arith.index_cast %rem3A_45 : i32 to index
        %get3A_585 = arith.index_cast %scan3A_103 : i32 to index
        %get3A_586 = arith.index_cast %get3A_583 : i32 to index
        %get3A_587 = arith.constant 80 : index
        %get3A_588 = tpu.vector_load %arg4[%get3A_584, %get3A_585, %get3A_586, %get3A_587] {strides = array<i32>} : memref<2x8x32x128xf32, #tpu.memory_space<vmem>>, vector<1x1x1x16xf32>,
        %get3A_589 = vector.shape_cast %get3A_588 : vector<1x1x1x16xf32> to vector<16xf32>
        %add3A_590 = arith.addf %add3A_526, %get3A_589 : vector<16xf32>
        %get3A_591 = arith.constant 7 : i32
        %get3A_592 = arith.index_cast %rem3A_45 : i32 to index
        %get3A_593 = arith.index_cast %scan3A_103 : i32 to index
        %get3A_594 = arith.index_cast %get3A_591 : i32 to index
        %get3A_595 = arith.constant 96 : index
        %get3A_596 = tpu.vector_load %arg4[%get3A_592, %get3A_593, %get3A_594, %get3A_595] {strides = array<i32>} : memref<2x8x32x128xf32, #tpu.memory_space<vmem>>, vector<1x1x1x16xf32>,
        %get3A_597 = vector.shape_cast %get3A_596 : vector<1x1x1x16xf32> to vector<16xf32>
        %add3A_598 = arith.addf %add3A_534, %get3A_597 : vector<16xf32>
        %get3A_599 = arith.constant 7 : i32
        %get3A_600 = arith.index_cast %rem3A_45 : i32 to index
        %get3A_601 = arith.index_cast %scan3A_103 : i32 to index
        %get3A_602 = arith.index_cast %get3A_599 : i32 to index
        %get3A_603 = arith.constant 112 : index
        %get3A_604 = tpu.vector_load %arg4[%get3A_600, %get3A_601, %get3A_602, %get3A_603] {strides = array<i32>} : memref<2x8x32x128xf32, #tpu.memory_space<vmem>>, vector<1x1x1x16xf32>,
        %get3A_605 = vector.shape_cast %get3A_604 : vector<1x1x1x16xf32> to vector<16xf32>
        %add3A_606 = arith.addf %add3A_542, %get3A_605 : vector<16xf32>
        %get3A_607 = arith.constant 8 : i32
        %get3A_608 = arith.index_cast %rem3A_45 : i32 to index
        %get3A_609 = arith.index_cast %scan3A_103 : i32 to index
        %get3A_610 = arith.index_cast %get3A_607 : i32 to index
        %get3A_611 = arith.constant 0 : index
        %get3A_612 = tpu.vector_load %arg4[%get3A_608, %get3A_609, %get3A_610, %get3A_611] {strides = array<i32>} : memref<2x8x32x128xf32, #tpu.memory_space<vmem>>, vector<1x1x1x16xf32>,
        %get3A_613 = vector.shape_cast %get3A_612 : vector<1x1x1x16xf32> to vector<16xf32>
        %add3A_614 = arith.addf %add3A_550, %get3A_613 : vector<16xf32>
        %get3A_615 = arith.constant 8 : i32
        %get3A_616 = arith.index_cast %rem3A_45 : i32 to index
        %get3A_617 = arith.index_cast %scan3A_103 : i32 to index
        %get3A_618 = arith.index_cast %get3A_615 : i32 to index
        %get3A_619 = arith.constant 16 : index
        %get3A_620 = tpu.vector_load %arg4[%get3A_616, %get3A_617, %get3A_618, %get3A_619] {strides = array<i32>} : memref<2x8x32x128xf32, #tpu.memory_space<vmem>>, vector<1x1x1x16xf32>,
        %get3A_621 = vector.shape_cast %get3A_620 : vector<1x1x1x16xf32> to vector<16xf32>
        %add3A_622 = arith.addf %add3A_558, %get3A_621 : vector<16xf32>
        %get3A_623 = arith.constant 8 : i32
        %get3A_624 = arith.index_cast %rem3A_45 : i32 to index
        %get3A_625 = arith.index_cast %scan3A_103 : i32 to index
        %get3A_626 = arith.index_cast %get3A_623 : i32 to index
        %get3A_627 = arith.constant 32 : index
        %get3A_628 = tpu.vector_load %arg4[%get3A_624, %get3A_625, %get3A_626, %get3A_627] {strides = array<i32>} : memref<2x8x32x128xf32, #tpu.memory_space<vmem>>, vector<1x1x1x16xf32>,
        %get3A_629 = vector.shape_cast %get3A_628 : vector<1x1x1x16xf32> to vector<16xf32>
        %add3A_630 = arith.addf %add3A_566, %get3A_629 : vector<16xf32>
        %get3A_631 = arith.constant 8 : i32
        %get3A_632 = arith.index_cast %rem3A_45 : i32 to index
        %get3A_633 = arith.index_cast %scan3A_103 : i32 to index
        %get3A_634 = arith.index_cast %get3A_631 : i32 to index
        %get3A_635 = arith.constant 48 : index
        %get3A_636 = tpu.vector_load %arg4[%get3A_632, %get3A_633, %get3A_634, %get3A_635] {strides = array<i32>} : memref<2x8x32x128xf32, #tpu.memory_space<vmem>>, vector<1x1x1x16xf32>,
        %get3A_637 = vector.shape_cast %get3A_636 : vector<1x1x1x16xf32> to vector<16xf32>
        %add3A_638 = arith.addf %add3A_574, %get3A_637 : vector<16xf32>
        %get3A_639 = arith.constant 8 : i32
        %get3A_640 = arith.index_cast %rem3A_45 : i32 to index
        %get3A_641 = arith.index_cast %scan3A_103 : i32 to index
        %get3A_642 = arith.index_cast %get3A_639 : i32 to index
        %get3A_643 = arith.constant 64 : index
        %get3A_644 = tpu.vector_load %arg4[%get3A_640, %get3A_641, %get3A_642, %get3A_643] {strides = array<i32>} : memref<2x8x32x128xf32, #tpu.memory_space<vmem>>, vector<1x1x1x16xf32>,
        %get3A_645 = vector.shape_cast %get3A_644 : vector<1x1x1x16xf32> to vector<16xf32>
        %add3A_646 = arith.addf %add3A_582, %get3A_645 : vector<16xf32>
        %get3A_647 = arith.constant 8 : i32
        %get3A_648 = arith.index_cast %rem3A_45 : i32 to index
        %get3A_649 = arith.index_cast %scan3A_103 : i32 to index
        %get3A_650 = arith.index_cast %get3A_647 : i32 to index
        %get3A_651 = arith.constant 80 : index
        %get3A_652 = tpu.vector_load %arg4[%get3A_648, %get3A_649, %get3A_650, %get3A_651] {strides = array<i32>} : memref<2x8x32x128xf32, #tpu.memory_space<vmem>>, vector<1x1x1x16xf32>,
        %get3A_653 = vector.shape_cast %get3A_652 : vector<1x1x1x16xf32> to vector<16xf32>
        %add3A_654 = arith.addf %add3A_590, %get3A_653 : vector<16xf32>
        %get3A_655 = arith.constant 8 : i32
        %get3A_656 = arith.index_cast %rem3A_45 : i32 to index
        %get3A_657 = arith.index_cast %scan3A_103 : i32 to index
        %get3A_658 = arith.index_cast %get3A_655 : i32 to index
        %get3A_659 = arith.constant 96 : index
        %get3A_660 = tpu.vector_load %arg4[%get3A_656, %get3A_657, %get3A_658, %get3A_659] {strides = array<i32>} : memref<2x8x32x128xf32, #tpu.memory_space<vmem>>, vector<1x1x1x16xf32>,
        %get3A_661 = vector.shape_cast %get3A_660 : vector<1x1x1x16xf32> to vector<16xf32>
        %add3A_662 = arith.addf %add3A_598, %get3A_661 : vector<16xf32>
        %get3A_663 = arith.constant 8 : i32
        %get3A_664 = arith.index_cast %rem3A_45 : i32 to index
        %get3A_665 = arith.index_cast %scan3A_103 : i32 to index
        %get3A_666 = arith.index_cast %get3A_663 : i32 to index
        %get3A_667 = arith.constant 112 : index
        %get3A_668 = tpu.vector_load %arg4[%get3A_664, %get3A_665, %get3A_666, %get3A_667] {strides = array<i32>} : memref<2x8x32x128xf32, #tpu.memory_space<vmem>>, vector<1x1x1x16xf32>,
        %get3A_669 = vector.shape_cast %get3A_668 : vector<1x1x1x16xf32> to vector<16xf32>
        %add3A_670 = arith.addf %add3A_606, %get3A_669 : vector<16xf32>
        %get3A_671 = arith.constant 9 : i32
        %get3A_672 = arith.index_cast %rem3A_45 : i32 to index
        %get3A_673 = arith.index_cast %scan3A_103 : i32 to index
        %get3A_674 = arith.index_cast %get3A_671 : i32 to index
        %get3A_675 = arith.constant 0 : index
        %get3A_676 = tpu.vector_load %arg4[%get3A_672, %get3A_673, %get3A_674, %get3A_675] {strides = array<i32>} : memref<2x8x32x128xf32, #tpu.memory_space<vmem>>, vector<1x1x1x16xf32>,
        %get3A_677 = vector.shape_cast %get3A_676 : vector<1x1x1x16xf32> to vector<16xf32>
        %add3A_678 = arith.addf %add3A_614, %get3A_677 : vector<16xf32>
        %get3A_679 = arith.constant 9 : i32
        %get3A_680 = arith.index_cast %rem3A_45 : i32 to index
        %get3A_681 = arith.index_cast %scan3A_103 : i32 to index
        %get3A_682 = arith.index_cast %get3A_679 : i32 to index
        %get3A_683 = arith.constant 16 : index
        %get3A_684 = tpu.vector_load %arg4[%get3A_680, %get3A_681, %get3A_682, %get3A_683] {strides = array<i32>} : memref<2x8x32x128xf32, #tpu.memory_space<vmem>>, vector<1x1x1x16xf32>,
        %get3A_685 = vector.shape_cast %get3A_684 : vector<1x1x1x16xf32> to vector<16xf32>
        %add3A_686 = arith.addf %add3A_622, %get3A_685 : vector<16xf32>
        %get3A_687 = arith.constant 9 : i32
        %get3A_688 = arith.index_cast %rem3A_45 : i32 to index
        %get3A_689 = arith.index_cast %scan3A_103 : i32 to index
        %get3A_690 = arith.index_cast %get3A_687 : i32 to index
        %get3A_691 = arith.constant 32 : index
        %get3A_692 = tpu.vector_load %arg4[%get3A_688, %get3A_689, %get3A_690, %get3A_691] {strides = array<i32>} : memref<2x8x32x128xf32, #tpu.memory_space<vmem>>, vector<1x1x1x16xf32>,
        %get3A_693 = vector.shape_cast %get3A_692 : vector<1x1x1x16xf32> to vector<16xf32>
        %add3A_694 = arith.addf %add3A_630, %get3A_693 : vector<16xf32>
        %get3A_695 = arith.constant 9 : i32
        %get3A_696 = arith.index_cast %rem3A_45 : i32 to index
        %get3A_697 = arith.index_cast %scan3A_103 : i32 to index
        %get3A_698 = arith.index_cast %get3A_695 : i32 to index
        %get3A_699 = arith.constant 48 : index
        %get3A_700 = tpu.vector_load %arg4[%get3A_696, %get3A_697, %get3A_698, %get3A_699] {strides = array<i32>} : memref<2x8x32x128xf32, #tpu.memory_space<vmem>>, vector<1x1x1x16xf32>,
        %get3A_701 = vector.shape_cast %get3A_700 : vector<1x1x1x16xf32> to vector<16xf32>
        %add3A_702 = arith.addf %add3A_638, %get3A_701 : vector<16xf32>
        %get3A_703 = arith.constant 9 : i32
        %get3A_704 = arith.index_cast %rem3A_45 : i32 to index
        %get3A_705 = arith.index_cast %scan3A_103 : i32 to index
        %get3A_706 = arith.index_cast %get3A_703 : i32 to index
        %get3A_707 = arith.constant 64 : index
        %get3A_708 = tpu.vector_load %arg4[%get3A_704, %get3A_705, %get3A_706, %get3A_707] {strides = array<i32>} : memref<2x8x32x128xf32, #tpu.memory_space<vmem>>, vector<1x1x1x16xf32>,
        %get3A_709 = vector.shape_cast %get3A_708 : vector<1x1x1x16xf32> to vector<16xf32>
        %add3A_710 = arith.addf %add3A_646, %get3A_709 : vector<16xf32>
        %get3A_711 = arith.constant 9 : i32
        %get3A_712 = arith.index_cast %rem3A_45 : i32 to index
        %get3A_713 = arith.index_cast %scan3A_103 : i32 to index
        %get3A_714 = arith.index_cast %get3A_711 : i32 to index
        %get3A_715 = arith.constant 80 : index
        %get3A_716 = tpu.vector_load %arg4[%get3A_712, %get3A_713, %get3A_714, %get3A_715] {strides = array<i32>} : memref<2x8x32x128xf32, #tpu.memory_space<vmem>>, vector<1x1x1x16xf32>,
        %get3A_717 = vector.shape_cast %get3A_716 : vector<1x1x1x16xf32> to vector<16xf32>
        %add3A_718 = arith.addf %add3A_654, %get3A_717 : vector<16xf32>
        %get3A_719 = arith.constant 9 : i32
        %get3A_720 = arith.index_cast %rem3A_45 : i32 to index
        %get3A_721 = arith.index_cast %scan3A_103 : i32 to index
        %get3A_722 = arith.index_cast %get3A_719 : i32 to index
        %get3A_723 = arith.constant 96 : index
        %get3A_724 = tpu.vector_load %arg4[%get3A_720, %get3A_721, %get3A_722, %get3A_723] {strides = array<i32>} : memref<2x8x32x128xf32, #tpu.memory_space<vmem>>, vector<1x1x1x16xf32>,
        %get3A_725 = vector.shape_cast %get3A_724 : vector<1x1x1x16xf32> to vector<16xf32>
        %add3A_726 = arith.addf %add3A_662, %get3A_725 : vector<16xf32>
        %get3A_727 = arith.constant 9 : i32
        %get3A_728 = arith.index_cast %rem3A_45 : i32 to index
        %get3A_729 = arith.index_cast %scan3A_103 : i32 to index
        %get3A_730 = arith.index_cast %get3A_727 : i32 to index
        %get3A_731 = arith.constant 112 : index
        %get3A_732 = tpu.vector_load %arg4[%get3A_728, %get3A_729, %get3A_730, %get3A_731] {strides = array<i32>} : memref<2x8x32x128xf32, #tpu.memory_space<vmem>>, vector<1x1x1x16xf32>,
        %get3A_733 = vector.shape_cast %get3A_732 : vector<1x1x1x16xf32> to vector<16xf32>
        %add3A_734 = arith.addf %add3A_670, %get3A_733 : vector<16xf32>
        %get3A_735 = arith.constant 10 : i32
        %get3A_736 = arith.index_cast %rem3A_45 : i32 to index
        %get3A_737 = arith.index_cast %scan3A_103 : i32 to index
        %get3A_738 = arith.index_cast %get3A_735 : i32 to index
        %get3A_739 = arith.constant 0 : index
        %get3A_740 = tpu.vector_load %arg4[%get3A_736, %get3A_737, %get3A_738, %get3A_739] {strides = array<i32>} : memref<2x8x32x128xf32, #tpu.memory_space<vmem>>, vector<1x1x1x16xf32>,
        %get3A_741 = vector.shape_cast %get3A_740 : vector<1x1x1x16xf32> to vector<16xf32>
        %add3A_742 = arith.addf %add3A_678, %get3A_741 : vector<16xf32>
        %get3A_743 = arith.constant 10 : i32
        %get3A_744 = arith.index_cast %rem3A_45 : i32 to index
        %get3A_745 = arith.index_cast %scan3A_103 : i32 to index
        %get3A_746 = arith.index_cast %get3A_743 : i32 to index
        %get3A_747 = arith.constant 16 : index
        %get3A_748 = tpu.vector_load %arg4[%get3A_744, %get3A_745, %get3A_746, %get3A_747] {strides = array<i32>} : memref<2x8x32x128xf32, #tpu.memory_space<vmem>>, vector<1x1x1x16xf32>,
        %get3A_749 = vector.shape_cast %get3A_748 : vector<1x1x1x16xf32> to vector<16xf32>
        %add3A_750 = arith.addf %add3A_686, %get3A_749 : vector<16xf32>
        %get3A_751 = arith.constant 10 : i32
        %get3A_752 = arith.index_cast %rem3A_45 : i32 to index
        %get3A_753 = arith.index_cast %scan3A_103 : i32 to index
        %get3A_754 = arith.index_cast %get3A_751 : i32 to index
        %get3A_755 = arith.constant 32 : index
        %get3A_756 = tpu.vector_load %arg4[%get3A_752, %get3A_753, %get3A_754, %get3A_755] {strides = array<i32>} : memref<2x8x32x128xf32, #tpu.memory_space<vmem>>, vector<1x1x1x16xf32>,
        %get3A_757 = vector.shape_cast %get3A_756 : vector<1x1x1x16xf32> to vector<16xf32>
        %add3A_758 = arith.addf %add3A_694, %get3A_757 : vector<16xf32>
        %get3A_759 = arith.constant 10 : i32
        %get3A_760 = arith.index_cast %rem3A_45 : i32 to index
        %get3A_761 = arith.index_cast %scan3A_103 : i32 to index
        %get3A_762 = arith.index_cast %get3A_759 : i32 to index
        %get3A_763 = arith.constant 48 : index
        %get3A_764 = tpu.vector_load %arg4[%get3A_760, %get3A_761, %get3A_762, %get3A_763] {strides = array<i32>} : memref<2x8x32x128xf32, #tpu.memory_space<vmem>>, vector<1x1x1x16xf32>,
        %get3A_765 = vector.shape_cast %get3A_764 : vector<1x1x1x16xf32> to vector<16xf32>
        %add3A_766 = arith.addf %add3A_702, %get3A_765 : vector<16xf32>
        %get3A_767 = arith.constant 10 : i32
        %get3A_768 = arith.index_cast %rem3A_45 : i32 to index
        %get3A_769 = arith.index_cast %scan3A_103 : i32 to index
        %get3A_770 = arith.index_cast %get3A_767 : i32 to index
        %get3A_771 = arith.constant 64 : index
        %get3A_772 = tpu.vector_load %arg4[%get3A_768, %get3A_769, %get3A_770, %get3A_771] {strides = array<i32>} : memref<2x8x32x128xf32, #tpu.memory_space<vmem>>, vector<1x1x1x16xf32>,
        %get3A_773 = vector.shape_cast %get3A_772 : vector<1x1x1x16xf32> to vector<16xf32>
        %add3A_774 = arith.addf %add3A_710, %get3A_773 : vector<16xf32>
        %get3A_775 = arith.constant 10 : i32
        %get3A_776 = arith.index_cast %rem3A_45 : i32 to index
        %get3A_777 = arith.index_cast %scan3A_103 : i32 to index
        %get3A_778 = arith.index_cast %get3A_775 : i32 to index
        %get3A_779 = arith.constant 80 : index
        %get3A_780 = tpu.vector_load %arg4[%get3A_776, %get3A_777, %get3A_778, %get3A_779] {strides = array<i32>} : memref<2x8x32x128xf32, #tpu.memory_space<vmem>>, vector<1x1x1x16xf32>,
        %get3A_781 = vector.shape_cast %get3A_780 : vector<1x1x1x16xf32> to vector<16xf32>
        %add3A_782 = arith.addf %add3A_718, %get3A_781 : vector<16xf32>
        %get3A_783 = arith.constant 10 : i32
        %get3A_784 = arith.index_cast %rem3A_45 : i32 to index
        %get3A_785 = arith.index_cast %scan3A_103 : i32 to index
        %get3A_786 = arith.index_cast %get3A_783 : i32 to index
        %get3A_787 = arith.constant 96 : index
        %get3A_788 = tpu.vector_load %arg4[%get3A_784, %get3A_785, %get3A_786, %get3A_787] {strides = array<i32>} : memref<2x8x32x128xf32, #tpu.memory_space<vmem>>, vector<1x1x1x16xf32>,
        %get3A_789 = vector.shape_cast %get3A_788 : vector<1x1x1x16xf32> to vector<16xf32>
        %add3A_790 = arith.addf %add3A_726, %get3A_789 : vector<16xf32>
        %get3A_791 = arith.constant 10 : i32
        %get3A_792 = arith.index_cast %rem3A_45 : i32 to index
        %get3A_793 = arith.index_cast %scan3A_103 : i32 to index
        %get3A_794 = arith.index_cast %get3A_791 : i32 to index
        %get3A_795 = arith.constant 112 : index
        %get3A_796 = tpu.vector_load %arg4[%get3A_792, %get3A_793, %get3A_794, %get3A_795] {strides = array<i32>} : memref<2x8x32x128xf32, #tpu.memory_space<vmem>>, vector<1x1x1x16xf32>,
        %get3A_797 = vector.shape_cast %get3A_796 : vector<1x1x1x16xf32> to vector<16xf32>
        %add3A_798 = arith.addf %add3A_734, %get3A_797 : vector<16xf32>
        %get3A_799 = arith.constant 11 : i32
        %get3A_800 = arith.index_cast %rem3A_45 : i32 to index
        %get3A_801 = arith.index_cast %scan3A_103 : i32 to index
        %get3A_802 = arith.index_cast %get3A_799 : i32 to index
        %get3A_803 = arith.constant 0 : index
        %get3A_804 = tpu.vector_load %arg4[%get3A_800, %get3A_801, %get3A_802, %get3A_803] {strides = array<i32>} : memref<2x8x32x128xf32, #tpu.memory_space<vmem>>, vector<1x1x1x16xf32>,
        %get3A_805 = vector.shape_cast %get3A_804 : vector<1x1x1x16xf32> to vector<16xf32>
        %add3A_806 = arith.addf %add3A_742, %get3A_805 : vector<16xf32>
        %get3A_807 = arith.constant 11 : i32
        %get3A_808 = arith.index_cast %rem3A_45 : i32 to index
        %get3A_809 = arith.index_cast %scan3A_103 : i32 to index
        %get3A_810 = arith.index_cast %get3A_807 : i32 to index
        %get3A_811 = arith.constant 16 : index
        %get3A_812 = tpu.vector_load %arg4[%get3A_808, %get3A_809, %get3A_810, %get3A_811] {strides = array<i32>} : memref<2x8x32x128xf32, #tpu.memory_space<vmem>>, vector<1x1x1x16xf32>,
        %get3A_813 = vector.shape_cast %get3A_812 : vector<1x1x1x16xf32> to vector<16xf32>
        %add3A_814 = arith.addf %add3A_750, %get3A_813 : vector<16xf32>
        %get3A_815 = arith.constant 11 : i32
        %get3A_816 = arith.index_cast %rem3A_45 : i32 to index
        %get3A_817 = arith.index_cast %scan3A_103 : i32 to index
        %get3A_818 = arith.index_cast %get3A_815 : i32 to index
        %get3A_819 = arith.constant 32 : index
        %get3A_820 = tpu.vector_load %arg4[%get3A_816, %get3A_817, %get3A_818, %get3A_819] {strides = array<i32>} : memref<2x8x32x128xf32, #tpu.memory_space<vmem>>, vector<1x1x1x16xf32>,
        %get3A_821 = vector.shape_cast %get3A_820 : vector<1x1x1x16xf32> to vector<16xf32>
        %add3A_822 = arith.addf %add3A_758, %get3A_821 : vector<16xf32>
        %get3A_823 = arith.constant 11 : i32
        %get3A_824 = arith.index_cast %rem3A_45 : i32 to index
        %get3A_825 = arith.index_cast %scan3A_103 : i32 to index
        %get3A_826 = arith.index_cast %get3A_823 : i32 to index
        %get3A_827 = arith.constant 48 : index
        %get3A_828 = tpu.vector_load %arg4[%get3A_824, %get3A_825, %get3A_826, %get3A_827] {strides = array<i32>} : memref<2x8x32x128xf32, #tpu.memory_space<vmem>>, vector<1x1x1x16xf32>,
        %get3A_829 = vector.shape_cast %get3A_828 : vector<1x1x1x16xf32> to vector<16xf32>
        %add3A_830 = arith.addf %add3A_766, %get3A_829 : vector<16xf32>
        %get3A_831 = arith.constant 11 : i32
        %get3A_832 = arith.index_cast %rem3A_45 : i32 to index
        %get3A_833 = arith.index_cast %scan3A_103 : i32 to index
        %get3A_834 = arith.index_cast %get3A_831 : i32 to index
        %get3A_835 = arith.constant 64 : index
        %get3A_836 = tpu.vector_load %arg4[%get3A_832, %get3A_833, %get3A_834, %get3A_835] {strides = array<i32>} : memref<2x8x32x128xf32, #tpu.memory_space<vmem>>, vector<1x1x1x16xf32>,
        %get3A_837 = vector.shape_cast %get3A_836 : vector<1x1x1x16xf32> to vector<16xf32>
        %add3A_838 = arith.addf %add3A_774, %get3A_837 : vector<16xf32>
        %get3A_839 = arith.constant 11 : i32
        %get3A_840 = arith.index_cast %rem3A_45 : i32 to index
        %get3A_841 = arith.index_cast %scan3A_103 : i32 to index
        %get3A_842 = arith.index_cast %get3A_839 : i32 to index
        %get3A_843 = arith.constant 80 : index
        %get3A_844 = tpu.vector_load %arg4[%get3A_840, %get3A_841, %get3A_842, %get3A_843] {strides = array<i32>} : memref<2x8x32x128xf32, #tpu.memory_space<vmem>>, vector<1x1x1x16xf32>,
        %get3A_845 = vector.shape_cast %get3A_844 : vector<1x1x1x16xf32> to vector<16xf32>
        %add3A_846 = arith.addf %add3A_782, %get3A_845 : vector<16xf32>
        %get3A_847 = arith.constant 11 : i32
        %get3A_848 = arith.index_cast %rem3A_45 : i32 to index
        %get3A_849 = arith.index_cast %scan3A_103 : i32 to index
        %get3A_850 = arith.index_cast %get3A_847 : i32 to index
        %get3A_851 = arith.constant 96 : index
        %get3A_852 = tpu.vector_load %arg4[%get3A_848, %get3A_849, %get3A_850, %get3A_851] {strides = array<i32>} : memref<2x8x32x128xf32, #tpu.memory_space<vmem>>, vector<1x1x1x16xf32>,
        %get3A_853 = vector.shape_cast %get3A_852 : vector<1x1x1x16xf32> to vector<16xf32>
        %add3A_854 = arith.addf %add3A_790, %get3A_853 : vector<16xf32>
        %get3A_855 = arith.constant 11 : i32
        %get3A_856 = arith.index_cast %rem3A_45 : i32 to index
        %get3A_857 = arith.index_cast %scan3A_103 : i32 to index
        %get3A_858 = arith.index_cast %get3A_855 : i32 to index
        %get3A_859 = arith.constant 112 : index
        %get3A_860 = tpu.vector_load %arg4[%get3A_856, %get3A_857, %get3A_858, %get3A_859] {strides = array<i32>} : memref<2x8x32x128xf32, #tpu.memory_space<vmem>>, vector<1x1x1x16xf32>,
        %get3A_861 = vector.shape_cast %get3A_860 : vector<1x1x1x16xf32> to vector<16xf32>
        %add3A_862 = arith.addf %add3A_798, %get3A_861 : vector<16xf32>
        %get3A_863 = arith.constant 12 : i32
        %get3A_864 = arith.index_cast %rem3A_45 : i32 to index
        %get3A_865 = arith.index_cast %scan3A_103 : i32 to index
        %get3A_866 = arith.index_cast %get3A_863 : i32 to index
        %get3A_867 = arith.constant 0 : index
        %get3A_868 = tpu.vector_load %arg4[%get3A_864, %get3A_865, %get3A_866, %get3A_867] {strides = array<i32>} : memref<2x8x32x128xf32, #tpu.memory_space<vmem>>, vector<1x1x1x16xf32>,
        %get3A_869 = vector.shape_cast %get3A_868 : vector<1x1x1x16xf32> to vector<16xf32>
        %add3A_870 = arith.addf %add3A_806, %get3A_869 : vector<16xf32>
        %get3A_871 = arith.constant 12 : i32
        %get3A_872 = arith.index_cast %rem3A_45 : i32 to index
        %get3A_873 = arith.index_cast %scan3A_103 : i32 to index
        %get3A_874 = arith.index_cast %get3A_871 : i32 to index
        %get3A_875 = arith.constant 16 : index
        %get3A_876 = tpu.vector_load %arg4[%get3A_872, %get3A_873, %get3A_874, %get3A_875] {strides = array<i32>} : memref<2x8x32x128xf32, #tpu.memory_space<vmem>>, vector<1x1x1x16xf32>,
        %get3A_877 = vector.shape_cast %get3A_876 : vector<1x1x1x16xf32> to vector<16xf32>
        %add3A_878 = arith.addf %add3A_814, %get3A_877 : vector<16xf32>
        %get3A_879 = arith.constant 12 : i32
        %get3A_880 = arith.index_cast %rem3A_45 : i32 to index
        %get3A_881 = arith.index_cast %scan3A_103 : i32 to index
        %get3A_882 = arith.index_cast %get3A_879 : i32 to index
        %get3A_883 = arith.constant 32 : index
        %get3A_884 = tpu.vector_load %arg4[%get3A_880, %get3A_881, %get3A_882, %get3A_883] {strides = array<i32>} : memref<2x8x32x128xf32, #tpu.memory_space<vmem>>, vector<1x1x1x16xf32>,
        %get3A_885 = vector.shape_cast %get3A_884 : vector<1x1x1x16xf32> to vector<16xf32>
        %add3A_886 = arith.addf %add3A_822, %get3A_885 : vector<16xf32>
        %get3A_887 = arith.constant 12 : i32
        %get3A_888 = arith.index_cast %rem3A_45 : i32 to index
        %get3A_889 = arith.index_cast %scan3A_103 : i32 to index
        %get3A_890 = arith.index_cast %get3A_887 : i32 to index
        %get3A_891 = arith.constant 48 : index
        %get3A_892 = tpu.vector_load %arg4[%get3A_888, %get3A_889, %get3A_890, %get3A_891] {strides = array<i32>} : memref<2x8x32x128xf32, #tpu.memory_space<vmem>>, vector<1x1x1x16xf32>,
        %get3A_893 = vector.shape_cast %get3A_892 : vector<1x1x1x16xf32> to vector<16xf32>
        %add3A_894 = arith.addf %add3A_830, %get3A_893 : vector<16xf32>
        %get3A_895 = arith.constant 12 : i32
        %get3A_896 = arith.index_cast %rem3A_45 : i32 to index
        %get3A_897 = arith.index_cast %scan3A_103 : i32 to index
        %get3A_898 = arith.index_cast %get3A_895 : i32 to index
        %get3A_899 = arith.constant 64 : index
        %get3A_900 = tpu.vector_load %arg4[%get3A_896, %get3A_897, %get3A_898, %get3A_899] {strides = array<i32>} : memref<2x8x32x128xf32, #tpu.memory_space<vmem>>, vector<1x1x1x16xf32>,
        %get3A_901 = vector.shape_cast %get3A_900 : vector<1x1x1x16xf32> to vector<16xf32>
        %add3A_902 = arith.addf %add3A_838, %get3A_901 : vector<16xf32>
        %get3A_903 = arith.constant 12 : i32
        %get3A_904 = arith.index_cast %rem3A_45 : i32 to index
        %get3A_905 = arith.index_cast %scan3A_103 : i32 to index
        %get3A_906 = arith.index_cast %get3A_903 : i32 to index
        %get3A_907 = arith.constant 80 : index
        %get3A_908 = tpu.vector_load %arg4[%get3A_904, %get3A_905, %get3A_906, %get3A_907] {strides = array<i32>} : memref<2x8x32x128xf32, #tpu.memory_space<vmem>>, vector<1x1x1x16xf32>,
        %get3A_909 = vector.shape_cast %get3A_908 : vector<1x1x1x16xf32> to vector<16xf32>
        %add3A_910 = arith.addf %add3A_846, %get3A_909 : vector<16xf32>
        %get3A_911 = arith.constant 12 : i32
        %get3A_912 = arith.index_cast %rem3A_45 : i32 to index
        %get3A_913 = arith.index_cast %scan3A_103 : i32 to index
        %get3A_914 = arith.index_cast %get3A_911 : i32 to index
        %get3A_915 = arith.constant 96 : index
        %get3A_916 = tpu.vector_load %arg4[%get3A_912, %get3A_913, %get3A_914, %get3A_915] {strides = array<i32>} : memref<2x8x32x128xf32, #tpu.memory_space<vmem>>, vector<1x1x1x16xf32>,
        %get3A_917 = vector.shape_cast %get3A_916 : vector<1x1x1x16xf32> to vector<16xf32>
        %add3A_918 = arith.addf %add3A_854, %get3A_917 : vector<16xf32>
        %get3A_919 = arith.constant 12 : i32
        %get3A_920 = arith.index_cast %rem3A_45 : i32 to index
        %get3A_921 = arith.index_cast %scan3A_103 : i32 to index
        %get3A_922 = arith.index_cast %get3A_919 : i32 to index
        %get3A_923 = arith.constant 112 : index
        %get3A_924 = tpu.vector_load %arg4[%get3A_920, %get3A_921, %get3A_922, %get3A_923] {strides = array<i32>} : memref<2x8x32x128xf32, #tpu.memory_space<vmem>>, vector<1x1x1x16xf32>,
        %get3A_925 = vector.shape_cast %get3A_924 : vector<1x1x1x16xf32> to vector<16xf32>
        %add3A_926 = arith.addf %add3A_862, %get3A_925 : vector<16xf32>
        %get3A_927 = arith.constant 13 : i32
        %get3A_928 = arith.index_cast %rem3A_45 : i32 to index
        %get3A_929 = arith.index_cast %scan3A_103 : i32 to index
        %get3A_930 = arith.index_cast %get3A_927 : i32 to index
        %get3A_931 = arith.constant 0 : index
        %get3A_932 = tpu.vector_load %arg4[%get3A_928, %get3A_929, %get3A_930, %get3A_931] {strides = array<i32>} : memref<2x8x32x128xf32, #tpu.memory_space<vmem>>, vector<1x1x1x16xf32>,
        %get3A_933 = vector.shape_cast %get3A_932 : vector<1x1x1x16xf32> to vector<16xf32>
        %add3A_934 = arith.addf %add3A_870, %get3A_933 : vector<16xf32>
        %get3A_935 = arith.constant 13 : i32
        %get3A_936 = arith.index_cast %rem3A_45 : i32 to index
        %get3A_937 = arith.index_cast %scan3A_103 : i32 to index
        %get3A_938 = arith.index_cast %get3A_935 : i32 to index
        %get3A_939 = arith.constant 16 : index
        %get3A_940 = tpu.vector_load %arg4[%get3A_936, %get3A_937, %get3A_938, %get3A_939] {strides = array<i32>} : memref<2x8x32x128xf32, #tpu.memory_space<vmem>>, vector<1x1x1x16xf32>,
        %get3A_941 = vector.shape_cast %get3A_940 : vector<1x1x1x16xf32> to vector<16xf32>
        %add3A_942 = arith.addf %add3A_878, %get3A_941 : vector<16xf32>
        %get3A_943 = arith.constant 13 : i32
        %get3A_944 = arith.index_cast %rem3A_45 : i32 to index
        %get3A_945 = arith.index_cast %scan3A_103 : i32 to index
        %get3A_946 = arith.index_cast %get3A_943 : i32 to index
        %get3A_947 = arith.constant 32 : index
        %get3A_948 = tpu.vector_load %arg4[%get3A_944, %get3A_945, %get3A_946, %get3A_947] {strides = array<i32>} : memref<2x8x32x128xf32, #tpu.memory_space<vmem>>, vector<1x1x1x16xf32>,
        %get3A_949 = vector.shape_cast %get3A_948 : vector<1x1x1x16xf32> to vector<16xf32>
        %add3A_950 = arith.addf %add3A_886, %get3A_949 : vector<16xf32>
        %get3A_951 = arith.constant 13 : i32
        %get3A_952 = arith.index_cast %rem3A_45 : i32 to index
        %get3A_953 = arith.index_cast %scan3A_103 : i32 to index
        %get3A_954 = arith.index_cast %get3A_951 : i32 to index
        %get3A_955 = arith.constant 48 : index
        %get3A_956 = tpu.vector_load %arg4[%get3A_952, %get3A_953, %get3A_954, %get3A_955] {strides = array<i32>} : memref<2x8x32x128xf32, #tpu.memory_space<vmem>>, vector<1x1x1x16xf32>,
        %get3A_957 = vector.shape_cast %get3A_956 : vector<1x1x1x16xf32> to vector<16xf32>
        %add3A_958 = arith.addf %add3A_894, %get3A_957 : vector<16xf32>
        %get3A_959 = arith.constant 13 : i32
        %get3A_960 = arith.index_cast %rem3A_45 : i32 to index
        %get3A_961 = arith.index_cast %scan3A_103 : i32 to index
        %get3A_962 = arith.index_cast %get3A_959 : i32 to index
        %get3A_963 = arith.constant 64 : index
        %get3A_964 = tpu.vector_load %arg4[%get3A_960, %get3A_961, %get3A_962, %get3A_963] {strides = array<i32>} : memref<2x8x32x128xf32, #tpu.memory_space<vmem>>, vector<1x1x1x16xf32>,
        %get3A_965 = vector.shape_cast %get3A_964 : vector<1x1x1x16xf32> to vector<16xf32>
        %add3A_966 = arith.addf %add3A_902, %get3A_965 : vector<16xf32>
        %get3A_967 = arith.constant 13 : i32
        %get3A_968 = arith.index_cast %rem3A_45 : i32 to index
        %get3A_969 = arith.index_cast %scan3A_103 : i32 to index
        %get3A_970 = arith.index_cast %get3A_967 : i32 to index
        %get3A_971 = arith.constant 80 : index
        %get3A_972 = tpu.vector_load %arg4[%get3A_968, %get3A_969, %get3A_970, %get3A_971] {strides = array<i32>} : memref<2x8x32x128xf32, #tpu.memory_space<vmem>>, vector<1x1x1x16xf32>,
        %get3A_973 = vector.shape_cast %get3A_972 : vector<1x1x1x16xf32> to vector<16xf32>
        %add3A_974 = arith.addf %add3A_910, %get3A_973 : vector<16xf32>
        %get3A_975 = arith.constant 13 : i32
        %get3A_976 = arith.index_cast %rem3A_45 : i32 to index
        %get3A_977 = arith.index_cast %scan3A_103 : i32 to index
        %get3A_978 = arith.index_cast %get3A_975 : i32 to index
        %get3A_979 = arith.constant 96 : index
        %get3A_980 = tpu.vector_load %arg4[%get3A_976, %get3A_977, %get3A_978, %get3A_979] {strides = array<i32>} : memref<2x8x32x128xf32, #tpu.memory_space<vmem>>, vector<1x1x1x16xf32>,
        %get3A_981 = vector.shape_cast %get3A_980 : vector<1x1x1x16xf32> to vector<16xf32>
        %add3A_982 = arith.addf %add3A_918, %get3A_981 : vector<16xf32>
        %get3A_983 = arith.constant 13 : i32
        %get3A_984 = arith.index_cast %rem3A_45 : i32 to index
        %get3A_985 = arith.index_cast %scan3A_103 : i32 to index
        %get3A_986 = arith.index_cast %get3A_983 : i32 to index
        %get3A_987 = arith.constant 112 : index
        %get3A_988 = tpu.vector_load %arg4[%get3A_984, %get3A_985, %get3A_986, %get3A_987] {strides = array<i32>} : memref<2x8x32x128xf32, #tpu.memory_space<vmem>>, vector<1x1x1x16xf32>,
        %get3A_989 = vector.shape_cast %get3A_988 : vector<1x1x1x16xf32> to vector<16xf32>
        %add3A_990 = arith.addf %add3A_926, %get3A_989 : vector<16xf32>
        %get3A_991 = arith.constant 14 : i32
        %get3A_992 = arith.index_cast %rem3A_45 : i32 to index
        %get3A_993 = arith.index_cast %scan3A_103 : i32 to index
        %get3A_994 = arith.index_cast %get3A_991 : i32 to index
        %get3A_995 = arith.constant 0 : index
        %get3A_996 = tpu.vector_load %arg4[%get3A_992, %get3A_993, %get3A_994, %get3A_995] {strides = array<i32>} : memref<2x8x32x128xf32, #tpu.memory_space<vmem>>, vector<1x1x1x16xf32>,
        %get3A_997 = vector.shape_cast %get3A_996 : vector<1x1x1x16xf32> to vector<16xf32>
        %add3A_998 = arith.addf %add3A_934, %get3A_997 : vector<16xf32>
        %get3A_999 = arith.constant 14 : i32
        %get3A_1000 = arith.index_cast %rem3A_45 : i32 to index
        %get3A_1001 = arith.index_cast %scan3A_103 : i32 to index
        %get3A_1002 = arith.index_cast %get3A_999 : i32 to index
        %get3A_1003 = arith.constant 16 : index
        %get3A_1004 = tpu.vector_load %arg4[%get3A_1000, %get3A_1001, %get3A_1002, %get3A_1003] {strides = array<i32>} : memref<2x8x32x128xf32, #tpu.memory_space<vmem>>, vector<1x1x1x16xf32>,
        %get3A_1005 = vector.shape_cast %get3A_1004 : vector<1x1x1x16xf32> to vector<16xf32>
        %add3A_1006 = arith.addf %add3A_942, %get3A_1005 : vector<16xf32>
        %get3A_1007 = arith.constant 14 : i32
        %get3A_1008 = arith.index_cast %rem3A_45 : i32 to index
        %get3A_1009 = arith.index_cast %scan3A_103 : i32 to index
        %get3A_1010 = arith.index_cast %get3A_1007 : i32 to index
        %get3A_1011 = arith.constant 32 : index
        %get3A_1012 = tpu.vector_load %arg4[%get3A_1008, %get3A_1009, %get3A_1010, %get3A_1011] {strides = array<i32>} : memref<2x8x32x128xf32, #tpu.memory_space<vmem>>, vector<1x1x1x16xf32>,
        %get3A_1013 = vector.shape_cast %get3A_1012 : vector<1x1x1x16xf32> to vector<16xf32>
        %add3A_1014 = arith.addf %add3A_950, %get3A_1013 : vector<16xf32>
        %get3A_1015 = arith.constant 14 : i32
        %get3A_1016 = arith.index_cast %rem3A_45 : i32 to index
        %get3A_1017 = arith.index_cast %scan3A_103 : i32 to index
        %get3A_1018 = arith.index_cast %get3A_1015 : i32 to index
        %get3A_1019 = arith.constant 48 : index
        %get3A_1020 = tpu.vector_load %arg4[%get3A_1016, %get3A_1017, %get3A_1018, %get3A_1019] {strides = array<i32>} : memref<2x8x32x128xf32, #tpu.memory_space<vmem>>, vector<1x1x1x16xf32>,
        %get3A_1021 = vector.shape_cast %get3A_1020 : vector<1x1x1x16xf32> to vector<16xf32>
        %add3A_1022 = arith.addf %add3A_958, %get3A_1021 : vector<16xf32>
        %get3A_1023 = arith.constant 14 : i32
        %get3A_1024 = arith.index_cast %rem3A_45 : i32 to index
        %get3A_1025 = arith.index_cast %scan3A_103 : i32 to index
        %get3A_1026 = arith.index_cast %get3A_1023 : i32 to index
        %get3A_1027 = arith.constant 64 : index
        %get3A_1028 = tpu.vector_load %arg4[%get3A_1024, %get3A_1025, %get3A_1026, %get3A_1027] {strides = array<i32>} : memref<2x8x32x128xf32, #tpu.memory_space<vmem>>, vector<1x1x1x16xf32>,
        %get3A_1029 = vector.shape_cast %get3A_1028 : vector<1x1x1x16xf32> to vector<16xf32>
        %add3A_1030 = arith.addf %add3A_966, %get3A_1029 : vector<16xf32>
        %get3A_1031 = arith.constant 14 : i32
        %get3A_1032 = arith.index_cast %rem3A_45 : i32 to index
        %get3A_1033 = arith.index_cast %scan3A_103 : i32 to index
        %get3A_1034 = arith.index_cast %get3A_1031 : i32 to index
        %get3A_1035 = arith.constant 80 : index
        %get3A_1036 = tpu.vector_load %arg4[%get3A_1032, %get3A_1033, %get3A_1034, %get3A_1035] {strides = array<i32>} : memref<2x8x32x128xf32, #tpu.memory_space<vmem>>, vector<1x1x1x16xf32>,
        %get3A_1037 = vector.shape_cast %get3A_1036 : vector<1x1x1x16xf32> to vector<16xf32>
        %add3A_1038 = arith.addf %add3A_974, %get3A_1037 : vector<16xf32>
        %get3A_1039 = arith.constant 14 : i32
        %get3A_1040 = arith.index_cast %rem3A_45 : i32 to index
        %get3A_1041 = arith.index_cast %scan3A_103 : i32 to index
        %get3A_1042 = arith.index_cast %get3A_1039 : i32 to index
        %get3A_1043 = arith.constant 96 : index
        %get3A_1044 = tpu.vector_load %arg4[%get3A_1040, %get3A_1041, %get3A_1042, %get3A_1043] {strides = array<i32>} : memref<2x8x32x128xf32, #tpu.memory_space<vmem>>, vector<1x1x1x16xf32>,
        %get3A_1045 = vector.shape_cast %get3A_1044 : vector<1x1x1x16xf32> to vector<16xf32>
        %add3A_1046 = arith.addf %add3A_982, %get3A_1045 : vector<16xf32>
        %get3A_1047 = arith.constant 14 : i32
        %get3A_1048 = arith.index_cast %rem3A_45 : i32 to index
        %get3A_1049 = arith.index_cast %scan3A_103 : i32 to index
        %get3A_1050 = arith.index_cast %get3A_1047 : i32 to index
        %get3A_1051 = arith.constant 112 : index
        %get3A_1052 = tpu.vector_load %arg4[%get3A_1048, %get3A_1049, %get3A_1050, %get3A_1051] {strides = array<i32>} : memref<2x8x32x128xf32, #tpu.memory_space<vmem>>, vector<1x1x1x16xf32>,
        %get3A_1053 = vector.shape_cast %get3A_1052 : vector<1x1x1x16xf32> to vector<16xf32>
        %add3A_1054 = arith.addf %add3A_990, %get3A_1053 : vector<16xf32>
        %get3A_1055 = arith.constant 15 : i32
        %get3A_1056 = arith.index_cast %rem3A_45 : i32 to index
        %get3A_1057 = arith.index_cast %scan3A_103 : i32 to index
        %get3A_1058 = arith.index_cast %get3A_1055 : i32 to index
        %get3A_1059 = arith.constant 0 : index
        %get3A_1060 = tpu.vector_load %arg4[%get3A_1056, %get3A_1057, %get3A_1058, %get3A_1059] {strides = array<i32>} : memref<2x8x32x128xf32, #tpu.memory_space<vmem>>, vector<1x1x1x16xf32>,
        %get3A_1061 = vector.shape_cast %get3A_1060 : vector<1x1x1x16xf32> to vector<16xf32>
        %add3A_1062 = arith.addf %add3A_998, %get3A_1061 : vector<16xf32>
        %get3A_1063 = arith.constant 15 : i32
        %get3A_1064 = arith.index_cast %rem3A_45 : i32 to index
        %get3A_1065 = arith.index_cast %scan3A_103 : i32 to index
        %get3A_1066 = arith.index_cast %get3A_1063 : i32 to index
        %get3A_1067 = arith.constant 16 : index
        %get3A_1068 = tpu.vector_load %arg4[%get3A_1064, %get3A_1065, %get3A_1066, %get3A_1067] {strides = array<i32>} : memref<2x8x32x128xf32, #tpu.memory_space<vmem>>, vector<1x1x1x16xf32>,
        %get3A_1069 = vector.shape_cast %get3A_1068 : vector<1x1x1x16xf32> to vector<16xf32>
        %add3A_1070 = arith.addf %add3A_1006, %get3A_1069 : vector<16xf32>
        %get3A_1071 = arith.constant 15 : i32
        %get3A_1072 = arith.index_cast %rem3A_45 : i32 to index
        %get3A_1073 = arith.index_cast %scan3A_103 : i32 to index
        %get3A_1074 = arith.index_cast %get3A_1071 : i32 to index
        %get3A_1075 = arith.constant 32 : index
        %get3A_1076 = tpu.vector_load %arg4[%get3A_1072, %get3A_1073, %get3A_1074, %get3A_1075] {strides = array<i32>} : memref<2x8x32x128xf32, #tpu.memory_space<vmem>>, vector<1x1x1x16xf32>,
        %get3A_1077 = vector.shape_cast %get3A_1076 : vector<1x1x1x16xf32> to vector<16xf32>
        %add3A_1078 = arith.addf %add3A_1014, %get3A_1077 : vector<16xf32>
        %get3A_1079 = arith.constant 15 : i32
        %get3A_1080 = arith.index_cast %rem3A_45 : i32 to index
        %get3A_1081 = arith.index_cast %scan3A_103 : i32 to index
        %get3A_1082 = arith.index_cast %get3A_1079 : i32 to index
        %get3A_1083 = arith.constant 48 : index
        %get3A_1084 = tpu.vector_load %arg4[%get3A_1080, %get3A_1081, %get3A_1082, %get3A_1083] {strides = array<i32>} : memref<2x8x32x128xf32, #tpu.memory_space<vmem>>, vector<1x1x1x16xf32>,
        %get3A_1085 = vector.shape_cast %get3A_1084 : vector<1x1x1x16xf32> to vector<16xf32>
        %add3A_1086 = arith.addf %add3A_1022, %get3A_1085 : vector<16xf32>
        %get3A_1087 = arith.constant 15 : i32
        %get3A_1088 = arith.index_cast %rem3A_45 : i32 to index
        %get3A_1089 = arith.index_cast %scan3A_103 : i32 to index
        %get3A_1090 = arith.index_cast %get3A_1087 : i32 to index
        %get3A_1091 = arith.constant 64 : index
        %get3A_1092 = tpu.vector_load %arg4[%get3A_1088, %get3A_1089, %get3A_1090, %get3A_1091] {strides = array<i32>} : memref<2x8x32x128xf32, #tpu.memory_space<vmem>>, vector<1x1x1x16xf32>,
        %get3A_1093 = vector.shape_cast %get3A_1092 : vector<1x1x1x16xf32> to vector<16xf32>
        %add3A_1094 = arith.addf %add3A_1030, %get3A_1093 : vector<16xf32>
        %get3A_1095 = arith.constant 15 : i32
        %get3A_1096 = arith.index_cast %rem3A_45 : i32 to index
        %get3A_1097 = arith.index_cast %scan3A_103 : i32 to index
        %get3A_1098 = arith.index_cast %get3A_1095 : i32 to index
        %get3A_1099 = arith.constant 80 : index
        %get3A_1100 = tpu.vector_load %arg4[%get3A_1096, %get3A_1097, %get3A_1098, %get3A_1099] {strides = array<i32>} : memref<2x8x32x128xf32, #tpu.memory_space<vmem>>, vector<1x1x1x16xf32>,
        %get3A_1101 = vector.shape_cast %get3A_1100 : vector<1x1x1x16xf32> to vector<16xf32>
        %add3A_1102 = arith.addf %add3A_1038, %get3A_1101 : vector<16xf32>
        %get3A_1103 = arith.constant 15 : i32
        %get3A_1104 = arith.index_cast %rem3A_45 : i32 to index
        %get3A_1105 = arith.index_cast %scan3A_103 : i32 to index
        %get3A_1106 = arith.index_cast %get3A_1103 : i32 to index
        %get3A_1107 = arith.constant 96 : index
        %get3A_1108 = tpu.vector_load %arg4[%get3A_1104, %get3A_1105, %get3A_1106, %get3A_1107] {strides = array<i32>} : memref<2x8x32x128xf32, #tpu.memory_space<vmem>>, vector<1x1x1x16xf32>,
        %get3A_1109 = vector.shape_cast %get3A_1108 : vector<1x1x1x16xf32> to vector<16xf32>
        %add3A_1110 = arith.addf %add3A_1046, %get3A_1109 : vector<16xf32>
        %get3A_1111 = arith.constant 15 : i32
        %get3A_1112 = arith.index_cast %rem3A_45 : i32 to index
        %get3A_1113 = arith.index_cast %scan3A_103 : i32 to index
        %get3A_1114 = arith.index_cast %get3A_1111 : i32 to index
        %get3A_1115 = arith.constant 112 : index
        %get3A_1116 = tpu.vector_load %arg4[%get3A_1112, %get3A_1113, %get3A_1114, %get3A_1115] {strides = array<i32>} : memref<2x8x32x128xf32, #tpu.memory_space<vmem>>, vector<1x1x1x16xf32>,
        %get3A_1117 = vector.shape_cast %get3A_1116 : vector<1x1x1x16xf32> to vector<16xf32>
        %add3A_1118 = arith.addf %add3A_1054, %get3A_1117 : vector<16xf32>
        %get3A_1119 = arith.constant 16 : i32
        %get3A_1120 = arith.index_cast %rem3A_45 : i32 to index
        %get3A_1121 = arith.index_cast %scan3A_103 : i32 to index
        %get3A_1122 = arith.index_cast %get3A_1119 : i32 to index
        %get3A_1123 = arith.constant 0 : index
        %get3A_1124 = tpu.vector_load %arg4[%get3A_1120, %get3A_1121, %get3A_1122, %get3A_1123] {strides = array<i32>} : memref<2x8x32x128xf32, #tpu.memory_space<vmem>>, vector<1x1x1x16xf32>,
        %get3A_1125 = vector.shape_cast %get3A_1124 : vector<1x1x1x16xf32> to vector<16xf32>
        %add3A_1126 = arith.addf %add3A_1062, %get3A_1125 : vector<16xf32>
        %get3A_1127 = arith.constant 16 : i32
        %get3A_1128 = arith.index_cast %rem3A_45 : i32 to index
        %get3A_1129 = arith.index_cast %scan3A_103 : i32 to index
        %get3A_1130 = arith.index_cast %get3A_1127 : i32 to index
        %get3A_1131 = arith.constant 16 : index
        %get3A_1132 = tpu.vector_load %arg4[%get3A_1128, %get3A_1129, %get3A_1130, %get3A_1131] {strides = array<i32>} : memref<2x8x32x128xf32, #tpu.memory_space<vmem>>, vector<1x1x1x16xf32>,
        %get3A_1133 = vector.shape_cast %get3A_1132 : vector<1x1x1x16xf32> to vector<16xf32>
        %add3A_1134 = arith.addf %add3A_1070, %get3A_1133 : vector<16xf32>
        %get3A_1135 = arith.constant 16 : i32
        %get3A_1136 = arith.index_cast %rem3A_45 : i32 to index
        %get3A_1137 = arith.index_cast %scan3A_103 : i32 to index
        %get3A_1138 = arith.index_cast %get3A_1135 : i32 to index
        %get3A_1139 = arith.constant 32 : index
        %get3A_1140 = tpu.vector_load %arg4[%get3A_1136, %get3A_1137, %get3A_1138, %get3A_1139] {strides = array<i32>} : memref<2x8x32x128xf32, #tpu.memory_space<vmem>>, vector<1x1x1x16xf32>,
        %get3A_1141 = vector.shape_cast %get3A_1140 : vector<1x1x1x16xf32> to vector<16xf32>
        %add3A_1142 = arith.addf %add3A_1078, %get3A_1141 : vector<16xf32>
        %get3A_1143 = arith.constant 16 : i32
        %get3A_1144 = arith.index_cast %rem3A_45 : i32 to index
        %get3A_1145 = arith.index_cast %scan3A_103 : i32 to index
        %get3A_1146 = arith.index_cast %get3A_1143 : i32 to index
        %get3A_1147 = arith.constant 48 : index
        %get3A_1148 = tpu.vector_load %arg4[%get3A_1144, %get3A_1145, %get3A_1146, %get3A_1147] {strides = array<i32>} : memref<2x8x32x128xf32, #tpu.memory_space<vmem>>, vector<1x1x1x16xf32>,
        %get3A_1149 = vector.shape_cast %get3A_1148 : vector<1x1x1x16xf32> to vector<16xf32>
        %add3A_1150 = arith.addf %add3A_1086, %get3A_1149 : vector<16xf32>
        %get3A_1151 = arith.constant 16 : i32
        %get3A_1152 = arith.index_cast %rem3A_45 : i32 to index
        %get3A_1153 = arith.index_cast %scan3A_103 : i32 to index
        %get3A_1154 = arith.index_cast %get3A_1151 : i32 to index
        %get3A_1155 = arith.constant 64 : index
        %get3A_1156 = tpu.vector_load %arg4[%get3A_1152, %get3A_1153, %get3A_1154, %get3A_1155] {strides = array<i32>} : memref<2x8x32x128xf32, #tpu.memory_space<vmem>>, vector<1x1x1x16xf32>,
        %get3A_1157 = vector.shape_cast %get3A_1156 : vector<1x1x1x16xf32> to vector<16xf32>
        %add3A_1158 = arith.addf %add3A_1094, %get3A_1157 : vector<16xf32>
        %get3A_1159 = arith.constant 16 : i32
        %get3A_1160 = arith.index_cast %rem3A_45 : i32 to index
        %get3A_1161 = arith.index_cast %scan3A_103 : i32 to index
        %get3A_1162 = arith.index_cast %get3A_1159 : i32 to index
        %get3A_1163 = arith.constant 80 : index
        %get3A_1164 = tpu.vector_load %arg4[%get3A_1160, %get3A_1161, %get3A_1162, %get3A_1163] {strides = array<i32>} : memref<2x8x32x128xf32, #tpu.memory_space<vmem>>, vector<1x1x1x16xf32>,
        %get3A_1165 = vector.shape_cast %get3A_1164 : vector<1x1x1x16xf32> to vector<16xf32>
        %add3A_1166 = arith.addf %add3A_1102, %get3A_1165 : vector<16xf32>
        %get3A_1167 = arith.constant 16 : i32
        %get3A_1168 = arith.index_cast %rem3A_45 : i32 to index
        %get3A_1169 = arith.index_cast %scan3A_103 : i32 to index
        %get3A_1170 = arith.index_cast %get3A_1167 : i32 to index
        %get3A_1171 = arith.constant 96 : index
        %get3A_1172 = tpu.vector_load %arg4[%get3A_1168, %get3A_1169, %get3A_1170, %get3A_1171] {strides = array<i32>} : memref<2x8x32x128xf32, #tpu.memory_space<vmem>>, vector<1x1x1x16xf32>,
        %get3A_1173 = vector.shape_cast %get3A_1172 : vector<1x1x1x16xf32> to vector<16xf32>
        %add3A_1174 = arith.addf %add3A_1110, %get3A_1173 : vector<16xf32>
        %get3A_1175 = arith.constant 16 : i32
        %get3A_1176 = arith.index_cast %rem3A_45 : i32 to index
        %get3A_1177 = arith.index_cast %scan3A_103 : i32 to index
        %get3A_1178 = arith.index_cast %get3A_1175 : i32 to index
        %get3A_1179 = arith.constant 112 : index
        %get3A_1180 = tpu.vector_load %arg4[%get3A_1176, %get3A_1177, %get3A_1178, %get3A_1179] {strides = array<i32>} : memref<2x8x32x128xf32, #tpu.memory_space<vmem>>, vector<1x1x1x16xf32>,
        %get3A_1181 = vector.shape_cast %get3A_1180 : vector<1x1x1x16xf32> to vector<16xf32>
        %add3A_1182 = arith.addf %add3A_1118, %get3A_1181 : vector<16xf32>
        %get3A_1183 = arith.constant 17 : i32
        %get3A_1184 = arith.index_cast %rem3A_45 : i32 to index
        %get3A_1185 = arith.index_cast %scan3A_103 : i32 to index
        %get3A_1186 = arith.index_cast %get3A_1183 : i32 to index
        %get3A_1187 = arith.constant 0 : index
        %get3A_1188 = tpu.vector_load %arg4[%get3A_1184, %get3A_1185, %get3A_1186, %get3A_1187] {strides = array<i32>} : memref<2x8x32x128xf32, #tpu.memory_space<vmem>>, vector<1x1x1x16xf32>,
        %get3A_1189 = vector.shape_cast %get3A_1188 : vector<1x1x1x16xf32> to vector<16xf32>
        %add3A_1190 = arith.addf %add3A_1126, %get3A_1189 : vector<16xf32>
        %get3A_1191 = arith.constant 17 : i32
        %get3A_1192 = arith.index_cast %rem3A_45 : i32 to index
        %get3A_1193 = arith.index_cast %scan3A_103 : i32 to index
        %get3A_1194 = arith.index_cast %get3A_1191 : i32 to index
        %get3A_1195 = arith.constant 16 : index
        %get3A_1196 = tpu.vector_load %arg4[%get3A_1192, %get3A_1193, %get3A_1194, %get3A_1195] {strides = array<i32>} : memref<2x8x32x128xf32, #tpu.memory_space<vmem>>, vector<1x1x1x16xf32>,
        %get3A_1197 = vector.shape_cast %get3A_1196 : vector<1x1x1x16xf32> to vector<16xf32>
        %add3A_1198 = arith.addf %add3A_1134, %get3A_1197 : vector<16xf32>
        %get3A_1199 = arith.constant 17 : i32
        %get3A_1200 = arith.index_cast %rem3A_45 : i32 to index
        %get3A_1201 = arith.index_cast %scan3A_103 : i32 to index
        %get3A_1202 = arith.index_cast %get3A_1199 : i32 to index
        %get3A_1203 = arith.constant 32 : index
        %get3A_1204 = tpu.vector_load %arg4[%get3A_1200, %get3A_1201, %get3A_1202, %get3A_1203] {strides = array<i32>} : memref<2x8x32x128xf32, #tpu.memory_space<vmem>>, vector<1x1x1x16xf32>,
        %get3A_1205 = vector.shape_cast %get3A_1204 : vector<1x1x1x16xf32> to vector<16xf32>
        %add3A_1206 = arith.addf %add3A_1142, %get3A_1205 : vector<16xf32>
        %get3A_1207 = arith.constant 17 : i32
        %get3A_1208 = arith.index_cast %rem3A_45 : i32 to index
        %get3A_1209 = arith.index_cast %scan3A_103 : i32 to index
        %get3A_1210 = arith.index_cast %get3A_1207 : i32 to index
        %get3A_1211 = arith.constant 48 : index
        %get3A_1212 = tpu.vector_load %arg4[%get3A_1208, %get3A_1209, %get3A_1210, %get3A_1211] {strides = array<i32>} : memref<2x8x32x128xf32, #tpu.memory_space<vmem>>, vector<1x1x1x16xf32>,
        %get3A_1213 = vector.shape_cast %get3A_1212 : vector<1x1x1x16xf32> to vector<16xf32>
        %add3A_1214 = arith.addf %add3A_1150, %get3A_1213 : vector<16xf32>
        %get3A_1215 = arith.constant 17 : i32
        %get3A_1216 = arith.index_cast %rem3A_45 : i32 to index
        %get3A_1217 = arith.index_cast %scan3A_103 : i32 to index
        %get3A_1218 = arith.index_cast %get3A_1215 : i32 to index
        %get3A_1219 = arith.constant 64 : index
        %get3A_1220 = tpu.vector_load %arg4[%get3A_1216, %get3A_1217, %get3A_1218, %get3A_1219] {strides = array<i32>} : memref<2x8x32x128xf32, #tpu.memory_space<vmem>>, vector<1x1x1x16xf32>,
        %get3A_1221 = vector.shape_cast %get3A_1220 : vector<1x1x1x16xf32> to vector<16xf32>
        %add3A_1222 = arith.addf %add3A_1158, %get3A_1221 : vector<16xf32>
        %get3A_1223 = arith.constant 17 : i32
        %get3A_1224 = arith.index_cast %rem3A_45 : i32 to index
        %get3A_1225 = arith.index_cast %scan3A_103 : i32 to index
        %get3A_1226 = arith.index_cast %get3A_1223 : i32 to index
        %get3A_1227 = arith.constant 80 : index
        %get3A_1228 = tpu.vector_load %arg4[%get3A_1224, %get3A_1225, %get3A_1226, %get3A_1227] {strides = array<i32>} : memref<2x8x32x128xf32, #tpu.memory_space<vmem>>, vector<1x1x1x16xf32>,
        %get3A_1229 = vector.shape_cast %get3A_1228 : vector<1x1x1x16xf32> to vector<16xf32>
        %add3A_1230 = arith.addf %add3A_1166, %get3A_1229 : vector<16xf32>
        %get3A_1231 = arith.constant 17 : i32
        %get3A_1232 = arith.index_cast %rem3A_45 : i32 to index
        %get3A_1233 = arith.index_cast %scan3A_103 : i32 to index
        %get3A_1234 = arith.index_cast %get3A_1231 : i32 to index
        %get3A_1235 = arith.constant 96 : index
        %get3A_1236 = tpu.vector_load %arg4[%get3A_1232, %get3A_1233, %get3A_1234, %get3A_1235] {strides = array<i32>} : memref<2x8x32x128xf32, #tpu.memory_space<vmem>>, vector<1x1x1x16xf32>,
        %get3A_1237 = vector.shape_cast %get3A_1236 : vector<1x1x1x16xf32> to vector<16xf32>
        %add3A_1238 = arith.addf %add3A_1174, %get3A_1237 : vector<16xf32>
        %get3A_1239 = arith.constant 17 : i32
        %get3A_1240 = arith.index_cast %rem3A_45 : i32 to index
        %get3A_1241 = arith.index_cast %scan3A_103 : i32 to index
        %get3A_1242 = arith.index_cast %get3A_1239 : i32 to index
        %get3A_1243 = arith.constant 112 : index
        %get3A_1244 = tpu.vector_load %arg4[%get3A_1240, %get3A_1241, %get3A_1242, %get3A_1243] {strides = array<i32>} : memref<2x8x32x128xf32, #tpu.memory_space<vmem>>, vector<1x1x1x16xf32>,
        %get3A_1245 = vector.shape_cast %get3A_1244 : vector<1x1x1x16xf32> to vector<16xf32>
        %add3A_1246 = arith.addf %add3A_1182, %get3A_1245 : vector<16xf32>
        %get3A_1247 = arith.constant 18 : i32
        %get3A_1248 = arith.index_cast %rem3A_45 : i32 to index
        %get3A_1249 = arith.index_cast %scan3A_103 : i32 to index
        %get3A_1250 = arith.index_cast %get3A_1247 : i32 to index
        %get3A_1251 = arith.constant 0 : index
        %get3A_1252 = tpu.vector_load %arg4[%get3A_1248, %get3A_1249, %get3A_1250, %get3A_1251] {strides = array<i32>} : memref<2x8x32x128xf32, #tpu.memory_space<vmem>>, vector<1x1x1x16xf32>,
        %get3A_1253 = vector.shape_cast %get3A_1252 : vector<1x1x1x16xf32> to vector<16xf32>
        %add3A_1254 = arith.addf %add3A_1190, %get3A_1253 : vector<16xf32>
        %get3A_1255 = arith.constant 18 : i32
        %get3A_1256 = arith.index_cast %rem3A_45 : i32 to index
        %get3A_1257 = arith.index_cast %scan3A_103 : i32 to index
        %get3A_1258 = arith.index_cast %get3A_1255 : i32 to index
        %get3A_1259 = arith.constant 16 : index
        %get3A_1260 = tpu.vector_load %arg4[%get3A_1256, %get3A_1257, %get3A_1258, %get3A_1259] {strides = array<i32>} : memref<2x8x32x128xf32, #tpu.memory_space<vmem>>, vector<1x1x1x16xf32>,
        %get3A_1261 = vector.shape_cast %get3A_1260 : vector<1x1x1x16xf32> to vector<16xf32>
        %add3A_1262 = arith.addf %add3A_1198, %get3A_1261 : vector<16xf32>
        %get3A_1263 = arith.constant 18 : i32
        %get3A_1264 = arith.index_cast %rem3A_45 : i32 to index
        %get3A_1265 = arith.index_cast %scan3A_103 : i32 to index
        %get3A_1266 = arith.index_cast %get3A_1263 : i32 to index
        %get3A_1267 = arith.constant 32 : index
        %get3A_1268 = tpu.vector_load %arg4[%get3A_1264, %get3A_1265, %get3A_1266, %get3A_1267] {strides = array<i32>} : memref<2x8x32x128xf32, #tpu.memory_space<vmem>>, vector<1x1x1x16xf32>,
        %get3A_1269 = vector.shape_cast %get3A_1268 : vector<1x1x1x16xf32> to vector<16xf32>
        %add3A_1270 = arith.addf %add3A_1206, %get3A_1269 : vector<16xf32>
        %get3A_1271 = arith.constant 18 : i32
        %get3A_1272 = arith.index_cast %rem3A_45 : i32 to index
        %get3A_1273 = arith.index_cast %scan3A_103 : i32 to index
        %get3A_1274 = arith.index_cast %get3A_1271 : i32 to index
        %get3A_1275 = arith.constant 48 : index
        %get3A_1276 = tpu.vector_load %arg4[%get3A_1272, %get3A_1273, %get3A_1274, %get3A_1275] {strides = array<i32>} : memref<2x8x32x128xf32, #tpu.memory_space<vmem>>, vector<1x1x1x16xf32>,
        %get3A_1277 = vector.shape_cast %get3A_1276 : vector<1x1x1x16xf32> to vector<16xf32>
        %add3A_1278 = arith.addf %add3A_1214, %get3A_1277 : vector<16xf32>
        %get3A_1279 = arith.constant 18 : i32
        %get3A_1280 = arith.index_cast %rem3A_45 : i32 to index
        %get3A_1281 = arith.index_cast %scan3A_103 : i32 to index
        %get3A_1282 = arith.index_cast %get3A_1279 : i32 to index
        %get3A_1283 = arith.constant 64 : index
        %get3A_1284 = tpu.vector_load %arg4[%get3A_1280, %get3A_1281, %get3A_1282, %get3A_1283] {strides = array<i32>} : memref<2x8x32x128xf32, #tpu.memory_space<vmem>>, vector<1x1x1x16xf32>,
        %get3A_1285 = vector.shape_cast %get3A_1284 : vector<1x1x1x16xf32> to vector<16xf32>
        %add3A_1286 = arith.addf %add3A_1222, %get3A_1285 : vector<16xf32>
        %get3A_1287 = arith.constant 18 : i32
        %get3A_1288 = arith.index_cast %rem3A_45 : i32 to index
        %get3A_1289 = arith.index_cast %scan3A_103 : i32 to index
        %get3A_1290 = arith.index_cast %get3A_1287 : i32 to index
        %get3A_1291 = arith.constant 80 : index
        %get3A_1292 = tpu.vector_load %arg4[%get3A_1288, %get3A_1289, %get3A_1290, %get3A_1291] {strides = array<i32>} : memref<2x8x32x128xf32, #tpu.memory_space<vmem>>, vector<1x1x1x16xf32>,
        %get3A_1293 = vector.shape_cast %get3A_1292 : vector<1x1x1x16xf32> to vector<16xf32>
        %add3A_1294 = arith.addf %add3A_1230, %get3A_1293 : vector<16xf32>
        %get3A_1295 = arith.constant 18 : i32
        %get3A_1296 = arith.index_cast %rem3A_45 : i32 to index
        %get3A_1297 = arith.index_cast %scan3A_103 : i32 to index
        %get3A_1298 = arith.index_cast %get3A_1295 : i32 to index
        %get3A_1299 = arith.constant 96 : index
        %get3A_1300 = tpu.vector_load %arg4[%get3A_1296, %get3A_1297, %get3A_1298, %get3A_1299] {strides = array<i32>} : memref<2x8x32x128xf32, #tpu.memory_space<vmem>>, vector<1x1x1x16xf32>,
        %get3A_1301 = vector.shape_cast %get3A_1300 : vector<1x1x1x16xf32> to vector<16xf32>
        %add3A_1302 = arith.addf %add3A_1238, %get3A_1301 : vector<16xf32>
        %get3A_1303 = arith.constant 18 : i32
        %get3A_1304 = arith.index_cast %rem3A_45 : i32 to index
        %get3A_1305 = arith.index_cast %scan3A_103 : i32 to index
        %get3A_1306 = arith.index_cast %get3A_1303 : i32 to index
        %get3A_1307 = arith.constant 112 : index
        %get3A_1308 = tpu.vector_load %arg4[%get3A_1304, %get3A_1305, %get3A_1306, %get3A_1307] {strides = array<i32>} : memref<2x8x32x128xf32, #tpu.memory_space<vmem>>, vector<1x1x1x16xf32>,
        %get3A_1309 = vector.shape_cast %get3A_1308 : vector<1x1x1x16xf32> to vector<16xf32>
        %add3A_1310 = arith.addf %add3A_1246, %get3A_1309 : vector<16xf32>
        %get3A_1311 = arith.constant 19 : i32
        %get3A_1312 = arith.index_cast %rem3A_45 : i32 to index
        %get3A_1313 = arith.index_cast %scan3A_103 : i32 to index
        %get3A_1314 = arith.index_cast %get3A_1311 : i32 to index
        %get3A_1315 = arith.constant 0 : index
        %get3A_1316 = tpu.vector_load %arg4[%get3A_1312, %get3A_1313, %get3A_1314, %get3A_1315] {strides = array<i32>} : memref<2x8x32x128xf32, #tpu.memory_space<vmem>>, vector<1x1x1x16xf32>,
        %get3A_1317 = vector.shape_cast %get3A_1316 : vector<1x1x1x16xf32> to vector<16xf32>
        %add3A_1318 = arith.addf %add3A_1254, %get3A_1317 : vector<16xf32>
        %get3A_1319 = arith.constant 19 : i32
        %get3A_1320 = arith.index_cast %rem3A_45 : i32 to index
        %get3A_1321 = arith.index_cast %scan3A_103 : i32 to index
        %get3A_1322 = arith.index_cast %get3A_1319 : i32 to index
        %get3A_1323 = arith.constant 16 : index
        %get3A_1324 = tpu.vector_load %arg4[%get3A_1320, %get3A_1321, %get3A_1322, %get3A_1323] {strides = array<i32>} : memref<2x8x32x128xf32, #tpu.memory_space<vmem>>, vector<1x1x1x16xf32>,
        %get3A_1325 = vector.shape_cast %get3A_1324 : vector<1x1x1x16xf32> to vector<16xf32>
        %add3A_1326 = arith.addf %add3A_1262, %get3A_1325 : vector<16xf32>
        %get3A_1327 = arith.constant 19 : i32
        %get3A_1328 = arith.index_cast %rem3A_45 : i32 to index
        %get3A_1329 = arith.index_cast %scan3A_103 : i32 to index
        %get3A_1330 = arith.index_cast %get3A_1327 : i32 to index
        %get3A_1331 = arith.constant 32 : index
        %get3A_1332 = tpu.vector_load %arg4[%get3A_1328, %get3A_1329, %get3A_1330, %get3A_1331] {strides = array<i32>} : memref<2x8x32x128xf32, #tpu.memory_space<vmem>>, vector<1x1x1x16xf32>,
        %get3A_1333 = vector.shape_cast %get3A_1332 : vector<1x1x1x16xf32> to vector<16xf32>
        %add3A_1334 = arith.addf %add3A_1270, %get3A_1333 : vector<16xf32>
        %get3A_1335 = arith.constant 19 : i32
        %get3A_1336 = arith.index_cast %rem3A_45 : i32 to index
        %get3A_1337 = arith.index_cast %scan3A_103 : i32 to index
        %get3A_1338 = arith.index_cast %get3A_1335 : i32 to index
        %get3A_1339 = arith.constant 48 : index
        %get3A_1340 = tpu.vector_load %arg4[%get3A_1336, %get3A_1337, %get3A_1338, %get3A_1339] {strides = array<i32>} : memref<2x8x32x128xf32, #tpu.memory_space<vmem>>, vector<1x1x1x16xf32>,
        %get3A_1341 = vector.shape_cast %get3A_1340 : vector<1x1x1x16xf32> to vector<16xf32>
        %add3A_1342 = arith.addf %add3A_1278, %get3A_1341 : vector<16xf32>
        %get3A_1343 = arith.constant 19 : i32
        %get3A_1344 = arith.index_cast %rem3A_45 : i32 to index
        %get3A_1345 = arith.index_cast %scan3A_103 : i32 to index
        %get3A_1346 = arith.index_cast %get3A_1343 : i32 to index
        %get3A_1347 = arith.constant 64 : index
        %get3A_1348 = tpu.vector_load %arg4[%get3A_1344, %get3A_1345, %get3A_1346, %get3A_1347] {strides = array<i32>} : memref<2x8x32x128xf32, #tpu.memory_space<vmem>>, vector<1x1x1x16xf32>,
        %get3A_1349 = vector.shape_cast %get3A_1348 : vector<1x1x1x16xf32> to vector<16xf32>
        %add3A_1350 = arith.addf %add3A_1286, %get3A_1349 : vector<16xf32>
        %get3A_1351 = arith.constant 19 : i32
        %get3A_1352 = arith.index_cast %rem3A_45 : i32 to index
        %get3A_1353 = arith.index_cast %scan3A_103 : i32 to index
        %get3A_1354 = arith.index_cast %get3A_1351 : i32 to index
        %get3A_1355 = arith.constant 80 : index
        %get3A_1356 = tpu.vector_load %arg4[%get3A_1352, %get3A_1353, %get3A_1354, %get3A_1355] {strides = array<i32>} : memref<2x8x32x128xf32, #tpu.memory_space<vmem>>, vector<1x1x1x16xf32>,
        %get3A_1357 = vector.shape_cast %get3A_1356 : vector<1x1x1x16xf32> to vector<16xf32>
        %add3A_1358 = arith.addf %add3A_1294, %get3A_1357 : vector<16xf32>
        %get3A_1359 = arith.constant 19 : i32
        %get3A_1360 = arith.index_cast %rem3A_45 : i32 to index
        %get3A_1361 = arith.index_cast %scan3A_103 : i32 to index
        %get3A_1362 = arith.index_cast %get3A_1359 : i32 to index
        %get3A_1363 = arith.constant 96 : index
        %get3A_1364 = tpu.vector_load %arg4[%get3A_1360, %get3A_1361, %get3A_1362, %get3A_1363] {strides = array<i32>} : memref<2x8x32x128xf32, #tpu.memory_space<vmem>>, vector<1x1x1x16xf32>,
        %get3A_1365 = vector.shape_cast %get3A_1364 : vector<1x1x1x16xf32> to vector<16xf32>
        %add3A_1366 = arith.addf %add3A_1302, %get3A_1365 : vector<16xf32>
        %get3A_1367 = arith.constant 19 : i32
        %get3A_1368 = arith.index_cast %rem3A_45 : i32 to index
        %get3A_1369 = arith.index_cast %scan3A_103 : i32 to index
        %get3A_1370 = arith.index_cast %get3A_1367 : i32 to index
        %get3A_1371 = arith.constant 112 : index
        %get3A_1372 = tpu.vector_load %arg4[%get3A_1368, %get3A_1369, %get3A_1370, %get3A_1371] {strides = array<i32>} : memref<2x8x32x128xf32, #tpu.memory_space<vmem>>, vector<1x1x1x16xf32>,
        %get3A_1373 = vector.shape_cast %get3A_1372 : vector<1x1x1x16xf32> to vector<16xf32>
        %add3A_1374 = arith.addf %add3A_1310, %get3A_1373 : vector<16xf32>
        %get3A_1375 = arith.constant 20 : i32
        %get3A_1376 = arith.index_cast %rem3A_45 : i32 to index
        %get3A_1377 = arith.index_cast %scan3A_103 : i32 to index
        %get3A_1378 = arith.index_cast %get3A_1375 : i32 to index
        %get3A_1379 = arith.constant 0 : index
        %get3A_1380 = tpu.vector_load %arg4[%get3A_1376, %get3A_1377, %get3A_1378, %get3A_1379] {strides = array<i32>} : memref<2x8x32x128xf32, #tpu.memory_space<vmem>>, vector<1x1x1x16xf32>,
        %get3A_1381 = vector.shape_cast %get3A_1380 : vector<1x1x1x16xf32> to vector<16xf32>
        %add3A_1382 = arith.addf %add3A_1318, %get3A_1381 : vector<16xf32>
        %get3A_1383 = arith.constant 20 : i32
        %get3A_1384 = arith.index_cast %rem3A_45 : i32 to index
        %get3A_1385 = arith.index_cast %scan3A_103 : i32 to index
        %get3A_1386 = arith.index_cast %get3A_1383 : i32 to index
        %get3A_1387 = arith.constant 16 : index
        %get3A_1388 = tpu.vector_load %arg4[%get3A_1384, %get3A_1385, %get3A_1386, %get3A_1387] {strides = array<i32>} : memref<2x8x32x128xf32, #tpu.memory_space<vmem>>, vector<1x1x1x16xf32>,
        %get3A_1389 = vector.shape_cast %get3A_1388 : vector<1x1x1x16xf32> to vector<16xf32>
        %add3A_1390 = arith.addf %add3A_1326, %get3A_1389 : vector<16xf32>
        %get3A_1391 = arith.constant 20 : i32
        %get3A_1392 = arith.index_cast %rem3A_45 : i32 to index
        %get3A_1393 = arith.index_cast %scan3A_103 : i32 to index
        %get3A_1394 = arith.index_cast %get3A_1391 : i32 to index
        %get3A_1395 = arith.constant 32 : index
        %get3A_1396 = tpu.vector_load %arg4[%get3A_1392, %get3A_1393, %get3A_1394, %get3A_1395] {strides = array<i32>} : memref<2x8x32x128xf32, #tpu.memory_space<vmem>>, vector<1x1x1x16xf32>,
        %get3A_1397 = vector.shape_cast %get3A_1396 : vector<1x1x1x16xf32> to vector<16xf32>
        %add3A_1398 = arith.addf %add3A_1334, %get3A_1397 : vector<16xf32>
        %get3A_1399 = arith.constant 20 : i32
        %get3A_1400 = arith.index_cast %rem3A_45 : i32 to index
        %get3A_1401 = arith.index_cast %scan3A_103 : i32 to index
        %get3A_1402 = arith.index_cast %get3A_1399 : i32 to index
        %get3A_1403 = arith.constant 48 : index
        %get3A_1404 = tpu.vector_load %arg4[%get3A_1400, %get3A_1401, %get3A_1402, %get3A_1403] {strides = array<i32>} : memref<2x8x32x128xf32, #tpu.memory_space<vmem>>, vector<1x1x1x16xf32>,
        %get3A_1405 = vector.shape_cast %get3A_1404 : vector<1x1x1x16xf32> to vector<16xf32>
        %add3A_1406 = arith.addf %add3A_1342, %get3A_1405 : vector<16xf32>
        %get3A_1407 = arith.constant 20 : i32
        %get3A_1408 = arith.index_cast %rem3A_45 : i32 to index
        %get3A_1409 = arith.index_cast %scan3A_103 : i32 to index
        %get3A_1410 = arith.index_cast %get3A_1407 : i32 to index
        %get3A_1411 = arith.constant 64 : index
        %get3A_1412 = tpu.vector_load %arg4[%get3A_1408, %get3A_1409, %get3A_1410, %get3A_1411] {strides = array<i32>} : memref<2x8x32x128xf32, #tpu.memory_space<vmem>>, vector<1x1x1x16xf32>,
        %get3A_1413 = vector.shape_cast %get3A_1412 : vector<1x1x1x16xf32> to vector<16xf32>
        %add3A_1414 = arith.addf %add3A_1350, %get3A_1413 : vector<16xf32>
        %get3A_1415 = arith.constant 20 : i32
        %get3A_1416 = arith.index_cast %rem3A_45 : i32 to index
        %get3A_1417 = arith.index_cast %scan3A_103 : i32 to index
        %get3A_1418 = arith.index_cast %get3A_1415 : i32 to index
        %get3A_1419 = arith.constant 80 : index
        %get3A_1420 = tpu.vector_load %arg4[%get3A_1416, %get3A_1417, %get3A_1418, %get3A_1419] {strides = array<i32>} : memref<2x8x32x128xf32, #tpu.memory_space<vmem>>, vector<1x1x1x16xf32>,
        %get3A_1421 = vector.shape_cast %get3A_1420 : vector<1x1x1x16xf32> to vector<16xf32>
        %add3A_1422 = arith.addf %add3A_1358, %get3A_1421 : vector<16xf32>
        %get3A_1423 = arith.constant 20 : i32
        %get3A_1424 = arith.index_cast %rem3A_45 : i32 to index
        %get3A_1425 = arith.index_cast %scan3A_103 : i32 to index
        %get3A_1426 = arith.index_cast %get3A_1423 : i32 to index
        %get3A_1427 = arith.constant 96 : index
        %get3A_1428 = tpu.vector_load %arg4[%get3A_1424, %get3A_1425, %get3A_1426, %get3A_1427] {strides = array<i32>} : memref<2x8x32x128xf32, #tpu.memory_space<vmem>>, vector<1x1x1x16xf32>,
        %get3A_1429 = vector.shape_cast %get3A_1428 : vector<1x1x1x16xf32> to vector<16xf32>
        %add3A_1430 = arith.addf %add3A_1366, %get3A_1429 : vector<16xf32>
        %get3A_1431 = arith.constant 20 : i32
        %get3A_1432 = arith.index_cast %rem3A_45 : i32 to index
        %get3A_1433 = arith.index_cast %scan3A_103 : i32 to index
        %get3A_1434 = arith.index_cast %get3A_1431 : i32 to index
        %get3A_1435 = arith.constant 112 : index
        %get3A_1436 = tpu.vector_load %arg4[%get3A_1432, %get3A_1433, %get3A_1434, %get3A_1435] {strides = array<i32>} : memref<2x8x32x128xf32, #tpu.memory_space<vmem>>, vector<1x1x1x16xf32>,
        %get3A_1437 = vector.shape_cast %get3A_1436 : vector<1x1x1x16xf32> to vector<16xf32>
        %add3A_1438 = arith.addf %add3A_1374, %get3A_1437 : vector<16xf32>
        %get3A_1439 = arith.constant 21 : i32
        %get3A_1440 = arith.index_cast %rem3A_45 : i32 to index
        %get3A_1441 = arith.index_cast %scan3A_103 : i32 to index
        %get3A_1442 = arith.index_cast %get3A_1439 : i32 to index
        %get3A_1443 = arith.constant 0 : index
        %get3A_1444 = tpu.vector_load %arg4[%get3A_1440, %get3A_1441, %get3A_1442, %get3A_1443] {strides = array<i32>} : memref<2x8x32x128xf32, #tpu.memory_space<vmem>>, vector<1x1x1x16xf32>,
        %get3A_1445 = vector.shape_cast %get3A_1444 : vector<1x1x1x16xf32> to vector<16xf32>
        %add3A_1446 = arith.addf %add3A_1382, %get3A_1445 : vector<16xf32>
        %get3A_1447 = arith.constant 21 : i32
        %get3A_1448 = arith.index_cast %rem3A_45 : i32 to index
        %get3A_1449 = arith.index_cast %scan3A_103 : i32 to index
        %get3A_1450 = arith.index_cast %get3A_1447 : i32 to index
        %get3A_1451 = arith.constant 16 : index
        %get3A_1452 = tpu.vector_load %arg4[%get3A_1448, %get3A_1449, %get3A_1450, %get3A_1451] {strides = array<i32>} : memref<2x8x32x128xf32, #tpu.memory_space<vmem>>, vector<1x1x1x16xf32>,
        %get3A_1453 = vector.shape_cast %get3A_1452 : vector<1x1x1x16xf32> to vector<16xf32>
        %add3A_1454 = arith.addf %add3A_1390, %get3A_1453 : vector<16xf32>
        %get3A_1455 = arith.constant 21 : i32
        %get3A_1456 = arith.index_cast %rem3A_45 : i32 to index
        %get3A_1457 = arith.index_cast %scan3A_103 : i32 to index
        %get3A_1458 = arith.index_cast %get3A_1455 : i32 to index
        %get3A_1459 = arith.constant 32 : index
        %get3A_1460 = tpu.vector_load %arg4[%get3A_1456, %get3A_1457, %get3A_1458, %get3A_1459] {strides = array<i32>} : memref<2x8x32x128xf32, #tpu.memory_space<vmem>>, vector<1x1x1x16xf32>,
        %get3A_1461 = vector.shape_cast %get3A_1460 : vector<1x1x1x16xf32> to vector<16xf32>
        %add3A_1462 = arith.addf %add3A_1398, %get3A_1461 : vector<16xf32>
        %get3A_1463 = arith.constant 21 : i32
        %get3A_1464 = arith.index_cast %rem3A_45 : i32 to index
        %get3A_1465 = arith.index_cast %scan3A_103 : i32 to index
        %get3A_1466 = arith.index_cast %get3A_1463 : i32 to index
        %get3A_1467 = arith.constant 48 : index
        %get3A_1468 = tpu.vector_load %arg4[%get3A_1464, %get3A_1465, %get3A_1466, %get3A_1467] {strides = array<i32>} : memref<2x8x32x128xf32, #tpu.memory_space<vmem>>, vector<1x1x1x16xf32>,
        %get3A_1469 = vector.shape_cast %get3A_1468 : vector<1x1x1x16xf32> to vector<16xf32>
        %add3A_1470 = arith.addf %add3A_1406, %get3A_1469 : vector<16xf32>
        %get3A_1471 = arith.constant 21 : i32
        %get3A_1472 = arith.index_cast %rem3A_45 : i32 to index
        %get3A_1473 = arith.index_cast %scan3A_103 : i32 to index
        %get3A_1474 = arith.index_cast %get3A_1471 : i32 to index
        %get3A_1475 = arith.constant 64 : index
        %get3A_1476 = tpu.vector_load %arg4[%get3A_1472, %get3A_1473, %get3A_1474, %get3A_1475] {strides = array<i32>} : memref<2x8x32x128xf32, #tpu.memory_space<vmem>>, vector<1x1x1x16xf32>,
        %get3A_1477 = vector.shape_cast %get3A_1476 : vector<1x1x1x16xf32> to vector<16xf32>
        %add3A_1478 = arith.addf %add3A_1414, %get3A_1477 : vector<16xf32>
        %get3A_1479 = arith.constant 21 : i32
        %get3A_1480 = arith.index_cast %rem3A_45 : i32 to index
        %get3A_1481 = arith.index_cast %scan3A_103 : i32 to index
        %get3A_1482 = arith.index_cast %get3A_1479 : i32 to index
        %get3A_1483 = arith.constant 80 : index
        %get3A_1484 = tpu.vector_load %arg4[%get3A_1480, %get3A_1481, %get3A_1482, %get3A_1483] {strides = array<i32>} : memref<2x8x32x128xf32, #tpu.memory_space<vmem>>, vector<1x1x1x16xf32>,
        %get3A_1485 = vector.shape_cast %get3A_1484 : vector<1x1x1x16xf32> to vector<16xf32>
        %add3A_1486 = arith.addf %add3A_1422, %get3A_1485 : vector<16xf32>
        %get3A_1487 = arith.constant 21 : i32
        %get3A_1488 = arith.index_cast %rem3A_45 : i32 to index
        %get3A_1489 = arith.index_cast %scan3A_103 : i32 to index
        %get3A_1490 = arith.index_cast %get3A_1487 : i32 to index
        %get3A_1491 = arith.constant 96 : index
        %get3A_1492 = tpu.vector_load %arg4[%get3A_1488, %get3A_1489, %get3A_1490, %get3A_1491] {strides = array<i32>} : memref<2x8x32x128xf32, #tpu.memory_space<vmem>>, vector<1x1x1x16xf32>,
        %get3A_1493 = vector.shape_cast %get3A_1492 : vector<1x1x1x16xf32> to vector<16xf32>
        %add3A_1494 = arith.addf %add3A_1430, %get3A_1493 : vector<16xf32>
        %get3A_1495 = arith.constant 21 : i32
        %get3A_1496 = arith.index_cast %rem3A_45 : i32 to index
        %get3A_1497 = arith.index_cast %scan3A_103 : i32 to index
        %get3A_1498 = arith.index_cast %get3A_1495 : i32 to index
        %get3A_1499 = arith.constant 112 : index
        %get3A_1500 = tpu.vector_load %arg4[%get3A_1496, %get3A_1497, %get3A_1498, %get3A_1499] {strides = array<i32>} : memref<2x8x32x128xf32, #tpu.memory_space<vmem>>, vector<1x1x1x16xf32>,
        %get3A_1501 = vector.shape_cast %get3A_1500 : vector<1x1x1x16xf32> to vector<16xf32>
        %add3A_1502 = arith.addf %add3A_1438, %get3A_1501 : vector<16xf32>
        %get3A_1503 = arith.constant 22 : i32
        %get3A_1504 = arith.index_cast %rem3A_45 : i32 to index
        %get3A_1505 = arith.index_cast %scan3A_103 : i32 to index
        %get3A_1506 = arith.index_cast %get3A_1503 : i32 to index
        %get3A_1507 = arith.constant 0 : index
        %get3A_1508 = tpu.vector_load %arg4[%get3A_1504, %get3A_1505, %get3A_1506, %get3A_1507] {strides = array<i32>} : memref<2x8x32x128xf32, #tpu.memory_space<vmem>>, vector<1x1x1x16xf32>,
        %get3A_1509 = vector.shape_cast %get3A_1508 : vector<1x1x1x16xf32> to vector<16xf32>
        %add3A_1510 = arith.addf %add3A_1446, %get3A_1509 : vector<16xf32>
        %get3A_1511 = arith.constant 22 : i32
        %get3A_1512 = arith.index_cast %rem3A_45 : i32 to index
        %get3A_1513 = arith.index_cast %scan3A_103 : i32 to index
        %get3A_1514 = arith.index_cast %get3A_1511 : i32 to index
        %get3A_1515 = arith.constant 16 : index
        %get3A_1516 = tpu.vector_load %arg4[%get3A_1512, %get3A_1513, %get3A_1514, %get3A_1515] {strides = array<i32>} : memref<2x8x32x128xf32, #tpu.memory_space<vmem>>, vector<1x1x1x16xf32>,
        %get3A_1517 = vector.shape_cast %get3A_1516 : vector<1x1x1x16xf32> to vector<16xf32>
        %add3A_1518 = arith.addf %add3A_1454, %get3A_1517 : vector<16xf32>
        %get3A_1519 = arith.constant 22 : i32
        %get3A_1520 = arith.index_cast %rem3A_45 : i32 to index
        %get3A_1521 = arith.index_cast %scan3A_103 : i32 to index
        %get3A_1522 = arith.index_cast %get3A_1519 : i32 to index
        %get3A_1523 = arith.constant 32 : index
        %get3A_1524 = tpu.vector_load %arg4[%get3A_1520, %get3A_1521, %get3A_1522, %get3A_1523] {strides = array<i32>} : memref<2x8x32x128xf32, #tpu.memory_space<vmem>>, vector<1x1x1x16xf32>,
        %get3A_1525 = vector.shape_cast %get3A_1524 : vector<1x1x1x16xf32> to vector<16xf32>
        %add3A_1526 = arith.addf %add3A_1462, %get3A_1525 : vector<16xf32>
        %get3A_1527 = arith.constant 22 : i32
        %get3A_1528 = arith.index_cast %rem3A_45 : i32 to index
        %get3A_1529 = arith.index_cast %scan3A_103 : i32 to index
        %get3A_1530 = arith.index_cast %get3A_1527 : i32 to index
        %get3A_1531 = arith.constant 48 : index
        %get3A_1532 = tpu.vector_load %arg4[%get3A_1528, %get3A_1529, %get3A_1530, %get3A_1531] {strides = array<i32>} : memref<2x8x32x128xf32, #tpu.memory_space<vmem>>, vector<1x1x1x16xf32>,
        %get3A_1533 = vector.shape_cast %get3A_1532 : vector<1x1x1x16xf32> to vector<16xf32>
        %add3A_1534 = arith.addf %add3A_1470, %get3A_1533 : vector<16xf32>
        %get3A_1535 = arith.constant 22 : i32
        %get3A_1536 = arith.index_cast %rem3A_45 : i32 to index
        %get3A_1537 = arith.index_cast %scan3A_103 : i32 to index
        %get3A_1538 = arith.index_cast %get3A_1535 : i32 to index
        %get3A_1539 = arith.constant 64 : index
        %get3A_1540 = tpu.vector_load %arg4[%get3A_1536, %get3A_1537, %get3A_1538, %get3A_1539] {strides = array<i32>} : memref<2x8x32x128xf32, #tpu.memory_space<vmem>>, vector<1x1x1x16xf32>,
        %get3A_1541 = vector.shape_cast %get3A_1540 : vector<1x1x1x16xf32> to vector<16xf32>
        %add3A_1542 = arith.addf %add3A_1478, %get3A_1541 : vector<16xf32>
        %get3A_1543 = arith.constant 22 : i32
        %get3A_1544 = arith.index_cast %rem3A_45 : i32 to index
        %get3A_1545 = arith.index_cast %scan3A_103 : i32 to index
        %get3A_1546 = arith.index_cast %get3A_1543 : i32 to index
        %get3A_1547 = arith.constant 80 : index
        %get3A_1548 = tpu.vector_load %arg4[%get3A_1544, %get3A_1545, %get3A_1546, %get3A_1547] {strides = array<i32>} : memref<2x8x32x128xf32, #tpu.memory_space<vmem>>, vector<1x1x1x16xf32>,
        %get3A_1549 = vector.shape_cast %get3A_1548 : vector<1x1x1x16xf32> to vector<16xf32>
        %add3A_1550 = arith.addf %add3A_1486, %get3A_1549 : vector<16xf32>
        %get3A_1551 = arith.constant 22 : i32
        %get3A_1552 = arith.index_cast %rem3A_45 : i32 to index
        %get3A_1553 = arith.index_cast %scan3A_103 : i32 to index
        %get3A_1554 = arith.index_cast %get3A_1551 : i32 to index
        %get3A_1555 = arith.constant 96 : index
        %get3A_1556 = tpu.vector_load %arg4[%get3A_1552, %get3A_1553, %get3A_1554, %get3A_1555] {strides = array<i32>} : memref<2x8x32x128xf32, #tpu.memory_space<vmem>>, vector<1x1x1x16xf32>,
        %get3A_1557 = vector.shape_cast %get3A_1556 : vector<1x1x1x16xf32> to vector<16xf32>
        %add3A_1558 = arith.addf %add3A_1494, %get3A_1557 : vector<16xf32>
        %get3A_1559 = arith.constant 22 : i32
        %get3A_1560 = arith.index_cast %rem3A_45 : i32 to index
        %get3A_1561 = arith.index_cast %scan3A_103 : i32 to index
        %get3A_1562 = arith.index_cast %get3A_1559 : i32 to index
        %get3A_1563 = arith.constant 112 : index
        %get3A_1564 = tpu.vector_load %arg4[%get3A_1560, %get3A_1561, %get3A_1562, %get3A_1563] {strides = array<i32>} : memref<2x8x32x128xf32, #tpu.memory_space<vmem>>, vector<1x1x1x16xf32>,
        %get3A_1565 = vector.shape_cast %get3A_1564 : vector<1x1x1x16xf32> to vector<16xf32>
        %add3A_1566 = arith.addf %add3A_1502, %get3A_1565 : vector<16xf32>
        %get3A_1567 = arith.constant 23 : i32
        %get3A_1568 = arith.index_cast %rem3A_45 : i32 to index
        %get3A_1569 = arith.index_cast %scan3A_103 : i32 to index
        %get3A_1570 = arith.index_cast %get3A_1567 : i32 to index
        %get3A_1571 = arith.constant 0 : index
        %get3A_1572 = tpu.vector_load %arg4[%get3A_1568, %get3A_1569, %get3A_1570, %get3A_1571] {strides = array<i32>} : memref<2x8x32x128xf32, #tpu.memory_space<vmem>>, vector<1x1x1x16xf32>,
        %get3A_1573 = vector.shape_cast %get3A_1572 : vector<1x1x1x16xf32> to vector<16xf32>
        %add3A_1574 = arith.addf %add3A_1510, %get3A_1573 : vector<16xf32>
        %get3A_1575 = arith.constant 23 : i32
        %get3A_1576 = arith.index_cast %rem3A_45 : i32 to index
        %get3A_1577 = arith.index_cast %scan3A_103 : i32 to index
        %get3A_1578 = arith.index_cast %get3A_1575 : i32 to index
        %get3A_1579 = arith.constant 16 : index
        %get3A_1580 = tpu.vector_load %arg4[%get3A_1576, %get3A_1577, %get3A_1578, %get3A_1579] {strides = array<i32>} : memref<2x8x32x128xf32, #tpu.memory_space<vmem>>, vector<1x1x1x16xf32>,
        %get3A_1581 = vector.shape_cast %get3A_1580 : vector<1x1x1x16xf32> to vector<16xf32>
        %add3A_1582 = arith.addf %add3A_1518, %get3A_1581 : vector<16xf32>
        %get3A_1583 = arith.constant 23 : i32
        %get3A_1584 = arith.index_cast %rem3A_45 : i32 to index
        %get3A_1585 = arith.index_cast %scan3A_103 : i32 to index
        %get3A_1586 = arith.index_cast %get3A_1583 : i32 to index
        %get3A_1587 = arith.constant 32 : index
        %get3A_1588 = tpu.vector_load %arg4[%get3A_1584, %get3A_1585, %get3A_1586, %get3A_1587] {strides = array<i32>} : memref<2x8x32x128xf32, #tpu.memory_space<vmem>>, vector<1x1x1x16xf32>,
        %get3A_1589 = vector.shape_cast %get3A_1588 : vector<1x1x1x16xf32> to vector<16xf32>
        %add3A_1590 = arith.addf %add3A_1526, %get3A_1589 : vector<16xf32>
        %get3A_1591 = arith.constant 23 : i32
        %get3A_1592 = arith.index_cast %rem3A_45 : i32 to index
        %get3A_1593 = arith.index_cast %scan3A_103 : i32 to index
        %get3A_1594 = arith.index_cast %get3A_1591 : i32 to index
        %get3A_1595 = arith.constant 48 : index
        %get3A_1596 = tpu.vector_load %arg4[%get3A_1592, %get3A_1593, %get3A_1594, %get3A_1595] {strides = array<i32>} : memref<2x8x32x128xf32, #tpu.memory_space<vmem>>, vector<1x1x1x16xf32>,
        %get3A_1597 = vector.shape_cast %get3A_1596 : vector<1x1x1x16xf32> to vector<16xf32>
        %add3A_1598 = arith.addf %add3A_1534, %get3A_1597 : vector<16xf32>
        %get3A_1599 = arith.constant 23 : i32
        %get3A_1600 = arith.index_cast %rem3A_45 : i32 to index
        %get3A_1601 = arith.index_cast %scan3A_103 : i32 to index
        %get3A_1602 = arith.index_cast %get3A_1599 : i32 to index
        %get3A_1603 = arith.constant 64 : index
        %get3A_1604 = tpu.vector_load %arg4[%get3A_1600, %get3A_1601, %get3A_1602, %get3A_1603] {strides = array<i32>} : memref<2x8x32x128xf32, #tpu.memory_space<vmem>>, vector<1x1x1x16xf32>,
        %get3A_1605 = vector.shape_cast %get3A_1604 : vector<1x1x1x16xf32> to vector<16xf32>
        %add3A_1606 = arith.addf %add3A_1542, %get3A_1605 : vector<16xf32>
        %get3A_1607 = arith.constant 23 : i32
        %get3A_1608 = arith.index_cast %rem3A_45 : i32 to index
        %get3A_1609 = arith.index_cast %scan3A_103 : i32 to index
        %get3A_1610 = arith.index_cast %get3A_1607 : i32 to index
        %get3A_1611 = arith.constant 80 : index
        %get3A_1612 = tpu.vector_load %arg4[%get3A_1608, %get3A_1609, %get3A_1610, %get3A_1611] {strides = array<i32>} : memref<2x8x32x128xf32, #tpu.memory_space<vmem>>, vector<1x1x1x16xf32>,
        %get3A_1613 = vector.shape_cast %get3A_1612 : vector<1x1x1x16xf32> to vector<16xf32>
        %add3A_1614 = arith.addf %add3A_1550, %get3A_1613 : vector<16xf32>
        %get3A_1615 = arith.constant 23 : i32
        %get3A_1616 = arith.index_cast %rem3A_45 : i32 to index
        %get3A_1617 = arith.index_cast %scan3A_103 : i32 to index
        %get3A_1618 = arith.index_cast %get3A_1615 : i32 to index
        %get3A_1619 = arith.constant 96 : index
        %get3A_1620 = tpu.vector_load %arg4[%get3A_1616, %get3A_1617, %get3A_1618, %get3A_1619] {strides = array<i32>} : memref<2x8x32x128xf32, #tpu.memory_space<vmem>>, vector<1x1x1x16xf32>,
        %get3A_1621 = vector.shape_cast %get3A_1620 : vector<1x1x1x16xf32> to vector<16xf32>
        %add3A_1622 = arith.addf %add3A_1558, %get3A_1621 : vector<16xf32>
        %get3A_1623 = arith.constant 23 : i32
        %get3A_1624 = arith.index_cast %rem3A_45 : i32 to index
        %get3A_1625 = arith.index_cast %scan3A_103 : i32 to index
        %get3A_1626 = arith.index_cast %get3A_1623 : i32 to index
        %get3A_1627 = arith.constant 112 : index
        %get3A_1628 = tpu.vector_load %arg4[%get3A_1624, %get3A_1625, %get3A_1626, %get3A_1627] {strides = array<i32>} : memref<2x8x32x128xf32, #tpu.memory_space<vmem>>, vector<1x1x1x16xf32>,
        %get3A_1629 = vector.shape_cast %get3A_1628 : vector<1x1x1x16xf32> to vector<16xf32>
        %add3A_1630 = arith.addf %add3A_1566, %get3A_1629 : vector<16xf32>
        %get3A_1631 = arith.constant 24 : i32
        %get3A_1632 = arith.index_cast %rem3A_45 : i32 to index
        %get3A_1633 = arith.index_cast %scan3A_103 : i32 to index
        %get3A_1634 = arith.index_cast %get3A_1631 : i32 to index
        %get3A_1635 = arith.constant 0 : index
        %get3A_1636 = tpu.vector_load %arg4[%get3A_1632, %get3A_1633, %get3A_1634, %get3A_1635] {strides = array<i32>} : memref<2x8x32x128xf32, #tpu.memory_space<vmem>>, vector<1x1x1x16xf32>,
        %get3A_1637 = vector.shape_cast %get3A_1636 : vector<1x1x1x16xf32> to vector<16xf32>
        %add3A_1638 = arith.addf %add3A_1574, %get3A_1637 : vector<16xf32>
        %get3A_1639 = arith.constant 24 : i32
        %get3A_1640 = arith.index_cast %rem3A_45 : i32 to index
        %get3A_1641 = arith.index_cast %scan3A_103 : i32 to index
        %get3A_1642 = arith.index_cast %get3A_1639 : i32 to index
        %get3A_1643 = arith.constant 16 : index
        %get3A_1644 = tpu.vector_load %arg4[%get3A_1640, %get3A_1641, %get3A_1642, %get3A_1643] {strides = array<i32>} : memref<2x8x32x128xf32, #tpu.memory_space<vmem>>, vector<1x1x1x16xf32>,
        %get3A_1645 = vector.shape_cast %get3A_1644 : vector<1x1x1x16xf32> to vector<16xf32>
        %add3A_1646 = arith.addf %add3A_1582, %get3A_1645 : vector<16xf32>
        %get3A_1647 = arith.constant 24 : i32
        %get3A_1648 = arith.index_cast %rem3A_45 : i32 to index
        %get3A_1649 = arith.index_cast %scan3A_103 : i32 to index
        %get3A_1650 = arith.index_cast %get3A_1647 : i32 to index
        %get3A_1651 = arith.constant 32 : index
        %get3A_1652 = tpu.vector_load %arg4[%get3A_1648, %get3A_1649, %get3A_1650, %get3A_1651] {strides = array<i32>} : memref<2x8x32x128xf32, #tpu.memory_space<vmem>>, vector<1x1x1x16xf32>,
        %get3A_1653 = vector.shape_cast %get3A_1652 : vector<1x1x1x16xf32> to vector<16xf32>
        %add3A_1654 = arith.addf %add3A_1590, %get3A_1653 : vector<16xf32>
        %get3A_1655 = arith.constant 24 : i32
        %get3A_1656 = arith.index_cast %rem3A_45 : i32 to index
        %get3A_1657 = arith.index_cast %scan3A_103 : i32 to index
        %get3A_1658 = arith.index_cast %get3A_1655 : i32 to index
        %get3A_1659 = arith.constant 48 : index
        %get3A_1660 = tpu.vector_load %arg4[%get3A_1656, %get3A_1657, %get3A_1658, %get3A_1659] {strides = array<i32>} : memref<2x8x32x128xf32, #tpu.memory_space<vmem>>, vector<1x1x1x16xf32>,
        %get3A_1661 = vector.shape_cast %get3A_1660 : vector<1x1x1x16xf32> to vector<16xf32>
        %add3A_1662 = arith.addf %add3A_1598, %get3A_1661 : vector<16xf32>
        %get3A_1663 = arith.constant 24 : i32
        %get3A_1664 = arith.index_cast %rem3A_45 : i32 to index
        %get3A_1665 = arith.index_cast %scan3A_103 : i32 to index
        %get3A_1666 = arith.index_cast %get3A_1663 : i32 to index
        %get3A_1667 = arith.constant 64 : index
        %get3A_1668 = tpu.vector_load %arg4[%get3A_1664, %get3A_1665, %get3A_1666, %get3A_1667] {strides = array<i32>} : memref<2x8x32x128xf32, #tpu.memory_space<vmem>>, vector<1x1x1x16xf32>,
        %get3A_1669 = vector.shape_cast %get3A_1668 : vector<1x1x1x16xf32> to vector<16xf32>
        %add3A_1670 = arith.addf %add3A_1606, %get3A_1669 : vector<16xf32>
        %get3A_1671 = arith.constant 24 : i32
        %get3A_1672 = arith.index_cast %rem3A_45 : i32 to index
        %get3A_1673 = arith.index_cast %scan3A_103 : i32 to index
        %get3A_1674 = arith.index_cast %get3A_1671 : i32 to index
        %get3A_1675 = arith.constant 80 : index
        %get3A_1676 = tpu.vector_load %arg4[%get3A_1672, %get3A_1673, %get3A_1674, %get3A_1675] {strides = array<i32>} : memref<2x8x32x128xf32, #tpu.memory_space<vmem>>, vector<1x1x1x16xf32>,
        %get3A_1677 = vector.shape_cast %get3A_1676 : vector<1x1x1x16xf32> to vector<16xf32>
        %add3A_1678 = arith.addf %add3A_1614, %get3A_1677 : vector<16xf32>
        %get3A_1679 = arith.constant 24 : i32
        %get3A_1680 = arith.index_cast %rem3A_45 : i32 to index
        %get3A_1681 = arith.index_cast %scan3A_103 : i32 to index
        %get3A_1682 = arith.index_cast %get3A_1679 : i32 to index
        %get3A_1683 = arith.constant 96 : index
        %get3A_1684 = tpu.vector_load %arg4[%get3A_1680, %get3A_1681, %get3A_1682, %get3A_1683] {strides = array<i32>} : memref<2x8x32x128xf32, #tpu.memory_space<vmem>>, vector<1x1x1x16xf32>,
        %get3A_1685 = vector.shape_cast %get3A_1684 : vector<1x1x1x16xf32> to vector<16xf32>
        %add3A_1686 = arith.addf %add3A_1622, %get3A_1685 : vector<16xf32>
        %get3A_1687 = arith.constant 24 : i32
        %get3A_1688 = arith.index_cast %rem3A_45 : i32 to index
        %get3A_1689 = arith.index_cast %scan3A_103 : i32 to index
        %get3A_1690 = arith.index_cast %get3A_1687 : i32 to index
        %get3A_1691 = arith.constant 112 : index
        %get3A_1692 = tpu.vector_load %arg4[%get3A_1688, %get3A_1689, %get3A_1690, %get3A_1691] {strides = array<i32>} : memref<2x8x32x128xf32, #tpu.memory_space<vmem>>, vector<1x1x1x16xf32>,
        %get3A_1693 = vector.shape_cast %get3A_1692 : vector<1x1x1x16xf32> to vector<16xf32>
        %add3A_1694 = arith.addf %add3A_1630, %get3A_1693 : vector<16xf32>
        %get3A_1695 = arith.constant 25 : i32
        %get3A_1696 = arith.index_cast %rem3A_45 : i32 to index
        %get3A_1697 = arith.index_cast %scan3A_103 : i32 to index
        %get3A_1698 = arith.index_cast %get3A_1695 : i32 to index
        %get3A_1699 = arith.constant 0 : index
        %get3A_1700 = tpu.vector_load %arg4[%get3A_1696, %get3A_1697, %get3A_1698, %get3A_1699] {strides = array<i32>} : memref<2x8x32x128xf32, #tpu.memory_space<vmem>>, vector<1x1x1x16xf32>,
        %get3A_1701 = vector.shape_cast %get3A_1700 : vector<1x1x1x16xf32> to vector<16xf32>
        %add3A_1702 = arith.addf %add3A_1638, %get3A_1701 : vector<16xf32>
        %get3A_1703 = arith.constant 25 : i32
        %get3A_1704 = arith.index_cast %rem3A_45 : i32 to index
        %get3A_1705 = arith.index_cast %scan3A_103 : i32 to index
        %get3A_1706 = arith.index_cast %get3A_1703 : i32 to index
        %get3A_1707 = arith.constant 16 : index
        %get3A_1708 = tpu.vector_load %arg4[%get3A_1704, %get3A_1705, %get3A_1706, %get3A_1707] {strides = array<i32>} : memref<2x8x32x128xf32, #tpu.memory_space<vmem>>, vector<1x1x1x16xf32>,
        %get3A_1709 = vector.shape_cast %get3A_1708 : vector<1x1x1x16xf32> to vector<16xf32>
        %add3A_1710 = arith.addf %add3A_1646, %get3A_1709 : vector<16xf32>
        %get3A_1711 = arith.constant 25 : i32
        %get3A_1712 = arith.index_cast %rem3A_45 : i32 to index
        %get3A_1713 = arith.index_cast %scan3A_103 : i32 to index
        %get3A_1714 = arith.index_cast %get3A_1711 : i32 to index
        %get3A_1715 = arith.constant 32 : index
        %get3A_1716 = tpu.vector_load %arg4[%get3A_1712, %get3A_1713, %get3A_1714, %get3A_1715] {strides = array<i32>} : memref<2x8x32x128xf32, #tpu.memory_space<vmem>>, vector<1x1x1x16xf32>,
        %get3A_1717 = vector.shape_cast %get3A_1716 : vector<1x1x1x16xf32> to vector<16xf32>
        %add3A_1718 = arith.addf %add3A_1654, %get3A_1717 : vector<16xf32>
        %get3A_1719 = arith.constant 25 : i32
        %get3A_1720 = arith.index_cast %rem3A_45 : i32 to index
        %get3A_1721 = arith.index_cast %scan3A_103 : i32 to index
        %get3A_1722 = arith.index_cast %get3A_1719 : i32 to index
        %get3A_1723 = arith.constant 48 : index
        %get3A_1724 = tpu.vector_load %arg4[%get3A_1720, %get3A_1721, %get3A_1722, %get3A_1723] {strides = array<i32>} : memref<2x8x32x128xf32, #tpu.memory_space<vmem>>, vector<1x1x1x16xf32>,
        %get3A_1725 = vector.shape_cast %get3A_1724 : vector<1x1x1x16xf32> to vector<16xf32>
        %add3A_1726 = arith.addf %add3A_1662, %get3A_1725 : vector<16xf32>
        %get3A_1727 = arith.constant 25 : i32
        %get3A_1728 = arith.index_cast %rem3A_45 : i32 to index
        %get3A_1729 = arith.index_cast %scan3A_103 : i32 to index
        %get3A_1730 = arith.index_cast %get3A_1727 : i32 to index
        %get3A_1731 = arith.constant 64 : index
        %get3A_1732 = tpu.vector_load %arg4[%get3A_1728, %get3A_1729, %get3A_1730, %get3A_1731] {strides = array<i32>} : memref<2x8x32x128xf32, #tpu.memory_space<vmem>>, vector<1x1x1x16xf32>,
        %get3A_1733 = vector.shape_cast %get3A_1732 : vector<1x1x1x16xf32> to vector<16xf32>
        %add3A_1734 = arith.addf %add3A_1670, %get3A_1733 : vector<16xf32>
        %get3A_1735 = arith.constant 25 : i32
        %get3A_1736 = arith.index_cast %rem3A_45 : i32 to index
        %get3A_1737 = arith.index_cast %scan3A_103 : i32 to index
        %get3A_1738 = arith.index_cast %get3A_1735 : i32 to index
        %get3A_1739 = arith.constant 80 : index
        %get3A_1740 = tpu.vector_load %arg4[%get3A_1736, %get3A_1737, %get3A_1738, %get3A_1739] {strides = array<i32>} : memref<2x8x32x128xf32, #tpu.memory_space<vmem>>, vector<1x1x1x16xf32>,
        %get3A_1741 = vector.shape_cast %get3A_1740 : vector<1x1x1x16xf32> to vector<16xf32>
        %add3A_1742 = arith.addf %add3A_1678, %get3A_1741 : vector<16xf32>
        %get3A_1743 = arith.constant 25 : i32
        %get3A_1744 = arith.index_cast %rem3A_45 : i32 to index
        %get3A_1745 = arith.index_cast %scan3A_103 : i32 to index
        %get3A_1746 = arith.index_cast %get3A_1743 : i32 to index
        %get3A_1747 = arith.constant 96 : index
        %get3A_1748 = tpu.vector_load %arg4[%get3A_1744, %get3A_1745, %get3A_1746, %get3A_1747] {strides = array<i32>} : memref<2x8x32x128xf32, #tpu.memory_space<vmem>>, vector<1x1x1x16xf32>,
        %get3A_1749 = vector.shape_cast %get3A_1748 : vector<1x1x1x16xf32> to vector<16xf32>
        %add3A_1750 = arith.addf %add3A_1686, %get3A_1749 : vector<16xf32>
        %get3A_1751 = arith.constant 25 : i32
        %get3A_1752 = arith.index_cast %rem3A_45 : i32 to index
        %get3A_1753 = arith.index_cast %scan3A_103 : i32 to index
        %get3A_1754 = arith.index_cast %get3A_1751 : i32 to index
        %get3A_1755 = arith.constant 112 : index
        %get3A_1756 = tpu.vector_load %arg4[%get3A_1752, %get3A_1753, %get3A_1754, %get3A_1755] {strides = array<i32>} : memref<2x8x32x128xf32, #tpu.memory_space<vmem>>, vector<1x1x1x16xf32>,
        %get3A_1757 = vector.shape_cast %get3A_1756 : vector<1x1x1x16xf32> to vector<16xf32>
        %add3A_1758 = arith.addf %add3A_1694, %get3A_1757 : vector<16xf32>
        %get3A_1759 = arith.constant 26 : i32
        %get3A_1760 = arith.index_cast %rem3A_45 : i32 to index
        %get3A_1761 = arith.index_cast %scan3A_103 : i32 to index
        %get3A_1762 = arith.index_cast %get3A_1759 : i32 to index
        %get3A_1763 = arith.constant 0 : index
        %get3A_1764 = tpu.vector_load %arg4[%get3A_1760, %get3A_1761, %get3A_1762, %get3A_1763] {strides = array<i32>} : memref<2x8x32x128xf32, #tpu.memory_space<vmem>>, vector<1x1x1x16xf32>,
        %get3A_1765 = vector.shape_cast %get3A_1764 : vector<1x1x1x16xf32> to vector<16xf32>
        %add3A_1766 = arith.addf %add3A_1702, %get3A_1765 : vector<16xf32>
        %get3A_1767 = arith.constant 26 : i32
        %get3A_1768 = arith.index_cast %rem3A_45 : i32 to index
        %get3A_1769 = arith.index_cast %scan3A_103 : i32 to index
        %get3A_1770 = arith.index_cast %get3A_1767 : i32 to index
        %get3A_1771 = arith.constant 16 : index
        %get3A_1772 = tpu.vector_load %arg4[%get3A_1768, %get3A_1769, %get3A_1770, %get3A_1771] {strides = array<i32>} : memref<2x8x32x128xf32, #tpu.memory_space<vmem>>, vector<1x1x1x16xf32>,
        %get3A_1773 = vector.shape_cast %get3A_1772 : vector<1x1x1x16xf32> to vector<16xf32>
        %add3A_1774 = arith.addf %add3A_1710, %get3A_1773 : vector<16xf32>
        %get3A_1775 = arith.constant 26 : i32
        %get3A_1776 = arith.index_cast %rem3A_45 : i32 to index
        %get3A_1777 = arith.index_cast %scan3A_103 : i32 to index
        %get3A_1778 = arith.index_cast %get3A_1775 : i32 to index
        %get3A_1779 = arith.constant 32 : index
        %get3A_1780 = tpu.vector_load %arg4[%get3A_1776, %get3A_1777, %get3A_1778, %get3A_1779] {strides = array<i32>} : memref<2x8x32x128xf32, #tpu.memory_space<vmem>>, vector<1x1x1x16xf32>,
        %get3A_1781 = vector.shape_cast %get3A_1780 : vector<1x1x1x16xf32> to vector<16xf32>
        %add3A_1782 = arith.addf %add3A_1718, %get3A_1781 : vector<16xf32>
        %get3A_1783 = arith.constant 26 : i32
        %get3A_1784 = arith.index_cast %rem3A_45 : i32 to index
        %get3A_1785 = arith.index_cast %scan3A_103 : i32 to index
        %get3A_1786 = arith.index_cast %get3A_1783 : i32 to index
        %get3A_1787 = arith.constant 48 : index
        %get3A_1788 = tpu.vector_load %arg4[%get3A_1784, %get3A_1785, %get3A_1786, %get3A_1787] {strides = array<i32>} : memref<2x8x32x128xf32, #tpu.memory_space<vmem>>, vector<1x1x1x16xf32>,
        %get3A_1789 = vector.shape_cast %get3A_1788 : vector<1x1x1x16xf32> to vector<16xf32>
        %add3A_1790 = arith.addf %add3A_1726, %get3A_1789 : vector<16xf32>
        %get3A_1791 = arith.constant 26 : i32
        %get3A_1792 = arith.index_cast %rem3A_45 : i32 to index
        %get3A_1793 = arith.index_cast %scan3A_103 : i32 to index
        %get3A_1794 = arith.index_cast %get3A_1791 : i32 to index
        %get3A_1795 = arith.constant 64 : index
        %get3A_1796 = tpu.vector_load %arg4[%get3A_1792, %get3A_1793, %get3A_1794, %get3A_1795] {strides = array<i32>} : memref<2x8x32x128xf32, #tpu.memory_space<vmem>>, vector<1x1x1x16xf32>,
        %get3A_1797 = vector.shape_cast %get3A_1796 : vector<1x1x1x16xf32> to vector<16xf32>
        %add3A_1798 = arith.addf %add3A_1734, %get3A_1797 : vector<16xf32>
        %get3A_1799 = arith.constant 26 : i32
        %get3A_1800 = arith.index_cast %rem3A_45 : i32 to index
        %get3A_1801 = arith.index_cast %scan3A_103 : i32 to index
        %get3A_1802 = arith.index_cast %get3A_1799 : i32 to index
        %get3A_1803 = arith.constant 80 : index
        %get3A_1804 = tpu.vector_load %arg4[%get3A_1800, %get3A_1801, %get3A_1802, %get3A_1803] {strides = array<i32>} : memref<2x8x32x128xf32, #tpu.memory_space<vmem>>, vector<1x1x1x16xf32>,
        %get3A_1805 = vector.shape_cast %get3A_1804 : vector<1x1x1x16xf32> to vector<16xf32>
        %add3A_1806 = arith.addf %add3A_1742, %get3A_1805 : vector<16xf32>
        %get3A_1807 = arith.constant 26 : i32
        %get3A_1808 = arith.index_cast %rem3A_45 : i32 to index
        %get3A_1809 = arith.index_cast %scan3A_103 : i32 to index
        %get3A_1810 = arith.index_cast %get3A_1807 : i32 to index
        %get3A_1811 = arith.constant 96 : index
        %get3A_1812 = tpu.vector_load %arg4[%get3A_1808, %get3A_1809, %get3A_1810, %get3A_1811] {strides = array<i32>} : memref<2x8x32x128xf32, #tpu.memory_space<vmem>>, vector<1x1x1x16xf32>,
        %get3A_1813 = vector.shape_cast %get3A_1812 : vector<1x1x1x16xf32> to vector<16xf32>
        %add3A_1814 = arith.addf %add3A_1750, %get3A_1813 : vector<16xf32>
        %get3A_1815 = arith.constant 26 : i32
        %get3A_1816 = arith.index_cast %rem3A_45 : i32 to index
        %get3A_1817 = arith.index_cast %scan3A_103 : i32 to index
        %get3A_1818 = arith.index_cast %get3A_1815 : i32 to index
        %get3A_1819 = arith.constant 112 : index
        %get3A_1820 = tpu.vector_load %arg4[%get3A_1816, %get3A_1817, %get3A_1818, %get3A_1819] {strides = array<i32>} : memref<2x8x32x128xf32, #tpu.memory_space<vmem>>, vector<1x1x1x16xf32>,
        %get3A_1821 = vector.shape_cast %get3A_1820 : vector<1x1x1x16xf32> to vector<16xf32>
        %add3A_1822 = arith.addf %add3A_1758, %get3A_1821 : vector<16xf32>
        %get3A_1823 = arith.constant 27 : i32
        %get3A_1824 = arith.index_cast %rem3A_45 : i32 to index
        %get3A_1825 = arith.index_cast %scan3A_103 : i32 to index
        %get3A_1826 = arith.index_cast %get3A_1823 : i32 to index
        %get3A_1827 = arith.constant 0 : index
        %get3A_1828 = tpu.vector_load %arg4[%get3A_1824, %get3A_1825, %get3A_1826, %get3A_1827] {strides = array<i32>} : memref<2x8x32x128xf32, #tpu.memory_space<vmem>>, vector<1x1x1x16xf32>,
        %get3A_1829 = vector.shape_cast %get3A_1828 : vector<1x1x1x16xf32> to vector<16xf32>
        %add3A_1830 = arith.addf %add3A_1766, %get3A_1829 : vector<16xf32>
        %get3A_1831 = arith.constant 27 : i32
        %get3A_1832 = arith.index_cast %rem3A_45 : i32 to index
        %get3A_1833 = arith.index_cast %scan3A_103 : i32 to index
        %get3A_1834 = arith.index_cast %get3A_1831 : i32 to index
        %get3A_1835 = arith.constant 16 : index
        %get3A_1836 = tpu.vector_load %arg4[%get3A_1832, %get3A_1833, %get3A_1834, %get3A_1835] {strides = array<i32>} : memref<2x8x32x128xf32, #tpu.memory_space<vmem>>, vector<1x1x1x16xf32>,
        %get3A_1837 = vector.shape_cast %get3A_1836 : vector<1x1x1x16xf32> to vector<16xf32>
        %add3A_1838 = arith.addf %add3A_1774, %get3A_1837 : vector<16xf32>
        %get3A_1839 = arith.constant 27 : i32
        %get3A_1840 = arith.index_cast %rem3A_45 : i32 to index
        %get3A_1841 = arith.index_cast %scan3A_103 : i32 to index
        %get3A_1842 = arith.index_cast %get3A_1839 : i32 to index
        %get3A_1843 = arith.constant 32 : index
        %get3A_1844 = tpu.vector_load %arg4[%get3A_1840, %get3A_1841, %get3A_1842, %get3A_1843] {strides = array<i32>} : memref<2x8x32x128xf32, #tpu.memory_space<vmem>>, vector<1x1x1x16xf32>,
        %get3A_1845 = vector.shape_cast %get3A_1844 : vector<1x1x1x16xf32> to vector<16xf32>
        %add3A_1846 = arith.addf %add3A_1782, %get3A_1845 : vector<16xf32>
        %get3A_1847 = arith.constant 27 : i32
        %get3A_1848 = arith.index_cast %rem3A_45 : i32 to index
        %get3A_1849 = arith.index_cast %scan3A_103 : i32 to index
        %get3A_1850 = arith.index_cast %get3A_1847 : i32 to index
        %get3A_1851 = arith.constant 48 : index
        %get3A_1852 = tpu.vector_load %arg4[%get3A_1848, %get3A_1849, %get3A_1850, %get3A_1851] {strides = array<i32>} : memref<2x8x32x128xf32, #tpu.memory_space<vmem>>, vector<1x1x1x16xf32>,
        %get3A_1853 = vector.shape_cast %get3A_1852 : vector<1x1x1x16xf32> to vector<16xf32>
        %add3A_1854 = arith.addf %add3A_1790, %get3A_1853 : vector<16xf32>
        %get3A_1855 = arith.constant 27 : i32
        %get3A_1856 = arith.index_cast %rem3A_45 : i32 to index
        %get3A_1857 = arith.index_cast %scan3A_103 : i32 to index
        %get3A_1858 = arith.index_cast %get3A_1855 : i32 to index
        %get3A_1859 = arith.constant 64 : index
        %get3A_1860 = tpu.vector_load %arg4[%get3A_1856, %get3A_1857, %get3A_1858, %get3A_1859] {strides = array<i32>} : memref<2x8x32x128xf32, #tpu.memory_space<vmem>>, vector<1x1x1x16xf32>,
        %get3A_1861 = vector.shape_cast %get3A_1860 : vector<1x1x1x16xf32> to vector<16xf32>
        %add3A_1862 = arith.addf %add3A_1798, %get3A_1861 : vector<16xf32>
        %get3A_1863 = arith.constant 27 : i32
        %get3A_1864 = arith.index_cast %rem3A_45 : i32 to index
        %get3A_1865 = arith.index_cast %scan3A_103 : i32 to index
        %get3A_1866 = arith.index_cast %get3A_1863 : i32 to index
        %get3A_1867 = arith.constant 80 : index
        %get3A_1868 = tpu.vector_load %arg4[%get3A_1864, %get3A_1865, %get3A_1866, %get3A_1867] {strides = array<i32>} : memref<2x8x32x128xf32, #tpu.memory_space<vmem>>, vector<1x1x1x16xf32>,
        %get3A_1869 = vector.shape_cast %get3A_1868 : vector<1x1x1x16xf32> to vector<16xf32>
        %add3A_1870 = arith.addf %add3A_1806, %get3A_1869 : vector<16xf32>
        %get3A_1871 = arith.constant 27 : i32
        %get3A_1872 = arith.index_cast %rem3A_45 : i32 to index
        %get3A_1873 = arith.index_cast %scan3A_103 : i32 to index
        %get3A_1874 = arith.index_cast %get3A_1871 : i32 to index
        %get3A_1875 = arith.constant 96 : index
        %get3A_1876 = tpu.vector_load %arg4[%get3A_1872, %get3A_1873, %get3A_1874, %get3A_1875] {strides = array<i32>} : memref<2x8x32x128xf32, #tpu.memory_space<vmem>>, vector<1x1x1x16xf32>,
        %get3A_1877 = vector.shape_cast %get3A_1876 : vector<1x1x1x16xf32> to vector<16xf32>
        %add3A_1878 = arith.addf %add3A_1814, %get3A_1877 : vector<16xf32>
        %get3A_1879 = arith.constant 27 : i32
        %get3A_1880 = arith.index_cast %rem3A_45 : i32 to index
        %get3A_1881 = arith.index_cast %scan3A_103 : i32 to index
        %get3A_1882 = arith.index_cast %get3A_1879 : i32 to index
        %get3A_1883 = arith.constant 112 : index
        %get3A_1884 = tpu.vector_load %arg4[%get3A_1880, %get3A_1881, %get3A_1882, %get3A_1883] {strides = array<i32>} : memref<2x8x32x128xf32, #tpu.memory_space<vmem>>, vector<1x1x1x16xf32>,
        %get3A_1885 = vector.shape_cast %get3A_1884 : vector<1x1x1x16xf32> to vector<16xf32>
        %add3A_1886 = arith.addf %add3A_1822, %get3A_1885 : vector<16xf32>
        %get3A_1887 = arith.constant 28 : i32
        %get3A_1888 = arith.index_cast %rem3A_45 : i32 to index
        %get3A_1889 = arith.index_cast %scan3A_103 : i32 to index
        %get3A_1890 = arith.index_cast %get3A_1887 : i32 to index
        %get3A_1891 = arith.constant 0 : index
        %get3A_1892 = tpu.vector_load %arg4[%get3A_1888, %get3A_1889, %get3A_1890, %get3A_1891] {strides = array<i32>} : memref<2x8x32x128xf32, #tpu.memory_space<vmem>>, vector<1x1x1x16xf32>,
        %get3A_1893 = vector.shape_cast %get3A_1892 : vector<1x1x1x16xf32> to vector<16xf32>
        %add3A_1894 = arith.addf %add3A_1830, %get3A_1893 : vector<16xf32>
        %get3A_1895 = arith.constant 28 : i32
        %get3A_1896 = arith.index_cast %rem3A_45 : i32 to index
        %get3A_1897 = arith.index_cast %scan3A_103 : i32 to index
        %get3A_1898 = arith.index_cast %get3A_1895 : i32 to index
        %get3A_1899 = arith.constant 16 : index
        %get3A_1900 = tpu.vector_load %arg4[%get3A_1896, %get3A_1897, %get3A_1898, %get3A_1899] {strides = array<i32>} : memref<2x8x32x128xf32, #tpu.memory_space<vmem>>, vector<1x1x1x16xf32>,
        %get3A_1901 = vector.shape_cast %get3A_1900 : vector<1x1x1x16xf32> to vector<16xf32>
        %add3A_1902 = arith.addf %add3A_1838, %get3A_1901 : vector<16xf32>
        %get3A_1903 = arith.constant 28 : i32
        %get3A_1904 = arith.index_cast %rem3A_45 : i32 to index
        %get3A_1905 = arith.index_cast %scan3A_103 : i32 to index
        %get3A_1906 = arith.index_cast %get3A_1903 : i32 to index
        %get3A_1907 = arith.constant 32 : index
        %get3A_1908 = tpu.vector_load %arg4[%get3A_1904, %get3A_1905, %get3A_1906, %get3A_1907] {strides = array<i32>} : memref<2x8x32x128xf32, #tpu.memory_space<vmem>>, vector<1x1x1x16xf32>,
        %get3A_1909 = vector.shape_cast %get3A_1908 : vector<1x1x1x16xf32> to vector<16xf32>
        %add3A_1910 = arith.addf %add3A_1846, %get3A_1909 : vector<16xf32>
        %get3A_1911 = arith.constant 28 : i32
        %get3A_1912 = arith.index_cast %rem3A_45 : i32 to index
        %get3A_1913 = arith.index_cast %scan3A_103 : i32 to index
        %get3A_1914 = arith.index_cast %get3A_1911 : i32 to index
        %get3A_1915 = arith.constant 48 : index
        %get3A_1916 = tpu.vector_load %arg4[%get3A_1912, %get3A_1913, %get3A_1914, %get3A_1915] {strides = array<i32>} : memref<2x8x32x128xf32, #tpu.memory_space<vmem>>, vector<1x1x1x16xf32>,
        %get3A_1917 = vector.shape_cast %get3A_1916 : vector<1x1x1x16xf32> to vector<16xf32>
        %add3A_1918 = arith.addf %add3A_1854, %get3A_1917 : vector<16xf32>
        %get3A_1919 = arith.constant 28 : i32
        %get3A_1920 = arith.index_cast %rem3A_45 : i32 to index
        %get3A_1921 = arith.index_cast %scan3A_103 : i32 to index
        %get3A_1922 = arith.index_cast %get3A_1919 : i32 to index
        %get3A_1923 = arith.constant 64 : index
        %get3A_1924 = tpu.vector_load %arg4[%get3A_1920, %get3A_1921, %get3A_1922, %get3A_1923] {strides = array<i32>} : memref<2x8x32x128xf32, #tpu.memory_space<vmem>>, vector<1x1x1x16xf32>,
        %get3A_1925 = vector.shape_cast %get3A_1924 : vector<1x1x1x16xf32> to vector<16xf32>
        %add3A_1926 = arith.addf %add3A_1862, %get3A_1925 : vector<16xf32>
        %get3A_1927 = arith.constant 28 : i32
        %get3A_1928 = arith.index_cast %rem3A_45 : i32 to index
        %get3A_1929 = arith.index_cast %scan3A_103 : i32 to index
        %get3A_1930 = arith.index_cast %get3A_1927 : i32 to index
        %get3A_1931 = arith.constant 80 : index
        %get3A_1932 = tpu.vector_load %arg4[%get3A_1928, %get3A_1929, %get3A_1930, %get3A_1931] {strides = array<i32>} : memref<2x8x32x128xf32, #tpu.memory_space<vmem>>, vector<1x1x1x16xf32>,
        %get3A_1933 = vector.shape_cast %get3A_1932 : vector<1x1x1x16xf32> to vector<16xf32>
        %add3A_1934 = arith.addf %add3A_1870, %get3A_1933 : vector<16xf32>
        %get3A_1935 = arith.constant 28 : i32
        %get3A_1936 = arith.index_cast %rem3A_45 : i32 to index
        %get3A_1937 = arith.index_cast %scan3A_103 : i32 to index
        %get3A_1938 = arith.index_cast %get3A_1935 : i32 to index
        %get3A_1939 = arith.constant 96 : index
        %get3A_1940 = tpu.vector_load %arg4[%get3A_1936, %get3A_1937, %get3A_1938, %get3A_1939] {strides = array<i32>} : memref<2x8x32x128xf32, #tpu.memory_space<vmem>>, vector<1x1x1x16xf32>,
        %get3A_1941 = vector.shape_cast %get3A_1940 : vector<1x1x1x16xf32> to vector<16xf32>
        %add3A_1942 = arith.addf %add3A_1878, %get3A_1941 : vector<16xf32>
        %get3A_1943 = arith.constant 28 : i32
        %get3A_1944 = arith.index_cast %rem3A_45 : i32 to index
        %get3A_1945 = arith.index_cast %scan3A_103 : i32 to index
        %get3A_1946 = arith.index_cast %get3A_1943 : i32 to index
        %get3A_1947 = arith.constant 112 : index
        %get3A_1948 = tpu.vector_load %arg4[%get3A_1944, %get3A_1945, %get3A_1946, %get3A_1947] {strides = array<i32>} : memref<2x8x32x128xf32, #tpu.memory_space<vmem>>, vector<1x1x1x16xf32>,
        %get3A_1949 = vector.shape_cast %get3A_1948 : vector<1x1x1x16xf32> to vector<16xf32>
        %add3A_1950 = arith.addf %add3A_1886, %get3A_1949 : vector<16xf32>
        %get3A_1951 = arith.constant 29 : i32
        %get3A_1952 = arith.index_cast %rem3A_45 : i32 to index
        %get3A_1953 = arith.index_cast %scan3A_103 : i32 to index
        %get3A_1954 = arith.index_cast %get3A_1951 : i32 to index
        %get3A_1955 = arith.constant 0 : index
        %get3A_1956 = tpu.vector_load %arg4[%get3A_1952, %get3A_1953, %get3A_1954, %get3A_1955] {strides = array<i32>} : memref<2x8x32x128xf32, #tpu.memory_space<vmem>>, vector<1x1x1x16xf32>,
        %get3A_1957 = vector.shape_cast %get3A_1956 : vector<1x1x1x16xf32> to vector<16xf32>
        %add3A_1958 = arith.addf %add3A_1894, %get3A_1957 : vector<16xf32>
        %get3A_1959 = arith.constant 29 : i32
        %get3A_1960 = arith.index_cast %rem3A_45 : i32 to index
        %get3A_1961 = arith.index_cast %scan3A_103 : i32 to index
        %get3A_1962 = arith.index_cast %get3A_1959 : i32 to index
        %get3A_1963 = arith.constant 16 : index
        %get3A_1964 = tpu.vector_load %arg4[%get3A_1960, %get3A_1961, %get3A_1962, %get3A_1963] {strides = array<i32>} : memref<2x8x32x128xf32, #tpu.memory_space<vmem>>, vector<1x1x1x16xf32>,
        %get3A_1965 = vector.shape_cast %get3A_1964 : vector<1x1x1x16xf32> to vector<16xf32>
        %add3A_1966 = arith.addf %add3A_1902, %get3A_1965 : vector<16xf32>
        %get3A_1967 = arith.constant 29 : i32
        %get3A_1968 = arith.index_cast %rem3A_45 : i32 to index
        %get3A_1969 = arith.index_cast %scan3A_103 : i32 to index
        %get3A_1970 = arith.index_cast %get3A_1967 : i32 to index
        %get3A_1971 = arith.constant 32 : index
        %get3A_1972 = tpu.vector_load %arg4[%get3A_1968, %get3A_1969, %get3A_1970, %get3A_1971] {strides = array<i32>} : memref<2x8x32x128xf32, #tpu.memory_space<vmem>>, vector<1x1x1x16xf32>,
        %get3A_1973 = vector.shape_cast %get3A_1972 : vector<1x1x1x16xf32> to vector<16xf32>
        %add3A_1974 = arith.addf %add3A_1910, %get3A_1973 : vector<16xf32>
        %get3A_1975 = arith.constant 29 : i32
        %get3A_1976 = arith.index_cast %rem3A_45 : i32 to index
        %get3A_1977 = arith.index_cast %scan3A_103 : i32 to index
        %get3A_1978 = arith.index_cast %get3A_1975 : i32 to index
        %get3A_1979 = arith.constant 48 : index
        %get3A_1980 = tpu.vector_load %arg4[%get3A_1976, %get3A_1977, %get3A_1978, %get3A_1979] {strides = array<i32>} : memref<2x8x32x128xf32, #tpu.memory_space<vmem>>, vector<1x1x1x16xf32>,
        %get3A_1981 = vector.shape_cast %get3A_1980 : vector<1x1x1x16xf32> to vector<16xf32>
        %add3A_1982 = arith.addf %add3A_1918, %get3A_1981 : vector<16xf32>
        %get3A_1983 = arith.constant 29 : i32
        %get3A_1984 = arith.index_cast %rem3A_45 : i32 to index
        %get3A_1985 = arith.index_cast %scan3A_103 : i32 to index
        %get3A_1986 = arith.index_cast %get3A_1983 : i32 to index
        %get3A_1987 = arith.constant 64 : index
        %get3A_1988 = tpu.vector_load %arg4[%get3A_1984, %get3A_1985, %get3A_1986, %get3A_1987] {strides = array<i32>} : memref<2x8x32x128xf32, #tpu.memory_space<vmem>>, vector<1x1x1x16xf32>,
        %get3A_1989 = vector.shape_cast %get3A_1988 : vector<1x1x1x16xf32> to vector<16xf32>
        %add3A_1990 = arith.addf %add3A_1926, %get3A_1989 : vector<16xf32>
        %get3A_1991 = arith.constant 29 : i32
        %get3A_1992 = arith.index_cast %rem3A_45 : i32 to index
        %get3A_1993 = arith.index_cast %scan3A_103 : i32 to index
        %get3A_1994 = arith.index_cast %get3A_1991 : i32 to index
        %get3A_1995 = arith.constant 80 : index
        %get3A_1996 = tpu.vector_load %arg4[%get3A_1992, %get3A_1993, %get3A_1994, %get3A_1995] {strides = array<i32>} : memref<2x8x32x128xf32, #tpu.memory_space<vmem>>, vector<1x1x1x16xf32>,
        %get3A_1997 = vector.shape_cast %get3A_1996 : vector<1x1x1x16xf32> to vector<16xf32>
        %add3A_1998 = arith.addf %add3A_1934, %get3A_1997 : vector<16xf32>
        %get3A_1999 = arith.constant 29 : i32
        %get3A_2000 = arith.index_cast %rem3A_45 : i32 to index
        %get3A_2001 = arith.index_cast %scan3A_103 : i32 to index
        %get3A_2002 = arith.index_cast %get3A_1999 : i32 to index
        %get3A_2003 = arith.constant 96 : index
        %get3A_2004 = tpu.vector_load %arg4[%get3A_2000, %get3A_2001, %get3A_2002, %get3A_2003] {strides = array<i32>} : memref<2x8x32x128xf32, #tpu.memory_space<vmem>>, vector<1x1x1x16xf32>,
        %get3A_2005 = vector.shape_cast %get3A_2004 : vector<1x1x1x16xf32> to vector<16xf32>
        %add3A_2006 = arith.addf %add3A_1942, %get3A_2005 : vector<16xf32>
        %get3A_2007 = arith.constant 29 : i32
        %get3A_2008 = arith.index_cast %rem3A_45 : i32 to index
        %get3A_2009 = arith.index_cast %scan3A_103 : i32 to index
        %get3A_2010 = arith.index_cast %get3A_2007 : i32 to index
        %get3A_2011 = arith.constant 112 : index
        %get3A_2012 = tpu.vector_load %arg4[%get3A_2008, %get3A_2009, %get3A_2010, %get3A_2011] {strides = array<i32>} : memref<2x8x32x128xf32, #tpu.memory_space<vmem>>, vector<1x1x1x16xf32>,
        %get3A_2013 = vector.shape_cast %get3A_2012 : vector<1x1x1x16xf32> to vector<16xf32>
        %add3A_2014 = arith.addf %add3A_1950, %get3A_2013 : vector<16xf32>
        %get3A_2015 = arith.constant 30 : i32
        %get3A_2016 = arith.index_cast %rem3A_45 : i32 to index
        %get3A_2017 = arith.index_cast %scan3A_103 : i32 to index
        %get3A_2018 = arith.index_cast %get3A_2015 : i32 to index
        %get3A_2019 = arith.constant 0 : index
        %get3A_2020 = tpu.vector_load %arg4[%get3A_2016, %get3A_2017, %get3A_2018, %get3A_2019] {strides = array<i32>} : memref<2x8x32x128xf32, #tpu.memory_space<vmem>>, vector<1x1x1x16xf32>,
        %get3A_2021 = vector.shape_cast %get3A_2020 : vector<1x1x1x16xf32> to vector<16xf32>
        %add3A_2022 = arith.addf %add3A_1958, %get3A_2021 : vector<16xf32>
        %get3A_2023 = arith.constant 30 : i32
        %get3A_2024 = arith.index_cast %rem3A_45 : i32 to index
        %get3A_2025 = arith.index_cast %scan3A_103 : i32 to index
        %get3A_2026 = arith.index_cast %get3A_2023 : i32 to index
        %get3A_2027 = arith.constant 16 : index
        %get3A_2028 = tpu.vector_load %arg4[%get3A_2024, %get3A_2025, %get3A_2026, %get3A_2027] {strides = array<i32>} : memref<2x8x32x128xf32, #tpu.memory_space<vmem>>, vector<1x1x1x16xf32>,
        %get3A_2029 = vector.shape_cast %get3A_2028 : vector<1x1x1x16xf32> to vector<16xf32>
        %add3A_2030 = arith.addf %add3A_1966, %get3A_2029 : vector<16xf32>
        %get3A_2031 = arith.constant 30 : i32
        %get3A_2032 = arith.index_cast %rem3A_45 : i32 to index
        %get3A_2033 = arith.index_cast %scan3A_103 : i32 to index
        %get3A_2034 = arith.index_cast %get3A_2031 : i32 to index
        %get3A_2035 = arith.constant 32 : index
        %get3A_2036 = tpu.vector_load %arg4[%get3A_2032, %get3A_2033, %get3A_2034, %get3A_2035] {strides = array<i32>} : memref<2x8x32x128xf32, #tpu.memory_space<vmem>>, vector<1x1x1x16xf32>,
        %get3A_2037 = vector.shape_cast %get3A_2036 : vector<1x1x1x16xf32> to vector<16xf32>
        %add3A_2038 = arith.addf %add3A_1974, %get3A_2037 : vector<16xf32>
        %get3A_2039 = arith.constant 30 : i32
        %get3A_2040 = arith.index_cast %rem3A_45 : i32 to index
        %get3A_2041 = arith.index_cast %scan3A_103 : i32 to index
        %get3A_2042 = arith.index_cast %get3A_2039 : i32 to index
        %get3A_2043 = arith.constant 48 : index
        %get3A_2044 = tpu.vector_load %arg4[%get3A_2040, %get3A_2041, %get3A_2042, %get3A_2043] {strides = array<i32>} : memref<2x8x32x128xf32, #tpu.memory_space<vmem>>, vector<1x1x1x16xf32>,
        %get3A_2045 = vector.shape_cast %get3A_2044 : vector<1x1x1x16xf32> to vector<16xf32>
        %add3A_2046 = arith.addf %add3A_1982, %get3A_2045 : vector<16xf32>
        %get3A_2047 = arith.constant 30 : i32
        %get3A_2048 = arith.index_cast %rem3A_45 : i32 to index
        %get3A_2049 = arith.index_cast %scan3A_103 : i32 to index
        %get3A_2050 = arith.index_cast %get3A_2047 : i32 to index
        %get3A_2051 = arith.constant 64 : index
        %get3A_2052 = tpu.vector_load %arg4[%get3A_2048, %get3A_2049, %get3A_2050, %get3A_2051] {strides = array<i32>} : memref<2x8x32x128xf32, #tpu.memory_space<vmem>>, vector<1x1x1x16xf32>,
        %get3A_2053 = vector.shape_cast %get3A_2052 : vector<1x1x1x16xf32> to vector<16xf32>
        %add3A_2054 = arith.addf %add3A_1990, %get3A_2053 : vector<16xf32>
        %get3A_2055 = arith.constant 30 : i32
        %get3A_2056 = arith.index_cast %rem3A_45 : i32 to index
        %get3A_2057 = arith.index_cast %scan3A_103 : i32 to index
        %get3A_2058 = arith.index_cast %get3A_2055 : i32 to index
        %get3A_2059 = arith.constant 80 : index
        %get3A_2060 = tpu.vector_load %arg4[%get3A_2056, %get3A_2057, %get3A_2058, %get3A_2059] {strides = array<i32>} : memref<2x8x32x128xf32, #tpu.memory_space<vmem>>, vector<1x1x1x16xf32>,
        %get3A_2061 = vector.shape_cast %get3A_2060 : vector<1x1x1x16xf32> to vector<16xf32>
        %add3A_2062 = arith.addf %add3A_1998, %get3A_2061 : vector<16xf32>
        %get3A_2063 = arith.constant 30 : i32
        %get3A_2064 = arith.index_cast %rem3A_45 : i32 to index
        %get3A_2065 = arith.index_cast %scan3A_103 : i32 to index
        %get3A_2066 = arith.index_cast %get3A_2063 : i32 to index
        %get3A_2067 = arith.constant 96 : index
        %get3A_2068 = tpu.vector_load %arg4[%get3A_2064, %get3A_2065, %get3A_2066, %get3A_2067] {strides = array<i32>} : memref<2x8x32x128xf32, #tpu.memory_space<vmem>>, vector<1x1x1x16xf32>,
        %get3A_2069 = vector.shape_cast %get3A_2068 : vector<1x1x1x16xf32> to vector<16xf32>
        %add3A_2070 = arith.addf %add3A_2006, %get3A_2069 : vector<16xf32>
        %get3A_2071 = arith.constant 30 : i32
        %get3A_2072 = arith.index_cast %rem3A_45 : i32 to index
        %get3A_2073 = arith.index_cast %scan3A_103 : i32 to index
        %get3A_2074 = arith.index_cast %get3A_2071 : i32 to index
        %get3A_2075 = arith.constant 112 : index
        %get3A_2076 = tpu.vector_load %arg4[%get3A_2072, %get3A_2073, %get3A_2074, %get3A_2075] {strides = array<i32>} : memref<2x8x32x128xf32, #tpu.memory_space<vmem>>, vector<1x1x1x16xf32>,
        %get3A_2077 = vector.shape_cast %get3A_2076 : vector<1x1x1x16xf32> to vector<16xf32>
        %add3A_2078 = arith.addf %add3A_2014, %get3A_2077 : vector<16xf32>
        %get3A_2079 = arith.constant 31 : i32
        %get3A_2080 = arith.index_cast %rem3A_45 : i32 to index
        %get3A_2081 = arith.index_cast %scan3A_103 : i32 to index
        %get3A_2082 = arith.index_cast %get3A_2079 : i32 to index
        %get3A_2083 = arith.constant 0 : index
        %get3A_2084 = tpu.vector_load %arg4[%get3A_2080, %get3A_2081, %get3A_2082, %get3A_2083] {strides = array<i32>} : memref<2x8x32x128xf32, #tpu.memory_space<vmem>>, vector<1x1x1x16xf32>,
        %get3A_2085 = vector.shape_cast %get3A_2084 : vector<1x1x1x16xf32> to vector<16xf32>
        %add3A_2086 = arith.addf %add3A_2022, %get3A_2085 : vector<16xf32>
        %get3A_2087 = arith.constant 31 : i32
        %get3A_2088 = arith.index_cast %rem3A_45 : i32 to index
        %get3A_2089 = arith.index_cast %scan3A_103 : i32 to index
        %get3A_2090 = arith.index_cast %get3A_2087 : i32 to index
        %get3A_2091 = arith.constant 16 : index
        %get3A_2092 = tpu.vector_load %arg4[%get3A_2088, %get3A_2089, %get3A_2090, %get3A_2091] {strides = array<i32>} : memref<2x8x32x128xf32, #tpu.memory_space<vmem>>, vector<1x1x1x16xf32>,
        %get3A_2093 = vector.shape_cast %get3A_2092 : vector<1x1x1x16xf32> to vector<16xf32>
        %add3A_2094 = arith.addf %add3A_2030, %get3A_2093 : vector<16xf32>
        %get3A_2095 = arith.constant 31 : i32
        %get3A_2096 = arith.index_cast %rem3A_45 : i32 to index
        %get3A_2097 = arith.index_cast %scan3A_103 : i32 to index
        %get3A_2098 = arith.index_cast %get3A_2095 : i32 to index
        %get3A_2099 = arith.constant 32 : index
        %get3A_2100 = tpu.vector_load %arg4[%get3A_2096, %get3A_2097, %get3A_2098, %get3A_2099] {strides = array<i32>} : memref<2x8x32x128xf32, #tpu.memory_space<vmem>>, vector<1x1x1x16xf32>,
        %get3A_2101 = vector.shape_cast %get3A_2100 : vector<1x1x1x16xf32> to vector<16xf32>
        %add3A_2102 = arith.addf %add3A_2038, %get3A_2101 : vector<16xf32>
        %get3A_2103 = arith.constant 31 : i32
        %get3A_2104 = arith.index_cast %rem3A_45 : i32 to index
        %get3A_2105 = arith.index_cast %scan3A_103 : i32 to index
        %get3A_2106 = arith.index_cast %get3A_2103 : i32 to index
        %get3A_2107 = arith.constant 48 : index
        %get3A_2108 = tpu.vector_load %arg4[%get3A_2104, %get3A_2105, %get3A_2106, %get3A_2107] {strides = array<i32>} : memref<2x8x32x128xf32, #tpu.memory_space<vmem>>, vector<1x1x1x16xf32>,
        %get3A_2109 = vector.shape_cast %get3A_2108 : vector<1x1x1x16xf32> to vector<16xf32>
        %add3A_2110 = arith.addf %add3A_2046, %get3A_2109 : vector<16xf32>
        %get3A_2111 = arith.constant 31 : i32
        %get3A_2112 = arith.index_cast %rem3A_45 : i32 to index
        %get3A_2113 = arith.index_cast %scan3A_103 : i32 to index
        %get3A_2114 = arith.index_cast %get3A_2111 : i32 to index
        %get3A_2115 = arith.constant 64 : index
        %get3A_2116 = tpu.vector_load %arg4[%get3A_2112, %get3A_2113, %get3A_2114, %get3A_2115] {strides = array<i32>} : memref<2x8x32x128xf32, #tpu.memory_space<vmem>>, vector<1x1x1x16xf32>,
        %get3A_2117 = vector.shape_cast %get3A_2116 : vector<1x1x1x16xf32> to vector<16xf32>
        %add3A_2118 = arith.addf %add3A_2054, %get3A_2117 : vector<16xf32>
        %get3A_2119 = arith.constant 31 : i32
        %get3A_2120 = arith.index_cast %rem3A_45 : i32 to index
        %get3A_2121 = arith.index_cast %scan3A_103 : i32 to index
        %get3A_2122 = arith.index_cast %get3A_2119 : i32 to index
        %get3A_2123 = arith.constant 80 : index
        %get3A_2124 = tpu.vector_load %arg4[%get3A_2120, %get3A_2121, %get3A_2122, %get3A_2123] {strides = array<i32>} : memref<2x8x32x128xf32, #tpu.memory_space<vmem>>, vector<1x1x1x16xf32>,
        %get3A_2125 = vector.shape_cast %get3A_2124 : vector<1x1x1x16xf32> to vector<16xf32>
        %add3A_2126 = arith.addf %add3A_2062, %get3A_2125 : vector<16xf32>
        %get3A_2127 = arith.constant 31 : i32
        %get3A_2128 = arith.index_cast %rem3A_45 : i32 to index
        %get3A_2129 = arith.index_cast %scan3A_103 : i32 to index
        %get3A_2130 = arith.index_cast %get3A_2127 : i32 to index
        %get3A_2131 = arith.constant 96 : index
        %get3A_2132 = tpu.vector_load %arg4[%get3A_2128, %get3A_2129, %get3A_2130, %get3A_2131] {strides = array<i32>} : memref<2x8x32x128xf32, #tpu.memory_space<vmem>>, vector<1x1x1x16xf32>,
        %get3A_2133 = vector.shape_cast %get3A_2132 : vector<1x1x1x16xf32> to vector<16xf32>
        %add3A_2134 = arith.addf %add3A_2070, %get3A_2133 : vector<16xf32>
        %get3A_2135 = arith.constant 31 : i32
        %get3A_2136 = arith.index_cast %rem3A_45 : i32 to index
        %get3A_2137 = arith.index_cast %scan3A_103 : i32 to index
        %get3A_2138 = arith.index_cast %get3A_2135 : i32 to index
        %get3A_2139 = arith.constant 112 : index
        %get3A_2140 = tpu.vector_load %arg4[%get3A_2136, %get3A_2137, %get3A_2138, %get3A_2139] {strides = array<i32>} : memref<2x8x32x128xf32, #tpu.memory_space<vmem>>, vector<1x1x1x16xf32>,
        %get3A_2141 = vector.shape_cast %get3A_2140 : vector<1x1x1x16xf32> to vector<16xf32>
        %add3A_2142 = arith.addf %add3A_2078, %get3A_2141 : vector<16xf32>
        %mul3A_2143 = arith.constant 3.125000e-02 : f32
        %mul3A_2144 = vector.broadcast %mul3A_2143 : f32 to vector<16xf32>
        %mul3A_2145 = arith.mulf %add3A_2086, %mul3A_2144 : vector<16xf32>
        %swap3A = arith.index_cast %rem3A_45 : i32 to index
        %swap3A_2146 = arith.index_cast %scan3A_103 : i32 to index
        %swap3A_2147 = arith.constant 0 : index
        %swap3A_2148 = tpu.vector_load %arg5[%swap3A, %swap3A_2146, %swap3A_2147] {strides = array<i32>} : memref<2x8x128xf32, #tpu.memory_space<vmem>>, vector<1x1x16xf32>,
        %swap3A_2149 = vector.shape_cast %swap3A_2148 : vector<1x1x16xf32> to vector<16xf32>
        %swap3A_2150 = vector.shape_cast %mul3A_2145 : vector<16xf32> to vector<1x1x16xf32>
        tpu.vector_store %arg5[%swap3A, %swap3A_2146, %swap3A_2147], %swap3A_2150 {strides = array<i32>} : memref<2x8x128xf32, #tpu.memory_space<vmem>>, vector<1x1x16xf32>,
        %mul3A_2151 = arith.constant 3.125000e-02 : f32
        %mul3A_2152 = vector.broadcast %mul3A_2151 : f32 to vector<16xf32>
        %mul3A_2153 = arith.mulf %add3A_2094, %mul3A_2152 : vector<16xf32>
        %swap3A_2154 = arith.index_cast %rem3A_45 : i32 to index
        %swap3A_2155 = arith.index_cast %scan3A_103 : i32 to index
        %swap3A_2156 = arith.constant 16 : index
        %swap3A_2157 = tpu.vector_load %arg5[%swap3A_2154, %swap3A_2155, %swap3A_2156] {strides = array<i32>} : memref<2x8x128xf32, #tpu.memory_space<vmem>>, vector<1x1x16xf32>,
        %swap3A_2158 = vector.shape_cast %swap3A_2157 : vector<1x1x16xf32> to vector<16xf32>
        %swap3A_2159 = vector.shape_cast %mul3A_2153 : vector<16xf32> to vector<1x1x16xf32>
        tpu.vector_store %arg5[%swap3A_2154, %swap3A_2155, %swap3A_2156], %swap3A_2159 {strides = array<i32>} : memref<2x8x128xf32, #tpu.memory_space<vmem>>, vector<1x1x16xf32>,
        %mul3A_2160 = arith.constant 3.125000e-02 : f32
        %mul3A_2161 = vector.broadcast %mul3A_2160 : f32 to vector<16xf32>
        %mul3A_2162 = arith.mulf %add3A_2102, %mul3A_2161 : vector<16xf32>
        %swap3A_2163 = arith.index_cast %rem3A_45 : i32 to index
        %swap3A_2164 = arith.index_cast %scan3A_103 : i32 to index
        %swap3A_2165 = arith.constant 32 : index
        %swap3A_2166 = tpu.vector_load %arg5[%swap3A_2163, %swap3A_2164, %swap3A_2165] {strides = array<i32>} : memref<2x8x128xf32, #tpu.memory_space<vmem>>, vector<1x1x16xf32>,
        %swap3A_2167 = vector.shape_cast %swap3A_2166 : vector<1x1x16xf32> to vector<16xf32>
        %swap3A_2168 = vector.shape_cast %mul3A_2162 : vector<16xf32> to vector<1x1x16xf32>
        tpu.vector_store %arg5[%swap3A_2163, %swap3A_2164, %swap3A_2165], %swap3A_2168 {strides = array<i32>} : memref<2x8x128xf32, #tpu.memory_space<vmem>>, vector<1x1x16xf32>,
        %mul3A_2169 = arith.constant 3.125000e-02 : f32
        %mul3A_2170 = vector.broadcast %mul3A_2169 : f32 to vector<16xf32>
        %mul3A_2171 = arith.mulf %add3A_2110, %mul3A_2170 : vector<16xf32>
        %swap3A_2172 = arith.index_cast %rem3A_45 : i32 to index
        %swap3A_2173 = arith.index_cast %scan3A_103 : i32 to index
        %swap3A_2174 = arith.constant 48 : index
        %swap3A_2175 = tpu.vector_load %arg5[%swap3A_2172, %swap3A_2173, %swap3A_2174] {strides = array<i32>} : memref<2x8x128xf32, #tpu.memory_space<vmem>>, vector<1x1x16xf32>,
        %swap3A_2176 = vector.shape_cast %swap3A_2175 : vector<1x1x16xf32> to vector<16xf32>
        %swap3A_2177 = vector.shape_cast %mul3A_2171 : vector<16xf32> to vector<1x1x16xf32>
        tpu.vector_store %arg5[%swap3A_2172, %swap3A_2173, %swap3A_2174], %swap3A_2177 {strides = array<i32>} : memref<2x8x128xf32, #tpu.memory_space<vmem>>, vector<1x1x16xf32>,
        %mul3A_2178 = arith.constant 3.125000e-02 : f32
        %mul3A_2179 = vector.broadcast %mul3A_2178 : f32 to vector<16xf32>
        %mul3A_2180 = arith.mulf %add3A_2118, %mul3A_2179 : vector<16xf32>
        %swap3A_2181 = arith.index_cast %rem3A_45 : i32 to index
        %swap3A_2182 = arith.index_cast %scan3A_103 : i32 to index
        %swap3A_2183 = arith.constant 64 : index
        %swap3A_2184 = tpu.vector_load %arg5[%swap3A_2181, %swap3A_2182, %swap3A_2183] {strides = array<i32>} : memref<2x8x128xf32, #tpu.memory_space<vmem>>, vector<1x1x16xf32>,
        %swap3A_2185 = vector.shape_cast %swap3A_2184 : vector<1x1x16xf32> to vector<16xf32>
        %swap3A_2186 = vector.shape_cast %mul3A_2180 : vector<16xf32> to vector<1x1x16xf32>
        tpu.vector_store %arg5[%swap3A_2181, %swap3A_2182, %swap3A_2183], %swap3A_2186 {strides = array<i32>} : memref<2x8x128xf32, #tpu.memory_space<vmem>>, vector<1x1x16xf32>,
        %mul3A_2187 = arith.constant 3.125000e-02 : f32
        %mul3A_2188 = vector.broadcast %mul3A_2187 : f32 to vector<16xf32>
        %mul3A_2189 = arith.mulf %add3A_2126, %mul3A_2188 : vector<16xf32>
        %swap3A_2190 = arith.index_cast %rem3A_45 : i32 to index
        %swap3A_2191 = arith.index_cast %scan3A_103 : i32 to index
        %swap3A_2192 = arith.constant 80 : index
        %swap3A_2193 = tpu.vector_load %arg5[%swap3A_2190, %swap3A_2191, %swap3A_2192] {strides = array<i32>} : memref<2x8x128xf32, #tpu.memory_space<vmem>>, vector<1x1x16xf32>,
        %swap3A_2194 = vector.shape_cast %swap3A_2193 : vector<1x1x16xf32> to vector<16xf32>
        %swap3A_2195 = vector.shape_cast %mul3A_2189 : vector<16xf32> to vector<1x1x16xf32>
        tpu.vector_store %arg5[%swap3A_2190, %swap3A_2191, %swap3A_2192], %swap3A_2195 {strides = array<i32>} : memref<2x8x128xf32, #tpu.memory_space<vmem>>, vector<1x1x16xf32>,
        %mul3A_2196 = arith.constant 3.125000e-02 : f32
        %mul3A_2197 = vector.broadcast %mul3A_2196 : f32 to vector<16xf32>
        %mul3A_2198 = arith.mulf %add3A_2134, %mul3A_2197 : vector<16xf32>
        %swap3A_2199 = arith.index_cast %rem3A_45 : i32 to index
        %swap3A_2200 = arith.index_cast %scan3A_103 : i32 to index
        %swap3A_2201 = arith.constant 96 : index
        %swap3A_2202 = tpu.vector_load %arg5[%swap3A_2199, %swap3A_2200, %swap3A_2201] {strides = array<i32>} : memref<2x8x128xf32, #tpu.memory_space<vmem>>, vector<1x1x16xf32>,
        %swap3A_2203 = vector.shape_cast %swap3A_2202 : vector<1x1x16xf32> to vector<16xf32>
        %swap3A_2204 = vector.shape_cast %mul3A_2198 : vector<16xf32> to vector<1x1x16xf32>
        tpu.vector_store %arg5[%swap3A_2199, %swap3A_2200, %swap3A_2201], %swap3A_2204 {strides = array<i32>} : memref<2x8x128xf32, #tpu.memory_space<vmem>>, vector<1x1x16xf32>,
        %mul3A_2205 = arith.constant 3.125000e-02 : f32
        %mul3A_2206 = vector.broadcast %mul3A_2205 : f32 to vector<16xf32>
        %mul3A_2207 = arith.mulf %add3A_2142, %mul3A_2206 : vector<16xf32>
        %swap3A_2208 = arith.index_cast %rem3A_45 : i32 to index
        %swap3A_2209 = arith.index_cast %scan3A_103 : i32 to index
        %swap3A_2210 = arith.constant 112 : index
        %swap3A_2211 = tpu.vector_load %arg5[%swap3A_2208, %swap3A_2209, %swap3A_2210] {strides = array<i32>} : memref<2x8x128xf32, #tpu.memory_space<vmem>>, vector<1x1x16xf32>,
        %swap3A_2212 = vector.shape_cast %swap3A_2211 : vector<1x1x16xf32> to vector<16xf32>
        %swap3A_2213 = vector.shape_cast %mul3A_2207 : vector<16xf32> to vector<1x1x16xf32>
        tpu.vector_store %arg5[%swap3A_2208, %swap3A_2209, %swap3A_2210], %swap3A_2213 {strides = array<i32>} : memref<2x8x128xf32, #tpu.memory_space<vmem>>, vector<1x1x16xf32>,
      }
      %scan3A_84 = arith.constant 8 : i32
      %mul3A_85 = arith.constant 32 : i32
      %mul3A_86 = arith.muli %while3A_43, %mul3A_85 : i32
      %add3A_87 = arith.addi %add3A, %mul3A_86 : i32
      %mul3A_88 = arith.constant 8 : i32
      %mul3A_89 = arith.muli %add3A_87, %mul3A_88 : i32
      %dma_start3A = arith.constant 0 : i32
      %dma_start3A_90 = arith.constant 0 : i32
      %dma_start3A_91 = tpu.memref_slice %arg5[%rem3A_45, %dma_start3A, %dma_start3A_90] : memref<2x8x128xf32, #tpu.memory_space<vmem>> -> memref<1x8x128xf32, #tpu.memory_space<vmem>>
      %dma_start3A_92 = tpu.memref_squeeze %dma_start3A_91 : memref<1x8x128xf32, #tpu.memory_space<vmem>> -> memref<8x128xf32, #tpu.memory_space<vmem>>
      %dma_start3A_93 = arith.constant 0 : i32
      %dma_start3A_94 = tpu.memref_slice %arg3[%mul3A_89, %dma_start3A_93] : memref<2800x128xf32, #tpu.memory_space<hbm>> -> memref<8x128xf32, #tpu.memory_space<hbm>>
      %dma_start3A_95 = tpu.memref_slice %arg7[%rem3A_45] : memref<2x!tpu.dma_semaphore, #tpu.memory_space<semaphore_mem>> -> memref<1x!tpu.dma_semaphore, #tpu.memory_space<semaphore_mem>>
      %dma_start3A_96 = tpu.memref_squeeze %dma_start3A_95 : memref<1x!tpu.dma_semaphore, #tpu.memory_space<semaphore_mem>> -> memref<!tpu.dma_semaphore, #tpu.memory_space<semaphore_mem>>
      %dma_start3A_97 = arith.constant 0 : i32
      %dma_start3A_98 = tpu.memref_slice %arg3[%mul3A_89, %dma_start3A_97] : memref<2800x128xf32, #tpu.memory_space<hbm>> -> memref<8x128xf32, #tpu.memory_space<hbm>>
      %dma_start3A_99 = arith.constant 0 : i32
      %dma_start3A_100 = arith.constant 0 : i32
      %dma_start3A_101 = tpu.memref_slice %arg5[%rem3A_45, %dma_start3A_99, %dma_start3A_100] : memref<2x8x128xf32, #tpu.memory_space<vmem>> -> memref<1x8x128xf32, #tpu.memory_space<vmem>>
      %dma_start3A_102 = tpu.memref_squeeze %dma_start3A_101 : memref<1x8x128xf32, #tpu.memory_space<vmem>> -> memref<8x128xf32, #tpu.memory_space<vmem>>
      tpu.enqueue_dma source(%dma_start3A_102 : memref<8x128xf32, #tpu.memory_space<vmem>>) target(%dma_start3A_98 : memref<8x128xf32, #tpu.memory_space<hbm>>) target_semaphore(%dma_start3A_96 : memref<!tpu.dma_semaphore, #tpu.memory_space<semaphore_mem>>)
    }
    %ge3A = arith.constant 2 : i32
    %ge3A_34 = arith.cmpi sge, %select_n3A, %ge3A : i32
    %convert_element_type3A_35 = arith.extui %ge3A_34 : i1 to i32
    %cond3A_36 = arith.constant 0 : i32
    %cond3A_37 = arith.cmpi ne, %convert_element_type3A_35, %cond3A_36 : i32
    scf.if %cond3A_37 {
      %sub3A_43 = arith.constant 2 : i32
      %sub3A_44 = arith.subi %select_n3A, %sub3A_43 : i32
      %rem3A_45 = arith.constant 2 : i32
      %rem3A_46 = arith.remsi %select_n3A, %rem3A_45 : i32
      %mul3A_47 = arith.constant 32 : i32
      %mul3A_48 = arith.muli %sub3A_44, %mul3A_47 : i32
      %add3A_49 = arith.addi %add3A, %mul3A_48 : i32
      %mul3A_50 = arith.constant 8 : i32
      %mul3A_51 = arith.muli %add3A_49, %mul3A_50 : i32
      %dma_wait3A = arith.constant 0 : i32
      %dma_wait3A_52 = arith.constant 0 : i32
      %dma_wait3A_53 = tpu.memref_slice %arg5[%rem3A_46, %dma_wait3A, %dma_wait3A_52] : memref<2x8x128xf32, #tpu.memory_space<vmem>> -> memref<1x8x128xf32, #tpu.memory_space<vmem>>
      %dma_wait3A_54 = tpu.memref_squeeze %dma_wait3A_53 : memref<1x8x128xf32, #tpu.memory_space<vmem>> -> memref<8x128xf32, #tpu.memory_space<vmem>>
      %dma_wait3A_55 = arith.constant 0 : i32
      %dma_wait3A_56 = tpu.memref_slice %arg3[%mul3A_51, %dma_wait3A_55] : memref<2800x128xf32, #tpu.memory_space<hbm>> -> memref<8x128xf32, #tpu.memory_space<hbm>>
      %dma_wait3A_57 = tpu.memref_slice %arg7[%rem3A_46] : memref<2x!tpu.dma_semaphore, #tpu.memory_space<semaphore_mem>> -> memref<1x!tpu.dma_semaphore, #tpu.memory_space<semaphore_mem>>
      %dma_wait3A_58 = tpu.memref_squeeze %dma_wait3A_57 : memref<1x!tpu.dma_semaphore, #tpu.memory_space<semaphore_mem>> -> memref<!tpu.dma_semaphore, #tpu.memory_space<semaphore_mem>>
      %dma_wait3A_59 = arith.constant 0 : i32
      %dma_wait3A_60 = tpu.memref_slice %arg3[%mul3A_51, %dma_wait3A_59] : memref<2800x128xf32, #tpu.memory_space<hbm>> -> memref<8x128xf32, #tpu.memory_space<hbm>>
      %dma_wait3A_61 = arith.constant 0 : i32
      %dma_wait3A_62 = arith.constant 0 : i32
      %dma_wait3A_63 = tpu.memref_slice %arg5[%rem3A_46, %dma_wait3A_61, %dma_wait3A_62] : memref<2x8x128xf32, #tpu.memory_space<vmem>> -> memref<1x8x128xf32, #tpu.memory_space<vmem>>
      %dma_wait3A_64 = tpu.memref_squeeze %dma_wait3A_63 : memref<1x8x128xf32, #tpu.memory_space<vmem>> -> memref<8x128xf32, #tpu.memory_space<vmem>>
      tpu.wait_dma2 semaphore(%dma_wait3A_58 : memref<!tpu.dma_semaphore, #tpu.memory_space<semaphore_mem>>) src(%dma_wait3A_64 : memref<8x128xf32, #tpu.memory_space<vmem>>) dst(%dma_wait3A_60 : memref<8x128xf32, #tpu.memory_space<hbm>>)
    } else {
    }
    %ge3A_38 = arith.constant 1 : i32
    %ge3A_39 = arith.cmpi sge, %select_n3A, %ge3A_38 : i32
    %convert_element_type3A_40 = arith.extui %ge3A_39 : i1 to i32
    %cond3A_41 = arith.constant 0 : i32
    %cond3A_42 = arith.cmpi ne, %convert_element_type3A_40, %cond3A_41 : i32
    scf.if %cond3A_42 {
      %sub3A_43 = arith.constant 1 : i32
      %sub3A_44 = arith.subi %select_n3A, %sub3A_43 : i32
      %sub3A_45 = arith.constant 1 : i32
      %sub3A_46 = arith.subi %select_n3A, %sub3A_45 : i32
      %rem3A_47 = arith.constant 2 : i32
      %rem3A_48 = arith.remsi %sub3A_46, %rem3A_47 : i32
      %mul3A_49 = arith.constant 32 : i32
      %mul3A_50 = arith.muli %sub3A_44, %mul3A_49 : i32
      %add3A_51 = arith.addi %add3A, %mul3A_50 : i32
      %mul3A_52 = arith.constant 8 : i32
      %mul3A_53 = arith.muli %add3A_51, %mul3A_52 : i32
      %dma_wait3A = arith.constant 0 : i32
      %dma_wait3A_54 = arith.constant 0 : i32
      %dma_wait3A_55 = tpu.memref_slice %arg5[%rem3A_48, %dma_wait3A, %dma_wait3A_54] : memref<2x8x128xf32, #tpu.memory_space<vmem>> -> memref<1x8x128xf32, #tpu.memory_space<vmem>>
      %dma_wait3A_56 = tpu.memref_squeeze %dma_wait3A_55 : memref<1x8x128xf32, #tpu.memory_space<vmem>> -> memref<8x128xf32, #tpu.memory_space<vmem>>
      %dma_wait3A_57 = arith.constant 0 : i32
      %dma_wait3A_58 = tpu.memref_slice %arg3[%mul3A_53, %dma_wait3A_57] : memref<2800x128xf32, #tpu.memory_space<hbm>> -> memref<8x128xf32, #tpu.memory_space<hbm>>
      %dma_wait3A_59 = tpu.memref_slice %arg7[%rem3A_48] : memref<2x!tpu.dma_semaphore, #tpu.memory_space<semaphore_mem>> -> memref<1x!tpu.dma_semaphore, #tpu.memory_space<semaphore_mem>>
      %dma_wait3A_60 = tpu.memref_squeeze %dma_wait3A_59 : memref<1x!tpu.dma_semaphore, #tpu.memory_space<semaphore_mem>> -> memref<!tpu.dma_semaphore, #tpu.memory_space<semaphore_mem>>
      %dma_wait3A_61 = arith.constant 0 : i32
      %dma_wait3A_62 = tpu.memref_slice %arg3[%mul3A_53, %dma_wait3A_61] : memref<2800x128xf32, #tpu.memory_space<hbm>> -> memref<8x128xf32, #tpu.memory_space<hbm>>
      %dma_wait3A_63 = arith.constant 0 : i32
      %dma_wait3A_64 = arith.constant 0 : i32
      %dma_wait3A_65 = tpu.memref_slice %arg5[%rem3A_48, %dma_wait3A_63, %dma_wait3A_64] : memref<2x8x128xf32, #tpu.memory_space<vmem>> -> memref<1x8x128xf32, #tpu.memory_space<vmem>>
      %dma_wait3A_66 = tpu.memref_squeeze %dma_wait3A_65 : memref<1x8x128xf32, #tpu.memory_space<vmem>> -> memref<8x128xf32, #tpu.memory_space<vmem>>
      tpu.wait_dma2 semaphore(%dma_wait3A_60 : memref<!tpu.dma_semaphore, #tpu.memory_space<semaphore_mem>>) src(%dma_wait3A_66 : memref<8x128xf32, #tpu.memory_space<vmem>>) dst(%dma_wait3A_62 : memref<8x128xf32, #tpu.memory_space<hbm>>)
    } else {
    }
    return
  }
}

module attributes {stable_mosaic.version = 14 : i64} {
  func.func @_mm_body(%arg0: i32, %arg1: memref<200x128xf32, #tpu.memory_space<vmem>>, %arg2: memref<128x128xf32, #tpu.memory_space<vmem>>, %arg3: memref<200x128xf32, #tpu.memory_space<vmem>>) attributes {dimension_semantics = [#tpu.dimension_semantics<arbitrary>], iteration_bounds = array<i64: 14>, scalar_prefetch = 0 : i64, scratch_operands = 0 : i64, tpu.core_type = #tpu.core_type<tc>, window_params = [{transform_indices = @transform_0, window_bounds = array<i64: 200, 128>}, {pipeline_mode = #tpu.pipeline_mode<synchronous>, transform_indices = @transform_1, window_bounds = array<i64: 128, 128>}, {transform_indices = @transform_2, window_bounds = array<i64: 200, 128>}]} {
    %get3A = arith.constant 0 : index
    %get3A_0 = arith.constant 0 : index
    %get3A_1 = vector.load %arg1[%get3A, %get3A_0] : memref<200x128xf32, #tpu.memory_space<vmem>>, vector<200x128xf32>
    %get3A_2 = arith.constant 0 : index
    %get3A_3 = arith.constant 0 : index
    %get3A_4 = vector.load %arg2[%get3A_2, %get3A_3] : memref<128x128xf32, #tpu.memory_space<vmem>>, vector<128x128xf32>
    %dot_general3A = arith.constant dense<0.000000e+00> : vector<200x128xf32>
    %dot_general3A_5 = tpu.matmul %get3A_1, %get3A_4, %dot_general3A {dimension_numbers = #tpu.dot_dimension_numbers<[1], [0], [0], [1], [0, 0, 1, 1], [], []>, transpose_lhs_hint = false} : vector<200x128xf32>, vector<128x128xf32>, vector<200x128xf32> -> vector<200x128xf32>
    %swap3A = arith.constant 0 : index
    %swap3A_6 = arith.constant 0 : index
    %swap3A_7 = vector.load %arg3[%swap3A, %swap3A_6] : memref<200x128xf32, #tpu.memory_space<vmem>>, vector<200x128xf32>
    tpu.vector_store %arg3[%swap3A, %swap3A_6], %dot_general3A_5 {strides = array<i32>} : memref<200x128xf32, #tpu.memory_space<vmem>>, vector<200x128xf32>,
    return
  }
  func.func @transform_0(%arg0: i32) -> (i32, i32) {
    %c0_i32 = arith.constant 0 : i32
    %c0_i32_0 = arith.constant 0 : i32
    return %arg0, %c0_i32 : i32, i32
  }
  func.func @transform_1(%arg0: i32) -> (i32, i32) {
    %c0_i32 = arith.constant 0 : i32
    %c0_i32_0 = arith.constant 0 : i32
    %c0_i32_1 = arith.constant 0 : i32
    return %c0_i32, %c0_i32_0 : i32, i32
  }
  func.func @transform_2(%arg0: i32) -> (i32, i32) {
    %c0_i32 = arith.constant 0 : i32
    %c0_i32_0 = arith.constant 0 : i32
    return %arg0, %c0_i32 : i32, i32
  }
}

module attributes {stable_mosaic.version = 14 : i64} {
  func.func @_fused_body(%arg0: i32, %arg1: memref<200x32x128xf32, #tpu.memory_space<vmem>>, %arg2: memref<128x128xf32, #tpu.memory_space<vmem>>, %arg3: memref<200x128xf32, #tpu.memory_space<vmem>>) attributes {dimension_semantics = [#tpu.dimension_semantics<arbitrary>], iteration_bounds = array<i64: 36>, scalar_prefetch = 0 : i64, scratch_operands = 0 : i64, tpu.core_type = #tpu.core_type<tc>, window_params = [{transform_indices = @transform_0, window_bounds = array<i64: 200, 32, 128>}, {pipeline_mode = #tpu.pipeline_mode<synchronous>, transform_indices = @transform_1, window_bounds = array<i64: 128, 128>}, {transform_indices = @transform_2, window_bounds = array<i64: 200, 128>}]} {
    %get3A = arith.constant 0 : index
    %get3A_0 = arith.constant 0 : index
    %get3A_1 = arith.constant 0 : index
    %get3A_2 = vector.load %arg1[%get3A, %get3A_0, %get3A_1] : memref<200x32x128xf32, #tpu.memory_space<vmem>>, vector<200x32x128xf32>
    %reduce_sum3A = arith.constant dense<0.000000e+00> : vector<200x128xf32>
    %reduce_sum3A_3 = vector.multi_reduction <add>, %get3A_2, %reduce_sum3A [1] : vector<200x32x128xf32> to vector<200x128xf32>
    %mul3A = arith.constant 3.125000e-02 : f32
    %mul3A_4 = vector.broadcast %mul3A : f32 to vector<200x128xf32>
    %mul3A_5 = arith.mulf %reduce_sum3A_3, %mul3A_4 : vector<200x128xf32>
    %get3A_6 = arith.constant 0 : index
    %get3A_7 = arith.constant 0 : index
    %get3A_8 = vector.load %arg2[%get3A_6, %get3A_7] : memref<128x128xf32, #tpu.memory_space<vmem>>, vector<128x128xf32>
    %dot_general3A = arith.constant dense<0.000000e+00> : vector<200x128xf32>
    %dot_general3A_9 = tpu.matmul %mul3A_5, %get3A_8, %dot_general3A {dimension_numbers = #tpu.dot_dimension_numbers<[1], [0], [0], [1], [0, 0, 1, 1], [], []>, transpose_lhs_hint = false} : vector<200x128xf32>, vector<128x128xf32>, vector<200x128xf32> -> vector<200x128xf32>
    %swap3A = arith.constant 0 : index
    %swap3A_10 = arith.constant 0 : index
    %swap3A_11 = vector.load %arg3[%swap3A, %swap3A_10] : memref<200x128xf32, #tpu.memory_space<vmem>>, vector<200x128xf32>
    tpu.vector_store %arg3[%swap3A, %swap3A_10], %dot_general3A_9 {strides = array<i32>} : memref<200x128xf32, #tpu.memory_space<vmem>>, vector<200x128xf32>,
    return
  }
  func.func @transform_0(%arg0: i32) -> (i32, i32, i32) {
    %c0_i32 = arith.constant 0 : i32
    %c0_i32_0 = arith.constant 0 : i32
    %c0_i32_1 = arith.constant 0 : i32
    return %arg0, %c0_i32, %c0_i32_0 : i32, i32, i32
  }
  func.func @transform_1(%arg0: i32) -> (i32, i32) {
    %c0_i32 = arith.constant 0 : i32
    %c0_i32_0 = arith.constant 0 : i32
    %c0_i32_1 = arith.constant 0 : i32
    return %c0_i32, %c0_i32_0 : i32, i32
  }
  func.func @transform_2(%arg0: i32) -> (i32, i32) {
    %c0_i32 = arith.constant 0 : i32
    %c0_i32_0 = arith.constant 0 : i32
    return %arg0, %c0_i32 : i32, i32
  }
}

</mosaic_0001>

<sc_bundles>
// kernel: kernel.5.cloned.1.call-start
scs
__scs_entry_jumppad:
0x0: {  	(pc) =	sbr.rel $0x88, $3  }
0x1: {  	(tag) =	ssettag $0x0;
	lr =	simm.s32 $0x1  }
0x2: {  	[smem:$0x3F9F] =	sst lr;
	_ =	strace $0xD0000000  }
0x3: {  	_ = 	snop  }
0x4: {  	_ = 	snop  }
0x5: {  	_ = 	snop  }
0x6: {  	_ = 	snop  }
0x7: {  	_ = 	snop  }
__scs_overlays_trampoline_lowered:
0x8: {  	[smem:$0x3FAE] =	sst s0  }
0x9: {  	[smem:$0x3FAF] =	sst s1  }
0xa: {  	[smem:$0x3FB0] =	sst s2  }
0xb: {  	[smem:$0x3FB1] =	sst s3  }
0xc: {  	[smem:$0x3FB2] =	sst s4  }
0xd: {  	[smem:$0x3FB3] =	sst s5  }
0xe: {  	[smem:$0x3FB4] =	sst s6  }
0xf: {  	[smem:$0x3FB5] =	sst s7  }
0x10: {  	[smem:$0x3FB6] =	sst s8  }
0x11: {  	[smem:$0x3FB7] =	sst s9;
	s0 =	simm.s32 @!p0 $0x0  }
0x12: {  	s1 =	sld [smem:$0x3F9D];
	s0 =	simm.s32 @p0 $0x1  }
0x13: {  	[smem:$0x3FB8] =	sst s0;
	s0 =	simm.s32 @!p1 $0x0  }
0x14: {  	s2 =	sld [smem:$0x3F9C];
	s0 =	simm.s32 @p1 $0x1  }
0x15: {  	[smem:$0x3FB9] =	sst s0;
	s0 =	simm.s32 @!p2 $0x0  }
0x16: {  	s3 =	sld [smem:$0x3FDB];
	s0 =	simm.s32 @p2 $0x1  }
0x17: {  	s4 =	simm.s32 $0x1BF5;
	[smem:$0x3FBB] =	sst s0  }
0x18: {  	s0 =	sld [smem:$0x3F9E];
	_ =	swait.ge [sflag:s4], $0x0  }
0x19: {  	s7 =	sld [smem:$0x3F9F]  }
0x1a: {  	s8 =	sadd.s32 $0xFFFFE003, lr  }
0x1b: {  	s9 =	sadd.s32 $0xFFFFFEF7, lr;
	s5 =	simm.s32 $0xFFFFFFFF;
	p2 =	slt.u32 s8, $0xFFFFF086  }
0x1c: {  	p1 =	slt.u32 s9, $0xF7A;
	s5 =	simm.s32 @!p2 $0x0  }
0x1d: {  	s5 =	simm.s32 @p1 $0x1;
	p0 =	seq.s32 s7, s2  }
0x1e: {  	s7 =	smul.u32 @!p0 $0xF7A, s2;
	p2 =	seq.s32 @!p0 s5, $0x0  }
0x1f: {  	s9 =	smul.u32 $0xF7A, s1;
	s8 =	simm.s32 @!p0 $0x1BF5;
	p2 =	por !p2, p0  }
0x20: {  	[sflag:s8] =	ssyncset.s32 @!p0 $0xFFFFF086;
	s6 =	sadd.s32 @!p0 s3, s7;
	s7 =	simm.s32 @!p0 $0x108  }
0x21: {  	s3 =	sadd.s32 s3, s9;
	s6 =	sadd.s32 @!p0 $0x88, s6;
	s7 =	simm.s32 @p2 $0x1082  }
0x22: {  	[simem:s7], [sflag:s8] =	dma.local @!p0 [hbm:s6], $0xF7A  }
0x23: {  	s9 =	sor.u32 $0xD0000000, s2;
	s6 =	simm.s32 $0x108;
	_ =	swait.ge @!p0 [sflag:s8], $0x0  }
0x24: {  	s3 =	sadd.s32 $0x88, s3;
	s6 =	simm.s32 @!p1 $0x1082;
	[sflag:s4] =	ssyncset.s32 $0xFFFFF086  }
0x25: {  	[simem:s6], [sflag:s4] =	dma.local [hbm:s3], $0xF7A  }
0x26: {  	[smem:$0x3F9F] =	sst s1;
	(tag) =	ssettag s2;
	_ =	strace s9  }
0x27: {  	s1 =	sld [smem:$0x3FAF]  }
0x28: {  	s2 =	sld [smem:$0x3FB0]  }
0x29: {  	s4 =	sld [smem:$0x3FB2]  }
0x2a: {  	p0 =	seq.s32 s5, $0x0;
	s5 =	sld [smem:$0x3FB3]  }
0x2b: {  	s6 =	sld [smem:$0x3FB4]  }
0x2c: {  	s7 =	sld [smem:$0x3FB5]  }
0x2d: {  	s3 =	simm.s32 $0x108;
	s8 =	sld [smem:$0x3FB6]  }
0x2e: {  	s3 =	simm.s32 @!p0 $0x1082;
	s9 =	sld [smem:$0x3FB7]  }
0x2f: {  	lr =	sadd.s32 s0, s3;
	s0 =	sld [smem:$0x3FAE]  }
0x30: {  	s3 =	sld [smem:$0x3FB1]  }
0x31: {  	[smem:$0x3FBA] =	sst s10  }
0x32: {  	s10 =	sld [smem:$0x3FB8];
	_ =	sdelay $0x3  }
0x33: {  	p0 =	seq.s32 s10, $0x1;
	s10 =	sld [smem:$0x3FBA];
	_ =	sdelay $0x3  }
0x34: {  	[smem:$0x3FBA] =	sst s10  }
0x35: {  	s10 =	sld [smem:$0x3FB9];
	_ =	sdelay $0x3  }
0x36: {  	p1 =	seq.s32 s10, $0x1;
	s10 =	sld [smem:$0x3FBA];
	_ =	sdelay $0x3  }
0x37: {  	[smem:$0x3FBA] =	sst s10  }
0x38: {  	s10 =	sld [smem:$0x3FBB]  }
0x39: {  	_ = 	snop;
	(pc) =	sbr.ind lr, $3  }
0x3a: {  	_ = 	snop  }
0x3b: {  	_ = 	snop  }
0x3c: {  	p2 =	seq.s32 s10, $0x1;
	s10 =	sld [smem:$0x3FBA]  }
0x3d: {  	_ =	shalt  }
0x3e: {  	_ =	shalt  }
0x3f: {  	_ =	shalt  }
0x40: {  	_ =	shalt  }
0x41: {  	_ =	shalt  }
0x42: {  	_ =	shalt  }
0x43: {  	_ =	shalt  }
0x44: {  	_ =	shalt  }
0x45: {  	_ =	shalt  }
0x46: {  	_ =	shalt  }
0x47: {  	_ =	shalt  }
0x48: {  	_ =	shalt  }
0x49: {  	_ =	shalt  }
0x4a: {  	_ =	shalt  }
0x4b: {  	_ =	shalt  }
0x4c: {  	_ =	shalt  }
0x4d: {  	_ =	shalt  }
0x4e: {  	_ =	shalt  }
0x4f: {  	_ =	shalt  }
0x50: {  	_ =	shalt  }
0x51: {  	_ =	shalt  }
0x52: {  	_ =	shalt  }
0x53: {  	_ =	shalt  }
0x54: {  	_ =	shalt  }
0x55: {  	_ =	shalt  }
0x56: {  	_ =	shalt  }
0x57: {  	_ =	shalt  }
0x58: {  	_ =	shalt  }
0x59: {  	_ =	shalt  }
0x5a: {  	_ =	shalt  }
0x5b: {  	_ =	shalt  }
0x5c: {  	_ =	shalt  }
0x5d: {  	_ =	shalt  }
0x5e: {  	_ =	shalt  }
0x5f: {  	_ =	shalt  }
0x60: {  	_ =	shalt  }
0x61: {  	_ =	shalt  }
0x62: {  	_ =	shalt  }
0x63: {  	_ =	shalt  }
0x64: {  	_ =	shalt  }
0x65: {  	_ =	shalt  }
0x66: {  	_ =	shalt  }
0x67: {  	_ =	shalt  }
0x68: {  	_ =	shalt  }
0x69: {  	_ =	shalt  }
0x6a: {  	_ =	shalt  }
0x6b: {  	_ =	shalt  }
0x6c: {  	_ =	shalt  }
0x6d: {  	_ =	shalt  }
0x6e: {  	_ =	shalt  }
0x6f: {  	_ =	shalt  }
0x70: {  	_ =	shalt  }
0x71: {  	_ =	shalt  }
0x72: {  	_ =	shalt  }
0x73: {  	_ =	shalt  }
0x74: {  	_ =	shalt  }
0x75: {  	_ =	shalt  }
0x76: {  	_ =	shalt  }
0x77: {  	_ =	shalt  }
0x78: {  	_ =	shalt  }
0x79: {  	_ =	shalt  }
0x7a: {  	_ =	shalt  }
0x7b: {  	_ =	shalt  }
0x7c: {  	_ =	shalt  }
0x7d: {  	_ =	shalt  }
0x7e: {  	_ =	shalt  }
0x7f: {  	_ =	shalt  }
0x80: {  	_ =	shalt  }
0x81: {  	_ =	shalt  }
0x82: {  	_ =	shalt  }
0x83: {  	_ =	shalt  }
0x84: {  	_ =	shalt  }
0x85: {  	_ =	shalt  }
0x86: {  	_ =	shalt  }
0x87: {  	_ =	shalt  }
.Lfunc_end0:
.L_simem_size_0:
called_computation_lowered:
.L_overlay_start_0:
0x88: {  	s2 =	sld [smem:$0x3FD9]  }
0x89: {  	s3 =	sld [smem:$0x3FFE];
	_ =	sdelay $0x1  }
0x8a: {  	s1 =	srdreg.scid  }
0x8b: {  	s0 =	sand.u32 $0x1, s1  }
0x8c: {  	s18 =	sshll.u32 s0, $0xA;
	s2 =	sadd.s32 s3, s2  }
0x8d: {  	s2 =	sadd.s32 s2, s18  }
0x8e: {  	[smem:$0x3FC6] =	sst s2  }
0x8f: {  	_ = 	snop  }
0x90: {  	s2 =	sld [smem:$0x3FC9]  }
0x91: {  	s19 =	sld [smem:$0x3FD0];
	(tm) =	ssettm $0x1  }
0x92: {  	s4 =	sld [smem:$0x3FFB];
	_ =	sdelay $0x3  }
0x93: {  	_ =	strace s4  }
0x94: {  	s4 =	sld [smem:$0x3FFC];
	_ =	sdelay $0x3  }
0x95: {  	_ =	strace s4  }
0x96: {  	s4 =	sld [smem:$0x3FFD];
	_ =	sdelay $0x3  }
0x97: {  	_ =	strace s4  }
0x98: {  	_ =	strace $0x8FFFFFFF  }
0x99: {  	s20 =	sld [smem:$0x3FDB];
	_ =	sdelay $0x1  }
0x9a: {  	s5 =	simm.s32 $_scs_section_size  }
0x9b: {  	s6 =	simm.s32 $_size__tile_overlayer_lowered;
	s7 =	simm.s32 $_tile_overlayer_lowered  }
0x9c: {  	s23 =	simm.s32 $0x1BFF;
	s22 =	sshll.u32 s7, $0x1;
	s4 =	sadd.s32 s5, s20  }
0x9d: {  	s8 =	simm.s32 $0x0;
	s21 =	sshll.u32 s6, $0x1;
	s6 =	sadd.s32 s22, s4  }
0x9e: {  	[timem:s8], [sflag:s23] =	dma.local [hbm:s6], s21  }
0x9f: {  	_ =	swait.ge [sflag:s23], s21  }
0xa0: {  	s5 =	ssub.s32 $0x0, s21;
	[sflag:s23] =	ssyncset.done $0x0  }
0xa1: {  	[sflag:s23] =	ssyncadd.s32 s5;
	_ =	sdelay $0x1  }
0xa2: {  	s24 =	simm.s32 $0x1B8B  }
0xa3: {  	_ =	swait.ge [sflag:s24], $0x1  }
0xa4: {  	[sflag:s24] =	ssyncset.done $0x0  }
0xa5: {  	s25 =	simm.s32 $0x1B8E;
	[sflag:s24] =	ssyncadd.s32 $0xFFFFFFFF  }
0xa6: {  	s26 =	simm.s32 $execute0_lowered;
	[smem:$0x3FD2] =	sst s25  }
0xa7: {  	s5 =	sshll.u32 s26, $0x1;
	_ =	strace $0x80000046;
	[dreg:$0x1] =	wrdreg $0xFFFFFFFF  }
0xa8: {  	s28 =	simm.s32 $_size_execute0_lowered;
	s4 =	sadd.s32 s4, s5;
	[dreg:$0x0] =	wrdreg $0x0  }
0xa9: {  	s5 =	sshll.u32 s28, $0x1;
	[dreg:$0x2] =	wrdreg s4  }
0xaa: {  	[dreg:$0x3] =	wrdreg s5  }
0xab: {  	[dreg:$0x4] =	wrdreg $0xC0  }
0xac: {  	_ =	task [dreg:s8], $0x5FFFF  }
0xad: {  	[dreg:$0x1] =	wrdreg $0xFFFFFFFF  }
0xae: {  	[dreg:$0x0] =	wrdreg $0x60  }
0xaf: {  	[dreg:$0x2] =	wrdreg s2  }
0xb0: {  	[dreg:$0x3] =	wrdreg s19  }
0xb1: {  	[dreg:$0x4] =	wrdreg $0x9  }
0xb2: {  	_ =	task.clear_ibuf [dreg:s8], $0x5FFFF;
	_ =	strace $0x90000046  }
0xb3: {  	s29 =	simm.s32 $0x9;
	_ =	strace $0x80000048  }
0xb4: {  	_ =	swait.ge [sflag:s29], $0x1  }
0xb5: {  	[sflag:s29] =	ssyncadd.s32 $0xFFFFFFFF  }
0xb6: {  	_ =	strace $0x90000048  }
0xb7: {  	_ =	sfence  }
0xb8: {  	s30 =	sld [smem:$0x0];
	_ =	sdelay $0x2  }
0xb9: {  	s31 =	sshll.u32 s1, $0xD;
	s1 =	sshrl.u32 s1, $0x2  }
0xba: {  	s3 =	sand.u32 $0x4000, s31;
	s1 =	sadd.s32 s1, s30  }
0xbb: {  	s0 =	sor.u32 s3, s0;
	s1 =	sshll.u32 s1, $0x11  }
0xbc: {  	s0 =	sor.u32 s1, s0  }
0xbd: {  	s0 =	sadd.s32 $0x8F2B, s0  }
0xbe: {  	[sflag:s0] =	ssyncadd.remote.s32 $0x1  }
0xbf: {  	_ =	sfence.sel $0xFFFF  }
0xc0: {  	[dreg:$0x0] =	wrdreg $0xFFFFFFFF;
	(pc) =	sbr.abs _section_cstart, $3  }
0xc1: {  	[dreg:$0x1] =	wrdreg $0xFFFFFFFF  }
0xc2: {  	_ =	task.clear_ibuf [dreg:s8], $0x2FFFF;
	_ =	strace $0x9FFFFFFF  }
0xc3: {  	(tm) =	ssettm $0x7FFFFFFF  }
tec
execute0_lowered:
.L_overlay_start_1:
0x0: {  	(tag) =	ssettag $0x1  }
0x1: {  	s2 =	rddreg [dreg:$0x0]  }
0x2: {  	s3 =	rddreg [dreg:$0x1]  }
0x3: {  	s0 =	rddreg [dreg:$0x2]  }
0x4: {  	s5 =	srdreg.scid;
	s1 =	stileid.u32;
	s4 =	simm.s32 $0x0  }
0x5: {  	s5 =	sand.u32 $0x1, s5;
	s6 =	sshll.u32 s1, $0x1;
	[smem:$0x7FF] =	sst s4  }
0x6: {  	s12 =	simm.s32 $0x0;
	s8 =	sor.u32 s5, s6;
	_ =	strace $0x80000047  }
0x7: {  	s7 =	ssub.s32 $0x2, s5;
	s6 =	sshll.u32 s8, $0xF;
	s9 =	ssub.s32 $0x17D, s8  }
0x8: {  	s10 =	sshrl.u32 s7, $0x1;
	s5 =	sadd.s32 $0x1C20000, s6;
	s6 =	sshrl.u32 s9, $0x5  }
0x9: {  	s8 =	sshll.u32 s8, $0xA;
	s11 =	ssub.s32 s7, s10;
	s31 =	sand.u32 $0x1, s6  }
0xa: {  	s30 =	sshrl.u32 s5, $0x3;
	s11 =	smax.u32 s11, $0x1;
	s10 =	sxor.u32 $0x1, s31  }
0xb: {  	s7 =	sadd.s32 s2, s30;
	s9 =	sadd.s32 $0x3, s31;
	s10 =	sadd.s32 $0x3, s10  }
.LBB2_1:
0xc: {  	[tilespmem:s4], [sflag:$0x1] =	stream.linear.gather [hbm4b:s7+s4], $0x8000, $0x38;
	[tilespmem:$0x10800] =	vst v63  }
0xd: {  	s14 =	simm.s32 $0x0  }
.LBB2_2:
0xe: {  	s15 =	sand.u32 $0x1, s14;
	s13 =	sadd.s32 $0x1, s14  }
0xf: {  	s16 =	sadd.s32 $0x1, s15;
	p0 =	sge.u32 s13, s6  }
0x10: {  	_ =	swait.ge [sflag:s16], $0x8000;
	s17 =	sshll.u32 @!p0 s13, $0x14  }
0x11: {  	s18 =	sxor.u32 @!p0 $0x1, s15;
	[sflag:s16] =	ssyncset.done $0x0;
	s17 =	sadd.s32 @!p0 s17, s5  }
0x12: {  	s19 =	simm.s32 @!p0 $0x0;
	[sflag:s16] =	ssyncadd.s32 $0xFFFF8000;
	s17 =	sshrl.u32 @!p0 s17, $0x3  }
0x13: {  	s16 =	sshll.u32 @!p0 s18, $0xF;
	s18 =	sadd.s32 @!p0 $0x1, s18;
	s17 =	sadd.s32 @!p0 s2, s17  }
0x14: {  	[tilespmem:s16], [sflag:s18] =	stream.linear.gather @!p0 [hbm4b:s17+s19], $0x8000, $0x38;
	[tilespmem:$0x10800] =	vst v63  }
0x15: {  	p0 =	slt.u32 s14, $0x2  }
0x16: {  	s31 =	sshll.u32 s15, $0xF;
	s17 =	sadd.s32 @!p0 $0x3, s15  }
0x17: {  	s30 =	sshll.u32 s15, $0xA;
	v0 =	vmov s31;
	_ =	swait.ge @!p0 [sflag:s17], $0x400  }
0x18: {  	s16 =	sor.u32 $0x10000, s30;
	[sflag:s17] =	ssyncset.done @!p0 $0x0  }
0x19: {  	v34 =	vmov s16;
	[sflag:s17] =	ssyncadd.s32 @!p0 $0xFFFFFC00;
	s17 =	simm.s32 $0x0  }
.LBB2_3:
0x1a: {  	s18 =	sshll.u32 s17, $0xC  }
0x1b: {  	s18 =	sand.u32 $0x3FFFF000, s18  }
0x1c: {  	v18 =	vld.idx.msk [tilespmem:v0+s18+$0x0 ss:$0x1], $0xffff  }
0x1d: {  	v19 =	vld.idx.msk [tilespmem:v0+s18+$0x10 ss:$0x1], $0xffff  }
0x1e: {  	v22 =	vld.idx.msk [tilespmem:v0+s18+$0x20 ss:$0x1], $0xffff  }
0x1f: {  	v23 =	vld.idx.msk [tilespmem:v0+s18+$0x30 ss:$0x1], $0xffff  }
0x20: {  	v26 =	vld.idx.msk [tilespmem:v0+s18+$0x40 ss:$0x1], $0xffff  }
0x21: {  	v27 =	vld.idx.msk [tilespmem:v0+s18+$0x50 ss:$0x1], $0xffff  }
0x22: {  	v30 =	vld.idx.msk [tilespmem:v0+s18+$0x60 ss:$0x1], $0xffff  }
0x23: {  	v31 =	vld.idx.msk [tilespmem:v0+s18+$0x70 ss:$0x1], $0xffff  }
0x24: {  	v2 =	vld.idx.msk [tilespmem:v0+s18+$0x80 ss:$0x1], $0xffff  }
0x25: {  	v3 =	vld.idx.msk [tilespmem:v0+s18+$0x90 ss:$0x1], $0xffff  }
0x26: {  	v4 =	vld.idx.msk [tilespmem:v0+s18+$0xA0 ss:$0x1], $0xffff  }
0x27: {  	v5 =	vld.idx.msk [tilespmem:v0+s18+$0xB0 ss:$0x1], $0xffff  }
0x28: {  	v6 =	vld.idx.msk [tilespmem:v0+s18+$0xC0 ss:$0x1], $0xffff  }
0x29: {  	v7 =	vld.idx.msk [tilespmem:v0+s18+$0xD0 ss:$0x1], $0xffff  }
0x2a: {  	v8 =	vld.idx.msk [tilespmem:v0+s18+$0xE0 ss:$0x1], $0xffff  }
0x2b: {  	v9 =	vld.idx.msk [tilespmem:v0+s18+$0xF0 ss:$0x1], $0xffff  }
0x2c: {  	v10 =	vld.idx.msk [tilespmem:v0+s18+$0x100 ss:$0x1], $0xffff  }
0x2d: {  	v11 =	vld.idx.msk [tilespmem:v0+s18+$0x110 ss:$0x1], $0xffff  }
0x2e: {  	v12 =	vld.idx.msk [tilespmem:v0+s18+$0x120 ss:$0x1], $0xffff  }
0x2f: {  	v13 =	vld.idx.msk [tilespmem:v0+s18+$0x130 ss:$0x1], $0xffff  }
0x30: {  	v14 =	vld.idx.msk [tilespmem:v0+s18+$0x140 ss:$0x1], $0xffff  }
0x31: {  	v15 =	vld.idx.msk [tilespmem:v0+s18+$0x150 ss:$0x1], $0xffff  }
0x32: {  	v16 =	vld.idx.msk [tilespmem:v0+s18+$0x160 ss:$0x1], $0xffff  }
0x33: {  	v24 =	vld.idx.msk [tilespmem:v0+s18+$0x1A0 ss:$0x1], $0xffff  }
0x34: {  	v17 =	vld.idx.msk [tilespmem:v0+s18+$0x170 ss:$0x1], $0xffff;
	v4 =	vadd.f32 v4, v22  }
0x35: {  	v62 =	vld.idx.msk [tilespmem:v0+s18+$0x220 ss:$0x1], $0xffff  }
0x36: {  	v20 =	vld.idx.msk [tilespmem:v0+s18+$0x180 ss:$0x1], $0xffff;
	v4 =	vadd.f32 v12, v4  }
0x37: {  	v1 =	vld.idx.msk [tilespmem:v0+s18+$0x2A0 ss:$0x1], $0xffff  }
0x38: {  	v21 =	vld.idx.msk [tilespmem:v0+s18+$0x190 ss:$0x1], $0xffff;
	v4 =	vadd.f32 v24, v4  }
0x39: {  	v25 =	vld.idx.msk [tilespmem:v0+s18+$0x1B0 ss:$0x1], $0xffff  }
0x3a: {  	v28 =	vld.idx.msk [tilespmem:v0+s18+$0x1C0 ss:$0x1], $0xffff;
	v4 =	vadd.f32 v62, v4  }
0x3b: {  	v29 =	vld.idx.msk [tilespmem:v0+s18+$0x1D0 ss:$0x1], $0xffff  }
0x3c: {  	v4 =	vadd.f32 v1, v4;
	v1 =	vld.idx.msk [tilespmem:v0+s18+$0x990 ss:$0x1], $0xffff  }
0x3d: {  	v32 =	vld.idx.msk [tilespmem:v0+s18+$0x1E0 ss:$0x1], $0xffff  }
0x3e: {  	v33 =	vld.idx.msk [tilespmem:v0+s18+$0x1F0 ss:$0x1], $0xffff  }
0x3f: {  	v59 =	vld.idx.msk [tilespmem:v0+s18+$0x200 ss:$0x1], $0xffff  }
0x40: {  	v35 =	vld.idx.msk [tilespmem:v0+s18+$0x210 ss:$0x1], $0xffff  }
0x41: {  	[tilespmem:$0x1FFD0] =	vst v1;
	v1 =	vld.idx.msk [tilespmem:v0+s18+$0x9A0 ss:$0x1], $0xffff  }
0x42: {  	v36 =	vld.idx.msk [tilespmem:v0+s18+$0x230 ss:$0x1], $0xffff  }
0x43: {  	v49 =	vld.idx.msk [tilespmem:v0+s18+$0x240 ss:$0x1], $0xffff  }
0x44: {  	v46 =	vld.idx.msk [tilespmem:v0+s18+$0x260 ss:$0x1], $0xffff;
	v6 =	vadd.f32 v6, v26  }
0x45: {  	v61 =	vld.idx.msk [tilespmem:v0+s18+$0x3C0 ss:$0x1], $0xffff  }
0x46: {  	v6 =	vadd.f32 v14, v6;
	[tilespmem:$0x1FFE0] =	vst v1;
	v1 =	vld.idx.msk [tilespmem:v0+s18+$0x9B0 ss:$0x1], $0xffff  }
0x47: {  	v43 =	vld.idx.msk [tilespmem:v0+s18+$0x2C0 ss:$0x1], $0xffff  }
0x48: {  	v38 =	vld.idx.msk [tilespmem:v0+s18+$0x270 ss:$0x1], $0xffff;
	v6 =	vadd.f32 v28, v6  }
0x49: {  	v53 =	vld.idx.msk [tilespmem:v0+s18+$0x340 ss:$0x1], $0xffff;
	v8 =	vadd.f32 v8, v30  }
0x4a: {  	[tilespmem:$0x1FA40] =	vst v61;
	v61 =	vld.idx.msk [tilespmem:v0+s18+$0x3E0 ss:$0x1], $0xffff;
	v6 =	vadd.f32 v49, v6  }
0x4b: {  	v8 =	vadd.f32 v16, v8;
	[tilespmem:$0x1FFF0] =	vst v1;
	v1 =	vld [tilespmem:$0x1FA40]  }
0x4c: {  	v44 =	vld.idx.msk [tilespmem:v0+s18+$0x2E0 ss:$0x1], $0xffff;
	v6 =	vadd.f32 v43, v6  }
0x4d: {  	v40 =	vld.idx.msk [tilespmem:v0+s18+$0x280 ss:$0x1], $0xffff;
	v2 =	vadd.f32 v2, v18;
	v8 =	vadd.f32 v32, v8  }
0x4e: {  	v54 =	vld.idx.msk [tilespmem:v0+s18+$0x360 ss:$0x1], $0xffff;
	v9 =	vadd.f32 v9, v31;
	v6 =	vadd.f32 v53, v6  }
0x4f: {  	v3 =	vadd.f32 v3, v19;
	[tilespmem:$0x1FA50] =	vst v61;
	v61 =	vld.idx.msk [tilespmem:v0+s18+$0x3F0 ss:$0x1], $0xffff;
	v8 =	vadd.f32 v46, v8  }
0x50: {  	v9 =	vadd.f32 v17, v9;
	v32 =	vadd.f32 v1, v6;
	v1 =	vld [tilespmem:$0x1FA50]  }
0x51: {  	v45 =	vld.idx.msk [tilespmem:v0+s18+$0x2F0 ss:$0x1], $0xffff;
	v3 =	vadd.f32 v11, v3;
	v8 =	vadd.f32 v44, v8  }
0x52: {  	v39 =	vld.idx.msk [tilespmem:v0+s18+$0x290 ss:$0x1], $0xffff;
	v2 =	vadd.f32 v10, v2;
	v9 =	vadd.f32 v33, v9  }
0x53: {  	v55 =	vld.idx.msk [tilespmem:v0+s18+$0x370 ss:$0x1], $0xffff;
	v3 =	vadd.f32 v21, v3;
	v8 =	vadd.f32 v54, v8  }
0x54: {  	v2 =	vadd.f32 v20, v2;
	v9 =	vadd.f32 v38, v9;
	[tilespmem:$0x1FA60] =	vst v61;
	v61 =	vld.idx.msk [tilespmem:v0+s18+$0x400 ss:$0x1], $0xffff  }
0x55: {  	v3 =	vadd.f32 v35, v3;
	v35 =	vadd.f32 v1, v8;
	v1 =	vld [tilespmem:$0x1FA60]  }
0x56: {  	v47 =	vld.idx.msk [tilespmem:v0+s18+$0x300 ss:$0x1], $0xffff;
	v9 =	vadd.f32 v45, v9  }
0x57: {  	v48 =	vld.idx.msk [tilespmem:v0+s18+$0x310 ss:$0x1], $0xffff;
	v2 =	vadd.f32 v59, v2  }
0x58: {  	v57 =	vld.idx.msk [tilespmem:v0+s18+$0x380 ss:$0x1], $0xffff;
	v9 =	vadd.f32 v55, v9  }
0x59: {  	v7 =	vadd.f32 v7, v27;
	v2 =	vadd.f32 v40, v2;
	[tilespmem:$0x1FA70] =	vst v61;
	v61 =	vld.idx.msk [tilespmem:v0+s18+$0x410 ss:$0x1], $0xffff  }
0x5a: {  	v5 =	vadd.f32 v5, v23;
	v9 =	vadd.f32 v1, v9;
	v1 =	vld [tilespmem:$0x1FA70]  }
0x5b: {  	v56 =	vld.idx.msk [tilespmem:v0+s18+$0x390 ss:$0x1], $0xffff;
	v7 =	vadd.f32 v15, v7;
	v2 =	vadd.f32 v47, v2  }
0x5c: {  	v30 =	vld.idx.msk [tilespmem:v0+s18+$0x8B0 ss:$0x1], $0xffff;
	v5 =	vadd.f32 v13, v5  }
0x5d: {  	v13 =	vld.idx.msk [tilespmem:v0+s18+$0x8D0 ss:$0x1], $0xffff;
	v7 =	vadd.f32 v29, v7;
	v29 =	vadd.f32 v57, v2  }
0x5e: {  	v3 =	vadd.f32 v39, v3;
	[tilespmem:$0x1FA80] =	vst v61;
	v61 =	vld.idx.msk [tilespmem:v0+s18+$0x420 ss:$0x1], $0xffff  }
0x5f: {  	v12 =	vadd.f32 v1, v29;
	v1 =	vld [tilespmem:$0x1FA80]  }
0x60: {  	v51 =	vld.idx.msk [tilespmem:v0+s18+$0x320 ss:$0x1], $0xffff;
	v3 =	vadd.f32 v48, v3  }
0x61: {  	v41 =	vld.idx.msk [tilespmem:v0+s18+$0x2B0 ss:$0x1], $0xffff  }
0x62: {  	v58 =	vld.idx.msk [tilespmem:v0+s18+$0x3A0 ss:$0x1], $0xffff;
	[tilespmem:$0x1FF10] =	vst v30;
	v30 =	vadd.f32 v56, v3  }
0x63: {  	[tilespmem:$0x1FA90] =	vst v61;
	v61 =	vld.idx.msk [tilespmem:v0+s18+$0x430 ss:$0x1], $0xffff  }
0x64: {  	v5 =	vadd.f32 v25, v5;
	[tilespmem:$0x1FF30] =	vst v13;
	v13 =	vadd.f32 v1, v30;
	v1 =	vld [tilespmem:$0x1FA90]  }
0x65: {  	v50 =	vld.idx.msk [tilespmem:v0+s18+$0x330 ss:$0x1], $0xffff;
	v28 =	vadd.f32 v51, v4  }
0x66: {  	v60 =	vld.idx.msk [tilespmem:v0+s18+$0x3B0 ss:$0x1], $0xffff;
	v5 =	vadd.f32 v36, v5  }
0x67: {  	v31 =	vld.idx.msk [tilespmem:v0+s18+$0x8C0 ss:$0x1], $0xffff;
	v11 =	vadd.f32 v58, v28  }
0x68: {  	v5 =	vadd.f32 v41, v5;
	[tilespmem:$0x1FAA0] =	vst v61;
	v61 =	vld.idx.msk [tilespmem:v0+s18+$0x440 ss:$0x1], $0xffff  }
0x69: {  	v36 =	vadd.f32 v1, v11;
	v1 =	vld [tilespmem:$0x1FAA0]  }
0x6a: {  	v5 =	vadd.f32 v50, v5  }
0x6b: {  	v37 =	vld.idx.msk [tilespmem:v0+s18+$0x250 ss:$0x1], $0xffff  }
0x6c: {  	v42 =	vld.idx.msk [tilespmem:v0+s18+$0x2D0 ss:$0x1], $0xffff;
	[tilespmem:$0x1FF20] =	vst v31;
	v31 =	vadd.f32 v60, v5  }
0x6d: {  	[tilespmem:$0x1FAB0] =	vst v61;
	v61 =	vld.idx.msk [tilespmem:v0+s18+$0x450 ss:$0x1], $0xffff  }
0x6e: {  	v14 =	vadd.f32 v1, v31;
	v1 =	vld [tilespmem:$0x1FAB0]  }
0x6f: {  	v52 =	vld.idx.msk [tilespmem:v0+s18+$0x350 ss:$0x1], $0xffff  }
0x70: {  	v63 =	vld.idx.msk [tilespmem:v0+s18+$0x3D0 ss:$0x1], $0xffff;
	v7 =	vadd.f32 v37, v7  }
0x71: {  	v18 =	vld.idx.msk [tilespmem:v0+s18+$0x880 ss:$0x1], $0xffff  }
0x72: {  	v7 =	vadd.f32 v42, v7;
	[tilespmem:$0x1FAC0] =	vst v61;
	v61 =	vld.idx.msk [tilespmem:v0+s18+$0x460 ss:$0x1], $0xffff  }
0x73: {  	v15 =	vadd.f32 v1, v32;
	v1 =	vld [tilespmem:$0x1FAC0]  }
0x74: {  	v7 =	vadd.f32 v52, v7;
	_ =	sdelay $0x1  }
0x75: {  	[tilespmem:$0x1FEE0] =	vst v18;
	v18 =	vld.idx.msk [tilespmem:v0+s18+$0x8E0 ss:$0x1], $0xffff;
	v33 =	vadd.f32 v63, v7  }
0x76: {  	[tilespmem:$0x1FAD0] =	vst v61;
	v61 =	vld.idx.msk [tilespmem:v0+s18+$0x470 ss:$0x1], $0xffff  }
0x77: {  	v17 =	vadd.f32 v1, v33;
	v1 =	vld [tilespmem:$0x1FAD0];
	_ =	sdelay $0x3  }
0x78: {  	[tilespmem:$0x1FAE0] =	vst v61;
	v61 =	vld.idx.msk [tilespmem:v0+s18+$0x480 ss:$0x1], $0xffff  }
0x79: {  	[tilespmem:$0x1FF40] =	vst v18;
	v18 =	vadd.f32 v1, v35;
	v1 =	vld [tilespmem:$0x1FAE0];
	_ =	sdelay $0x3  }
0x7a: {  	[tilespmem:$0x1FAF0] =	vst v61;
	v61 =	vld.idx.msk [tilespmem:v0+s18+$0x490 ss:$0x1], $0xffff  }
0x7b: {  	v37 =	vadd.f32 v1, v9;
	v1 =	vld [tilespmem:$0x1FAF0];
	_ =	sdelay $0x3  }
0x7c: {  	[tilespmem:$0x1FB00] =	vst v61;
	v61 =	vld.idx.msk [tilespmem:v0+s18+$0x4A0 ss:$0x1], $0xffff  }
0x7d: {  	v38 =	vadd.f32 v1, v12;
	v1 =	vld [tilespmem:$0x1FB00];
	_ =	sdelay $0x3  }
0x7e: {  	[tilespmem:$0x1FB10] =	vst v61;
	v61 =	vld.idx.msk [tilespmem:v0+s18+$0x4B0 ss:$0x1], $0xffff  }
0x7f: {  	v39 =	vadd.f32 v1, v13;
	v1 =	vld [tilespmem:$0x1FB10];
	_ =	sdelay $0x3  }
0x80: {  	[tilespmem:$0x1FB20] =	vst v61;
	v61 =	vld.idx.msk [tilespmem:v0+s18+$0x4C0 ss:$0x1], $0xffff  }
0x81: {  	v20 =	vadd.f32 v1, v36;
	v1 =	vld [tilespmem:$0x1FB20];
	_ =	sdelay $0x3  }
0x82: {  	[tilespmem:$0x1FB30] =	vst v61;
	v61 =	vld.idx.msk [tilespmem:v0+s18+$0x4D0 ss:$0x1], $0xffff  }
0x83: {  	v40 =	vadd.f32 v1, v14;
	v1 =	vld [tilespmem:$0x1FB30];
	_ =	sdelay $0x3  }
0x84: {  	[tilespmem:$0x1FB40] =	vst v61;
	v61 =	vld.idx.msk [tilespmem:v0+s18+$0x4E0 ss:$0x1], $0xffff  }
0x85: {  	v41 =	vadd.f32 v1, v15;
	v1 =	vld [tilespmem:$0x1FB40];
	_ =	sdelay $0x3  }
0x86: {  	[tilespmem:$0x1FB50] =	vst v61;
	v61 =	vld.idx.msk [tilespmem:v0+s18+$0x4F0 ss:$0x1], $0xffff  }
0x87: {  	v42 =	vadd.f32 v1, v17;
	v1 =	vld [tilespmem:$0x1FB50];
	_ =	sdelay $0x2  }
0x88: {  	v21 =	vld.idx.msk [tilespmem:v0+s18+$0x900 ss:$0x1], $0xffff  }
0x89: {  	[tilespmem:$0x1FB60] =	vst v61;
	v61 =	vld.idx.msk [tilespmem:v0+s18+$0x500 ss:$0x1], $0xffff  }
0x8a: {  	v43 =	vadd.f32 v1, v18;
	v1 =	vld [tilespmem:$0x1FB60];
	_ =	sdelay $0x1  }
0x8b: {  	v23 =	vld.idx.msk [tilespmem:v0+s18+$0x890 ss:$0x1], $0xffff  }
0x8c: {  	v22 =	vld.idx.msk [tilespmem:v0+s18+$0x910 ss:$0x1], $0xffff  }
0x8d: {  	[tilespmem:$0x1FB70] =	vst v61;
	v61 =	vld.idx.msk [tilespmem:v0+s18+$0x510 ss:$0x1], $0xffff  }
0x8e: {  	[tilespmem:$0x1FF60] =	vst v21;
	v21 =	vadd.f32 v1, v37;
	v1 =	vld [tilespmem:$0x1FB70];
	_ =	sdelay $0x2  }
0x8f: {  	[tilespmem:$0x1FEF0] =	vst v23;
	v23 =	vld.idx.msk [tilespmem:v0+s18+$0x920 ss:$0x1], $0xffff  }
0x90: {  	[tilespmem:$0x1FB80] =	vst v61;
	v61 =	vld.idx.msk [tilespmem:v0+s18+$0x520 ss:$0x1], $0xffff  }
0x91: {  	[tilespmem:$0x1FF70] =	vst v22;
	v22 =	vadd.f32 v1, v38;
	v1 =	vld [tilespmem:$0x1FB80];
	_ =	sdelay $0x3  }
0x92: {  	[tilespmem:$0x1FB90] =	vst v61;
	v61 =	vld.idx.msk [tilespmem:v0+s18+$0x530 ss:$0x1], $0xffff  }
0x93: {  	[tilespmem:$0x1FF80] =	vst v23;
	v23 =	vadd.f32 v1, v39;
	v1 =	vld [tilespmem:$0x1FB90];
	_ =	sdelay $0x2  }
0x94: {  	v24 =	vld.idx.msk [tilespmem:v0+s18+$0x930 ss:$0x1], $0xffff  }
0x95: {  	[tilespmem:$0x1FBA0] =	vst v61;
	v61 =	vld.idx.msk [tilespmem:v0+s18+$0x540 ss:$0x1], $0xffff  }
0x96: {  	v44 =	vadd.f32 v1, v20;
	v1 =	vld [tilespmem:$0x1FBA0];
	_ =	sdelay $0x1  }
0x97: {  	v27 =	vld.idx.msk [tilespmem:v0+s18+$0x8A0 ss:$0x1], $0xffff  }
0x98: {  	v26 =	vld.idx.msk [tilespmem:v0+s18+$0x970 ss:$0x1], $0xffff  }
0x99: {  	[tilespmem:$0x1FBB0] =	vst v61;
	v61 =	vld.idx.msk [tilespmem:v0+s18+$0x550 ss:$0x1], $0xffff  }
0x9a: {  	[tilespmem:$0x1FF90] =	vst v24;
	v24 =	vadd.f32 v1, v40;
	v1 =	vld [tilespmem:$0x1FBB0];
	_ =	sdelay $0x2  }
0x9b: {  	[tilespmem:$0x1FF00] =	vst v27;
	v27 =	vld.idx.msk [tilespmem:v0+s18+$0x980 ss:$0x1], $0xffff  }
0x9c: {  	[tilespmem:$0x1FBC0] =	vst v61;
	v61 =	vld.idx.msk [tilespmem:v0+s18+$0x560 ss:$0x1], $0xffff  }
0x9d: {  	[tilespmem:$0x1FFB0] =	vst v26;
	v26 =	vadd.f32 v1, v41;
	v1 =	vld [tilespmem:$0x1FBC0];
	_ =	sdelay $0x3  }
0x9e: {  	[tilespmem:$0x1FBD0] =	vst v61;
	v61 =	vld.idx.msk [tilespmem:v0+s18+$0x570 ss:$0x1], $0xffff  }
0x9f: {  	[tilespmem:$0x1FFC0] =	vst v27;
	v27 =	vadd.f32 v1, v42;
	v1 =	vld [tilespmem:$0x1FBD0];
	_ =	sdelay $0x3  }
0xa0: {  	[tilespmem:$0x1FBE0] =	vst v61;
	v61 =	vld.idx.msk [tilespmem:v0+s18+$0x580 ss:$0x1], $0xffff  }
0xa1: {  	v29 =	vadd.f32 v1, v43;
	v1 =	vld [tilespmem:$0x1FBE0];
	_ =	sdelay $0x3  }
0xa2: {  	[tilespmem:$0x1FBF0] =	vst v61;
	v61 =	vld.idx.msk [tilespmem:v0+s18+$0x590 ss:$0x1], $0xffff  }
0xa3: {  	v45 =	vadd.f32 v1, v21;
	v1 =	vld [tilespmem:$0x1FBF0];
	_ =	sdelay $0x3  }
0xa4: {  	[tilespmem:$0x1FC00] =	vst v61;
	v61 =	vld.idx.msk [tilespmem:v0+s18+$0x5A0 ss:$0x1], $0xffff  }
0xa5: {  	v22 =	vadd.f32 v1, v22;
	v1 =	vld [tilespmem:$0x1FC00];
	_ =	sdelay $0x3  }
0xa6: {  	[tilespmem:$0x1FC10] =	vst v61;
	v61 =	vld.idx.msk [tilespmem:v0+s18+$0x5B0 ss:$0x1], $0xffff  }
0xa7: {  	v23 =	vadd.f32 v1, v23;
	v1 =	vld [tilespmem:$0x1FC10];
	_ =	sdelay $0x3  }
0xa8: {  	[tilespmem:$0x1FC20] =	vst v61;
	v61 =	vld.idx.msk [tilespmem:v0+s18+$0x5C0 ss:$0x1], $0xffff  }
0xa9: {  	v30 =	vadd.f32 v1, v44;
	v1 =	vld [tilespmem:$0x1FC20];
	_ =	sdelay $0x3  }
0xaa: {  	[tilespmem:$0x1FC30] =	vst v61;
	v61 =	vld.idx.msk [tilespmem:v0+s18+$0x5D0 ss:$0x1], $0xffff  }
0xab: {  	v24 =	vadd.f32 v1, v24;
	v1 =	vld [tilespmem:$0x1FC30];
	_ =	sdelay $0x3  }
0xac: {  	[tilespmem:$0x1FC40] =	vst v61;
	v61 =	vld.idx.msk [tilespmem:v0+s18+$0x5E0 ss:$0x1], $0xffff  }
0xad: {  	v26 =	vadd.f32 v1, v26;
	v1 =	vld [tilespmem:$0x1FC40];
	_ =	sdelay $0x3  }
0xae: {  	[tilespmem:$0x1FC50] =	vst v61;
	v61 =	vld.idx.msk [tilespmem:v0+s18+$0x5F0 ss:$0x1], $0xffff  }
0xaf: {  	v27 =	vadd.f32 v1, v27;
	v1 =	vld [tilespmem:$0x1FC50];
	_ =	sdelay $0x3  }
0xb0: {  	[tilespmem:$0x1FC60] =	vst v61;
	v61 =	vld.idx.msk [tilespmem:v0+s18+$0x600 ss:$0x1], $0xffff  }
0xb1: {  	v29 =	vadd.f32 v1, v29;
	v1 =	vld [tilespmem:$0x1FC60];
	_ =	sdelay $0x3  }
0xb2: {  	[tilespmem:$0x1FC70] =	vst v61;
	v61 =	vld.idx.msk [tilespmem:v0+s18+$0x610 ss:$0x1], $0xffff  }
0xb3: {  	v31 =	vadd.f32 v1, v45;
	v1 =	vld [tilespmem:$0x1FC70];
	_ =	sdelay $0x3  }
0xb4: {  	[tilespmem:$0x1FC80] =	vst v61;
	v61 =	vld.idx.msk [tilespmem:v0+s18+$0x620 ss:$0x1], $0xffff  }
0xb5: {  	v22 =	vadd.f32 v1, v22;
	v1 =	vld [tilespmem:$0x1FC80];
	_ =	sdelay $0x3  }
0xb6: {  	[tilespmem:$0x1FC90] =	vst v61;
	v61 =	vld.idx.msk [tilespmem:v0+s18+$0x630 ss:$0x1], $0xffff  }
0xb7: {  	v23 =	vadd.f32 v1, v23;
	v1 =	vld [tilespmem:$0x1FC90];
	_ =	sdelay $0x3  }
0xb8: {  	[tilespmem:$0x1FCA0] =	vst v61;
	v61 =	vld.idx.msk [tilespmem:v0+s18+$0x640 ss:$0x1], $0xffff  }
0xb9: {  	v30 =	vadd.f32 v1, v30;
	v1 =	vld [tilespmem:$0x1FCA0];
	_ =	sdelay $0x3  }
0xba: {  	[tilespmem:$0x1FCB0] =	vst v61;
	v61 =	vld.idx.msk [tilespmem:v0+s18+$0x650 ss:$0x1], $0xffff  }
0xbb: {  	v24 =	vadd.f32 v1, v24;
	v1 =	vld [tilespmem:$0x1FCB0];
	_ =	sdelay $0x3  }
0xbc: {  	[tilespmem:$0x1FCC0] =	vst v61;
	v61 =	vld.idx.msk [tilespmem:v0+s18+$0x660 ss:$0x1], $0xffff  }
0xbd: {  	v26 =	vadd.f32 v1, v26;
	v1 =	vld [tilespmem:$0x1FCC0];
	_ =	sdelay $0x3  }
0xbe: {  	[tilespmem:$0x1FCD0] =	vst v61;
	v61 =	vld.idx.msk [tilespmem:v0+s18+$0x670 ss:$0x1], $0xffff  }
0xbf: {  	v27 =	vadd.f32 v1, v27;
	v1 =	vld [tilespmem:$0x1FCD0];
	_ =	sdelay $0x3  }
0xc0: {  	[tilespmem:$0x1FCE0] =	vst v61;
	v61 =	vld.idx.msk [tilespmem:v0+s18+$0x680 ss:$0x1], $0xffff  }
0xc1: {  	v29 =	vadd.f32 v1, v29;
	v1 =	vld [tilespmem:$0x1FCE0];
	_ =	sdelay $0x3  }
0xc2: {  	[tilespmem:$0x1FCF0] =	vst v61;
	v61 =	vld.idx.msk [tilespmem:v0+s18+$0x690 ss:$0x1], $0xffff  }
0xc3: {  	v31 =	vadd.f32 v1, v31;
	v1 =	vld [tilespmem:$0x1FCF0];
	_ =	sdelay $0x3  }
0xc4: {  	[tilespmem:$0x1FD00] =	vst v61;
	v61 =	vld.idx.msk [tilespmem:v0+s18+$0x6A0 ss:$0x1], $0xffff  }
0xc5: {  	v22 =	vadd.f32 v1, v22;
	v1 =	vld [tilespmem:$0x1FD00];
	_ =	sdelay $0x3  }
0xc6: {  	[tilespmem:$0x1FD10] =	vst v61;
	v61 =	vld.idx.msk [tilespmem:v0+s18+$0x6B0 ss:$0x1], $0xffff  }
0xc7: {  	v23 =	vadd.f32 v1, v23;
	v1 =	vld [tilespmem:$0x1FD10];
	_ =	sdelay $0x3  }
0xc8: {  	[tilespmem:$0x1FD20] =	vst v61;
	v61 =	vld.idx.msk [tilespmem:v0+s18+$0x6C0 ss:$0x1], $0xffff  }
0xc9: {  	v30 =	vadd.f32 v1, v30;
	v1 =	vld [tilespmem:$0x1FD20];
	_ =	sdelay $0x3  }
0xca: {  	[tilespmem:$0x1FD30] =	vst v61;
	v61 =	vld.idx.msk [tilespmem:v0+s18+$0x6D0 ss:$0x1], $0xffff  }
0xcb: {  	v24 =	vadd.f32 v1, v24;
	v1 =	vld [tilespmem:$0x1FD30];
	_ =	sdelay $0x3  }
0xcc: {  	[tilespmem:$0x1FD40] =	vst v61;
	v61 =	vld.idx.msk [tilespmem:v0+s18+$0x6E0 ss:$0x1], $0xffff  }
0xcd: {  	v26 =	vadd.f32 v1, v26;
	v1 =	vld [tilespmem:$0x1FD40];
	_ =	sdelay $0x3  }
0xce: {  	[tilespmem:$0x1FD50] =	vst v61;
	v61 =	vld.idx.msk [tilespmem:v0+s18+$0x6F0 ss:$0x1], $0xffff  }
0xcf: {  	v27 =	vadd.f32 v1, v27;
	v1 =	vld [tilespmem:$0x1FD50];
	_ =	sdelay $0x3  }
0xd0: {  	[tilespmem:$0x1FD60] =	vst v61;
	v61 =	vld.idx.msk [tilespmem:v0+s18+$0x700 ss:$0x1], $0xffff  }
0xd1: {  	v29 =	vadd.f32 v1, v29;
	v1 =	vld [tilespmem:$0x1FD60];
	_ =	sdelay $0x3  }
0xd2: {  	[tilespmem:$0x1FD70] =	vst v61;
	v61 =	vld.idx.msk [tilespmem:v0+s18+$0x710 ss:$0x1], $0xffff  }
0xd3: {  	v31 =	vadd.f32 v1, v31;
	v1 =	vld [tilespmem:$0x1FD70];
	_ =	sdelay $0x3  }
0xd4: {  	[tilespmem:$0x1FD80] =	vst v61;
	v61 =	vld.idx.msk [tilespmem:v0+s18+$0x720 ss:$0x1], $0xffff  }
0xd5: {  	v22 =	vadd.f32 v1, v22;
	v1 =	vld [tilespmem:$0x1FD80];
	_ =	sdelay $0x3  }
0xd6: {  	[tilespmem:$0x1FD90] =	vst v61;
	v61 =	vld.idx.msk [tilespmem:v0+s18+$0x730 ss:$0x1], $0xffff  }
0xd7: {  	v23 =	vadd.f32 v1, v23;
	v1 =	vld [tilespmem:$0x1FD90];
	_ =	sdelay $0x3  }
0xd8: {  	[tilespmem:$0x1FDA0] =	vst v61;
	v61 =	vld.idx.msk [tilespmem:v0+s18+$0x740 ss:$0x1], $0xffff  }
0xd9: {  	v30 =	vadd.f32 v1, v30;
	v1 =	vld [tilespmem:$0x1FDA0];
	_ =	sdelay $0x3  }
0xda: {  	[tilespmem:$0x1FDB0] =	vst v61;
	v61 =	vld.idx.msk [tilespmem:v0+s18+$0x750 ss:$0x1], $0xffff  }
0xdb: {  	v24 =	vadd.f32 v1, v24;
	v1 =	vld [tilespmem:$0x1FDB0];
	_ =	sdelay $0x3  }
0xdc: {  	[tilespmem:$0x1FDC0] =	vst v61;
	v61 =	vld.idx.msk [tilespmem:v0+s18+$0x760 ss:$0x1], $0xffff  }
0xdd: {  	v26 =	vadd.f32 v1, v26;
	v1 =	vld [tilespmem:$0x1FDC0];
	_ =	sdelay $0x3  }
0xde: {  	[tilespmem:$0x1FDD0] =	vst v61;
	v61 =	vld.idx.msk [tilespmem:v0+s18+$0x770 ss:$0x1], $0xffff  }
0xdf: {  	v27 =	vadd.f32 v1, v27;
	v1 =	vld [tilespmem:$0x1FDD0];
	_ =	sdelay $0x3  }
0xe0: {  	[tilespmem:$0x1FDE0] =	vst v61;
	v61 =	vld.idx.msk [tilespmem:v0+s18+$0x780 ss:$0x1], $0xffff  }
0xe1: {  	v29 =	vadd.f32 v1, v29;
	v1 =	vld [tilespmem:$0x1FDE0];
	_ =	sdelay $0x3  }
0xe2: {  	[tilespmem:$0x1FDF0] =	vst v61;
	v61 =	vld.idx.msk [tilespmem:v0+s18+$0x790 ss:$0x1], $0xffff  }
0xe3: {  	v31 =	vadd.f32 v1, v31;
	v1 =	vld [tilespmem:$0x1FDF0];
	_ =	sdelay $0x3  }
0xe4: {  	[tilespmem:$0x1FE00] =	vst v61;
	v61 =	vld.idx.msk [tilespmem:v0+s18+$0x7A0 ss:$0x1], $0xffff  }
0xe5: {  	v22 =	vadd.f32 v1, v22;
	v1 =	vld [tilespmem:$0x1FE00];
	_ =	sdelay $0x3  }
0xe6: {  	[tilespmem:$0x1FE10] =	vst v61;
	v61 =	vld.idx.msk [tilespmem:v0+s18+$0x7B0 ss:$0x1], $0xffff  }
0xe7: {  	v23 =	vadd.f32 v1, v23;
	v1 =	vld [tilespmem:$0x1FE10];
	_ =	sdelay $0x3  }
0xe8: {  	[tilespmem:$0x1FE20] =	vst v61;
	v61 =	vld.idx.msk [tilespmem:v0+s18+$0x7C0 ss:$0x1], $0xffff  }
0xe9: {  	v30 =	vadd.f32 v1, v30;
	v1 =	vld [tilespmem:$0x1FE20]  }
0xea: {  	v19 =	vld.idx.msk [tilespmem:v0+s18+$0x8F0 ss:$0x1], $0xffff  }
0xeb: {  	v16 =	vld.idx.msk [tilespmem:v0+s18+$0x9E0 ss:$0x1], $0xffff  }
0xec: {  	v10 =	vld.idx.msk [tilespmem:v0+s18+$0x9F0 ss:$0x1], $0xffff  }
0xed: {  	[tilespmem:$0x1FE30] =	vst v61;
	v61 =	vld.idx.msk [tilespmem:v0+s18+$0x7D0 ss:$0x1], $0xffff  }
0xee: {  	v24 =	vadd.f32 v1, v24;
	v1 =	vld [tilespmem:$0x1FE30]  }
0xef: {  	v25 =	vld.idx.msk [tilespmem:v0+s18+$0x960 ss:$0x1], $0xffff  }
0xf0: {  	[tilespmem:$0x1FF50] =	vst v19;
	v19 =	vld.idx.msk [tilespmem:v0+s18+$0x9D0 ss:$0x1], $0xffff  }
0xf1: {  	v59 =	vld.idx.msk [tilespmem:v0+s18+$0x940 ss:$0x1], $0xffff  }
0xf2: {  	[tilespmem:$0x1FE40] =	vst v61;
	v61 =	vld.idx.msk [tilespmem:v0+s18+$0x7E0 ss:$0x1], $0xffff  }
0xf3: {  	v26 =	vadd.f32 v1, v26;
	v1 =	vld [tilespmem:$0x1FE40]  }
0xf4: {  	v62 =	vld.idx.msk [tilespmem:v0+s18+$0x950 ss:$0x1], $0xffff  }
0xf5: {  	v49 =	vld [tilespmem:$0x1FF70]  }
0xf6: {  	[tilespmem:$0x1FFA0] =	vst v25;
	v25 =	vld.idx.msk [tilespmem:v0+s18+$0x9C0 ss:$0x1], $0xffff  }
0xf7: {  	[tilespmem:$0x1FE50] =	vst v61;
	v61 =	vld.idx.msk [tilespmem:v0+s18+$0x7F0 ss:$0x1], $0xffff  }
0xf8: {  	v27 =	vadd.f32 v1, v27;
	v1 =	vld [tilespmem:$0x1FE50]  }
0xf9: {  	v4 =	vld.idx.msk [tilespmem:v0+s18+$0xA00 ss:$0x1], $0xffff  }
0xfa: {  	v47 =	vld.idx.msk [tilespmem:v0+s18+$0xBD0 ss:$0x1], $0xffff  }
0xfb: {  	v48 =	vld.idx.msk [tilespmem:v0+s18+$0xBE0 ss:$0x1], $0xffff  }
0xfc: {  	[tilespmem:$0x1FE60] =	vst v61;
	v61 =	vld.idx.msk [tilespmem:v0+s18+$0x800 ss:$0x1], $0xffff  }
0xfd: {  	v29 =	vadd.f32 v1, v29;
	v1 =	vld [tilespmem:$0x1FE60]  }
0xfe: {  	v50 =	vld.idx.msk [tilespmem:v0+s18+$0xBF0 ss:$0x1], $0xffff  }
0xff: {  	v51 =	vld.idx.msk [tilespmem:v0+s18+$0xC00 ss:$0x1], $0xffff  }
0x100: {  	v52 =	vld.idx.msk [tilespmem:v0+s18+$0xC10 ss:$0x1], $0xffff  }
0x101: {  	[tilespmem:$0x1FE70] =	vst v61;
	v61 =	vld.idx.msk [tilespmem:v0+s18+$0x810 ss:$0x1], $0xffff  }
0x102: {  	v31 =	vadd.f32 v1, v31;
	v1 =	vld [tilespmem:$0x1FE70]  }
0x103: {  	v53 =	vld.idx.msk [tilespmem:v0+s18+$0xC20 ss:$0x1], $0xffff  }
0x104: {  	v54 =	vld.idx.msk [tilespmem:v0+s18+$0xC30 ss:$0x1], $0xffff  }
0x105: {  	v55 =	vld.idx.msk [tilespmem:v0+s18+$0xC40 ss:$0x1], $0xffff  }
0x106: {  	[tilespmem:$0x1FE80] =	vst v61;
	v61 =	vld.idx.msk [tilespmem:v0+s18+$0x820 ss:$0x1], $0xffff  }
0x107: {  	v22 =	vadd.f32 v1, v22;
	v1 =	vld [tilespmem:$0x1FE80]  }
0x108: {  	v46 =	vld [tilespmem:$0x1FF60]  }
0x109: {  	v2 =	vld.idx.msk [tilespmem:v0+s18+$0xA10 ss:$0x1], $0xffff  }
0x10a: {  	v3 =	vld.idx.msk [tilespmem:v0+s18+$0xA20 ss:$0x1], $0xffff  }
0x10b: {  	[tilespmem:$0x1FE90] =	vst v61;
	v61 =	vld.idx.msk [tilespmem:v0+s18+$0x830 ss:$0x1], $0xffff  }
0x10c: {  	v23 =	vadd.f32 v1, v23;
	v1 =	vld [tilespmem:$0x1FE90]  }
0x10d: {  	v5 =	vld.idx.msk [tilespmem:v0+s18+$0xA30 ss:$0x1], $0xffff  }
0x10e: {  	v7 =	vld.idx.msk [tilespmem:v0+s18+$0xA50 ss:$0x1], $0xffff  }
0x10f: {  	v56 =	vld.idx.msk [tilespmem:v0+s18+$0xC50 ss:$0x1], $0xffff  }
0x110: {  	[tilespmem:$0x1FEA0] =	vst v61;
	v61 =	vld.idx.msk [tilespmem:v0+s18+$0x840 ss:$0x1], $0xffff  }
0x111: {  	v30 =	vadd.f32 v1, v30;
	v1 =	vld [tilespmem:$0x1FEA0]  }
0x112: {  	v57 =	vld.idx.msk [tilespmem:v0+s18+$0xC60 ss:$0x1], $0xffff  }
0x113: {  	v58 =	vld.idx.msk [tilespmem:v0+s18+$0xC70 ss:$0x1], $0xffff  }
0x114: {  	v60 =	vld.idx.msk [tilespmem:v0+s18+$0xC80 ss:$0x1], $0xffff  }
0x115: {  	[tilespmem:$0x1FEB0] =	vst v61;
	v61 =	vld.idx.msk [tilespmem:v0+s18+$0x850 ss:$0x1], $0xffff  }
0x116: {  	v24 =	vadd.f32 v1, v24;
	v1 =	vld [tilespmem:$0x1FEB0]  }
0x117: {  	v63 =	vld.idx.msk [tilespmem:v0+s18+$0xCA0 ss:$0x1], $0xffff  }
0x118: {  	v28 =	vld [tilespmem:$0x1FF80]  }
0x119: {  	v6 =	vld.idx.msk [tilespmem:v0+s18+$0xA40 ss:$0x1], $0xffff  }
0x11a: {  	[tilespmem:$0x1FEC0] =	vst v61;
	v61 =	vld.idx.msk [tilespmem:v0+s18+$0x860 ss:$0x1], $0xffff  }
0x11b: {  	v26 =	vadd.f32 v1, v26;
	v1 =	vld [tilespmem:$0x1FEC0]  }
0x11c: {  	v8 =	vld.idx.msk [tilespmem:v0+s18+$0xA60 ss:$0x1], $0xffff  }
0x11d: {  	v11 =	vld.idx.msk [tilespmem:v0+s18+$0xA80 ss:$0x1], $0xffff  }
0x11e: {  	v32 =	vld.idx.msk [tilespmem:v0+s18+$0xB10 ss:$0x1], $0xffff  }
0x11f: {  	v33 =	vld.idx.msk [tilespmem:v0+s18+$0xB20 ss:$0x1], $0xffff;
	[tilespmem:$0x1FED0] =	vst v61  }
0x120: {  	v27 =	vadd.f32 v1, v27;
	v1 =	vld [tilespmem:$0x1FED0]  }
0x121: {  	v35 =	vld.idx.msk [tilespmem:v0+s18+$0xB30 ss:$0x1], $0xffff  }
0x122: {  	v9 =	vld.idx.msk [tilespmem:v0+s18+$0xA70 ss:$0x1], $0xffff  }
0x123: {  	v12 =	vld.idx.msk [tilespmem:v0+s18+$0xA90 ss:$0x1], $0xffff  }
0x124: {  	v13 =	vld.idx.msk [tilespmem:v0+s18+$0xAA0 ss:$0x1], $0xffff  }
0x125: {  	v29 =	vadd.f32 v1, v29;
	v1 =	vld [tilespmem:$0x1FEE0]  }
0x126: {  	v36 =	vld.idx.msk [tilespmem:v0+s18+$0xB40 ss:$0x1], $0xffff  }
0x127: {  	v14 =	vld.idx.msk [tilespmem:v0+s18+$0xAB0 ss:$0x1], $0xffff  }
0x128: {  	v15 =	vld.idx.msk [tilespmem:v0+s18+$0xAC0 ss:$0x1], $0xffff  }
0x129: {  	v17 =	vld.idx.msk [tilespmem:v0+s18+$0xAD0 ss:$0x1], $0xffff  }
0x12a: {  	v22 =	vadd.f32 v1, v22;
	v1 =	vld [tilespmem:$0x1FEF0]  }
0x12b: {  	v18 =	vld.idx.msk [tilespmem:v0+s18+$0xAE0 ss:$0x1], $0xffff  }
0x12c: {  	v37 =	vld.idx.msk [tilespmem:v0+s18+$0xB50 ss:$0x1], $0xffff  }
0x12d: {  	v38 =	vld.idx.msk [tilespmem:v0+s18+$0xB60 ss:$0x1], $0xffff  }
0x12e: {  	v39 =	vld.idx.msk [tilespmem:v0+s18+$0xB70 ss:$0x1], $0xffff  }
0x12f: {  	v23 =	vadd.f32 v1, v23;
	v1 =	vld [tilespmem:$0x1FF00]  }
0x130: {  	v20 =	vld.idx.msk [tilespmem:v0+s18+$0xAF0 ss:$0x1], $0xffff  }
0x131: {  	v40 =	vld.idx.msk [tilespmem:v0+s18+$0xCC0 ss:$0x1], $0xffff  }
0x132: {  	v41 =	vld.idx.msk [tilespmem:v0+s18+$0xB80 ss:$0x1], $0xffff  }
0x133: {  	v42 =	vld.idx.msk [tilespmem:v0+s18+$0xB90 ss:$0x1], $0xffff  }
0x134: {  	v30 =	vadd.f32 v1, v30;
	v1 =	vld [tilespmem:$0x1FF10]  }
0x135: {  	v43 =	vld.idx.msk [tilespmem:v0+s18+$0xBA0 ss:$0x1], $0xffff  }
0x136: {  	v21 =	vld.idx.msk [tilespmem:v0+s18+$0xB00 ss:$0x1], $0xffff  }
0x137: {  	v61 =	vld.idx.msk [tilespmem:v0+s18+$0x870 ss:$0x1], $0xffff  }
0x138: {  	v44 =	vld.idx.msk [tilespmem:v0+s18+$0xBB0 ss:$0x1], $0xffff  }
0x139: {  	v24 =	vadd.f32 v1, v24;
	v1 =	vld [tilespmem:$0x1FF20]  }
0x13a: {  	v45 =	vld.idx.msk [tilespmem:v0+s18+$0xBC0 ss:$0x1], $0xffff  }
0x13b: {  	v23 =	vadd.f32 v49, v23;
	v49 =	vld [tilespmem:$0x1FF90]  }
0x13c: {  	v31 =	vadd.f32 v61, v31;
	v61 =	vld.idx.msk [tilespmem:v0+s18+$0xC90 ss:$0x1], $0xffff  }
0x13d: {  	v22 =	vadd.f32 v46, v22;
	v46 =	vld.idx.msk [tilespmem:v0+s18+$0xCD0 ss:$0x1], $0xffff  }
0x13e: {  	v26 =	vadd.f32 v1, v26;
	v1 =	vld [tilespmem:$0x1FF30]  }
0x13f: {  	v30 =	vadd.f32 v28, v30;
	v28 =	vld [tilespmem:$0x1FFA0]  }
0x140: {  	v24 =	vadd.f32 v49, v24;
	v49 =	vld.idx.msk [tilespmem:v0+s18+$0xCE0 ss:$0x1], $0xffff;
	v26 =	vadd.f32 v59, v26  }
0x141: {  	v59 =	vld.idx.msk [tilespmem:v0+s18+$0xD00 ss:$0x1], $0xffff  }
0x142: {  	v25 =	vadd.f32 v25, v26;
	v26 =	vld.idx.msk [tilespmem:v0+s18+$0xD20 ss:$0x1], $0xffff  }
0x143: {  	v27 =	vadd.f32 v1, v27;
	v1 =	vld [tilespmem:$0x1FF40]  }
0x144: {  	v6 =	vadd.f32 v6, v25;
	v25 =	vld.idx.msk [tilespmem:v0+s18+$0xE30 ss:$0x1], $0xffff  }
0x145: {  	v27 =	vadd.f32 v62, v27;
	v62 =	vld [tilespmem:$0x1FFB0]  }
0x146: {  	v6 =	vadd.f32 v15, v6;
	v15 =	vld.idx.msk [tilespmem:v0+s18+$0xDC0 ss:$0x1], $0xffff  }
0x147: {  	v19 =	vadd.f32 v19, v27;
	v27 =	vld.idx.msk [tilespmem:v0+s18+$0xD30 ss:$0x1], $0xffff  }
0x148: {  	v29 =	vadd.f32 v1, v29;
	v1 =	vld [tilespmem:$0x1FF50]  }
0x149: {  	v6 =	vadd.f32 v36, v6;
	v7 =	vadd.f32 v7, v19;
	v19 =	vld.idx.msk [tilespmem:v0+s18+$0xD60 ss:$0x1], $0xffff  }
0x14a: {  	v29 =	vadd.f32 v28, v29;
	v28 =	vld [tilespmem:$0x1FFC0]  }
0x14b: {  	v6 =	vadd.f32 v45, v6;
	v45 =	vld.idx.msk [tilespmem:v0+s18+$0xEE0 ss:$0x1], $0xffff  }
0x14c: {  	v7 =	vadd.f32 v17, v7;
	v17 =	vld.idx.msk [tilespmem:v0+s18+$0xDE0 ss:$0x1], $0xffff  }
0x14d: {  	v16 =	vadd.f32 v16, v29;
	v29 =	vld.idx.msk [tilespmem:v0+s18+$0xE40 ss:$0x1], $0xffff;
	v6 =	vadd.f32 v55, v6  }
0x14e: {  	v55 =	vld.idx.msk [tilespmem:v0+s18+$0xF80 ss:$0x1], $0xffff;
	v31 =	vadd.f32 v1, v31;
	v7 =	vadd.f32 v37, v7  }
0x14f: {  	v1 =	vld.idx.msk [tilespmem:v0+s18+$0xCB0 ss:$0x1], $0xffff;
	v8 =	vadd.f32 v8, v16;
	v6 =	vadd.f32 v40, v6  }
0x150: {  	v31 =	vadd.f32 v62, v31;
	v22 =	vadd.f32 v28, v22;
	v28 =	vld [tilespmem:$0x1FFD0]  }
0x151: {  	v16 =	vld.idx.msk [tilespmem:v0+s18+$0xDD0 ss:$0x1], $0xffff;
	v7 =	vadd.f32 v47, v7;
	v8 =	vadd.f32 v18, v8  }
0x152: {  	v62 =	vld.idx.msk [tilespmem:v0+s18+$0xCF0 ss:$0x1], $0xffff;
	v10 =	vadd.f32 v10, v31;
	v4 =	vadd.f32 v4, v22  }
0x153: {  	v22 =	vld.idx.msk [tilespmem:v0+s18+$0xD40 ss:$0x1], $0xffff;
	v7 =	vadd.f32 v56, v7;
	v8 =	vadd.f32 v38, v8  }
0x154: {  	v47 =	vld.idx.msk [tilespmem:v0+s18+$0xF00 ss:$0x1], $0xffff;
	v9 =	vadd.f32 v9, v10;
	v4 =	vadd.f32 v11, v4  }
0x155: {  	v18 =	vld.idx.msk [tilespmem:v0+s18+$0xDF0 ss:$0x1], $0xffff;
	v7 =	vadd.f32 v46, v7;
	v23 =	vadd.f32 v28, v23  }
0x156: {  	v28 =	vld [tilespmem:$0x1FFE0];
	v8 =	vadd.f32 v48, v8;
	v9 =	vadd.f32 v20, v9  }
0x157: {  	v56 =	vld.idx.msk [tilespmem:v0+s18+$0xE60 ss:$0x1], $0xffff;
	v4 =	vadd.f32 v21, v4;
	v2 =	vadd.f32 v2, v23  }
0x158: {  	v10 =	vld.idx.msk [tilespmem:v0+s18+$0xD70 ss:$0x1], $0xffff;
	v8 =	vadd.f32 v57, v8;
	v6 =	vadd.f32 v22, v6  }
0x159: {  	v11 =	vld.idx.msk [tilespmem:v0+s18+$0xD80 ss:$0x1], $0xffff;
	v9 =	vadd.f32 v39, v9;
	v4 =	vadd.f32 v41, v4  }
0x15a: {  	v46 =	vld.idx.msk [tilespmem:v0+s18+$0xEF0 ss:$0x1], $0xffff;
	v2 =	vadd.f32 v12, v2;
	v8 =	vadd.f32 v49, v8  }
0x15b: {  	v23 =	vld.idx.msk [tilespmem:v0+s18+$0xD50 ss:$0x1], $0xffff;
	v6 =	vadd.f32 v15, v6;
	v30 =	vadd.f32 v28, v30  }
0x15c: {  	v48 =	vld.idx.msk [tilespmem:v0+s18+$0xF10 ss:$0x1], $0xffff;
	v9 =	vadd.f32 v50, v9;
	v4 =	vadd.f32 v51, v4  }
0x15d: {  	v28 =	vld [tilespmem:$0x1FFF0];
	v2 =	vadd.f32 v32, v2;
	v8 =	vadd.f32 v19, v8  }
0x15e: {  	v20 =	vld.idx.msk [tilespmem:v0+s18+$0xE00 ss:$0x1], $0xffff;
	v6 =	vadd.f32 v29, v6;
	v3 =	vadd.f32 v3, v30  }
0x15f: {  	v21 =	vld.idx.msk [tilespmem:v0+s18+$0xE10 ss:$0x1], $0xffff;
	v9 =	vadd.f32 v58, v9;
	v4 =	vadd.f32 v60, v4  }
0x160: {  	v57 =	vld.idx.msk [tilespmem:v0+s18+$0xFA0 ss:$0x1], $0xffff;
	v7 =	vadd.f32 v23, v7;
	v2 =	vadd.f32 v42, v2  }
0x161: {  	v41 =	vld.idx.msk [tilespmem:v0+s18+$0xEA0 ss:$0x1], $0xffff;
	v8 =	vadd.f32 v17, v8;
	v3 =	vadd.f32 v13, v3  }
0x162: {  	v12 =	vld.idx.msk [tilespmem:v0+s18+$0xD90 ss:$0x1], $0xffff;
	v9 =	vadd.f32 v62, v9;
	v24 =	vadd.f32 v28, v24  }
0x163: {  	v49 =	vld.idx.msk [tilespmem:v0+s18+$0xF20 ss:$0x1], $0xffff;
	v4 =	vadd.f32 v59, v4;
	v7 =	vadd.f32 v16, v7  }
0x164: {  	v50 =	vld.idx.msk [tilespmem:v0+s18+$0xF30 ss:$0x1], $0xffff;
	v2 =	vadd.f32 v52, v2;
	v5 =	vadd.f32 v5, v24  }
0x165: {  	v51 =	vld.idx.msk [tilespmem:v0+s18+$0xF40 ss:$0x1], $0xffff;
	v8 =	vadd.f32 v56, v8;
	v3 =	vadd.f32 v33, v3  }
0x166: {  	v28 =	vld.idx.msk [tilespmem:v0+s18+$0xD10 ss:$0x1], $0xffff;
	v9 =	vadd.f32 v10, v9;
	v5 =	vadd.f32 v14, v5  }
0x167: {  	v58 =	vld.idx.msk [tilespmem:v0+s18+$0xE70 ss:$0x1], $0xffff;
	v4 =	vadd.f32 v11, v4;
	v2 =	vadd.f32 v61, v2  }
0x168: {  	v60 =	vld.idx.msk [tilespmem:v0+s18+$0xFD0 ss:$0x1], $0xffff;
	v8 =	vadd.f32 v45, v8;
	v5 =	vadd.f32 v35, v5  }
0x169: {  	v61 =	vld.idx.msk [tilespmem:v0+s18+$0xE80 ss:$0x1], $0xffff;
	v3 =	vadd.f32 v43, v3;
	v9 =	vadd.f32 v18, v9  }
0x16a: {  	v13 =	vld.idx.msk [tilespmem:v0+s18+$0xDA0 ss:$0x1], $0xffff;
	v4 =	vadd.f32 v20, v4;
	v5 =	vadd.f32 v44, v5  }
0x16b: {  	v43 =	vld.idx.msk [tilespmem:v0+s18+$0xEC0 ss:$0x1], $0xffff;
	v3 =	vadd.f32 v53, v3;
	v2 =	vadd.f32 v28, v2  }
0x16c: {  	v24 =	vld.idx.msk [tilespmem:v0+s18+$0xE20 ss:$0x1], $0xffff;
	v9 =	vadd.f32 v58, v9;
	v5 =	vadd.f32 v54, v5  }
0x16d: {  	v14 =	vld.idx.msk [tilespmem:v0+s18+$0xDB0 ss:$0x1], $0xffff;
	v3 =	vadd.f32 v63, v3;
	v2 =	vadd.f32 v12, v2  }
0x16e: {  	v63 =	vld.idx.msk [tilespmem:v0+s18+$0xE90 ss:$0x1], $0xffff;
	v4 =	vadd.f32 v61, v4;
	v1 =	vadd.f32 v1, v5  }
0x16f: {  	v42 =	vld.idx.msk [tilespmem:v0+s18+$0xEB0 ss:$0x1], $0xffff;
	v9 =	vadd.f32 v46, v9;
	v3 =	vadd.f32 v26, v3  }
0x170: {  	v59 =	vld.idx.msk [tilespmem:v0+s18+$0xFC0 ss:$0x1], $0xffff;
	v6 =	vadd.f32 v43, v6;
	v1 =	vadd.f32 v27, v1  }
0x171: {  	v2 =	vadd.f32 v21, v2;
	v54 =	vld.idx.msk [tilespmem:v0+s18+$0xE50 ss:$0x1], $0xffff;
	v3 =	vadd.f32 v13, v3  }
0x172: {  	v56 =	vld.idx.msk [tilespmem:v0+s18+$0xF90 ss:$0x1], $0xffff;
	v4 =	vadd.f32 v47, v4;
	v1 =	vadd.f32 v14, v1  }
0x173: {  	v44 =	vld.idx.msk [tilespmem:v0+s18+$0xED0 ss:$0x1], $0xffff;
	v2 =	vadd.f32 v63, v2;
	v3 =	vadd.f32 v24, v3  }
0x174: {  	v52 =	vld.idx.msk [tilespmem:v0+s18+$0xF50 ss:$0x1], $0xffff;
	v4 =	vadd.f32 v55, v4;
	v1 =	vadd.f32 v25, v1  }
0x175: {  	v58 =	vld.idx.msk [tilespmem:v0+s18+$0xFB0 ss:$0x1], $0xffff;
	v2 =	vadd.f32 v48, v2;
	v3 =	vadd.f32 v41, v3  }
0x176: {  	v53 =	vld.idx.msk [tilespmem:v0+s18+$0xF60 ss:$0x1], $0xffff;
	v7 =	vadd.f32 v54, v7;
	v1 =	vadd.f32 v42, v1  }
0x177: {  	v54 =	vld.idx.msk [tilespmem:v0+s18+$0xF70 ss:$0x1], $0xffff;
	v2 =	vadd.f32 v56, v2;
	v3 =	vadd.f32 v49, v3  }
0x178: {  	v61 =	vld.idx.msk [tilespmem:v0+s18+$0xFE0 ss:$0x1], $0xffff;
	v7 =	vadd.f32 v44, v7;
	v1 =	vadd.f32 v50, v1  }
0x179: {  	s31 =	sshll.u32 s17, $0x7;
	v62 =	vld.idx.msk [tilespmem:v0+s18+$0xFF0 ss:$0x1], $0xffff;
	v6 =	vadd.f32 v51, v6;
	v4 =	vmul.f32 $3.125000000e-02, v4;
	v3 =	vadd.f32 v57, v3  }
0x17a: {  	s18 =	sand.u32 $0x3FFFFF80, s31;
	v2 =	vmul.f32 $3.125000000e-02, v2;
	v7 =	vadd.f32 v52, v7;
	v1 =	vadd.f32 v58, v1  }
0x17b: {  	v8 =	vadd.f32 v53, v8;
	v6 =	vadd.f32 v59, v6;
	[tilespmem:v34+s18+$0x0 ss:$0x1] =	vst.idx.msk $0xffff, v4;
	v3 =	vmul.f32 $3.125000000e-02, v3  }
0x17c: {  	v63 =	vadd.f32 v54, v9;
	[tilespmem:v34+s18+$0x10 ss:$0x1] =	vst.idx.msk $0xffff, v2;
	v5 =	vadd.f32 v60, v7;
	v1 =	vmul.f32 $3.125000000e-02, v1  }
0x17d: {  	p0 =	sne.s32 s17, $0x7;
	v2 =	vadd.f32 v61, v8;
	[tilespmem:v34+s18+$0x20 ss:$0x1] =	vst.idx.msk $0xffff, v3;
	v3 =	vmul.f32 $3.125000000e-02, v6  }
.Ltmp0:
0x17e: {  	v4 =	vadd.f32 v62, v63;
	[tilespmem:v34+s18+$0x30 ss:$0x1] =	vst.idx.msk $0xffff, v1;
	v1 =	vmul.f32 $3.125000000e-02, v5;
	(pc) =	sbr.rel @p0 .LBB2_3-.Ltmp0, $4  }
0x17f: {  	v2 =	vmul.f32 $3.125000000e-02, v2;
	[tilespmem:v34+s18+$0x40 ss:$0x1] =	vst.idx.msk $0xffff, v3  }
0x180: {  	[tilespmem:v34+s18+$0x50 ss:$0x1] =	vst.idx.msk $0xffff, v1;
	v1 =	vmul.f32 $3.125000000e-02, v4  }
0x181: {  	[tilespmem:v34+s18+$0x60 ss:$0x1] =	vst.idx.msk $0xffff, v2  }
0x182: {  	s17 =	sadd.s32 $0x1, s17;
	[tilespmem:v34+s18+$0x70 ss:$0x1] =	vst.idx.msk $0xffff, v1  }
0x183: {  	s14 =	sshll.u32 s14, $0xF;
	p0 =	sne.s32 s13, s6  }
.Ltmp1:
0x184: {  	s14 =	sor.u32 s8, s14;
	(pc) =	sbr.rel @p0 .LBB2_2-.Ltmp1, $4  }
0x185: {  	s14 =	sshrl.u32 s14, $0x3  }
0x186: {  	s15 =	sadd.s32 $0x3, s15;
	s14 =	sadd.s32 s3, s14  }
0x187: {  	[hbm4b:s14+s4] =	stream.linear.scatter [tilespmem:s16], [sflag:s15], $0x400, $0x38;
	[tilespmem:$0x10800] =	vst v63  }
0x188: {  	s14 =	smov.u32 s13  }
0x189: {  	s12 =	sadd.s32 $0x1, s12  }
0x18a: {  	_ =	swait.ge [sflag:s9], $0x400;
	p0 =	sne.s32 s12, s11  }
.Ltmp2:
0x18b: {  	[sflag:s9] =	ssyncset.done $0x0;
	(pc) =	sbr.rel @p0 .LBB2_1-.Ltmp2, $4  }
0x18c: {  	[sflag:s9] =	ssyncadd.s32 $0xFFFFFC00  }
0x18d: {  	_ =	swait.ge [sflag:s10], $0x400  }
0x18e: {  	[sflag:s10] =	ssyncset.done $0x0  }
0x18f: {  	[sflag:s10] =	ssyncadd.s32 $0xFFFFFC00  }
0x190: {  	_ =	sfence.sel $0x180000  }
0x191: {  	[bflag:$0x0] =	sbarrier.arrive $0xFFFF  }
0x192: {  	p0 =	sne.s32 s1, $0x0;
	_ =	strace $0x90000047  }
0x193: {  	s0 =	sadd.s32 @!p0 $0x100000, s0;
	[bflag:$0x2] =	sbarrier.arrive $0xFFFF  }
0x194: {  	[sflag:s0] =	ssyncadd.tile.s32 @!p0 $0x1;
	_ =	shalt  }
.Lfunc_end2:
_tile_overlayer_lowered:
.L_overlay_start_2:
0x195: {  	(tag) =	ssettag $0x2  }
0x196: {  	s0 =	rddreg [dreg:$0x0];
	s2 =	stileid.u32  }
0x197: {  	s1 =	rddreg [dreg:$0x1];
	p0 =	sne.s32 s2, $0x0  }
0x198: {  	s3 =	rddreg [dreg:$0x2];
	[bflag:$0x3] =	sbarrier.arrive $0xFFFF;
	s2 =	simm.s32 @!p0 $0x1C05  }
0x199: {  	[timem:s3], [sflag:s2] =	dma.local @!p0 [hbm:s0], s1  }
0x19a: {  	s0 =	simm.s32 @!p0 $0x5  }
0x19b: {  	_ =	swait.ge @!p0 [sflag:s0], s1  }
0x19c: {  	s1 =	ssub.s32 @!p0 $0x0, s1;
	[sflag:s0] =	ssyncset.done @!p0 $0x0  }
0x19d: {  	[sflag:s0] =	ssyncadd.s32 @!p0 s1  }
0x19e: {  	[bflag:$0x3] =	sbarrier.arrive $0xFFFF  }
0x19f: {  	_ =	shalt  }

</sc_bundles>
